<compile_context>
chip_gen: v7x
topology: tpu7x:2x2x1
jax: 0.10.2.dev20260603
libtpu: 0.0.44.dev20260713+nightly
codegen_flags: <defaults>
</compile_context>

<pallas_src>
import dataclasses
import functools

import jax
import jax.numpy as jnp
from jax import lax
from jax.experimental import pallas as pl
from jax.experimental.pallas import tpu as pltpu
from jax.experimental.pallas import tpu_sc as plsc

_N = 10000
_E = 320000
_D = 128
_NC = 2
_NS = 16
_NW = _NC * _NS
_PER_W = _E // _NW
_K = 80
_NG = 5
_GC = 25
_NCHUNK = _PER_W // _K
_NP = 10240
_RPT = _NP // _NS
_ZR = 32
_ZITER = _RPT // _ZR

_f32 = jnp.float32

_SC_CP = pltpu.CompilerParams()
if "needs_layout_passes" in pltpu.CompilerParams.__dataclass_fields__:
    _SC_CP = dataclasses.replace(_SC_CP, needs_layout_passes=False)


def _fill_vmem(ref, rows, cols, value):
    @pl.loop(0, rows)
    def _(i):
        for c in range(cols // 16):
            ref[i, pl.ds(c * 16, 16)] = jnp.full((16,), value, _f32)


def _sc_mesh():
    return plsc.VectorSubcoreMesh(core_axis_name="c", subcore_axis_name="s")


def _zero_acc(acc, zbuf, sid):
    @pl.loop(0, _ZITER)
    def _(i):
        pltpu.sync_copy(zbuf, acc.at[pl.ds(sid * _RPT + i * _ZR, _ZR)])


def _copy_out(acc, zbuf, out_hbm, cid, sid):
    @pl.loop(0, _ZITER)
    def _(i):
        r0 = sid * _RPT + i * _ZR
        pltpu.sync_copy(acc.at[pl.ds(r0, _ZR)], zbuf)
        pltpu.sync_copy(zbuf, out_hbm.at[cid, pl.ds(r0, _ZR)])


def _sc_segsum(h, src4, dstf):

    @functools.partial(
        pl.kernel,
        out_type=jax.ShapeDtypeStruct((_NC, _NP, _D), _f32),
        mesh=_sc_mesh(),
        scratch_types=[
            pltpu.VMEM((_GC, _K), jnp.int32),
            pltpu.VMEM((_K,), jnp.int32),
            pltpu.VMEM((_K,), jnp.int32),
            pltpu.VMEM((_K, _D), _f32),
            pltpu.VMEM((_K, _D), _f32),
            pltpu.VMEM((_ZR, _D), _f32),
            pltpu.VMEM_SHARED((_NP, _D), _f32),
            pltpu.SemaphoreType.DMA,
            pltpu.SemaphoreType.DMA,
            pltpu.SemaphoreType.DMA,
            pltpu.SemaphoreType.DMA,
        ],
    )
    def k(h_hbm, src_hbm, dst_hbm, out_hbm, src_v, dsta, dstb, bufa, bufb,
          zbuf, acc, gsa, gsb, dsa, dsb):
        cid = lax.axis_index("c")
        sid = lax.axis_index("s")
        wid = sid * _NC + cid
        _fill_vmem(zbuf, _ZR, _D, 0.0)
        _zero_acc(acc, zbuf, sid)
        plsc.subcore_barrier()

        @pl.loop(0, _NG)
        def _(g):
            pltpu.sync_copy(src_hbm.at[wid, g], src_v)
            base = wid * _PER_W + g * (_GC * _K)

            def issue(j, buf, dst, gs, ds):
                pltpu.async_copy(h_hbm.at[src_v.at[j]], buf, gs)
                pltpu.async_copy(dst_hbm.at[pl.ds(base + j * _K, _K)],
                                 dst, ds)

            def finish(j, buf, dst, gs, ds):
                pltpu.make_async_copy(h_hbm.at[src_v.at[j]], buf, gs).wait()
                pltpu.make_async_copy(dst_hbm.at[pl.ds(base + j * _K, _K)],
                                      dst, ds).wait()
                pltpu.sync_copy(buf, acc.at[dst], add=True)

            issue(0, bufa, dsta, gsa, dsa)

            @pl.loop(0, (_GC - 1) // 2)
            def _(p):
                issue(1 + 2 * p, bufb, dstb, gsb, dsb)
                finish(2 * p, bufa, dsta, gsa, dsa)
                issue(2 + 2 * p, bufa, dsta, gsa, dsa)
                finish(1 + 2 * p, bufb, dstb, gsb, dsb)

            finish(_GC - 1, bufa, dsta, gsa, dsa)

        plsc.subcore_barrier()
        _copy_out(acc, zbuf, out_hbm, cid, sid)

    return k(h, src4, dstf)


def _sc_pre_seg0(x, edge_attr, src4, dstf):

    @functools.partial(
        pl.kernel,
        out_type=(jax.ShapeDtypeStruct((_NC, _NP, _D), _f32),
                  jax.ShapeDtypeStruct((_NC, _NP, _D), _f32)),
        mesh=_sc_mesh(),
        scratch_types=[
            pltpu.VMEM((_GC, _K), jnp.int32),
            pltpu.VMEM((_K,), jnp.int32),
            pltpu.VMEM((_K,), jnp.int32),
            pltpu.VMEM((_K, _D), _f32),
            pltpu.VMEM((_K, _D), _f32),
            pltpu.VMEM((_ZR, _D), _f32),
            pltpu.VMEM_SHARED((_NP, _D), _f32),
            pltpu.SemaphoreType.DMA,
            pltpu.SemaphoreType.DMA,
            pltpu.SemaphoreType.DMA,
            pltpu.SemaphoreType.DMA,
        ],
    )
    def k(h_hbm, ea_hbm, src_hbm, dst_hbm, outs_hbm, oute_hbm,
          src_v, dsta, dstb, bufa, bufb, zbuf, acc, gsa, gsb, dsa, dsb):
        cid = lax.axis_index("c")
        sid = lax.axis_index("s")
        wid = sid * _NC + cid
        base = wid * _PER_W
        _fill_vmem(zbuf, _ZR, _D, 0.0)
        _zero_acc(acc, zbuf, sid)
        plsc.subcore_barrier()

        @pl.loop(0, _NG)
        def _(g):
            pltpu.sync_copy(src_hbm.at[wid, g], src_v)
            gbase = base + g * (_GC * _K)

            def issue(j, buf, dst, gs, ds):
                pltpu.async_copy(h_hbm.at[src_v.at[j]], buf, gs)
                pltpu.async_copy(dst_hbm.at[pl.ds(gbase + j * _K, _K)],
                                 dst, ds)

            def finish(j, buf, dst, gs, ds):
                pltpu.make_async_copy(h_hbm.at[src_v.at[j]], buf, gs).wait()
                pltpu.make_async_copy(dst_hbm.at[pl.ds(gbase + j * _K, _K)],
                                      dst, ds).wait()
                pltpu.sync_copy(buf, acc.at[dst], add=True)

            issue(0, bufa, dsta, gsa, dsa)

            @pl.loop(0, (_GC - 1) // 2)
            def _(p):
                issue(1 + 2 * p, bufb, dstb, gsb, dsb)
                finish(2 * p, bufa, dsta, gsa, dsa)
                issue(2 + 2 * p, bufa, dsta, gsa, dsa)
                finish(1 + 2 * p, bufb, dstb, gsb, dsb)

            finish(_GC - 1, bufa, dsta, gsa, dsa)

        plsc.subcore_barrier()
        _copy_out(acc, zbuf, outs_hbm, cid, sid)
        _fill_vmem(zbuf, _ZR, _D, 0.0)
        _zero_acc(acc, zbuf, sid)
        plsc.subcore_barrier()

        def issue_a(j, buf, dst, gs, ds):
            pltpu.async_copy(ea_hbm.at[pl.ds(base + j * _K, _K)], buf, gs)
            pltpu.async_copy(dst_hbm.at[pl.ds(base + j * _K, _K)], dst, ds)

        def finish_a(j, buf, dst, gs, ds):
            pltpu.make_async_copy(ea_hbm.at[pl.ds(base + j * _K, _K)],
                                  buf, gs).wait()
            pltpu.make_async_copy(dst_hbm.at[pl.ds(base + j * _K, _K)],
                                  dst, ds).wait()
            pltpu.sync_copy(buf, acc.at[dst], add=True)

        issue_a(0, bufa, dsta, gsa, dsa)

        @pl.loop(0, (_NCHUNK - 1) // 2)
        def _(p):
            issue_a(1 + 2 * p, bufb, dstb, gsb, dsb)
            finish_a(2 * p, bufa, dsta, gsa, dsa)
            issue_a(2 + 2 * p, bufa, dsta, gsa, dsa)
            finish_a(1 + 2 * p, bufb, dstb, gsb, dsb)

        finish_a(_NCHUNK - 1, bufa, dsta, gsa, dsa)

        plsc.subcore_barrier()
        _copy_out(acc, zbuf, oute_hbm, cid, sid)

    return k(x, edge_attr, src4, dstf)


def _sc_deg(dstf):

    @functools.partial(
        pl.kernel,
        out_type=(jax.ShapeDtypeStruct((_NC, _NP * _D), _f32),
                  jax.ShapeDtypeStruct((_NW, _NP), _f32)),
        mesh=_sc_mesh(),
        compiler_params=_SC_CP,
        scratch_types=[
            pltpu.VMEM((_PER_W,), jnp.int32),
            pltpu.VMEM((_NP,), _f32),
            pltpu.VMEM((_RPT,), _f32),
            pltpu.VMEM((_ZR * _D,), _f32),
        ],
    )
    def k(dst_hbm, outd_hbm, outh_hbm, dstv, hist, hred, stage):
        cid = lax.axis_index("c")
        sid = lax.axis_index("s")
        wid = sid * _NC + cid
        pltpu.sync_copy(dst_hbm.at[pl.ds(wid * _PER_W, _PER_W)], dstv)

        @pl.loop(0, _NP // 16)
        def _(i):
            hist[pl.ds(i * 16, 16)] = jnp.zeros((16,), _f32)

        ones16 = jnp.ones((16,), _f32)

        @pl.loop(0, _PER_W // 16)
        def _(i):
            plsc.addupdate_scatter(hist, [dstv[pl.ds(i * 16, 16)]], ones16)

        pltpu.sync_copy(hist, outh_hbm.at[wid])
        plsc.subcore_barrier()

        @pl.loop(0, _RPT // 16)
        def _(i):
            hred[pl.ds(i * 16, 16)] = jnp.zeros((16,), _f32)

        @pl.loop(0, _NS)
        def _(w):
            pltpu.sync_copy(
                outh_hbm.at[w * _NC + cid, pl.ds(sid * _RPT, _RPT)],
                hist.at[pl.ds(0, _RPT)])

            @pl.loop(0, _RPT // 16)
            def _(i):
                hred[pl.ds(i * 16, 16)] = (hred[pl.ds(i * 16, 16)]
                                           + hist[pl.ds(i * 16, 16)])

        @pl.loop(0, _ZITER)
        def _(i):

            @pl.loop(0, _ZR // 16)
            def _(q):
                v16 = hred[pl.ds(i * _ZR + q * 16, 16)]
                for r in range(16):
                    splat = lax.gather(
                        v16, jnp.full((16, 1), r, jnp.int32),
                        lax.GatherDimensionNumbers(
                            offset_dims=(), collapsed_slice_dims=(0,),
                            start_index_map=(0,)),
                        (1,), mode=lax.GatherScatterMode.PROMISE_IN_BOUNDS)
                    for c in range(_D // 16):
                        stage[pl.ds((q * 16 + r) * _D + c * 16, 16)] = splat

            pltpu.sync_copy(
                stage,
                outd_hbm.at[cid, pl.ds((sid * _RPT + i * _ZR) * _D,
                                       _ZR * _D)])

    return k(dstf)


def _tc_round(h, s0, s1, e0, e1, d0, d1, wv, wu, we, bmv, wih, whh, bihv, bhhv):
    bn = 1000
    grid = (_N // bn,)
    hi = lax.Precision.HIGHEST

    def body(h_ref, s0r, s1r, e0r, e1r, d0r, d1r,
             wvr, wur, wer, bmr, wihr, whhr, bihr, bhhr, out_ref):
        hb = h_ref[...]
        s = s0r[...] + s1r[...]
        eg = e0r[...] + e1r[...]
        deg = d0r[...][:, :1] + d1r[...][:, :1]
        pos = deg > 0.0
        inv = jnp.where(pos, 1.0 / jnp.maximum(deg, 1.0), 0.0)
        base = jnp.dot(hb, wvr[...], precision=hi,
                       preferred_element_type=_f32) + bmr[...]
        agg = (jnp.dot(s, wur[...], precision=hi, preferred_element_type=_f32)
               + jnp.dot(eg, wer[...], precision=hi,
                         preferred_element_type=_f32))
        act = jnp.where(pos, base, 0.0) + inv * agg
        gi = jnp.dot(act, wihr[...], precision=hi,
                     preferred_element_type=_f32) + bihr[...]
        gh = jnp.dot(hb, whhr[...], precision=hi,
                     preferred_element_type=_f32) + bhhr[...]
        r = jax.nn.sigmoid(gi[:, :_D] + gh[:, :_D])
        z = jax.nn.sigmoid(gi[:, _D:2 * _D] + gh[:, _D:2 * _D])
        n = jnp.tanh(gi[:, 2 * _D:] + r * gh[:, 2 * _D:])
        out_ref[...] = (1.0 - z) * n + z * hb

    row_spec = pl.BlockSpec((bn, _D), lambda i: (i, 0))

    def full(a):
        return pl.BlockSpec(a.shape, lambda i: tuple(0 for _ in a.shape))

    return pl.pallas_call(
        body,
        grid=grid,
        in_specs=[row_spec, row_spec, row_spec, row_spec, row_spec,
                  row_spec, row_spec,
                  full(wv), full(wu), full(we), full(bmv),
                  full(wih), full(whh), full(bihv), full(bhhv)],
        out_specs=row_spec,
        out_shape=jax.ShapeDtypeStruct((_N, _D), _f32),
    )(h, s0, s1, e0, e1, d0, d1, wv, wu, we, bmv, wih, whh, bihv, bhhv)


def kernel(x, edge_attr, Wm, bm, Wih, Whh, bih, bhh, edge_index):
    ei = edge_index.astype(jnp.int32)
    src4 = ei[0].reshape(_NW, _NG, _GC, _K)
    dstf = ei[1]

    s0, eagg = _sc_pre_seg0(x, edge_attr, src4, dstf)
    degf, _hist = _sc_deg(dstf)
    deg = degf.reshape(_NC, _NP, _D)

    h = x
    for t in range(2):
        sp = s0 if t == 0 else _sc_segsum(h, src4, dstf)
        wv = Wm[t, :, :_D].T
        wu = Wm[t, :, _D:2 * _D].T
        we = Wm[t, :, 2 * _D:].T
        h = _tc_round(h, sp[0], sp[1], eagg[0], eagg[1], deg[0], deg[1],
                      wv, wu, we, bm[t][None],
                      Wih[t].T, Whh[t].T, bih[t][None], bhh[t][None])
    return h

# --- scband reference (transcript-rebuilt; emitter-appended) ---
"""Pipeline reference for scband-deep-gg-68908455297284 (READ-ONLY COPY).

The authoritative reference and input builder live on the scoring server;
editing this copy changes nothing except your own understanding.
"""

import jax, jax.numpy as jnp
import numpy as np

N = 10000
E = 320000
D = 128
R = 2

def setup_inputs(seed: int = 0) -> dict:
    key = jax.random.key(seed)
    ks = jax.random.split(key, 10)
    x = jax.random.normal(ks[0], (N, D), dtype=jnp.float32)
    edge_index = jax.random.randint(ks[1], (2, E), 0, N, dtype=jnp.int64)
    edge_attr = jax.random.normal(ks[2], (E, D), dtype=jnp.float32)
    # GraphProp parameters per round, stacked over rounds:
    # message_funcs[t]: Linear(3*D -> 2*D); node_update_funcs[t]: GRUCell(2*D, D)
    Wm = jax.random.normal(ks[3], (R, 2 * D, 3 * D), dtype=jnp.float32) * 0.05
    bm = jnp.zeros((R, 2 * D), dtype=jnp.float32)
    Wih = jax.random.normal(ks[4], (R, 3 * D, 2 * D), dtype=jnp.float32) * 0.05
    Whh = jax.random.normal(ks[5], (R, 3 * D, D), dtype=jnp.float32) * 0.05
    bih = jnp.zeros((R, 3 * D), dtype=jnp.float32)
    bhh = jnp.zeros((R, 3 * D), dtype=jnp.float32)
    return {"x": x, "edge_attr": edge_attr, "Wm": Wm, "bm": bm,
            "Wih": Wih, "Whh": Whh, "bih": bih, "bhh": bhh,
            "edge_index": edge_index}

def _gru_cell(inp, h, Wih, Whh, bih, bhh):
    gi = inp @ Wih.T + bih
    gh = h @ Whh.T + bhh
    i_r, i_z, i_n = jnp.split(gi, 3, axis=1)
    h_r, h_z, h_n = jnp.split(gh, 3, axis=1)
    r = jax.nn.sigmoid(i_r + h_r)
    z = jax.nn.sigmoid(i_z + h_z)
    n = jnp.tanh(i_n + r * h_n)
    return (1.0 - z) * n + z * h

def reference(x, edge_attr, Wm, bm, Wih, Whh, bih, bhh, edge_index):
    # Faithful JAX translation of DeepGG's GraphProp.forward over num_prop_rounds.
    src = edge_index[0]
    dst = edge_index[1]
    h = x
    ones = jnp.ones((E,), dtype=jnp.float32)
    deg = jax.ops.segment_sum(ones, dst, num_segments=N)  # in-degree of dst
    denom = jnp.maximum(deg, 1.0)[:, None]
    for t in range(R):
        h_u = jnp.take(h, src, axis=0)           # edges.src[hv]
        h_v = jnp.take(h, dst, axis=0)           # hv_old at dst, expanded per message
        # dgmg_msg: m = cat([h_u, e_uv]); dgmg_reduce: message = cat([hv_old, m])
        msg_in = jnp.concatenate([h_v, h_u, edge_attr], axis=1)   # [E, 3D]
        act_e = msg_in @ Wm[t].T + bm[t]                           # [E, 2D]
        # mean over mailbox == segment mean over incoming edges per dst node;
        # nodes with no incoming edges keep the initial zero activation
        act = jax.ops.segment_sum(act_e, dst, num_segments=N) / denom
        h = _gru_cell(act, h, Wih[t], Whh[t], bih[t], bhh[t])
    return h

if __name__ == "__main__":
    import jax
    _d = setup_inputs()
    print(jax.jit(kernel)(*tuple(_d.values())))

</pallas_src>

<mosaic_0001>
#map = affine_map<(d0, d1) -> (0, 0)>
#map1 = affine_map<(d0, d1) -> (0, 0, 0, 0)>
#map2 = affine_map<(d0, d1) -> (0)>
#map3 = affine_map<(d0, d1) -> (0, 0, 0)>
module attributes {stable_mosaic.version = 14 : i64} {
  func.func @k(%arg0: i32, %arg1: i32, %arg2: memref<10000x128xf32, #tpu.memory_space<hbm>>, %arg3: memref<32x5x25x80xi32, #tpu.memory_space<hbm>>, %arg4: memref<320000xi32, #tpu.memory_space<hbm>>, %arg5: memref<2x10240x128xf32, #tpu.memory_space<hbm>>, %arg6: memref<25x80xi32, #tpu.memory_space<vmem>>, %arg7: memref<80xi32, #tpu.memory_space<vmem>>, %arg8: memref<80xi32, #tpu.memory_space<vmem>>, %arg9: memref<80x128xf32, #tpu.memory_space<vmem>>, %arg10: memref<80x128xf32, #tpu.memory_space<vmem>>, %arg11: memref<32x128xf32, #tpu.memory_space<vmem>>, %arg12: memref<10240x128xf32, #tpu.memory_space<vmem_shared>>, %arg13: memref<!tpu.dma_semaphore, #tpu.memory_space<semaphore_mem>>, %arg14: memref<!tpu.dma_semaphore, #tpu.memory_space<semaphore_mem>>, %arg15: memref<!tpu.dma_semaphore, #tpu.memory_space<semaphore_mem>>, %arg16: memref<!tpu.dma_semaphore, #tpu.memory_space<semaphore_mem>>) attributes {dimension_semantics = [#tpu.dimension_semantics<core_parallel>, #tpu.dimension_semantics<subcore_parallel>], iteration_bounds = array<i64: 2, 16>, scalar_prefetch = 0 : i64, scratch_operands = 11 : i64, tpu.core_type = #tpu.core_type<sc_vector_subcore>, window_params = [{transform_indices = #map}, {transform_indices = #map1}, {transform_indices = #map2}, {transform_indices = #map3}]} {
    %mul3A = arith.constant 2 : i32
    %mul3A_0 = arith.muli %arg1, %mul3A : i32
    %add3A = arith.addi %mul3A_0, %arg0 : i32
    %scan3A = arith.constant 0 : i32
    %scan3A_1 = arith.constant 32 : i32
    %scan3A_2 = arith.addi %scan3A, %scan3A_1 : i32
    %scan3A_3 = arith.constant 1 : i32
    scf.for %scan3A_21 = %scan3A to %scan3A_2 step %scan3A_3  : i32 {
      %mul3A_22 = arith.constant 1 : i32
      %mul3A_23 = arith.muli %scan3A_21, %mul3A_22 : i32
      %add3A_24 = arith.constant 0 : i32
      %add3A_25 = arith.addi %add3A_24, %mul3A_23 : i32
      %broadcast_in_dim3A = arith.constant 0.000000e+00 : f32
      %broadcast_in_dim3A_26 = vector.broadcast %broadcast_in_dim3A : f32 to vector<16xf32>
      %swap3A = arith.index_cast %add3A_25 : i32 to index
      %swap3A_27 = arith.constant 0 : index
      %swap3A_28 = tpu.vector_load %arg11[%swap3A, %swap3A_27] {strides = array<i32>} : memref<32x128xf32, #tpu.memory_space<vmem>>, vector<1x16xf32>,
      %swap3A_29 = vector.shape_cast %swap3A_28 : vector<1x16xf32> to vector<16xf32>
      %swap3A_30 = vector.shape_cast %broadcast_in_dim3A_26 : vector<16xf32> to vector<1x16xf32>
      tpu.vector_store %arg11[%swap3A, %swap3A_27], %swap3A_30 {strides = array<i32>} : memref<32x128xf32, #tpu.memory_space<vmem>>, vector<1x16xf32>,
      %broadcast_in_dim3A_31 = arith.constant 0.000000e+00 : f32
      %broadcast_in_dim3A_32 = vector.broadcast %broadcast_in_dim3A_31 : f32 to vector<16xf32>
      %swap3A_33 = arith.index_cast %add3A_25 : i32 to index
      %swap3A_34 = arith.constant 16 : index
      %swap3A_35 = tpu.vector_load %arg11[%swap3A_33, %swap3A_34] {strides = array<i32>} : memref<32x128xf32, #tpu.memory_space<vmem>>, vector<1x16xf32>,
      %swap3A_36 = vector.shape_cast %swap3A_35 : vector<1x16xf32> to vector<16xf32>
      %swap3A_37 = vector.shape_cast %broadcast_in_dim3A_32 : vector<16xf32> to vector<1x16xf32>
      tpu.vector_store %arg11[%swap3A_33, %swap3A_34], %swap3A_37 {strides = array<i32>} : memref<32x128xf32, #tpu.memory_space<vmem>>, vector<1x16xf32>,
      %broadcast_in_dim3A_38 = arith.constant 0.000000e+00 : f32
      %broadcast_in_dim3A_39 = vector.broadcast %broadcast_in_dim3A_38 : f32 to vector<16xf32>
      %swap3A_40 = arith.index_cast %add3A_25 : i32 to index
      %swap3A_41 = arith.constant 32 : index
      %swap3A_42 = tpu.vector_load %arg11[%swap3A_40, %swap3A_41] {strides = array<i32>} : memref<32x128xf32, #tpu.memory_space<vmem>>, vector<1x16xf32>,
      %swap3A_43 = vector.shape_cast %swap3A_42 : vector<1x16xf32> to vector<16xf32>
      %swap3A_44 = vector.shape_cast %broadcast_in_dim3A_39 : vector<16xf32> to vector<1x16xf32>
      tpu.vector_store %arg11[%swap3A_40, %swap3A_41], %swap3A_44 {strides = array<i32>} : memref<32x128xf32, #tpu.memory_space<vmem>>, vector<1x16xf32>,
      %broadcast_in_dim3A_45 = arith.constant 0.000000e+00 : f32
      %broadcast_in_dim3A_46 = vector.broadcast %broadcast_in_dim3A_45 : f32 to vector<16xf32>
      %swap3A_47 = arith.index_cast %add3A_25 : i32 to index
      %swap3A_48 = arith.constant 48 : index
      %swap3A_49 = tpu.vector_load %arg11[%swap3A_47, %swap3A_48] {strides = array<i32>} : memref<32x128xf32, #tpu.memory_space<vmem>>, vector<1x16xf32>,
      %swap3A_50 = vector.shape_cast %swap3A_49 : vector<1x16xf32> to vector<16xf32>
      %swap3A_51 = vector.shape_cast %broadcast_in_dim3A_46 : vector<16xf32> to vector<1x16xf32>
      tpu.vector_store %arg11[%swap3A_47, %swap3A_48], %swap3A_51 {strides = array<i32>} : memref<32x128xf32, #tpu.memory_space<vmem>>, vector<1x16xf32>,
      %broadcast_in_dim3A_52 = arith.constant 0.000000e+00 : f32
      %broadcast_in_dim3A_53 = vector.broadcast %broadcast_in_dim3A_52 : f32 to vector<16xf32>
      %swap3A_54 = arith.index_cast %add3A_25 : i32 to index
      %swap3A_55 = arith.constant 64 : index
      %swap3A_56 = tpu.vector_load %arg11[%swap3A_54, %swap3A_55] {strides = array<i32>} : memref<32x128xf32, #tpu.memory_space<vmem>>, vector<1x16xf32>,
      %swap3A_57 = vector.shape_cast %swap3A_56 : vector<1x16xf32> to vector<16xf32>
      %swap3A_58 = vector.shape_cast %broadcast_in_dim3A_53 : vector<16xf32> to vector<1x16xf32>
      tpu.vector_store %arg11[%swap3A_54, %swap3A_55], %swap3A_58 {strides = array<i32>} : memref<32x128xf32, #tpu.memory_space<vmem>>, vector<1x16xf32>,
      %broadcast_in_dim3A_59 = arith.constant 0.000000e+00 : f32
      %broadcast_in_dim3A_60 = vector.broadcast %broadcast_in_dim3A_59 : f32 to vector<16xf32>
      %swap3A_61 = arith.index_cast %add3A_25 : i32 to index
      %swap3A_62 = arith.constant 80 : index
      %swap3A_63 = tpu.vector_load %arg11[%swap3A_61, %swap3A_62] {strides = array<i32>} : memref<32x128xf32, #tpu.memory_space<vmem>>, vector<1x16xf32>,
      %swap3A_64 = vector.shape_cast %swap3A_63 : vector<1x16xf32> to vector<16xf32>
      %swap3A_65 = vector.shape_cast %broadcast_in_dim3A_60 : vector<16xf32> to vector<1x16xf32>
      tpu.vector_store %arg11[%swap3A_61, %swap3A_62], %swap3A_65 {strides = array<i32>} : memref<32x128xf32, #tpu.memory_space<vmem>>, vector<1x16xf32>,
      %broadcast_in_dim3A_66 = arith.constant 0.000000e+00 : f32
      %broadcast_in_dim3A_67 = vector.broadcast %broadcast_in_dim3A_66 : f32 to vector<16xf32>
      %swap3A_68 = arith.index_cast %add3A_25 : i32 to index
      %swap3A_69 = arith.constant 96 : index
      %swap3A_70 = tpu.vector_load %arg11[%swap3A_68, %swap3A_69] {strides = array<i32>} : memref<32x128xf32, #tpu.memory_space<vmem>>, vector<1x16xf32>,
      %swap3A_71 = vector.shape_cast %swap3A_70 : vector<1x16xf32> to vector<16xf32>
      %swap3A_72 = vector.shape_cast %broadcast_in_dim3A_67 : vector<16xf32> to vector<1x16xf32>
      tpu.vector_store %arg11[%swap3A_68, %swap3A_69], %swap3A_72 {strides = array<i32>} : memref<32x128xf32, #tpu.memory_space<vmem>>, vector<1x16xf32>,
      %broadcast_in_dim3A_73 = arith.constant 0.000000e+00 : f32
      %broadcast_in_dim3A_74 = vector.broadcast %broadcast_in_dim3A_73 : f32 to vector<16xf32>
      %swap3A_75 = arith.index_cast %add3A_25 : i32 to index
      %swap3A_76 = arith.constant 112 : index
      %swap3A_77 = tpu.vector_load %arg11[%swap3A_75, %swap3A_76] {strides = array<i32>} : memref<32x128xf32, #tpu.memory_space<vmem>>, vector<1x16xf32>,
      %swap3A_78 = vector.shape_cast %swap3A_77 : vector<1x16xf32> to vector<16xf32>
      %swap3A_79 = vector.shape_cast %broadcast_in_dim3A_74 : vector<16xf32> to vector<1x16xf32>
      tpu.vector_store %arg11[%swap3A_75, %swap3A_76], %swap3A_79 {strides = array<i32>} : memref<32x128xf32, #tpu.memory_space<vmem>>, vector<1x16xf32>,
    }
    %scan3A_4 = arith.constant 32 : i32
    %scan3A_5 = arith.constant 0 : i32
    %scan3A_6 = arith.constant 20 : i32
    %scan3A_7 = arith.addi %scan3A_5, %scan3A_6 : i32
    %scan3A_8 = arith.constant 1 : i32
    scf.for %scan3A_21 = %scan3A_5 to %scan3A_7 step %scan3A_8  : i32 {
      %mul3A_22 = arith.constant 1 : i32
      %mul3A_23 = arith.muli %scan3A_21, %mul3A_22 : i32
      %add3A_24 = arith.constant 0 : i32
      %add3A_25 = arith.addi %add3A_24, %mul3A_23 : i32
      %mul3A_26 = arith.constant 640 : i32
      %mul3A_27 = arith.muli %arg1, %mul3A_26 : i32
      %mul3A_28 = arith.constant 32 : i32
      %mul3A_29 = arith.muli %add3A_25, %mul3A_28 : i32
      %add3A_30 = arith.addi %mul3A_27, %mul3A_29 : i32
      "tpu.region"() ({
        %run_scoped3A = tpu.sem_alloc : memref<!tpu.dma_semaphore, #tpu.memory_space<semaphore_mem>>
        %dma_start3A = arith.constant 0 : i32
        %dma_start3A_31 = tpu.memref_slice %arg12[%add3A_30, %dma_start3A] : memref<10240x128xf32, #tpu.memory_space<vmem_shared>> -> memref<32x128xf32, #tpu.memory_space<vmem_shared>>
        %dma_start3A_32 = arith.constant 0 : i32
        %dma_start3A_33 = tpu.memref_slice %arg12[%add3A_30, %dma_start3A_32] : memref<10240x128xf32, #tpu.memory_space<vmem_shared>> -> memref<32x128xf32, #tpu.memory_space<vmem_shared>>
        tpu.enqueue_dma source(%arg11 : memref<32x128xf32, #tpu.memory_space<vmem>>) target(%dma_start3A_33 : memref<32x128xf32, #tpu.memory_space<vmem_shared>>) target_semaphore(%run_scoped3A : memref<!tpu.dma_semaphore, #tpu.memory_space<semaphore_mem>>)
        %dma_wait3A = arith.constant 0 : i32
        %dma_wait3A_34 = tpu.memref_slice %arg12[%add3A_30, %dma_wait3A] : memref<10240x128xf32, #tpu.memory_space<vmem_shared>> -> memref<32x128xf32, #tpu.memory_space<vmem_shared>>
        %dma_wait3A_35 = arith.constant 0 : i32
        %dma_wait3A_36 = tpu.memref_slice %arg12[%add3A_30, %dma_wait3A_35] : memref<10240x128xf32, #tpu.memory_space<vmem_shared>> -> memref<32x128xf32, #tpu.memory_space<vmem_shared>>
        tpu.wait_dma2 semaphore(%run_scoped3A : memref<!tpu.dma_semaphore, #tpu.memory_space<semaphore_mem>>) src(%arg11 : memref<32x128xf32, #tpu.memory_space<vmem>>) dst(%dma_wait3A_36 : memref<32x128xf32, #tpu.memory_space<vmem_shared>>)
        tpu.yield
      }) : () -> ()
    }
    %scan3A_9 = arith.constant 20 : i32
    %barrier3A = arith.constant 0 : index
    tpu.barrier barrier_id(%barrier3A)
    %scan3A_10 = arith.constant 0 : i32
    %scan3A_11 = arith.constant 5 : i32
    %scan3A_12 = arith.addi %scan3A_10, %scan3A_11 : i32
    %scan3A_13 = arith.constant 1 : i32
    scf.for %scan3A_21 = %scan3A_10 to %scan3A_12 step %scan3A_13  : i32 {
      %mul3A_22 = arith.constant 1 : i32
      %mul3A_23 = arith.muli %scan3A_21, %mul3A_22 : i32
      %add3A_24 = arith.constant 0 : i32
      %add3A_25 = arith.addi %add3A_24, %mul3A_23 : i32
      "tpu.region"() ({
        %run_scoped3A = tpu.sem_alloc : memref<!tpu.dma_semaphore, #tpu.memory_space<semaphore_mem>>
        %dma_start3A_56 = arith.constant 0 : i32
        %dma_start3A_57 = arith.constant 0 : i32
        %dma_start3A_58 = tpu.memref_slice %arg3[%add3A, %add3A_25, %dma_start3A_56, %dma_start3A_57] : memref<32x5x25x80xi32, #tpu.memory_space<hbm>> -> memref<1x1x25x80xi32, #tpu.memory_space<hbm>>
        %dma_start3A_59 = tpu.memref_squeeze %dma_start3A_58 : memref<1x1x25x80xi32, #tpu.memory_space<hbm>> -> memref<25x80xi32, #tpu.memory_space<hbm>>
        %dma_start3A_60 = arith.constant 0 : i32
        %dma_start3A_61 = arith.constant 0 : i32
        %dma_start3A_62 = tpu.memref_slice %arg3[%add3A, %add3A_25, %dma_start3A_60, %dma_start3A_61] : memref<32x5x25x80xi32, #tpu.memory_space<hbm>> -> memref<1x1x25x80xi32, #tpu.memory_space<hbm>>
        %dma_start3A_63 = tpu.memref_squeeze %dma_start3A_62 : memref<1x1x25x80xi32, #tpu.memory_space<hbm>> -> memref<25x80xi32, #tpu.memory_space<hbm>>
        tpu.enqueue_dma source(%dma_start3A_63 : memref<25x80xi32, #tpu.memory_space<hbm>>) target(%arg6 : memref<25x80xi32, #tpu.memory_space<vmem>>) target_semaphore(%run_scoped3A : memref<!tpu.dma_semaphore, #tpu.memory_space<semaphore_mem>>)
        %dma_wait3A_64 = arith.constant 0 : i32
        %dma_wait3A_65 = arith.constant 0 : i32
        %dma_wait3A_66 = tpu.memref_slice %arg3[%add3A, %add3A_25, %dma_wait3A_64, %dma_wait3A_65] : memref<32x5x25x80xi32, #tpu.memory_space<hbm>> -> memref<1x1x25x80xi32, #tpu.memory_space<hbm>>
        %dma_wait3A_67 = tpu.memref_squeeze %dma_wait3A_66 : memref<1x1x25x80xi32, #tpu.memory_space<hbm>> -> memref<25x80xi32, #tpu.memory_space<hbm>>
        %dma_wait3A_68 = arith.constant 0 : i32
        %dma_wait3A_69 = arith.constant 0 : i32
        %dma_wait3A_70 = tpu.memref_slice %arg3[%add3A, %add3A_25, %dma_wait3A_68, %dma_wait3A_69] : memref<32x5x25x80xi32, #tpu.memory_space<hbm>> -> memref<1x1x25x80xi32, #tpu.memory_space<hbm>>
        %dma_wait3A_71 = tpu.memref_squeeze %dma_wait3A_70 : memref<1x1x25x80xi32, #tpu.memory_space<hbm>> -> memref<25x80xi32, #tpu.memory_space<hbm>>
        tpu.wait_dma2 semaphore(%run_scoped3A : memref<!tpu.dma_semaphore, #tpu.memory_space<semaphore_mem>>) src(%dma_wait3A_71 : memref<25x80xi32, #tpu.memory_space<hbm>>) dst(%arg6 : memref<25x80xi32, #tpu.memory_space<vmem>>)
        tpu.yield
      }) : () -> ()
      %mul3A_26 = arith.constant 10000 : i32
      %mul3A_27 = arith.muli %add3A, %mul3A_26 : i32
      %mul3A_28 = arith.constant 2000 : i32
      %mul3A_29 = arith.muli %add3A_25, %mul3A_28 : i32
      %add3A_30 = arith.addi %mul3A_27, %mul3A_29 : i32
      %dma_start3A = arith.constant 0 : i32
      %dma_start3A_31 = arith.constant 0 : i32
      %dma_start3A_32 = tpu.memref_slice %arg6[%dma_start3A, %dma_start3A_31] : memref<25x80xi32, #tpu.memory_space<vmem>> -> memref<1x80xi32, #tpu.memory_space<vmem>>
      %dma_start3A_33 = tpu.memref_squeeze %dma_start3A_32 : memref<1x80xi32, #tpu.memory_space<vmem>> -> memref<80xi32, #tpu.memory_space<vmem>>
      %dma_start3A_34 = arith.constant 0 : i32
      %dma_start3A_35 = arith.constant 0 : i32
      %dma_start3A_36 = tpu.memref_slice %arg2[%dma_start3A_34, %dma_start3A_35] : memref<10000x128xf32, #tpu.memory_space<hbm>> -> memref<10000x128xf32, #tpu.memory_space<hbm>>
      tpu.enqueue_indirect_dma source(%dma_start3A_36 : memref<10000x128xf32, #tpu.memory_space<hbm>>) target(%arg9 : memref<80x128xf32, #tpu.memory_space<vmem>>) offsets(%dma_start3A_33 : memref<80xi32, #tpu.memory_space<vmem>>) semaphore(%arg13 : memref<!tpu.dma_semaphore, #tpu.memory_space<semaphore_mem>>)
      %add3A_37 = arith.constant 0 : i32
      %add3A_38 = arith.addi %add3A_30, %add3A_37 : i32
      %dma_start3A_39 = tpu.memref_slice %arg4[%add3A_38] : memref<320000xi32, #tpu.memory_space<hbm>> -> memref<80xi32, #tpu.memory_space<hbm>>
      %dma_start3A_40 = tpu.memref_slice %arg4[%add3A_38] : memref<320000xi32, #tpu.memory_space<hbm>> -> memref<80xi32, #tpu.memory_space<hbm>>
      tpu.enqueue_dma source(%dma_start3A_40 : memref<80xi32, #tpu.memory_space<hbm>>) target(%arg7 : memref<80xi32, #tpu.memory_space<vmem>>) target_semaphore(%arg15 : memref<!tpu.dma_semaphore, #tpu.memory_space<semaphore_mem>>)
      %scan3A_41 = arith.constant 0 : i32
      %scan3A_42 = arith.constant 12 : i32
      %scan3A_43 = arith.addi %scan3A_41, %scan3A_42 : i32
      %scan3A_44 = arith.constant 1 : i32
      scf.for %scan3A_56 = %scan3A_41 to %scan3A_43 step %scan3A_44  : i32 {
        %mul3A_57 = arith.constant 1 : i32
        %mul3A_58 = arith.muli %scan3A_56, %mul3A_57 : i32
        %add3A_59 = arith.constant 0 : i32
        %add3A_60 = arith.addi %add3A_59, %mul3A_58 : i32
        %mul3A_61 = arith.constant 2 : i32
        %mul3A_62 = arith.muli %mul3A_61, %add3A_60 : i32
        %add3A_63 = arith.constant 1 : i32
        %add3A_64 = arith.addi %add3A_63, %mul3A_62 : i32
        %dma_start3A_65 = arith.constant 0 : i32
        %dma_start3A_66 = tpu.memref_slice %arg6[%add3A_64, %dma_start3A_65] : memref<25x80xi32, #tpu.memory_space<vmem>> -> memref<1x80xi32, #tpu.memory_space<vmem>>
        %dma_start3A_67 = tpu.memref_squeeze %dma_start3A_66 : memref<1x80xi32, #tpu.memory_space<vmem>> -> memref<80xi32, #tpu.memory_space<vmem>>
        %dma_start3A_68 = arith.constant 0 : i32
        %dma_start3A_69 = arith.constant 0 : i32
        %dma_start3A_70 = tpu.memref_slice %arg2[%dma_start3A_68, %dma_start3A_69] : memref<10000x128xf32, #tpu.memory_space<hbm>> -> memref<10000x128xf32, #tpu.memory_space<hbm>>
        tpu.enqueue_indirect_dma source(%dma_start3A_70 : memref<10000x128xf32, #tpu.memory_space<hbm>>) target(%arg10 : memref<80x128xf32, #tpu.memory_space<vmem>>) offsets(%dma_start3A_67 : memref<80xi32, #tpu.memory_space<vmem>>) semaphore(%arg14 : memref<!tpu.dma_semaphore, #tpu.memory_space<semaphore_mem>>)
        %mul3A_71 = arith.constant 80 : i32
        %mul3A_72 = arith.muli %add3A_64, %mul3A_71 : i32
        %add3A_73 = arith.addi %add3A_30, %mul3A_72 : i32
        %dma_start3A_74 = tpu.memref_slice %arg4[%add3A_73] : memref<320000xi32, #tpu.memory_space<hbm>> -> memref<80xi32, #tpu.memory_space<hbm>>
        %dma_start3A_75 = tpu.memref_slice %arg4[%add3A_73] : memref<320000xi32, #tpu.memory_space<hbm>> -> memref<80xi32, #tpu.memory_space<hbm>>
        tpu.enqueue_dma source(%dma_start3A_75 : memref<80xi32, #tpu.memory_space<hbm>>) target(%arg8 : memref<80xi32, #tpu.memory_space<vmem>>) target_semaphore(%arg16 : memref<!tpu.dma_semaphore, #tpu.memory_space<semaphore_mem>>)
        %mul3A_76 = arith.constant 2 : i32
        %mul3A_77 = arith.muli %mul3A_76, %add3A_60 : i32
        %dma_wait3A_78 = arith.constant 0 : i32
        %dma_wait3A_79 = tpu.memref_slice %arg6[%mul3A_77, %dma_wait3A_78] : memref<25x80xi32, #tpu.memory_space<vmem>> -> memref<1x80xi32, #tpu.memory_space<vmem>>
        %dma_wait3A_80 = tpu.memref_squeeze %dma_wait3A_79 : memref<1x80xi32, #tpu.memory_space<vmem>> -> memref<80xi32, #tpu.memory_space<vmem>>
        %dma_wait3A_81 = arith.constant 0 : i32
        %dma_wait3A_82 = arith.constant 0 : i32
        %dma_wait3A_83 = tpu.memref_slice %arg2[%dma_wait3A_81, %dma_wait3A_82] : memref<10000x128xf32, #tpu.memory_space<hbm>> -> memref<10000x128xf32, #tpu.memory_space<hbm>>
        tpu.wait_indirect_dma semaphore(%arg13 : memref<!tpu.dma_semaphore, #tpu.memory_space<semaphore_mem>>) src(%dma_wait3A_83 : memref<10000x128xf32, #tpu.memory_space<hbm>>) dst(%arg9 : memref<80x128xf32, #tpu.memory_space<vmem>>)
        %mul3A_84 = arith.constant 80 : i32
        %mul3A_85 = arith.muli %mul3A_77, %mul3A_84 : i32
        %add3A_86 = arith.addi %add3A_30, %mul3A_85 : i32
        %dma_wait3A_87 = tpu.memref_slice %arg4[%add3A_86] : memref<320000xi32, #tpu.memory_space<hbm>> -> memref<80xi32, #tpu.memory_space<hbm>>
        %dma_wait3A_88 = tpu.memref_slice %arg4[%add3A_86] : memref<320000xi32, #tpu.memory_space<hbm>> -> memref<80xi32, #tpu.memory_space<hbm>>
        tpu.wait_dma2 semaphore(%arg15 : memref<!tpu.dma_semaphore, #tpu.memory_space<semaphore_mem>>) src(%dma_wait3A_88 : memref<80xi32, #tpu.memory_space<hbm>>) dst(%arg7 : memref<80xi32, #tpu.memory_space<vmem>>)
        "tpu.region"() ({
          %run_scoped3A = tpu.sem_alloc : memref<!tpu.dma_semaphore, #tpu.memory_space<semaphore_mem>>
          %dma_start3A_119 = arith.constant 0 : i32
          %dma_start3A_120 = arith.constant 0 : i32
          %dma_start3A_121 = tpu.memref_slice %arg12[%dma_start3A_119, %dma_start3A_120] : memref<10240x128xf32, #tpu.memory_space<vmem_shared>> -> memref<10240x128xf32, #tpu.memory_space<vmem_shared>>
          tpu.enqueue_indirect_dma source(%arg9 : memref<80x128xf32, #tpu.memory_space<vmem>>) target(%dma_start3A_121 : memref<10240x128xf32, #tpu.memory_space<vmem_shared>>) offsets(%arg7 : memref<80xi32, #tpu.memory_space<vmem>>) semaphore(%run_scoped3A : memref<!tpu.dma_semaphore, #tpu.memory_space<semaphore_mem>>) {add = true}
          %dma_wait3A_122 = arith.constant 0 : i32
          %dma_wait3A_123 = arith.constant 0 : i32
          %dma_wait3A_124 = tpu.memref_slice %arg12[%dma_wait3A_122, %dma_wait3A_123] : memref<10240x128xf32, #tpu.memory_space<vmem_shared>> -> memref<10240x128xf32, #tpu.memory_space<vmem_shared>>
          tpu.wait_indirect_dma semaphore(%run_scoped3A : memref<!tpu.dma_semaphore, #tpu.memory_space<semaphore_mem>>) src(%arg9 : memref<80x128xf32, #tpu.memory_space<vmem>>) dst(%dma_wait3A_124 : memref<10240x128xf32, #tpu.memory_space<vmem_shared>>)
          tpu.yield
        }) : () -> ()
        %mul3A_89 = arith.constant 2 : i32
        %mul3A_90 = arith.muli %mul3A_89, %add3A_60 : i32
        %add3A_91 = arith.constant 2 : i32
        %add3A_92 = arith.addi %add3A_91, %mul3A_90 : i32
        %dma_start3A_93 = arith.constant 0 : i32
        %dma_start3A_94 = tpu.memref_slice %arg6[%add3A_92, %dma_start3A_93] : memref<25x80xi32, #tpu.memory_space<vmem>> -> memref<1x80xi32, #tpu.memory_space<vmem>>
        %dma_start3A_95 = tpu.memref_squeeze %dma_start3A_94 : memref<1x80xi32, #tpu.memory_space<vmem>> -> memref<80xi32, #tpu.memory_space<vmem>>
        %dma_start3A_96 = arith.constant 0 : i32
        %dma_start3A_97 = arith.constant 0 : i32
        %dma_start3A_98 = tpu.memref_slice %arg2[%dma_start3A_96, %dma_start3A_97] : memref<10000x128xf32, #tpu.memory_space<hbm>> -> memref<10000x128xf32, #tpu.memory_space<hbm>>
        tpu.enqueue_indirect_dma source(%dma_start3A_98 : memref<10000x128xf32, #tpu.memory_space<hbm>>) target(%arg9 : memref<80x128xf32, #tpu.memory_space<vmem>>) offsets(%dma_start3A_95 : memref<80xi32, #tpu.memory_space<vmem>>) semaphore(%arg13 : memref<!tpu.dma_semaphore, #tpu.memory_space<semaphore_mem>>)
        %mul3A_99 = arith.constant 80 : i32
        %mul3A_100 = arith.muli %add3A_92, %mul3A_99 : i32
        %add3A_101 = arith.addi %add3A_30, %mul3A_100 : i32
        %dma_start3A_102 = tpu.memref_slice %arg4[%add3A_101] : memref<320000xi32, #tpu.memory_space<hbm>> -> memref<80xi32, #tpu.memory_space<hbm>>
        %dma_start3A_103 = tpu.memref_slice %arg4[%add3A_101] : memref<320000xi32, #tpu.memory_space<hbm>> -> memref<80xi32, #tpu.memory_space<hbm>>
        tpu.enqueue_dma source(%dma_start3A_103 : memref<80xi32, #tpu.memory_space<hbm>>) target(%arg7 : memref<80xi32, #tpu.memory_space<vmem>>) target_semaphore(%arg15 : memref<!tpu.dma_semaphore, #tpu.memory_space<semaphore_mem>>)
        %mul3A_104 = arith.constant 2 : i32
        %mul3A_105 = arith.muli %mul3A_104, %add3A_60 : i32
        %add3A_106 = arith.constant 1 : i32
        %add3A_107 = arith.addi %add3A_106, %mul3A_105 : i32
        %dma_wait3A_108 = arith.constant 0 : i32
        %dma_wait3A_109 = tpu.memref_slice %arg6[%add3A_107, %dma_wait3A_108] : memref<25x80xi32, #tpu.memory_space<vmem>> -> memref<1x80xi32, #tpu.memory_space<vmem>>
        %dma_wait3A_110 = tpu.memref_squeeze %dma_wait3A_109 : memref<1x80xi32, #tpu.memory_space<vmem>> -> memref<80xi32, #tpu.memory_space<vmem>>
        %dma_wait3A_111 = arith.constant 0 : i32
        %dma_wait3A_112 = arith.constant 0 : i32
        %dma_wait3A_113 = tpu.memref_slice %arg2[%dma_wait3A_111, %dma_wait3A_112] : memref<10000x128xf32, #tpu.memory_space<hbm>> -> memref<10000x128xf32, #tpu.memory_space<hbm>>
        tpu.wait_indirect_dma semaphore(%arg14 : memref<!tpu.dma_semaphore, #tpu.memory_space<semaphore_mem>>) src(%dma_wait3A_113 : memref<10000x128xf32, #tpu.memory_space<hbm>>) dst(%arg10 : memref<80x128xf32, #tpu.memory_space<vmem>>)
        %mul3A_114 = arith.constant 80 : i32
        %mul3A_115 = arith.muli %add3A_107, %mul3A_114 : i32
        %add3A_116 = arith.addi %add3A_30, %mul3A_115 : i32
        %dma_wait3A_117 = tpu.memref_slice %arg4[%add3A_116] : memref<320000xi32, #tpu.memory_space<hbm>> -> memref<80xi32, #tpu.memory_space<hbm>>
        %dma_wait3A_118 = tpu.memref_slice %arg4[%add3A_116] : memref<320000xi32, #tpu.memory_space<hbm>> -> memref<80xi32, #tpu.memory_space<hbm>>
        tpu.wait_dma2 semaphore(%arg16 : memref<!tpu.dma_semaphore, #tpu.memory_space<semaphore_mem>>) src(%dma_wait3A_118 : memref<80xi32, #tpu.memory_space<hbm>>) dst(%arg8 : memref<80xi32, #tpu.memory_space<vmem>>)
        "tpu.region"() ({
          %run_scoped3A = tpu.sem_alloc : memref<!tpu.dma_semaphore, #tpu.memory_space<semaphore_mem>>
          %dma_start3A_119 = arith.constant 0 : i32
          %dma_start3A_120 = arith.constant 0 : i32
          %dma_start3A_121 = tpu.memref_slice %arg12[%dma_start3A_119, %dma_start3A_120] : memref<10240x128xf32, #tpu.memory_space<vmem_shared>> -> memref<10240x128xf32, #tpu.memory_space<vmem_shared>>
          tpu.enqueue_indirect_dma source(%arg10 : memref<80x128xf32, #tpu.memory_space<vmem>>) target(%dma_start3A_121 : memref<10240x128xf32, #tpu.memory_space<vmem_shared>>) offsets(%arg8 : memref<80xi32, #tpu.memory_space<vmem>>) semaphore(%run_scoped3A : memref<!tpu.dma_semaphore, #tpu.memory_space<semaphore_mem>>) {add = true}
          %dma_wait3A_122 = arith.constant 0 : i32
          %dma_wait3A_123 = arith.constant 0 : i32
          %dma_wait3A_124 = tpu.memref_slice %arg12[%dma_wait3A_122, %dma_wait3A_123] : memref<10240x128xf32, #tpu.memory_space<vmem_shared>> -> memref<10240x128xf32, #tpu.memory_space<vmem_shared>>
          tpu.wait_indirect_dma semaphore(%run_scoped3A : memref<!tpu.dma_semaphore, #tpu.memory_space<semaphore_mem>>) src(%arg10 : memref<80x128xf32, #tpu.memory_space<vmem>>) dst(%dma_wait3A_124 : memref<10240x128xf32, #tpu.memory_space<vmem_shared>>)
          tpu.yield
        }) : () -> ()
      }
      %scan3A_45 = arith.constant 12 : i32
      %dma_wait3A = arith.constant 24 : i32
      %dma_wait3A_46 = arith.constant 0 : i32
      %dma_wait3A_47 = tpu.memref_slice %arg6[%dma_wait3A, %dma_wait3A_46] : memref<25x80xi32, #tpu.memory_space<vmem>> -> memref<1x80xi32, #tpu.memory_space<vmem>>
      %dma_wait3A_48 = tpu.memref_squeeze %dma_wait3A_47 : memref<1x80xi32, #tpu.memory_space<vmem>> -> memref<80xi32, #tpu.memory_space<vmem>>
      %dma_wait3A_49 = arith.constant 0 : i32
      %dma_wait3A_50 = arith.constant 0 : i32
      %dma_wait3A_51 = tpu.memref_slice %arg2[%dma_wait3A_49, %dma_wait3A_50] : memref<10000x128xf32, #tpu.memory_space<hbm>> -> memref<10000x128xf32, #tpu.memory_space<hbm>>
      tpu.wait_indirect_dma semaphore(%arg13 : memref<!tpu.dma_semaphore, #tpu.memory_space<semaphore_mem>>) src(%dma_wait3A_51 : memref<10000x128xf32, #tpu.memory_space<hbm>>) dst(%arg9 : memref<80x128xf32, #tpu.memory_space<vmem>>)
      %add3A_52 = arith.constant 1920 : i32
      %add3A_53 = arith.addi %add3A_30, %add3A_52 : i32
      %dma_wait3A_54 = tpu.memref_slice %arg4[%add3A_53] : memref<320000xi32, #tpu.memory_space<hbm>> -> memref<80xi32, #tpu.memory_space<hbm>>
      %dma_wait3A_55 = tpu.memref_slice %arg4[%add3A_53] : memref<320000xi32, #tpu.memory_space<hbm>> -> memref<80xi32, #tpu.memory_space<hbm>>
      tpu.wait_dma2 semaphore(%arg15 : memref<!tpu.dma_semaphore, #tpu.memory_space<semaphore_mem>>) src(%dma_wait3A_55 : memref<80xi32, #tpu.memory_space<hbm>>) dst(%arg7 : memref<80xi32, #tpu.memory_space<vmem>>)
      "tpu.region"() ({
        %run_scoped3A = tpu.sem_alloc : memref<!tpu.dma_semaphore, #tpu.memory_space<semaphore_mem>>
        %dma_start3A_56 = arith.constant 0 : i32
        %dma_start3A_57 = arith.constant 0 : i32
        %dma_start3A_58 = tpu.memref_slice %arg12[%dma_start3A_56, %dma_start3A_57] : memref<10240x128xf32, #tpu.memory_space<vmem_shared>> -> memref<10240x128xf32, #tpu.memory_space<vmem_shared>>
        tpu.enqueue_indirect_dma source(%arg9 : memref<80x128xf32, #tpu.memory_space<vmem>>) target(%dma_start3A_58 : memref<10240x128xf32, #tpu.memory_space<vmem_shared>>) offsets(%arg7 : memref<80xi32, #tpu.memory_space<vmem>>) semaphore(%run_scoped3A : memref<!tpu.dma_semaphore, #tpu.memory_space<semaphore_mem>>) {add = true}
        %dma_wait3A_59 = arith.constant 0 : i32
        %dma_wait3A_60 = arith.constant 0 : i32
        %dma_wait3A_61 = tpu.memref_slice %arg12[%dma_wait3A_59, %dma_wait3A_60] : memref<10240x128xf32, #tpu.memory_space<vmem_shared>> -> memref<10240x128xf32, #tpu.memory_space<vmem_shared>>
        tpu.wait_indirect_dma semaphore(%run_scoped3A : memref<!tpu.dma_semaphore, #tpu.memory_space<semaphore_mem>>) src(%arg9 : memref<80x128xf32, #tpu.memory_space<vmem>>) dst(%dma_wait3A_61 : memref<10240x128xf32, #tpu.memory_space<vmem_shared>>)
        tpu.yield
      }) : () -> ()
    }
    %scan3A_14 = arith.constant 5 : i32
    %barrier3A_15 = arith.constant 0 : index
    tpu.barrier barrier_id(%barrier3A_15)
    %scan3A_16 = arith.constant 0 : i32
    %scan3A_17 = arith.constant 20 : i32
    %scan3A_18 = arith.addi %scan3A_16, %scan3A_17 : i32
    %scan3A_19 = arith.constant 1 : i32
    scf.for %scan3A_21 = %scan3A_16 to %scan3A_18 step %scan3A_19  : i32 {
      %mul3A_22 = arith.constant 1 : i32
      %mul3A_23 = arith.muli %scan3A_21, %mul3A_22 : i32
      %add3A_24 = arith.constant 0 : i32
      %add3A_25 = arith.addi %add3A_24, %mul3A_23 : i32
      %mul3A_26 = arith.constant 640 : i32
      %mul3A_27 = arith.muli %arg1, %mul3A_26 : i32
      %mul3A_28 = arith.constant 32 : i32
      %mul3A_29 = arith.muli %add3A_25, %mul3A_28 : i32
      %add3A_30 = arith.addi %mul3A_27, %mul3A_29 : i32
      "tpu.region"() ({
        %run_scoped3A = tpu.sem_alloc : memref<!tpu.dma_semaphore, #tpu.memory_space<semaphore_mem>>
        %dma_start3A = arith.constant 0 : i32
        %dma_start3A_31 = tpu.memref_slice %arg12[%add3A_30, %dma_start3A] : memref<10240x128xf32, #tpu.memory_space<vmem_shared>> -> memref<32x128xf32, #tpu.memory_space<vmem_shared>>
        %dma_start3A_32 = arith.constant 0 : i32
        %dma_start3A_33 = tpu.memref_slice %arg12[%add3A_30, %dma_start3A_32] : memref<10240x128xf32, #tpu.memory_space<vmem_shared>> -> memref<32x128xf32, #tpu.memory_space<vmem_shared>>
        tpu.enqueue_dma source(%dma_start3A_33 : memref<32x128xf32, #tpu.memory_space<vmem_shared>>) target(%arg11 : memref<32x128xf32, #tpu.memory_space<vmem>>) target_semaphore(%run_scoped3A : memref<!tpu.dma_semaphore, #tpu.memory_space<semaphore_mem>>)
        %dma_wait3A = arith.constant 0 : i32
        %dma_wait3A_34 = tpu.memref_slice %arg12[%add3A_30, %dma_wait3A] : memref<10240x128xf32, #tpu.memory_space<vmem_shared>> -> memref<32x128xf32, #tpu.memory_space<vmem_shared>>
        %dma_wait3A_35 = arith.constant 0 : i32
        %dma_wait3A_36 = tpu.memref_slice %arg12[%add3A_30, %dma_wait3A_35] : memref<10240x128xf32, #tpu.memory_space<vmem_shared>> -> memref<32x128xf32, #tpu.memory_space<vmem_shared>>
        tpu.wait_dma2 semaphore(%run_scoped3A : memref<!tpu.dma_semaphore, #tpu.memory_space<semaphore_mem>>) src(%dma_wait3A_36 : memref<32x128xf32, #tpu.memory_space<vmem_shared>>) dst(%arg11 : memref<32x128xf32, #tpu.memory_space<vmem>>)
        tpu.yield
      }) : () -> ()
      "tpu.region"() ({
        %run_scoped3A = tpu.sem_alloc : memref<!tpu.dma_semaphore, #tpu.memory_space<semaphore_mem>>
        %dma_start3A = arith.constant 0 : i32
        %dma_start3A_31 = tpu.memref_slice %arg5[%arg0, %add3A_30, %dma_start3A] : memref<2x10240x128xf32, #tpu.memory_space<hbm>> -> memref<1x32x128xf32, #tpu.memory_space<hbm>>
        %dma_start3A_32 = tpu.memref_squeeze %dma_start3A_31 : memref<1x32x128xf32, #tpu.memory_space<hbm>> -> memref<32x128xf32, #tpu.memory_space<hbm>>
        %dma_start3A_33 = arith.constant 0 : i32
        %dma_start3A_34 = tpu.memref_slice %arg5[%arg0, %add3A_30, %dma_start3A_33] : memref<2x10240x128xf32, #tpu.memory_space<hbm>> -> memref<1x32x128xf32, #tpu.memory_space<hbm>>
        %dma_start3A_35 = tpu.memref_squeeze %dma_start3A_34 : memref<1x32x128xf32, #tpu.memory_space<hbm>> -> memref<32x128xf32, #tpu.memory_space<hbm>>
        tpu.enqueue_dma source(%arg11 : memref<32x128xf32, #tpu.memory_space<vmem>>) target(%dma_start3A_35 : memref<32x128xf32, #tpu.memory_space<hbm>>) target_semaphore(%run_scoped3A : memref<!tpu.dma_semaphore, #tpu.memory_space<semaphore_mem>>)
        %dma_wait3A = arith.constant 0 : i32
        %dma_wait3A_36 = tpu.memref_slice %arg5[%arg0, %add3A_30, %dma_wait3A] : memref<2x10240x128xf32, #tpu.memory_space<hbm>> -> memref<1x32x128xf32, #tpu.memory_space<hbm>>
        %dma_wait3A_37 = tpu.memref_squeeze %dma_wait3A_36 : memref<1x32x128xf32, #tpu.memory_space<hbm>> -> memref<32x128xf32, #tpu.memory_space<hbm>>
        %dma_wait3A_38 = arith.constant 0 : i32
        %dma_wait3A_39 = tpu.memref_slice %arg5[%arg0, %add3A_30, %dma_wait3A_38] : memref<2x10240x128xf32, #tpu.memory_space<hbm>> -> memref<1x32x128xf32, #tpu.memory_space<hbm>>
        %dma_wait3A_40 = tpu.memref_squeeze %dma_wait3A_39 : memref<1x32x128xf32, #tpu.memory_space<hbm>> -> memref<32x128xf32, #tpu.memory_space<hbm>>
        tpu.wait_dma2 semaphore(%run_scoped3A : memref<!tpu.dma_semaphore, #tpu.memory_space<semaphore_mem>>) src(%arg11 : memref<32x128xf32, #tpu.memory_space<vmem>>) dst(%dma_wait3A_40 : memref<32x128xf32, #tpu.memory_space<hbm>>)
        tpu.yield
      }) : () -> ()
    }
    %scan3A_20 = arith.constant 20 : i32
    return
  }
}

#map = affine_map<(d0, d1) -> (0, 0)>
#map1 = affine_map<(d0, d1) -> (0, 0, 0, 0)>
#map2 = affine_map<(d0, d1) -> (0)>
#map3 = affine_map<(d0, d1) -> (0, 0, 0)>
module attributes {stable_mosaic.version = 14 : i64} {
  func.func @k(%arg0: i32, %arg1: i32, %arg2: memref<10000x128xf32, #tpu.memory_space<hbm>>, %arg3: memref<320000x128xf32, #tpu.memory_space<hbm>>, %arg4: memref<32x5x25x80xi32, #tpu.memory_space<hbm>>, %arg5: memref<320000xi32, #tpu.memory_space<hbm>>, %arg6: memref<2x10240x128xf32, #tpu.memory_space<hbm>>, %arg7: memref<2x10240x128xf32, #tpu.memory_space<hbm>>, %arg8: memref<25x80xi32, #tpu.memory_space<vmem>>, %arg9: memref<80xi32, #tpu.memory_space<vmem>>, %arg10: memref<80xi32, #tpu.memory_space<vmem>>, %arg11: memref<80x128xf32, #tpu.memory_space<vmem>>, %arg12: memref<80x128xf32, #tpu.memory_space<vmem>>, %arg13: memref<32x128xf32, #tpu.memory_space<vmem>>, %arg14: memref<10240x128xf32, #tpu.memory_space<vmem_shared>>, %arg15: memref<!tpu.dma_semaphore, #tpu.memory_space<semaphore_mem>>, %arg16: memref<!tpu.dma_semaphore, #tpu.memory_space<semaphore_mem>>, %arg17: memref<!tpu.dma_semaphore, #tpu.memory_space<semaphore_mem>>, %arg18: memref<!tpu.dma_semaphore, #tpu.memory_space<semaphore_mem>>) attributes {dimension_semantics = [#tpu.dimension_semantics<core_parallel>, #tpu.dimension_semantics<subcore_parallel>], iteration_bounds = array<i64: 2, 16>, scalar_prefetch = 0 : i64, scratch_operands = 11 : i64, tpu.core_type = #tpu.core_type<sc_vector_subcore>, window_params = [{transform_indices = #map}, {transform_indices = #map}, {transform_indices = #map1}, {transform_indices = #map2}, {transform_indices = #map3}, {transform_indices = #map3}]} {
    %mul3A = arith.constant 2 : i32
    %mul3A_0 = arith.muli %arg1, %mul3A : i32
    %add3A = arith.addi %mul3A_0, %arg0 : i32
    %mul3A_1 = arith.constant 10000 : i32
    %mul3A_2 = arith.muli %add3A, %mul3A_1 : i32
    %scan3A = arith.constant 0 : i32
    %scan3A_3 = arith.constant 32 : i32
    %scan3A_4 = arith.addi %scan3A, %scan3A_3 : i32
    %scan3A_5 = arith.constant 1 : i32
    scf.for %scan3A_63 = %scan3A to %scan3A_4 step %scan3A_5  : i32 {
      %mul3A_64 = arith.constant 1 : i32
      %mul3A_65 = arith.muli %scan3A_63, %mul3A_64 : i32
      %add3A_66 = arith.constant 0 : i32
      %add3A_67 = arith.addi %add3A_66, %mul3A_65 : i32
      %broadcast_in_dim3A = arith.constant 0.000000e+00 : f32
      %broadcast_in_dim3A_68 = vector.broadcast %broadcast_in_dim3A : f32 to vector<16xf32>
      %swap3A = arith.index_cast %add3A_67 : i32 to index
      %swap3A_69 = arith.constant 0 : index
      %swap3A_70 = tpu.vector_load %arg13[%swap3A, %swap3A_69] {strides = array<i32>} : memref<32x128xf32, #tpu.memory_space<vmem>>, vector<1x16xf32>,
      %swap3A_71 = vector.shape_cast %swap3A_70 : vector<1x16xf32> to vector<16xf32>
      %swap3A_72 = vector.shape_cast %broadcast_in_dim3A_68 : vector<16xf32> to vector<1x16xf32>
      tpu.vector_store %arg13[%swap3A, %swap3A_69], %swap3A_72 {strides = array<i32>} : memref<32x128xf32, #tpu.memory_space<vmem>>, vector<1x16xf32>,
      %broadcast_in_dim3A_73 = arith.constant 0.000000e+00 : f32
      %broadcast_in_dim3A_74 = vector.broadcast %broadcast_in_dim3A_73 : f32 to vector<16xf32>
      %swap3A_75 = arith.index_cast %add3A_67 : i32 to index
      %swap3A_76 = arith.constant 16 : index
      %swap3A_77 = tpu.vector_load %arg13[%swap3A_75, %swap3A_76] {strides = array<i32>} : memref<32x128xf32, #tpu.memory_space<vmem>>, vector<1x16xf32>,
      %swap3A_78 = vector.shape_cast %swap3A_77 : vector<1x16xf32> to vector<16xf32>
      %swap3A_79 = vector.shape_cast %broadcast_in_dim3A_74 : vector<16xf32> to vector<1x16xf32>
      tpu.vector_store %arg13[%swap3A_75, %swap3A_76], %swap3A_79 {strides = array<i32>} : memref<32x128xf32, #tpu.memory_space<vmem>>, vector<1x16xf32>,
      %broadcast_in_dim3A_80 = arith.constant 0.000000e+00 : f32
      %broadcast_in_dim3A_81 = vector.broadcast %broadcast_in_dim3A_80 : f32 to vector<16xf32>
      %swap3A_82 = arith.index_cast %add3A_67 : i32 to index
      %swap3A_83 = arith.constant 32 : index
      %swap3A_84 = tpu.vector_load %arg13[%swap3A_82, %swap3A_83] {strides = array<i32>} : memref<32x128xf32, #tpu.memory_space<vmem>>, vector<1x16xf32>,
      %swap3A_85 = vector.shape_cast %swap3A_84 : vector<1x16xf32> to vector<16xf32>
      %swap3A_86 = vector.shape_cast %broadcast_in_dim3A_81 : vector<16xf32> to vector<1x16xf32>
      tpu.vector_store %arg13[%swap3A_82, %swap3A_83], %swap3A_86 {strides = array<i32>} : memref<32x128xf32, #tpu.memory_space<vmem>>, vector<1x16xf32>,
      %broadcast_in_dim3A_87 = arith.constant 0.000000e+00 : f32
      %broadcast_in_dim3A_88 = vector.broadcast %broadcast_in_dim3A_87 : f32 to vector<16xf32>
      %swap3A_89 = arith.index_cast %add3A_67 : i32 to index
      %swap3A_90 = arith.constant 48 : index
      %swap3A_91 = tpu.vector_load %arg13[%swap3A_89, %swap3A_90] {strides = array<i32>} : memref<32x128xf32, #tpu.memory_space<vmem>>, vector<1x16xf32>,
      %swap3A_92 = vector.shape_cast %swap3A_91 : vector<1x16xf32> to vector<16xf32>
      %swap3A_93 = vector.shape_cast %broadcast_in_dim3A_88 : vector<16xf32> to vector<1x16xf32>
      tpu.vector_store %arg13[%swap3A_89, %swap3A_90], %swap3A_93 {strides = array<i32>} : memref<32x128xf32, #tpu.memory_space<vmem>>, vector<1x16xf32>,
      %broadcast_in_dim3A_94 = arith.constant 0.000000e+00 : f32
      %broadcast_in_dim3A_95 = vector.broadcast %broadcast_in_dim3A_94 : f32 to vector<16xf32>
      %swap3A_96 = arith.index_cast %add3A_67 : i32 to index
      %swap3A_97 = arith.constant 64 : index
      %swap3A_98 = tpu.vector_load %arg13[%swap3A_96, %swap3A_97] {strides = array<i32>} : memref<32x128xf32, #tpu.memory_space<vmem>>, vector<1x16xf32>,
      %swap3A_99 = vector.shape_cast %swap3A_98 : vector<1x16xf32> to vector<16xf32>
      %swap3A_100 = vector.shape_cast %broadcast_in_dim3A_95 : vector<16xf32> to vector<1x16xf32>
      tpu.vector_store %arg13[%swap3A_96, %swap3A_97], %swap3A_100 {strides = array<i32>} : memref<32x128xf32, #tpu.memory_space<vmem>>, vector<1x16xf32>,
      %broadcast_in_dim3A_101 = arith.constant 0.000000e+00 : f32
      %broadcast_in_dim3A_102 = vector.broadcast %broadcast_in_dim3A_101 : f32 to vector<16xf32>
      %swap3A_103 = arith.index_cast %add3A_67 : i32 to index
      %swap3A_104 = arith.constant 80 : index
      %swap3A_105 = tpu.vector_load %arg13[%swap3A_103, %swap3A_104] {strides = array<i32>} : memref<32x128xf32, #tpu.memory_space<vmem>>, vector<1x16xf32>,
      %swap3A_106 = vector.shape_cast %swap3A_105 : vector<1x16xf32> to vector<16xf32>
      %swap3A_107 = vector.shape_cast %broadcast_in_dim3A_102 : vector<16xf32> to vector<1x16xf32>
      tpu.vector_store %arg13[%swap3A_103, %swap3A_104], %swap3A_107 {strides = array<i32>} : memref<32x128xf32, #tpu.memory_space<vmem>>, vector<1x16xf32>,
      %broadcast_in_dim3A_108 = arith.constant 0.000000e+00 : f32
      %broadcast_in_dim3A_109 = vector.broadcast %broadcast_in_dim3A_108 : f32 to vector<16xf32>
      %swap3A_110 = arith.index_cast %add3A_67 : i32 to index
      %swap3A_111 = arith.constant 96 : index
      %swap3A_112 = tpu.vector_load %arg13[%swap3A_110, %swap3A_111] {strides = array<i32>} : memref<32x128xf32, #tpu.memory_space<vmem>>, vector<1x16xf32>,
      %swap3A_113 = vector.shape_cast %swap3A_112 : vector<1x16xf32> to vector<16xf32>
      %swap3A_114 = vector.shape_cast %broadcast_in_dim3A_109 : vector<16xf32> to vector<1x16xf32>
      tpu.vector_store %arg13[%swap3A_110, %swap3A_111], %swap3A_114 {strides = array<i32>} : memref<32x128xf32, #tpu.memory_space<vmem>>, vector<1x16xf32>,
      %broadcast_in_dim3A_115 = arith.constant 0.000000e+00 : f32
      %broadcast_in_dim3A_116 = vector.broadcast %broadcast_in_dim3A_115 : f32 to vector<16xf32>
      %swap3A_117 = arith.index_cast %add3A_67 : i32 to index
      %swap3A_118 = arith.constant 112 : index
      %swap3A_119 = tpu.vector_load %arg13[%swap3A_117, %swap3A_118] {strides = array<i32>} : memref<32x128xf32, #tpu.memory_space<vmem>>, vector<1x16xf32>,
      %swap3A_120 = vector.shape_cast %swap3A_119 : vector<1x16xf32> to vector<16xf32>
      %swap3A_121 = vector.shape_cast %broadcast_in_dim3A_116 : vector<16xf32> to vector<1x16xf32>
      tpu.vector_store %arg13[%swap3A_117, %swap3A_118], %swap3A_121 {strides = array<i32>} : memref<32x128xf32, #tpu.memory_space<vmem>>, vector<1x16xf32>,
    }
    %scan3A_6 = arith.constant 32 : i32
    %scan3A_7 = arith.constant 0 : i32
    %scan3A_8 = arith.constant 20 : i32
    %scan3A_9 = arith.addi %scan3A_7, %scan3A_8 : i32
    %scan3A_10 = arith.constant 1 : i32
    scf.for %scan3A_63 = %scan3A_7 to %scan3A_9 step %scan3A_10  : i32 {
      %mul3A_64 = arith.constant 1 : i32
      %mul3A_65 = arith.muli %scan3A_63, %mul3A_64 : i32
      %add3A_66 = arith.constant 0 : i32
      %add3A_67 = arith.addi %add3A_66, %mul3A_65 : i32
      %mul3A_68 = arith.constant 640 : i32
      %mul3A_69 = arith.muli %arg1, %mul3A_68 : i32
      %mul3A_70 = arith.constant 32 : i32
      %mul3A_71 = arith.muli %add3A_67, %mul3A_70 : i32
      %add3A_72 = arith.addi %mul3A_69, %mul3A_71 : i32
      "tpu.region"() ({
        %run_scoped3A = tpu.sem_alloc : memref<!tpu.dma_semaphore, #tpu.memory_space<semaphore_mem>>
        %dma_start3A_73 = arith.constant 0 : i32
        %dma_start3A_74 = tpu.memref_slice %arg14[%add3A_72, %dma_start3A_73] : memref<10240x128xf32, #tpu.memory_space<vmem_shared>> -> memref<32x128xf32, #tpu.memory_space<vmem_shared>>
        %dma_start3A_75 = arith.constant 0 : i32
        %dma_start3A_76 = tpu.memref_slice %arg14[%add3A_72, %dma_start3A_75] : memref<10240x128xf32, #tpu.memory_space<vmem_shared>> -> memref<32x128xf32, #tpu.memory_space<vmem_shared>>
        tpu.enqueue_dma source(%arg13 : memref<32x128xf32, #tpu.memory_space<vmem>>) target(%dma_start3A_76 : memref<32x128xf32, #tpu.memory_space<vmem_shared>>) target_semaphore(%run_scoped3A : memref<!tpu.dma_semaphore, #tpu.memory_space<semaphore_mem>>)
        %dma_wait3A_77 = arith.constant 0 : i32
        %dma_wait3A_78 = tpu.memref_slice %arg14[%add3A_72, %dma_wait3A_77] : memref<10240x128xf32, #tpu.memory_space<vmem_shared>> -> memref<32x128xf32, #tpu.memory_space<vmem_shared>>
        %dma_wait3A_79 = arith.constant 0 : i32
        %dma_wait3A_80 = tpu.memref_slice %arg14[%add3A_72, %dma_wait3A_79] : memref<10240x128xf32, #tpu.memory_space<vmem_shared>> -> memref<32x128xf32, #tpu.memory_space<vmem_shared>>
        tpu.wait_dma2 semaphore(%run_scoped3A : memref<!tpu.dma_semaphore, #tpu.memory_space<semaphore_mem>>) src(%arg13 : memref<32x128xf32, #tpu.memory_space<vmem>>) dst(%dma_wait3A_80 : memref<32x128xf32, #tpu.memory_space<vmem_shared>>)
        tpu.yield
      }) : () -> ()
    }
    %scan3A_11 = arith.constant 20 : i32
    %barrier3A = arith.constant 0 : index
    tpu.barrier barrier_id(%barrier3A)
    %scan3A_12 = arith.constant 0 : i32
    %scan3A_13 = arith.constant 5 : i32
    %scan3A_14 = arith.addi %scan3A_12, %scan3A_13 : i32
    %scan3A_15 = arith.constant 1 : i32
    scf.for %scan3A_63 = %scan3A_12 to %scan3A_14 step %scan3A_15  : i32 {
      %mul3A_64 = arith.constant 1 : i32
      %mul3A_65 = arith.muli %scan3A_63, %mul3A_64 : i32
      %add3A_66 = arith.constant 0 : i32
      %add3A_67 = arith.addi %add3A_66, %mul3A_65 : i32
      "tpu.region"() ({
        %run_scoped3A = tpu.sem_alloc : memref<!tpu.dma_semaphore, #tpu.memory_space<semaphore_mem>>
        %dma_start3A_98 = arith.constant 0 : i32
        %dma_start3A_99 = arith.constant 0 : i32
        %dma_start3A_100 = tpu.memref_slice %arg4[%add3A, %add3A_67, %dma_start3A_98, %dma_start3A_99] : memref<32x5x25x80xi32, #tpu.memory_space<hbm>> -> memref<1x1x25x80xi32, #tpu.memory_space<hbm>>
        %dma_start3A_101 = tpu.memref_squeeze %dma_start3A_100 : memref<1x1x25x80xi32, #tpu.memory_space<hbm>> -> memref<25x80xi32, #tpu.memory_space<hbm>>
        %dma_start3A_102 = arith.constant 0 : i32
        %dma_start3A_103 = arith.constant 0 : i32
        %dma_start3A_104 = tpu.memref_slice %arg4[%add3A, %add3A_67, %dma_start3A_102, %dma_start3A_103] : memref<32x5x25x80xi32, #tpu.memory_space<hbm>> -> memref<1x1x25x80xi32, #tpu.memory_space<hbm>>
        %dma_start3A_105 = tpu.memref_squeeze %dma_start3A_104 : memref<1x1x25x80xi32, #tpu.memory_space<hbm>> -> memref<25x80xi32, #tpu.memory_space<hbm>>
        tpu.enqueue_dma source(%dma_start3A_105 : memref<25x80xi32, #tpu.memory_space<hbm>>) target(%arg8 : memref<25x80xi32, #tpu.memory_space<vmem>>) target_semaphore(%run_scoped3A : memref<!tpu.dma_semaphore, #tpu.memory_space<semaphore_mem>>)
        %dma_wait3A_106 = arith.constant 0 : i32
        %dma_wait3A_107 = arith.constant 0 : i32
        %dma_wait3A_108 = tpu.memref_slice %arg4[%add3A, %add3A_67, %dma_wait3A_106, %dma_wait3A_107] : memref<32x5x25x80xi32, #tpu.memory_space<hbm>> -> memref<1x1x25x80xi32, #tpu.memory_space<hbm>>
        %dma_wait3A_109 = tpu.memref_squeeze %dma_wait3A_108 : memref<1x1x25x80xi32, #tpu.memory_space<hbm>> -> memref<25x80xi32, #tpu.memory_space<hbm>>
        %dma_wait3A_110 = arith.constant 0 : i32
        %dma_wait3A_111 = arith.constant 0 : i32
        %dma_wait3A_112 = tpu.memref_slice %arg4[%add3A, %add3A_67, %dma_wait3A_110, %dma_wait3A_111] : memref<32x5x25x80xi32, #tpu.memory_space<hbm>> -> memref<1x1x25x80xi32, #tpu.memory_space<hbm>>
        %dma_wait3A_113 = tpu.memref_squeeze %dma_wait3A_112 : memref<1x1x25x80xi32, #tpu.memory_space<hbm>> -> memref<25x80xi32, #tpu.memory_space<hbm>>
        tpu.wait_dma2 semaphore(%run_scoped3A : memref<!tpu.dma_semaphore, #tpu.memory_space<semaphore_mem>>) src(%dma_wait3A_113 : memref<25x80xi32, #tpu.memory_space<hbm>>) dst(%arg8 : memref<25x80xi32, #tpu.memory_space<vmem>>)
        tpu.yield
      }) : () -> ()
      %mul3A_68 = arith.constant 2000 : i32
      %mul3A_69 = arith.muli %add3A_67, %mul3A_68 : i32
      %add3A_70 = arith.addi %mul3A_2, %mul3A_69 : i32
      %dma_start3A_71 = arith.constant 0 : i32
      %dma_start3A_72 = arith.constant 0 : i32
      %dma_start3A_73 = tpu.memref_slice %arg8[%dma_start3A_71, %dma_start3A_72] : memref<25x80xi32, #tpu.memory_space<vmem>> -> memref<1x80xi32, #tpu.memory_space<vmem>>
      %dma_start3A_74 = tpu.memref_squeeze %dma_start3A_73 : memref<1x80xi32, #tpu.memory_space<vmem>> -> memref<80xi32, #tpu.memory_space<vmem>>
      %dma_start3A_75 = arith.constant 0 : i32
      %dma_start3A_76 = arith.constant 0 : i32
      %dma_start3A_77 = tpu.memref_slice %arg2[%dma_start3A_75, %dma_start3A_76] : memref<10000x128xf32, #tpu.memory_space<hbm>> -> memref<10000x128xf32, #tpu.memory_space<hbm>>
      tpu.enqueue_indirect_dma source(%dma_start3A_77 : memref<10000x128xf32, #tpu.memory_space<hbm>>) target(%arg11 : memref<80x128xf32, #tpu.memory_space<vmem>>) offsets(%dma_start3A_74 : memref<80xi32, #tpu.memory_space<vmem>>) semaphore(%arg15 : memref<!tpu.dma_semaphore, #tpu.memory_space<semaphore_mem>>)
      %add3A_78 = arith.constant 0 : i32
      %add3A_79 = arith.addi %add3A_70, %add3A_78 : i32
      %dma_start3A_80 = tpu.memref_slice %arg5[%add3A_79] : memref<320000xi32, #tpu.memory_space<hbm>> -> memref<80xi32, #tpu.memory_space<hbm>>
      %dma_start3A_81 = tpu.memref_slice %arg5[%add3A_79] : memref<320000xi32, #tpu.memory_space<hbm>> -> memref<80xi32, #tpu.memory_space<hbm>>
      tpu.enqueue_dma source(%dma_start3A_81 : memref<80xi32, #tpu.memory_space<hbm>>) target(%arg9 : memref<80xi32, #tpu.memory_space<vmem>>) target_semaphore(%arg17 : memref<!tpu.dma_semaphore, #tpu.memory_space<semaphore_mem>>)
      %scan3A_82 = arith.constant 0 : i32
      %scan3A_83 = arith.constant 12 : i32
      %scan3A_84 = arith.addi %scan3A_82, %scan3A_83 : i32
      %scan3A_85 = arith.constant 1 : i32
      scf.for %scan3A_98 = %scan3A_82 to %scan3A_84 step %scan3A_85  : i32 {
        %mul3A_99 = arith.constant 1 : i32
        %mul3A_100 = arith.muli %scan3A_98, %mul3A_99 : i32
        %add3A_101 = arith.constant 0 : i32
        %add3A_102 = arith.addi %add3A_101, %mul3A_100 : i32
        %mul3A_103 = arith.constant 2 : i32
        %mul3A_104 = arith.muli %mul3A_103, %add3A_102 : i32
        %add3A_105 = arith.constant 1 : i32
        %add3A_106 = arith.addi %add3A_105, %mul3A_104 : i32
        %dma_start3A_107 = arith.constant 0 : i32
        %dma_start3A_108 = tpu.memref_slice %arg8[%add3A_106, %dma_start3A_107] : memref<25x80xi32, #tpu.memory_space<vmem>> -> memref<1x80xi32, #tpu.memory_space<vmem>>
        %dma_start3A_109 = tpu.memref_squeeze %dma_start3A_108 : memref<1x80xi32, #tpu.memory_space<vmem>> -> memref<80xi32, #tpu.memory_space<vmem>>
        %dma_start3A_110 = arith.constant 0 : i32
        %dma_start3A_111 = arith.constant 0 : i32
        %dma_start3A_112 = tpu.memref_slice %arg2[%dma_start3A_110, %dma_start3A_111] : memref<10000x128xf32, #tpu.memory_space<hbm>> -> memref<10000x128xf32, #tpu.memory_space<hbm>>
        tpu.enqueue_indirect_dma source(%dma_start3A_112 : memref<10000x128xf32, #tpu.memory_space<hbm>>) target(%arg12 : memref<80x128xf32, #tpu.memory_space<vmem>>) offsets(%dma_start3A_109 : memref<80xi32, #tpu.memory_space<vmem>>) semaphore(%arg16 : memref<!tpu.dma_semaphore, #tpu.memory_space<semaphore_mem>>)
        %mul3A_113 = arith.constant 80 : i32
        %mul3A_114 = arith.muli %add3A_106, %mul3A_113 : i32
        %add3A_115 = arith.addi %add3A_70, %mul3A_114 : i32
        %dma_start3A_116 = tpu.memref_slice %arg5[%add3A_115] : memref<320000xi32, #tpu.memory_space<hbm>> -> memref<80xi32, #tpu.memory_space<hbm>>
        %dma_start3A_117 = tpu.memref_slice %arg5[%add3A_115] : memref<320000xi32, #tpu.memory_space<hbm>> -> memref<80xi32, #tpu.memory_space<hbm>>
        tpu.enqueue_dma source(%dma_start3A_117 : memref<80xi32, #tpu.memory_space<hbm>>) target(%arg10 : memref<80xi32, #tpu.memory_space<vmem>>) target_semaphore(%arg18 : memref<!tpu.dma_semaphore, #tpu.memory_space<semaphore_mem>>)
        %mul3A_118 = arith.constant 2 : i32
        %mul3A_119 = arith.muli %mul3A_118, %add3A_102 : i32
        %dma_wait3A_120 = arith.constant 0 : i32
        %dma_wait3A_121 = tpu.memref_slice %arg8[%mul3A_119, %dma_wait3A_120] : memref<25x80xi32, #tpu.memory_space<vmem>> -> memref<1x80xi32, #tpu.memory_space<vmem>>
        %dma_wait3A_122 = tpu.memref_squeeze %dma_wait3A_121 : memref<1x80xi32, #tpu.memory_space<vmem>> -> memref<80xi32, #tpu.memory_space<vmem>>
        %dma_wait3A_123 = arith.constant 0 : i32
        %dma_wait3A_124 = arith.constant 0 : i32
        %dma_wait3A_125 = tpu.memref_slice %arg2[%dma_wait3A_123, %dma_wait3A_124] : memref<10000x128xf32, #tpu.memory_space<hbm>> -> memref<10000x128xf32, #tpu.memory_space<hbm>>
        tpu.wait_indirect_dma semaphore(%arg15 : memref<!tpu.dma_semaphore, #tpu.memory_space<semaphore_mem>>) src(%dma_wait3A_125 : memref<10000x128xf32, #tpu.memory_space<hbm>>) dst(%arg11 : memref<80x128xf32, #tpu.memory_space<vmem>>)
        %mul3A_126 = arith.constant 80 : i32
        %mul3A_127 = arith.muli %mul3A_119, %mul3A_126 : i32
        %add3A_128 = arith.addi %add3A_70, %mul3A_127 : i32
        %dma_wait3A_129 = tpu.memref_slice %arg5[%add3A_128] : memref<320000xi32, #tpu.memory_space<hbm>> -> memref<80xi32, #tpu.memory_space<hbm>>
        %dma_wait3A_130 = tpu.memref_slice %arg5[%add3A_128] : memref<320000xi32, #tpu.memory_space<hbm>> -> memref<80xi32, #tpu.memory_space<hbm>>
        tpu.wait_dma2 semaphore(%arg17 : memref<!tpu.dma_semaphore, #tpu.memory_space<semaphore_mem>>) src(%dma_wait3A_130 : memref<80xi32, #tpu.memory_space<hbm>>) dst(%arg9 : memref<80xi32, #tpu.memory_space<vmem>>)
        "tpu.region"() ({
          %run_scoped3A = tpu.sem_alloc : memref<!tpu.dma_semaphore, #tpu.memory_space<semaphore_mem>>
          %dma_start3A_161 = arith.constant 0 : i32
          %dma_start3A_162 = arith.constant 0 : i32
          %dma_start3A_163 = tpu.memref_slice %arg14[%dma_start3A_161, %dma_start3A_162] : memref<10240x128xf32, #tpu.memory_space<vmem_shared>> -> memref<10240x128xf32, #tpu.memory_space<vmem_shared>>
          tpu.enqueue_indirect_dma source(%arg11 : memref<80x128xf32, #tpu.memory_space<vmem>>) target(%dma_start3A_163 : memref<10240x128xf32, #tpu.memory_space<vmem_shared>>) offsets(%arg9 : memref<80xi32, #tpu.memory_space<vmem>>) semaphore(%run_scoped3A : memref<!tpu.dma_semaphore, #tpu.memory_space<semaphore_mem>>) {add = true}
          %dma_wait3A_164 = arith.constant 0 : i32
          %dma_wait3A_165 = arith.constant 0 : i32
          %dma_wait3A_166 = tpu.memref_slice %arg14[%dma_wait3A_164, %dma_wait3A_165] : memref<10240x128xf32, #tpu.memory_space<vmem_shared>> -> memref<10240x128xf32, #tpu.memory_space<vmem_shared>>
          tpu.wait_indirect_dma semaphore(%run_scoped3A : memref<!tpu.dma_semaphore, #tpu.memory_space<semaphore_mem>>) src(%arg11 : memref<80x128xf32, #tpu.memory_space<vmem>>) dst(%dma_wait3A_166 : memref<10240x128xf32, #tpu.memory_space<vmem_shared>>)
          tpu.yield
        }) : () -> ()
        %mul3A_131 = arith.constant 2 : i32
        %mul3A_132 = arith.muli %mul3A_131, %add3A_102 : i32
        %add3A_133 = arith.constant 2 : i32
        %add3A_134 = arith.addi %add3A_133, %mul3A_132 : i32
        %dma_start3A_135 = arith.constant 0 : i32
        %dma_start3A_136 = tpu.memref_slice %arg8[%add3A_134, %dma_start3A_135] : memref<25x80xi32, #tpu.memory_space<vmem>> -> memref<1x80xi32, #tpu.memory_space<vmem>>
        %dma_start3A_137 = tpu.memref_squeeze %dma_start3A_136 : memref<1x80xi32, #tpu.memory_space<vmem>> -> memref<80xi32, #tpu.memory_space<vmem>>
        %dma_start3A_138 = arith.constant 0 : i32
        %dma_start3A_139 = arith.constant 0 : i32
        %dma_start3A_140 = tpu.memref_slice %arg2[%dma_start3A_138, %dma_start3A_139] : memref<10000x128xf32, #tpu.memory_space<hbm>> -> memref<10000x128xf32, #tpu.memory_space<hbm>>
        tpu.enqueue_indirect_dma source(%dma_start3A_140 : memref<10000x128xf32, #tpu.memory_space<hbm>>) target(%arg11 : memref<80x128xf32, #tpu.memory_space<vmem>>) offsets(%dma_start3A_137 : memref<80xi32, #tpu.memory_space<vmem>>) semaphore(%arg15 : memref<!tpu.dma_semaphore, #tpu.memory_space<semaphore_mem>>)
        %mul3A_141 = arith.constant 80 : i32
        %mul3A_142 = arith.muli %add3A_134, %mul3A_141 : i32
        %add3A_143 = arith.addi %add3A_70, %mul3A_142 : i32
        %dma_start3A_144 = tpu.memref_slice %arg5[%add3A_143] : memref<320000xi32, #tpu.memory_space<hbm>> -> memref<80xi32, #tpu.memory_space<hbm>>
        %dma_start3A_145 = tpu.memref_slice %arg5[%add3A_143] : memref<320000xi32, #tpu.memory_space<hbm>> -> memref<80xi32, #tpu.memory_space<hbm>>
        tpu.enqueue_dma source(%dma_start3A_145 : memref<80xi32, #tpu.memory_space<hbm>>) target(%arg9 : memref<80xi32, #tpu.memory_space<vmem>>) target_semaphore(%arg17 : memref<!tpu.dma_semaphore, #tpu.memory_space<semaphore_mem>>)
        %mul3A_146 = arith.constant 2 : i32
        %mul3A_147 = arith.muli %mul3A_146, %add3A_102 : i32
        %add3A_148 = arith.constant 1 : i32
        %add3A_149 = arith.addi %add3A_148, %mul3A_147 : i32
        %dma_wait3A_150 = arith.constant 0 : i32
        %dma_wait3A_151 = tpu.memref_slice %arg8[%add3A_149, %dma_wait3A_150] : memref<25x80xi32, #tpu.memory_space<vmem>> -> memref<1x80xi32, #tpu.memory_space<vmem>>
        %dma_wait3A_152 = tpu.memref_squeeze %dma_wait3A_151 : memref<1x80xi32, #tpu.memory_space<vmem>> -> memref<80xi32, #tpu.memory_space<vmem>>
        %dma_wait3A_153 = arith.constant 0 : i32
        %dma_wait3A_154 = arith.constant 0 : i32
        %dma_wait3A_155 = tpu.memref_slice %arg2[%dma_wait3A_153, %dma_wait3A_154] : memref<10000x128xf32, #tpu.memory_space<hbm>> -> memref<10000x128xf32, #tpu.memory_space<hbm>>
        tpu.wait_indirect_dma semaphore(%arg16 : memref<!tpu.dma_semaphore, #tpu.memory_space<semaphore_mem>>) src(%dma_wait3A_155 : memref<10000x128xf32, #tpu.memory_space<hbm>>) dst(%arg12 : memref<80x128xf32, #tpu.memory_space<vmem>>)
        %mul3A_156 = arith.constant 80 : i32
        %mul3A_157 = arith.muli %add3A_149, %mul3A_156 : i32
        %add3A_158 = arith.addi %add3A_70, %mul3A_157 : i32
        %dma_wait3A_159 = tpu.memref_slice %arg5[%add3A_158] : memref<320000xi32, #tpu.memory_space<hbm>> -> memref<80xi32, #tpu.memory_space<hbm>>
        %dma_wait3A_160 = tpu.memref_slice %arg5[%add3A_158] : memref<320000xi32, #tpu.memory_space<hbm>> -> memref<80xi32, #tpu.memory_space<hbm>>
        tpu.wait_dma2 semaphore(%arg18 : memref<!tpu.dma_semaphore, #tpu.memory_space<semaphore_mem>>) src(%dma_wait3A_160 : memref<80xi32, #tpu.memory_space<hbm>>) dst(%arg10 : memref<80xi32, #tpu.memory_space<vmem>>)
        "tpu.region"() ({
          %run_scoped3A = tpu.sem_alloc : memref<!tpu.dma_semaphore, #tpu.memory_space<semaphore_mem>>
          %dma_start3A_161 = arith.constant 0 : i32
          %dma_start3A_162 = arith.constant 0 : i32
          %dma_start3A_163 = tpu.memref_slice %arg14[%dma_start3A_161, %dma_start3A_162] : memref<10240x128xf32, #tpu.memory_space<vmem_shared>> -> memref<10240x128xf32, #tpu.memory_space<vmem_shared>>
          tpu.enqueue_indirect_dma source(%arg12 : memref<80x128xf32, #tpu.memory_space<vmem>>) target(%dma_start3A_163 : memref<10240x128xf32, #tpu.memory_space<vmem_shared>>) offsets(%arg10 : memref<80xi32, #tpu.memory_space<vmem>>) semaphore(%run_scoped3A : memref<!tpu.dma_semaphore, #tpu.memory_space<semaphore_mem>>) {add = true}
          %dma_wait3A_164 = arith.constant 0 : i32
          %dma_wait3A_165 = arith.constant 0 : i32
          %dma_wait3A_166 = tpu.memref_slice %arg14[%dma_wait3A_164, %dma_wait3A_165] : memref<10240x128xf32, #tpu.memory_space<vmem_shared>> -> memref<10240x128xf32, #tpu.memory_space<vmem_shared>>
          tpu.wait_indirect_dma semaphore(%run_scoped3A : memref<!tpu.dma_semaphore, #tpu.memory_space<semaphore_mem>>) src(%arg12 : memref<80x128xf32, #tpu.memory_space<vmem>>) dst(%dma_wait3A_166 : memref<10240x128xf32, #tpu.memory_space<vmem_shared>>)
          tpu.yield
        }) : () -> ()
      }
      %scan3A_86 = arith.constant 12 : i32
      %dma_wait3A_87 = arith.constant 24 : i32
      %dma_wait3A_88 = arith.constant 0 : i32
      %dma_wait3A_89 = tpu.memref_slice %arg8[%dma_wait3A_87, %dma_wait3A_88] : memref<25x80xi32, #tpu.memory_space<vmem>> -> memref<1x80xi32, #tpu.memory_space<vmem>>
      %dma_wait3A_90 = tpu.memref_squeeze %dma_wait3A_89 : memref<1x80xi32, #tpu.memory_space<vmem>> -> memref<80xi32, #tpu.memory_space<vmem>>
      %dma_wait3A_91 = arith.constant 0 : i32
      %dma_wait3A_92 = arith.constant 0 : i32
      %dma_wait3A_93 = tpu.memref_slice %arg2[%dma_wait3A_91, %dma_wait3A_92] : memref<10000x128xf32, #tpu.memory_space<hbm>> -> memref<10000x128xf32, #tpu.memory_space<hbm>>
      tpu.wait_indirect_dma semaphore(%arg15 : memref<!tpu.dma_semaphore, #tpu.memory_space<semaphore_mem>>) src(%dma_wait3A_93 : memref<10000x128xf32, #tpu.memory_space<hbm>>) dst(%arg11 : memref<80x128xf32, #tpu.memory_space<vmem>>)
      %add3A_94 = arith.constant 1920 : i32
      %add3A_95 = arith.addi %add3A_70, %add3A_94 : i32
      %dma_wait3A_96 = tpu.memref_slice %arg5[%add3A_95] : memref<320000xi32, #tpu.memory_space<hbm>> -> memref<80xi32, #tpu.memory_space<hbm>>
      %dma_wait3A_97 = tpu.memref_slice %arg5[%add3A_95] : memref<320000xi32, #tpu.memory_space<hbm>> -> memref<80xi32, #tpu.memory_space<hbm>>
      tpu.wait_dma2 semaphore(%arg17 : memref<!tpu.dma_semaphore, #tpu.memory_space<semaphore_mem>>) src(%dma_wait3A_97 : memref<80xi32, #tpu.memory_space<hbm>>) dst(%arg9 : memref<80xi32, #tpu.memory_space<vmem>>)
      "tpu.region"() ({
        %run_scoped3A = tpu.sem_alloc : memref<!tpu.dma_semaphore, #tpu.memory_space<semaphore_mem>>
        %dma_start3A_98 = arith.constant 0 : i32
        %dma_start3A_99 = arith.constant 0 : i32
        %dma_start3A_100 = tpu.memref_slice %arg14[%dma_start3A_98, %dma_start3A_99] : memref<10240x128xf32, #tpu.memory_space<vmem_shared>> -> memref<10240x128xf32, #tpu.memory_space<vmem_shared>>
        tpu.enqueue_indirect_dma source(%arg11 : memref<80x128xf32, #tpu.memory_space<vmem>>) target(%dma_start3A_100 : memref<10240x128xf32, #tpu.memory_space<vmem_shared>>) offsets(%arg9 : memref<80xi32, #tpu.memory_space<vmem>>) semaphore(%run_scoped3A : memref<!tpu.dma_semaphore, #tpu.memory_space<semaphore_mem>>) {add = true}
        %dma_wait3A_101 = arith.constant 0 : i32
        %dma_wait3A_102 = arith.constant 0 : i32
        %dma_wait3A_103 = tpu.memref_slice %arg14[%dma_wait3A_101, %dma_wait3A_102] : memref<10240x128xf32, #tpu.memory_space<vmem_shared>> -> memref<10240x128xf32, #tpu.memory_space<vmem_shared>>
        tpu.wait_indirect_dma semaphore(%run_scoped3A : memref<!tpu.dma_semaphore, #tpu.memory_space<semaphore_mem>>) src(%arg11 : memref<80x128xf32, #tpu.memory_space<vmem>>) dst(%dma_wait3A_103 : memref<10240x128xf32, #tpu.memory_space<vmem_shared>>)
        tpu.yield
      }) : () -> ()
    }
    %scan3A_16 = arith.constant 5 : i32
    %barrier3A_17 = arith.constant 0 : index
    tpu.barrier barrier_id(%barrier3A_17)
    %scan3A_18 = arith.constant 0 : i32
    %scan3A_19 = arith.constant 20 : i32
    %scan3A_20 = arith.addi %scan3A_18, %scan3A_19 : i32
    %scan3A_21 = arith.constant 1 : i32
    scf.for %scan3A_63 = %scan3A_18 to %scan3A_20 step %scan3A_21  : i32 {
      %mul3A_64 = arith.constant 1 : i32
      %mul3A_65 = arith.muli %scan3A_63, %mul3A_64 : i32
      %add3A_66 = arith.constant 0 : i32
      %add3A_67 = arith.addi %add3A_66, %mul3A_65 : i32
      %mul3A_68 = arith.constant 640 : i32
      %mul3A_69 = arith.muli %arg1, %mul3A_68 : i32
      %mul3A_70 = arith.constant 32 : i32
      %mul3A_71 = arith.muli %add3A_67, %mul3A_70 : i32
      %add3A_72 = arith.addi %mul3A_69, %mul3A_71 : i32
      "tpu.region"() ({
        %run_scoped3A = tpu.sem_alloc : memref<!tpu.dma_semaphore, #tpu.memory_space<semaphore_mem>>
        %dma_start3A_73 = arith.constant 0 : i32
        %dma_start3A_74 = tpu.memref_slice %arg14[%add3A_72, %dma_start3A_73] : memref<10240x128xf32, #tpu.memory_space<vmem_shared>> -> memref<32x128xf32, #tpu.memory_space<vmem_shared>>
        %dma_start3A_75 = arith.constant 0 : i32
        %dma_start3A_76 = tpu.memref_slice %arg14[%add3A_72, %dma_start3A_75] : memref<10240x128xf32, #tpu.memory_space<vmem_shared>> -> memref<32x128xf32, #tpu.memory_space<vmem_shared>>
        tpu.enqueue_dma source(%dma_start3A_76 : memref<32x128xf32, #tpu.memory_space<vmem_shared>>) target(%arg13 : memref<32x128xf32, #tpu.memory_space<vmem>>) target_semaphore(%run_scoped3A : memref<!tpu.dma_semaphore, #tpu.memory_space<semaphore_mem>>)
        %dma_wait3A_77 = arith.constant 0 : i32
        %dma_wait3A_78 = tpu.memref_slice %arg14[%add3A_72, %dma_wait3A_77] : memref<10240x128xf32, #tpu.memory_space<vmem_shared>> -> memref<32x128xf32, #tpu.memory_space<vmem_shared>>
        %dma_wait3A_79 = arith.constant 0 : i32
        %dma_wait3A_80 = tpu.memref_slice %arg14[%add3A_72, %dma_wait3A_79] : memref<10240x128xf32, #tpu.memory_space<vmem_shared>> -> memref<32x128xf32, #tpu.memory_space<vmem_shared>>
        tpu.wait_dma2 semaphore(%run_scoped3A : memref<!tpu.dma_semaphore, #tpu.memory_space<semaphore_mem>>) src(%dma_wait3A_80 : memref<32x128xf32, #tpu.memory_space<vmem_shared>>) dst(%arg13 : memref<32x128xf32, #tpu.memory_space<vmem>>)
        tpu.yield
      }) : () -> ()
      "tpu.region"() ({
        %run_scoped3A = tpu.sem_alloc : memref<!tpu.dma_semaphore, #tpu.memory_space<semaphore_mem>>
        %dma_start3A_73 = arith.constant 0 : i32
        %dma_start3A_74 = tpu.memref_slice %arg6[%arg0, %add3A_72, %dma_start3A_73] : memref<2x10240x128xf32, #tpu.memory_space<hbm>> -> memref<1x32x128xf32, #tpu.memory_space<hbm>>
        %dma_start3A_75 = tpu.memref_squeeze %dma_start3A_74 : memref<1x32x128xf32, #tpu.memory_space<hbm>> -> memref<32x128xf32, #tpu.memory_space<hbm>>
        %dma_start3A_76 = arith.constant 0 : i32
        %dma_start3A_77 = tpu.memref_slice %arg6[%arg0, %add3A_72, %dma_start3A_76] : memref<2x10240x128xf32, #tpu.memory_space<hbm>> -> memref<1x32x128xf32, #tpu.memory_space<hbm>>
        %dma_start3A_78 = tpu.memref_squeeze %dma_start3A_77 : memref<1x32x128xf32, #tpu.memory_space<hbm>> -> memref<32x128xf32, #tpu.memory_space<hbm>>
        tpu.enqueue_dma source(%arg13 : memref<32x128xf32, #tpu.memory_space<vmem>>) target(%dma_start3A_78 : memref<32x128xf32, #tpu.memory_space<hbm>>) target_semaphore(%run_scoped3A : memref<!tpu.dma_semaphore, #tpu.memory_space<semaphore_mem>>)
        %dma_wait3A_79 = arith.constant 0 : i32
        %dma_wait3A_80 = tpu.memref_slice %arg6[%arg0, %add3A_72, %dma_wait3A_79] : memref<2x10240x128xf32, #tpu.memory_space<hbm>> -> memref<1x32x128xf32, #tpu.memory_space<hbm>>
        %dma_wait3A_81 = tpu.memref_squeeze %dma_wait3A_80 : memref<1x32x128xf32, #tpu.memory_space<hbm>> -> memref<32x128xf32, #tpu.memory_space<hbm>>
        %dma_wait3A_82 = arith.constant 0 : i32
        %dma_wait3A_83 = tpu.memref_slice %arg6[%arg0, %add3A_72, %dma_wait3A_82] : memref<2x10240x128xf32, #tpu.memory_space<hbm>> -> memref<1x32x128xf32, #tpu.memory_space<hbm>>
        %dma_wait3A_84 = tpu.memref_squeeze %dma_wait3A_83 : memref<1x32x128xf32, #tpu.memory_space<hbm>> -> memref<32x128xf32, #tpu.memory_space<hbm>>
        tpu.wait_dma2 semaphore(%run_scoped3A : memref<!tpu.dma_semaphore, #tpu.memory_space<semaphore_mem>>) src(%arg13 : memref<32x128xf32, #tpu.memory_space<vmem>>) dst(%dma_wait3A_84 : memref<32x128xf32, #tpu.memory_space<hbm>>)
        tpu.yield
      }) : () -> ()
    }
    %scan3A_22 = arith.constant 20 : i32
    %scan3A_23 = arith.constant 0 : i32
    %scan3A_24 = arith.constant 32 : i32
    %scan3A_25 = arith.addi %scan3A_23, %scan3A_24 : i32
    %scan3A_26 = arith.constant 1 : i32
    scf.for %scan3A_63 = %scan3A_23 to %scan3A_25 step %scan3A_26  : i32 {
      %mul3A_64 = arith.constant 1 : i32
      %mul3A_65 = arith.muli %scan3A_63, %mul3A_64 : i32
      %add3A_66 = arith.constant 0 : i32
      %add3A_67 = arith.addi %add3A_66, %mul3A_65 : i32
      %broadcast_in_dim3A = arith.constant 0.000000e+00 : f32
      %broadcast_in_dim3A_68 = vector.broadcast %broadcast_in_dim3A : f32 to vector<16xf32>
      %swap3A = arith.index_cast %add3A_67 : i32 to index
      %swap3A_69 = arith.constant 0 : index
      %swap3A_70 = tpu.vector_load %arg13[%swap3A, %swap3A_69] {strides = array<i32>} : memref<32x128xf32, #tpu.memory_space<vmem>>, vector<1x16xf32>,
      %swap3A_71 = vector.shape_cast %swap3A_70 : vector<1x16xf32> to vector<16xf32>
      %swap3A_72 = vector.shape_cast %broadcast_in_dim3A_68 : vector<16xf32> to vector<1x16xf32>
      tpu.vector_store %arg13[%swap3A, %swap3A_69], %swap3A_72 {strides = array<i32>} : memref<32x128xf32, #tpu.memory_space<vmem>>, vector<1x16xf32>,
      %broadcast_in_dim3A_73 = arith.constant 0.000000e+00 : f32
      %broadcast_in_dim3A_74 = vector.broadcast %broadcast_in_dim3A_73 : f32 to vector<16xf32>
      %swap3A_75 = arith.index_cast %add3A_67 : i32 to index
      %swap3A_76 = arith.constant 16 : index
      %swap3A_77 = tpu.vector_load %arg13[%swap3A_75, %swap3A_76] {strides = array<i32>} : memref<32x128xf32, #tpu.memory_space<vmem>>, vector<1x16xf32>,
      %swap3A_78 = vector.shape_cast %swap3A_77 : vector<1x16xf32> to vector<16xf32>
      %swap3A_79 = vector.shape_cast %broadcast_in_dim3A_74 : vector<16xf32> to vector<1x16xf32>
      tpu.vector_store %arg13[%swap3A_75, %swap3A_76], %swap3A_79 {strides = array<i32>} : memref<32x128xf32, #tpu.memory_space<vmem>>, vector<1x16xf32>,
      %broadcast_in_dim3A_80 = arith.constant 0.000000e+00 : f32
      %broadcast_in_dim3A_81 = vector.broadcast %broadcast_in_dim3A_80 : f32 to vector<16xf32>
      %swap3A_82 = arith.index_cast %add3A_67 : i32 to index
      %swap3A_83 = arith.constant 32 : index
      %swap3A_84 = tpu.vector_load %arg13[%swap3A_82, %swap3A_83] {strides = array<i32>} : memref<32x128xf32, #tpu.memory_space<vmem>>, vector<1x16xf32>,
      %swap3A_85 = vector.shape_cast %swap3A_84 : vector<1x16xf32> to vector<16xf32>
      %swap3A_86 = vector.shape_cast %broadcast_in_dim3A_81 : vector<16xf32> to vector<1x16xf32>
      tpu.vector_store %arg13[%swap3A_82, %swap3A_83], %swap3A_86 {strides = array<i32>} : memref<32x128xf32, #tpu.memory_space<vmem>>, vector<1x16xf32>,
      %broadcast_in_dim3A_87 = arith.constant 0.000000e+00 : f32
      %broadcast_in_dim3A_88 = vector.broadcast %broadcast_in_dim3A_87 : f32 to vector<16xf32>
      %swap3A_89 = arith.index_cast %add3A_67 : i32 to index
      %swap3A_90 = arith.constant 48 : index
      %swap3A_91 = tpu.vector_load %arg13[%swap3A_89, %swap3A_90] {strides = array<i32>} : memref<32x128xf32, #tpu.memory_space<vmem>>, vector<1x16xf32>,
      %swap3A_92 = vector.shape_cast %swap3A_91 : vector<1x16xf32> to vector<16xf32>
      %swap3A_93 = vector.shape_cast %broadcast_in_dim3A_88 : vector<16xf32> to vector<1x16xf32>
      tpu.vector_store %arg13[%swap3A_89, %swap3A_90], %swap3A_93 {strides = array<i32>} : memref<32x128xf32, #tpu.memory_space<vmem>>, vector<1x16xf32>,
      %broadcast_in_dim3A_94 = arith.constant 0.000000e+00 : f32
      %broadcast_in_dim3A_95 = vector.broadcast %broadcast_in_dim3A_94 : f32 to vector<16xf32>
      %swap3A_96 = arith.index_cast %add3A_67 : i32 to index
      %swap3A_97 = arith.constant 64 : index
      %swap3A_98 = tpu.vector_load %arg13[%swap3A_96, %swap3A_97] {strides = array<i32>} : memref<32x128xf32, #tpu.memory_space<vmem>>, vector<1x16xf32>,
      %swap3A_99 = vector.shape_cast %swap3A_98 : vector<1x16xf32> to vector<16xf32>
      %swap3A_100 = vector.shape_cast %broadcast_in_dim3A_95 : vector<16xf32> to vector<1x16xf32>
      tpu.vector_store %arg13[%swap3A_96, %swap3A_97], %swap3A_100 {strides = array<i32>} : memref<32x128xf32, #tpu.memory_space<vmem>>, vector<1x16xf32>,
      %broadcast_in_dim3A_101 = arith.constant 0.000000e+00 : f32
      %broadcast_in_dim3A_102 = vector.broadcast %broadcast_in_dim3A_101 : f32 to vector<16xf32>
      %swap3A_103 = arith.index_cast %add3A_67 : i32 to index
      %swap3A_104 = arith.constant 80 : index
      %swap3A_105 = tpu.vector_load %arg13[%swap3A_103, %swap3A_104] {strides = array<i32>} : memref<32x128xf32, #tpu.memory_space<vmem>>, vector<1x16xf32>,
      %swap3A_106 = vector.shape_cast %swap3A_105 : vector<1x16xf32> to vector<16xf32>
      %swap3A_107 = vector.shape_cast %broadcast_in_dim3A_102 : vector<16xf32> to vector<1x16xf32>
      tpu.vector_store %arg13[%swap3A_103, %swap3A_104], %swap3A_107 {strides = array<i32>} : memref<32x128xf32, #tpu.memory_space<vmem>>, vector<1x16xf32>,
      %broadcast_in_dim3A_108 = arith.constant 0.000000e+00 : f32
      %broadcast_in_dim3A_109 = vector.broadcast %broadcast_in_dim3A_108 : f32 to vector<16xf32>
      %swap3A_110 = arith.index_cast %add3A_67 : i32 to index
      %swap3A_111 = arith.constant 96 : index
      %swap3A_112 = tpu.vector_load %arg13[%swap3A_110, %swap3A_111] {strides = array<i32>} : memref<32x128xf32, #tpu.memory_space<vmem>>, vector<1x16xf32>,
      %swap3A_113 = vector.shape_cast %swap3A_112 : vector<1x16xf32> to vector<16xf32>
      %swap3A_114 = vector.shape_cast %broadcast_in_dim3A_109 : vector<16xf32> to vector<1x16xf32>
      tpu.vector_store %arg13[%swap3A_110, %swap3A_111], %swap3A_114 {strides = array<i32>} : memref<32x128xf32, #tpu.memory_space<vmem>>, vector<1x16xf32>,
      %broadcast_in_dim3A_115 = arith.constant 0.000000e+00 : f32
      %broadcast_in_dim3A_116 = vector.broadcast %broadcast_in_dim3A_115 : f32 to vector<16xf32>
      %swap3A_117 = arith.index_cast %add3A_67 : i32 to index
      %swap3A_118 = arith.constant 112 : index
      %swap3A_119 = tpu.vector_load %arg13[%swap3A_117, %swap3A_118] {strides = array<i32>} : memref<32x128xf32, #tpu.memory_space<vmem>>, vector<1x16xf32>,
      %swap3A_120 = vector.shape_cast %swap3A_119 : vector<1x16xf32> to vector<16xf32>
      %swap3A_121 = vector.shape_cast %broadcast_in_dim3A_116 : vector<16xf32> to vector<1x16xf32>
      tpu.vector_store %arg13[%swap3A_117, %swap3A_118], %swap3A_121 {strides = array<i32>} : memref<32x128xf32, #tpu.memory_space<vmem>>, vector<1x16xf32>,
    }
    %scan3A_27 = arith.constant 32 : i32
    %scan3A_28 = arith.constant 0 : i32
    %scan3A_29 = arith.constant 20 : i32
    %scan3A_30 = arith.addi %scan3A_28, %scan3A_29 : i32
    %scan3A_31 = arith.constant 1 : i32
    scf.for %scan3A_63 = %scan3A_28 to %scan3A_30 step %scan3A_31  : i32 {
      %mul3A_64 = arith.constant 1 : i32
      %mul3A_65 = arith.muli %scan3A_63, %mul3A_64 : i32
      %add3A_66 = arith.constant 0 : i32
      %add3A_67 = arith.addi %add3A_66, %mul3A_65 : i32
      %mul3A_68 = arith.constant 640 : i32
      %mul3A_69 = arith.muli %arg1, %mul3A_68 : i32
      %mul3A_70 = arith.constant 32 : i32
      %mul3A_71 = arith.muli %add3A_67, %mul3A_70 : i32
      %add3A_72 = arith.addi %mul3A_69, %mul3A_71 : i32
      "tpu.region"() ({
        %run_scoped3A = tpu.sem_alloc : memref<!tpu.dma_semaphore, #tpu.memory_space<semaphore_mem>>
        %dma_start3A_73 = arith.constant 0 : i32
        %dma_start3A_74 = tpu.memref_slice %arg14[%add3A_72, %dma_start3A_73] : memref<10240x128xf32, #tpu.memory_space<vmem_shared>> -> memref<32x128xf32, #tpu.memory_space<vmem_shared>>
        %dma_start3A_75 = arith.constant 0 : i32
        %dma_start3A_76 = tpu.memref_slice %arg14[%add3A_72, %dma_start3A_75] : memref<10240x128xf32, #tpu.memory_space<vmem_shared>> -> memref<32x128xf32, #tpu.memory_space<vmem_shared>>
        tpu.enqueue_dma source(%arg13 : memref<32x128xf32, #tpu.memory_space<vmem>>) target(%dma_start3A_76 : memref<32x128xf32, #tpu.memory_space<vmem_shared>>) target_semaphore(%run_scoped3A : memref<!tpu.dma_semaphore, #tpu.memory_space<semaphore_mem>>)
        %dma_wait3A_77 = arith.constant 0 : i32
        %dma_wait3A_78 = tpu.memref_slice %arg14[%add3A_72, %dma_wait3A_77] : memref<10240x128xf32, #tpu.memory_space<vmem_shared>> -> memref<32x128xf32, #tpu.memory_space<vmem_shared>>
        %dma_wait3A_79 = arith.constant 0 : i32
        %dma_wait3A_80 = tpu.memref_slice %arg14[%add3A_72, %dma_wait3A_79] : memref<10240x128xf32, #tpu.memory_space<vmem_shared>> -> memref<32x128xf32, #tpu.memory_space<vmem_shared>>
        tpu.wait_dma2 semaphore(%run_scoped3A : memref<!tpu.dma_semaphore, #tpu.memory_space<semaphore_mem>>) src(%arg13 : memref<32x128xf32, #tpu.memory_space<vmem>>) dst(%dma_wait3A_80 : memref<32x128xf32, #tpu.memory_space<vmem_shared>>)
        tpu.yield
      }) : () -> ()
    }
    %scan3A_32 = arith.constant 20 : i32
    %barrier3A_33 = arith.constant 0 : index
    tpu.barrier barrier_id(%barrier3A_33)
    %add3A_34 = arith.constant 0 : i32
    %add3A_35 = arith.addi %mul3A_2, %add3A_34 : i32
    %dma_start3A = arith.constant 0 : i32
    %dma_start3A_36 = tpu.memref_slice %arg3[%add3A_35, %dma_start3A] : memref<320000x128xf32, #tpu.memory_space<hbm>> -> memref<80x128xf32, #tpu.memory_space<hbm>>
    %dma_start3A_37 = arith.constant 0 : i32
    %dma_start3A_38 = tpu.memref_slice %arg3[%add3A_35, %dma_start3A_37] : memref<320000x128xf32, #tpu.memory_space<hbm>> -> memref<80x128xf32, #tpu.memory_space<hbm>>
    tpu.enqueue_dma source(%dma_start3A_38 : memref<80x128xf32, #tpu.memory_space<hbm>>) target(%arg11 : memref<80x128xf32, #tpu.memory_space<vmem>>) target_semaphore(%arg15 : memref<!tpu.dma_semaphore, #tpu.memory_space<semaphore_mem>>)
    %add3A_39 = arith.constant 0 : i32
    %add3A_40 = arith.addi %mul3A_2, %add3A_39 : i32
    %dma_start3A_41 = tpu.memref_slice %arg5[%add3A_40] : memref<320000xi32, #tpu.memory_space<hbm>> -> memref<80xi32, #tpu.memory_space<hbm>>
    %dma_start3A_42 = tpu.memref_slice %arg5[%add3A_40] : memref<320000xi32, #tpu.memory_space<hbm>> -> memref<80xi32, #tpu.memory_space<hbm>>
    tpu.enqueue_dma source(%dma_start3A_42 : memref<80xi32, #tpu.memory_space<hbm>>) target(%arg9 : memref<80xi32, #tpu.memory_space<vmem>>) target_semaphore(%arg17 : memref<!tpu.dma_semaphore, #tpu.memory_space<semaphore_mem>>)
    %scan3A_43 = arith.constant 0 : i32
    %scan3A_44 = arith.constant 62 : i32
    %scan3A_45 = arith.addi %scan3A_43, %scan3A_44 : i32
    %scan3A_46 = arith.constant 1 : i32
    scf.for %scan3A_63 = %scan3A_43 to %scan3A_45 step %scan3A_46  : i32 {
      %mul3A_64 = arith.constant 1 : i32
      %mul3A_65 = arith.muli %scan3A_63, %mul3A_64 : i32
      %add3A_66 = arith.constant 0 : i32
      %add3A_67 = arith.addi %add3A_66, %mul3A_65 : i32
      %mul3A_68 = arith.constant 2 : i32
      %mul3A_69 = arith.muli %mul3A_68, %add3A_67 : i32
      %add3A_70 = arith.constant 1 : i32
      %add3A_71 = arith.addi %add3A_70, %mul3A_69 : i32
      %mul3A_72 = arith.constant 80 : i32
      %mul3A_73 = arith.muli %add3A_71, %mul3A_72 : i32
      %add3A_74 = arith.addi %mul3A_2, %mul3A_73 : i32
      %dma_start3A_75 = arith.constant 0 : i32
      %dma_start3A_76 = tpu.memref_slice %arg3[%add3A_74, %dma_start3A_75] : memref<320000x128xf32, #tpu.memory_space<hbm>> -> memref<80x128xf32, #tpu.memory_space<hbm>>
      %dma_start3A_77 = arith.constant 0 : i32
      %dma_start3A_78 = tpu.memref_slice %arg3[%add3A_74, %dma_start3A_77] : memref<320000x128xf32, #tpu.memory_space<hbm>> -> memref<80x128xf32, #tpu.memory_space<hbm>>
      tpu.enqueue_dma source(%dma_start3A_78 : memref<80x128xf32, #tpu.memory_space<hbm>>) target(%arg12 : memref<80x128xf32, #tpu.memory_space<vmem>>) target_semaphore(%arg16 : memref<!tpu.dma_semaphore, #tpu.memory_space<semaphore_mem>>)
      %mul3A_79 = arith.constant 80 : i32
      %mul3A_80 = arith.muli %add3A_71, %mul3A_79 : i32
      %add3A_81 = arith.addi %mul3A_2, %mul3A_80 : i32
      %dma_start3A_82 = tpu.memref_slice %arg5[%add3A_81] : memref<320000xi32, #tpu.memory_space<hbm>> -> memref<80xi32, #tpu.memory_space<hbm>>
      %dma_start3A_83 = tpu.memref_slice %arg5[%add3A_81] : memref<320000xi32, #tpu.memory_space<hbm>> -> memref<80xi32, #tpu.memory_space<hbm>>
      tpu.enqueue_dma source(%dma_start3A_83 : memref<80xi32, #tpu.memory_space<hbm>>) target(%arg10 : memref<80xi32, #tpu.memory_space<vmem>>) target_semaphore(%arg18 : memref<!tpu.dma_semaphore, #tpu.memory_space<semaphore_mem>>)
      %mul3A_84 = arith.constant 2 : i32
      %mul3A_85 = arith.muli %mul3A_84, %add3A_67 : i32
      %mul3A_86 = arith.constant 80 : i32
      %mul3A_87 = arith.muli %mul3A_85, %mul3A_86 : i32
      %add3A_88 = arith.addi %mul3A_2, %mul3A_87 : i32
      %dma_wait3A_89 = arith.constant 0 : i32
      %dma_wait3A_90 = tpu.memref_slice %arg3[%add3A_88, %dma_wait3A_89] : memref<320000x128xf32, #tpu.memory_space<hbm>> -> memref<80x128xf32, #tpu.memory_space<hbm>>
      %dma_wait3A_91 = arith.constant 0 : i32
      %dma_wait3A_92 = tpu.memref_slice %arg3[%add3A_88, %dma_wait3A_91] : memref<320000x128xf32, #tpu.memory_space<hbm>> -> memref<80x128xf32, #tpu.memory_space<hbm>>
      tpu.wait_dma2 semaphore(%arg15 : memref<!tpu.dma_semaphore, #tpu.memory_space<semaphore_mem>>) src(%dma_wait3A_92 : memref<80x128xf32, #tpu.memory_space<hbm>>) dst(%arg11 : memref<80x128xf32, #tpu.memory_space<vmem>>)
      %mul3A_93 = arith.constant 80 : i32
      %mul3A_94 = arith.muli %mul3A_85, %mul3A_93 : i32
      %add3A_95 = arith.addi %mul3A_2, %mul3A_94 : i32
      %dma_wait3A_96 = tpu.memref_slice %arg5[%add3A_95] : memref<320000xi32, #tpu.memory_space<hbm>> -> memref<80xi32, #tpu.memory_space<hbm>>
      %dma_wait3A_97 = tpu.memref_slice %arg5[%add3A_95] : memref<320000xi32, #tpu.memory_space<hbm>> -> memref<80xi32, #tpu.memory_space<hbm>>
      tpu.wait_dma2 semaphore(%arg17 : memref<!tpu.dma_semaphore, #tpu.memory_space<semaphore_mem>>) src(%dma_wait3A_97 : memref<80xi32, #tpu.memory_space<hbm>>) dst(%arg9 : memref<80xi32, #tpu.memory_space<vmem>>)
      "tpu.region"() ({
        %run_scoped3A = tpu.sem_alloc : memref<!tpu.dma_semaphore, #tpu.memory_space<semaphore_mem>>
        %dma_start3A_130 = arith.constant 0 : i32
        %dma_start3A_131 = arith.constant 0 : i32
        %dma_start3A_132 = tpu.memref_slice %arg14[%dma_start3A_130, %dma_start3A_131] : memref<10240x128xf32, #tpu.memory_space<vmem_shared>> -> memref<10240x128xf32, #tpu.memory_space<vmem_shared>>
        tpu.enqueue_indirect_dma source(%arg11 : memref<80x128xf32, #tpu.memory_space<vmem>>) target(%dma_start3A_132 : memref<10240x128xf32, #tpu.memory_space<vmem_shared>>) offsets(%arg9 : memref<80xi32, #tpu.memory_space<vmem>>) semaphore(%run_scoped3A : memref<!tpu.dma_semaphore, #tpu.memory_space<semaphore_mem>>) {add = true}
        %dma_wait3A_133 = arith.constant 0 : i32
        %dma_wait3A_134 = arith.constant 0 : i32
        %dma_wait3A_135 = tpu.memref_slice %arg14[%dma_wait3A_133, %dma_wait3A_134] : memref<10240x128xf32, #tpu.memory_space<vmem_shared>> -> memref<10240x128xf32, #tpu.memory_space<vmem_shared>>
        tpu.wait_indirect_dma semaphore(%run_scoped3A : memref<!tpu.dma_semaphore, #tpu.memory_space<semaphore_mem>>) src(%arg11 : memref<80x128xf32, #tpu.memory_space<vmem>>) dst(%dma_wait3A_135 : memref<10240x128xf32, #tpu.memory_space<vmem_shared>>)
        tpu.yield
      }) : () -> ()
      %mul3A_98 = arith.constant 2 : i32
      %mul3A_99 = arith.muli %mul3A_98, %add3A_67 : i32
      %add3A_100 = arith.constant 2 : i32
      %add3A_101 = arith.addi %add3A_100, %mul3A_99 : i32
      %mul3A_102 = arith.constant 80 : i32
      %mul3A_103 = arith.muli %add3A_101, %mul3A_102 : i32
      %add3A_104 = arith.addi %mul3A_2, %mul3A_103 : i32
      %dma_start3A_105 = arith.constant 0 : i32
      %dma_start3A_106 = tpu.memref_slice %arg3[%add3A_104, %dma_start3A_105] : memref<320000x128xf32, #tpu.memory_space<hbm>> -> memref<80x128xf32, #tpu.memory_space<hbm>>
      %dma_start3A_107 = arith.constant 0 : i32
      %dma_start3A_108 = tpu.memref_slice %arg3[%add3A_104, %dma_start3A_107] : memref<320000x128xf32, #tpu.memory_space<hbm>> -> memref<80x128xf32, #tpu.memory_space<hbm>>
      tpu.enqueue_dma source(%dma_start3A_108 : memref<80x128xf32, #tpu.memory_space<hbm>>) target(%arg11 : memref<80x128xf32, #tpu.memory_space<vmem>>) target_semaphore(%arg15 : memref<!tpu.dma_semaphore, #tpu.memory_space<semaphore_mem>>)
      %mul3A_109 = arith.constant 80 : i32
      %mul3A_110 = arith.muli %add3A_101, %mul3A_109 : i32
      %add3A_111 = arith.addi %mul3A_2, %mul3A_110 : i32
      %dma_start3A_112 = tpu.memref_slice %arg5[%add3A_111] : memref<320000xi32, #tpu.memory_space<hbm>> -> memref<80xi32, #tpu.memory_space<hbm>>
      %dma_start3A_113 = tpu.memref_slice %arg5[%add3A_111] : memref<320000xi32, #tpu.memory_space<hbm>> -> memref<80xi32, #tpu.memory_space<hbm>>
      tpu.enqueue_dma source(%dma_start3A_113 : memref<80xi32, #tpu.memory_space<hbm>>) target(%arg9 : memref<80xi32, #tpu.memory_space<vmem>>) target_semaphore(%arg17 : memref<!tpu.dma_semaphore, #tpu.memory_space<semaphore_mem>>)
      %mul3A_114 = arith.constant 2 : i32
      %mul3A_115 = arith.muli %mul3A_114, %add3A_67 : i32
      %add3A_116 = arith.constant 1 : i32
      %add3A_117 = arith.addi %add3A_116, %mul3A_115 : i32
      %mul3A_118 = arith.constant 80 : i32
      %mul3A_119 = arith.muli %add3A_117, %mul3A_118 : i32
      %add3A_120 = arith.addi %mul3A_2, %mul3A_119 : i32
      %dma_wait3A_121 = arith.constant 0 : i32
      %dma_wait3A_122 = tpu.memref_slice %arg3[%add3A_120, %dma_wait3A_121] : memref<320000x128xf32, #tpu.memory_space<hbm>> -> memref<80x128xf32, #tpu.memory_space<hbm>>
      %dma_wait3A_123 = arith.constant 0 : i32
      %dma_wait3A_124 = tpu.memref_slice %arg3[%add3A_120, %dma_wait3A_123] : memref<320000x128xf32, #tpu.memory_space<hbm>> -> memref<80x128xf32, #tpu.memory_space<hbm>>
      tpu.wait_dma2 semaphore(%arg16 : memref<!tpu.dma_semaphore, #tpu.memory_space<semaphore_mem>>) src(%dma_wait3A_124 : memref<80x128xf32, #tpu.memory_space<hbm>>) dst(%arg12 : memref<80x128xf32, #tpu.memory_space<vmem>>)
      %mul3A_125 = arith.constant 80 : i32
      %mul3A_126 = arith.muli %add3A_117, %mul3A_125 : i32
      %add3A_127 = arith.addi %mul3A_2, %mul3A_126 : i32
      %dma_wait3A_128 = tpu.memref_slice %arg5[%add3A_127] : memref<320000xi32, #tpu.memory_space<hbm>> -> memref<80xi32, #tpu.memory_space<hbm>>
      %dma_wait3A_129 = tpu.memref_slice %arg5[%add3A_127] : memref<320000xi32, #tpu.memory_space<hbm>> -> memref<80xi32, #tpu.memory_space<hbm>>
      tpu.wait_dma2 semaphore(%arg18 : memref<!tpu.dma_semaphore, #tpu.memory_space<semaphore_mem>>) src(%dma_wait3A_129 : memref<80xi32, #tpu.memory_space<hbm>>) dst(%arg10 : memref<80xi32, #tpu.memory_space<vmem>>)
      "tpu.region"() ({
        %run_scoped3A = tpu.sem_alloc : memref<!tpu.dma_semaphore, #tpu.memory_space<semaphore_mem>>
        %dma_start3A_130 = arith.constant 0 : i32
        %dma_start3A_131 = arith.constant 0 : i32
        %dma_start3A_132 = tpu.memref_slice %arg14[%dma_start3A_130, %dma_start3A_131] : memref<10240x128xf32, #tpu.memory_space<vmem_shared>> -> memref<10240x128xf32, #tpu.memory_space<vmem_shared>>
        tpu.enqueue_indirect_dma source(%arg12 : memref<80x128xf32, #tpu.memory_space<vmem>>) target(%dma_start3A_132 : memref<10240x128xf32, #tpu.memory_space<vmem_shared>>) offsets(%arg10 : memref<80xi32, #tpu.memory_space<vmem>>) semaphore(%run_scoped3A : memref<!tpu.dma_semaphore, #tpu.memory_space<semaphore_mem>>) {add = true}
        %dma_wait3A_133 = arith.constant 0 : i32
        %dma_wait3A_134 = arith.constant 0 : i32
        %dma_wait3A_135 = tpu.memref_slice %arg14[%dma_wait3A_133, %dma_wait3A_134] : memref<10240x128xf32, #tpu.memory_space<vmem_shared>> -> memref<10240x128xf32, #tpu.memory_space<vmem_shared>>
        tpu.wait_indirect_dma semaphore(%run_scoped3A : memref<!tpu.dma_semaphore, #tpu.memory_space<semaphore_mem>>) src(%arg12 : memref<80x128xf32, #tpu.memory_space<vmem>>) dst(%dma_wait3A_135 : memref<10240x128xf32, #tpu.memory_space<vmem_shared>>)
        tpu.yield
      }) : () -> ()
    }
    %scan3A_47 = arith.constant 62 : i32
    %add3A_48 = arith.constant 9920 : i32
    %add3A_49 = arith.addi %mul3A_2, %add3A_48 : i32
    %dma_wait3A = arith.constant 0 : i32
    %dma_wait3A_50 = tpu.memref_slice %arg3[%add3A_49, %dma_wait3A] : memref<320000x128xf32, #tpu.memory_space<hbm>> -> memref<80x128xf32, #tpu.memory_space<hbm>>
    %dma_wait3A_51 = arith.constant 0 : i32
    %dma_wait3A_52 = tpu.memref_slice %arg3[%add3A_49, %dma_wait3A_51] : memref<320000x128xf32, #tpu.memory_space<hbm>> -> memref<80x128xf32, #tpu.memory_space<hbm>>
    tpu.wait_dma2 semaphore(%arg15 : memref<!tpu.dma_semaphore, #tpu.memory_space<semaphore_mem>>) src(%dma_wait3A_52 : memref<80x128xf32, #tpu.memory_space<hbm>>) dst(%arg11 : memref<80x128xf32, #tpu.memory_space<vmem>>)
    %add3A_53 = arith.constant 9920 : i32
    %add3A_54 = arith.addi %mul3A_2, %add3A_53 : i32
    %dma_wait3A_55 = tpu.memref_slice %arg5[%add3A_54] : memref<320000xi32, #tpu.memory_space<hbm>> -> memref<80xi32, #tpu.memory_space<hbm>>
    %dma_wait3A_56 = tpu.memref_slice %arg5[%add3A_54] : memref<320000xi32, #tpu.memory_space<hbm>> -> memref<80xi32, #tpu.memory_space<hbm>>
    tpu.wait_dma2 semaphore(%arg17 : memref<!tpu.dma_semaphore, #tpu.memory_space<semaphore_mem>>) src(%dma_wait3A_56 : memref<80xi32, #tpu.memory_space<hbm>>) dst(%arg9 : memref<80xi32, #tpu.memory_space<vmem>>)
    "tpu.region"() ({
      %run_scoped3A = tpu.sem_alloc : memref<!tpu.dma_semaphore, #tpu.memory_space<semaphore_mem>>
      %dma_start3A_63 = arith.constant 0 : i32
      %dma_start3A_64 = arith.constant 0 : i32
      %dma_start3A_65 = tpu.memref_slice %arg14[%dma_start3A_63, %dma_start3A_64] : memref<10240x128xf32, #tpu.memory_space<vmem_shared>> -> memref<10240x128xf32, #tpu.memory_space<vmem_shared>>
      tpu.enqueue_indirect_dma source(%arg11 : memref<80x128xf32, #tpu.memory_space<vmem>>) target(%dma_start3A_65 : memref<10240x128xf32, #tpu.memory_space<vmem_shared>>) offsets(%arg9 : memref<80xi32, #tpu.memory_space<vmem>>) semaphore(%run_scoped3A : memref<!tpu.dma_semaphore, #tpu.memory_space<semaphore_mem>>) {add = true}
      %dma_wait3A_66 = arith.constant 0 : i32
      %dma_wait3A_67 = arith.constant 0 : i32
      %dma_wait3A_68 = tpu.memref_slice %arg14[%dma_wait3A_66, %dma_wait3A_67] : memref<10240x128xf32, #tpu.memory_space<vmem_shared>> -> memref<10240x128xf32, #tpu.memory_space<vmem_shared>>
      tpu.wait_indirect_dma semaphore(%run_scoped3A : memref<!tpu.dma_semaphore, #tpu.memory_space<semaphore_mem>>) src(%arg11 : memref<80x128xf32, #tpu.memory_space<vmem>>) dst(%dma_wait3A_68 : memref<10240x128xf32, #tpu.memory_space<vmem_shared>>)
      tpu.yield
    }) : () -> ()
    %barrier3A_57 = arith.constant 0 : index
    tpu.barrier barrier_id(%barrier3A_57)
    %scan3A_58 = arith.constant 0 : i32
    %scan3A_59 = arith.constant 20 : i32
    %scan3A_60 = arith.addi %scan3A_58, %scan3A_59 : i32
    %scan3A_61 = arith.constant 1 : i32
    scf.for %scan3A_63 = %scan3A_58 to %scan3A_60 step %scan3A_61  : i32 {
      %mul3A_64 = arith.constant 1 : i32
      %mul3A_65 = arith.muli %scan3A_63, %mul3A_64 : i32
      %add3A_66 = arith.constant 0 : i32
      %add3A_67 = arith.addi %add3A_66, %mul3A_65 : i32
      %mul3A_68 = arith.constant 640 : i32
      %mul3A_69 = arith.muli %arg1, %mul3A_68 : i32
      %mul3A_70 = arith.constant 32 : i32
      %mul3A_71 = arith.muli %add3A_67, %mul3A_70 : i32
      %add3A_72 = arith.addi %mul3A_69, %mul3A_71 : i32
      "tpu.region"() ({
        %run_scoped3A = tpu.sem_alloc : memref<!tpu.dma_semaphore, #tpu.memory_space<semaphore_mem>>
        %dma_start3A_73 = arith.constant 0 : i32
        %dma_start3A_74 = tpu.memref_slice %arg14[%add3A_72, %dma_start3A_73] : memref<10240x128xf32, #tpu.memory_space<vmem_shared>> -> memref<32x128xf32, #tpu.memory_space<vmem_shared>>
        %dma_start3A_75 = arith.constant 0 : i32
        %dma_start3A_76 = tpu.memref_slice %arg14[%add3A_72, %dma_start3A_75] : memref<10240x128xf32, #tpu.memory_space<vmem_shared>> -> memref<32x128xf32, #tpu.memory_space<vmem_shared>>
        tpu.enqueue_dma source(%dma_start3A_76 : memref<32x128xf32, #tpu.memory_space<vmem_shared>>) target(%arg13 : memref<32x128xf32, #tpu.memory_space<vmem>>) target_semaphore(%run_scoped3A : memref<!tpu.dma_semaphore, #tpu.memory_space<semaphore_mem>>)
        %dma_wait3A_77 = arith.constant 0 : i32
        %dma_wait3A_78 = tpu.memref_slice %arg14[%add3A_72, %dma_wait3A_77] : memref<10240x128xf32, #tpu.memory_space<vmem_shared>> -> memref<32x128xf32, #tpu.memory_space<vmem_shared>>
        %dma_wait3A_79 = arith.constant 0 : i32
        %dma_wait3A_80 = tpu.memref_slice %arg14[%add3A_72, %dma_wait3A_79] : memref<10240x128xf32, #tpu.memory_space<vmem_shared>> -> memref<32x128xf32, #tpu.memory_space<vmem_shared>>
        tpu.wait_dma2 semaphore(%run_scoped3A : memref<!tpu.dma_semaphore, #tpu.memory_space<semaphore_mem>>) src(%dma_wait3A_80 : memref<32x128xf32, #tpu.memory_space<vmem_shared>>) dst(%arg13 : memref<32x128xf32, #tpu.memory_space<vmem>>)
        tpu.yield
      }) : () -> ()
      "tpu.region"() ({
        %run_scoped3A = tpu.sem_alloc : memref<!tpu.dma_semaphore, #tpu.memory_space<semaphore_mem>>
        %dma_start3A_73 = arith.constant 0 : i32
        %dma_start3A_74 = tpu.memref_slice %arg7[%arg0, %add3A_72, %dma_start3A_73] : memref<2x10240x128xf32, #tpu.memory_space<hbm>> -> memref<1x32x128xf32, #tpu.memory_space<hbm>>
        %dma_start3A_75 = tpu.memref_squeeze %dma_start3A_74 : memref<1x32x128xf32, #tpu.memory_space<hbm>> -> memref<32x128xf32, #tpu.memory_space<hbm>>
        %dma_start3A_76 = arith.constant 0 : i32
        %dma_start3A_77 = tpu.memref_slice %arg7[%arg0, %add3A_72, %dma_start3A_76] : memref<2x10240x128xf32, #tpu.memory_space<hbm>> -> memref<1x32x128xf32, #tpu.memory_space<hbm>>
        %dma_start3A_78 = tpu.memref_squeeze %dma_start3A_77 : memref<1x32x128xf32, #tpu.memory_space<hbm>> -> memref<32x128xf32, #tpu.memory_space<hbm>>
        tpu.enqueue_dma source(%arg13 : memref<32x128xf32, #tpu.memory_space<vmem>>) target(%dma_start3A_78 : memref<32x128xf32, #tpu.memory_space<hbm>>) target_semaphore(%run_scoped3A : memref<!tpu.dma_semaphore, #tpu.memory_space<semaphore_mem>>)
        %dma_wait3A_79 = arith.constant 0 : i32
        %dma_wait3A_80 = tpu.memref_slice %arg7[%arg0, %add3A_72, %dma_wait3A_79] : memref<2x10240x128xf32, #tpu.memory_space<hbm>> -> memref<1x32x128xf32, #tpu.memory_space<hbm>>
        %dma_wait3A_81 = tpu.memref_squeeze %dma_wait3A_80 : memref<1x32x128xf32, #tpu.memory_space<hbm>> -> memref<32x128xf32, #tpu.memory_space<hbm>>
        %dma_wait3A_82 = arith.constant 0 : i32
        %dma_wait3A_83 = tpu.memref_slice %arg7[%arg0, %add3A_72, %dma_wait3A_82] : memref<2x10240x128xf32, #tpu.memory_space<hbm>> -> memref<1x32x128xf32, #tpu.memory_space<hbm>>
        %dma_wait3A_84 = tpu.memref_squeeze %dma_wait3A_83 : memref<1x32x128xf32, #tpu.memory_space<hbm>> -> memref<32x128xf32, #tpu.memory_space<hbm>>
        tpu.wait_dma2 semaphore(%run_scoped3A : memref<!tpu.dma_semaphore, #tpu.memory_space<semaphore_mem>>) src(%arg13 : memref<32x128xf32, #tpu.memory_space<vmem>>) dst(%dma_wait3A_84 : memref<32x128xf32, #tpu.memory_space<hbm>>)
        tpu.yield
      }) : () -> ()
    }
    %scan3A_62 = arith.constant 20 : i32
    return
  }
}

#map = affine_map<(d0, d1) -> (0)>
#map1 = affine_map<(d0, d1) -> (0, 0)>
module attributes {stable_mosaic.version = 14 : i64} {
  func.func @k(%arg0: i32, %arg1: i32, %arg2: memref<320000xi32, #tpu.memory_space<hbm>>, %arg3: memref<2x1310720xf32, #tpu.memory_space<hbm>>, %arg4: memref<32x10240xf32, #tpu.memory_space<hbm>>, %arg5: memref<10000xi32, #tpu.memory_space<vmem>>, %arg6: memref<10240xf32, #tpu.memory_space<vmem>>, %arg7: memref<640xf32, #tpu.memory_space<vmem>>, %arg8: memref<4096xf32, #tpu.memory_space<vmem>>) attributes {dimension_semantics = [#tpu.dimension_semantics<core_parallel>, #tpu.dimension_semantics<subcore_parallel>], iteration_bounds = array<i64: 2, 16>, scalar_prefetch = 0 : i64, scratch_operands = 4 : i64, tpu.core_type = #tpu.core_type<sc_vector_subcore>, window_params = [{transform_indices = #map}, {transform_indices = #map1}, {transform_indices = #map1}]} {
    %mul3A = arith.constant 2 : i32
    %mul3A_0 = arith.muli %arg1, %mul3A : i32
    %add3A = arith.addi %mul3A_0, %arg0 : i32
    %mul3A_1 = arith.constant 10000 : i32
    %mul3A_2 = arith.muli %add3A, %mul3A_1 : i32
    "tpu.region"() ({
      %run_scoped3A = tpu.sem_alloc : memref<!tpu.dma_semaphore, #tpu.memory_space<semaphore_mem>>
      %dma_start3A = tpu.memref_slice %arg2[%mul3A_2] : memref<320000xi32, #tpu.memory_space<hbm>> -> memref<10000xi32, #tpu.memory_space<hbm>>
      %dma_start3A_28 = tpu.memref_slice %arg2[%mul3A_2] : memref<320000xi32, #tpu.memory_space<hbm>> -> memref<10000xi32, #tpu.memory_space<hbm>>
      tpu.enqueue_dma source(%dma_start3A_28 : memref<10000xi32, #tpu.memory_space<hbm>>) target(%arg5 : memref<10000xi32, #tpu.memory_space<vmem>>) target_semaphore(%run_scoped3A : memref<!tpu.dma_semaphore, #tpu.memory_space<semaphore_mem>>)
      %dma_wait3A = tpu.memref_slice %arg2[%mul3A_2] : memref<320000xi32, #tpu.memory_space<hbm>> -> memref<10000xi32, #tpu.memory_space<hbm>>
      %dma_wait3A_29 = tpu.memref_slice %arg2[%mul3A_2] : memref<320000xi32, #tpu.memory_space<hbm>> -> memref<10000xi32, #tpu.memory_space<hbm>>
      tpu.wait_dma2 semaphore(%run_scoped3A : memref<!tpu.dma_semaphore, #tpu.memory_space<semaphore_mem>>) src(%dma_wait3A_29 : memref<10000xi32, #tpu.memory_space<hbm>>) dst(%arg5 : memref<10000xi32, #tpu.memory_space<vmem>>)
      tpu.yield
    }) : () -> ()
    %scan3A = arith.constant 0 : i32
    %scan3A_3 = arith.constant 640 : i32
    %scan3A_4 = arith.addi %scan3A, %scan3A_3 : i32
    %scan3A_5 = arith.constant 1 : i32
    scf.for %scan3A_28 = %scan3A to %scan3A_4 step %scan3A_5  : i32 {
      %mul3A_29 = arith.constant 1 : i32
      %mul3A_30 = arith.muli %scan3A_28, %mul3A_29 : i32
      %add3A_31 = arith.constant 0 : i32
      %add3A_32 = arith.addi %add3A_31, %mul3A_30 : i32
      %broadcast_in_dim3A_33 = arith.constant 0.000000e+00 : f32
      %broadcast_in_dim3A_34 = vector.broadcast %broadcast_in_dim3A_33 : f32 to vector<16xf32>
      %mul3A_35 = arith.constant 16 : i32
      %mul3A_36 = arith.muli %add3A_32, %mul3A_35 : i32
      %swap3A = arith.index_cast %mul3A_36 : i32 to index
      %swap3A_37 = tpu.vector_load %arg6[%swap3A] {strides = array<i32>} : memref<10240xf32, #tpu.memory_space<vmem>>, vector<16xf32>,
      tpu.vector_store %arg6[%swap3A], %broadcast_in_dim3A_34 {strides = array<i32>} : memref<10240xf32, #tpu.memory_space<vmem>>, vector<16xf32>,
    }
    %scan3A_6 = arith.constant 640 : i32
    %broadcast_in_dim3A = arith.constant 1.000000e+00 : f32
    %broadcast_in_dim3A_7 = vector.broadcast %broadcast_in_dim3A : f32 to vector<16xf32>
    %scan3A_8 = arith.constant 0 : i32
    %scan3A_9 = arith.constant 625 : i32
    %scan3A_10 = arith.addi %scan3A_8, %scan3A_9 : i32
    %scan3A_11 = arith.constant 1 : i32
    scf.for %scan3A_28 = %scan3A_8 to %scan3A_10 step %scan3A_11  : i32 {
      %mul3A_29 = arith.constant 1 : i32
      %mul3A_30 = arith.muli %scan3A_28, %mul3A_29 : i32
      %add3A_31 = arith.constant 0 : i32
      %add3A_32 = arith.addi %add3A_31, %mul3A_30 : i32
      %mul3A_33 = arith.constant 16 : i32
      %mul3A_34 = arith.muli %add3A_32, %mul3A_33 : i32
      %get3A = arith.index_cast %mul3A_34 : i32 to index
      %get3A_35 = tpu.vector_load %arg5[%get3A] {strides = array<i32>} : memref<10000xi32, #tpu.memory_space<vmem>>, vector<16xi32>,
      tpu.vector_store_idx %arg6[%get3A_35], %broadcast_in_dim3A_7 {add = true} : memref<10240xf32, #tpu.memory_space<vmem>>[vector<16xi32>], vector<16xf32>,
    }
    %scan3A_12 = arith.constant 625 : i32
    "tpu.region"() ({
      %run_scoped3A = tpu.sem_alloc : memref<!tpu.dma_semaphore, #tpu.memory_space<semaphore_mem>>
      %dma_start3A = arith.constant 0 : i32
      %dma_start3A_28 = tpu.memref_slice %arg4[%add3A, %dma_start3A] : memref<32x10240xf32, #tpu.memory_space<hbm>> -> memref<1x10240xf32, #tpu.memory_space<hbm>>
      %dma_start3A_29 = tpu.memref_squeeze %dma_start3A_28 : memref<1x10240xf32, #tpu.memory_space<hbm>> -> memref<10240xf32, #tpu.memory_space<hbm>>
      %dma_start3A_30 = arith.constant 0 : i32
      %dma_start3A_31 = tpu.memref_slice %arg4[%add3A, %dma_start3A_30] : memref<32x10240xf32, #tpu.memory_space<hbm>> -> memref<1x10240xf32, #tpu.memory_space<hbm>>
      %dma_start3A_32 = tpu.memref_squeeze %dma_start3A_31 : memref<1x10240xf32, #tpu.memory_space<hbm>> -> memref<10240xf32, #tpu.memory_space<hbm>>
      tpu.enqueue_dma source(%arg6 : memref<10240xf32, #tpu.memory_space<vmem>>) target(%dma_start3A_32 : memref<10240xf32, #tpu.memory_space<hbm>>) target_semaphore(%run_scoped3A : memref<!tpu.dma_semaphore, #tpu.memory_space<semaphore_mem>>)
      %dma_wait3A = arith.constant 0 : i32
      %dma_wait3A_33 = tpu.memref_slice %arg4[%add3A, %dma_wait3A] : memref<32x10240xf32, #tpu.memory_space<hbm>> -> memref<1x10240xf32, #tpu.memory_space<hbm>>
      %dma_wait3A_34 = tpu.memref_squeeze %dma_wait3A_33 : memref<1x10240xf32, #tpu.memory_space<hbm>> -> memref<10240xf32, #tpu.memory_space<hbm>>
      %dma_wait3A_35 = arith.constant 0 : i32
      %dma_wait3A_36 = tpu.memref_slice %arg4[%add3A, %dma_wait3A_35] : memref<32x10240xf32, #tpu.memory_space<hbm>> -> memref<1x10240xf32, #tpu.memory_space<hbm>>
      %dma_wait3A_37 = tpu.memref_squeeze %dma_wait3A_36 : memref<1x10240xf32, #tpu.memory_space<hbm>> -> memref<10240xf32, #tpu.memory_space<hbm>>
      tpu.wait_dma2 semaphore(%run_scoped3A : memref<!tpu.dma_semaphore, #tpu.memory_space<semaphore_mem>>) src(%arg6 : memref<10240xf32, #tpu.memory_space<vmem>>) dst(%dma_wait3A_37 : memref<10240xf32, #tpu.memory_space<hbm>>)
      tpu.yield
    }) : () -> ()
    %barrier3A = arith.constant 0 : index
    tpu.barrier barrier_id(%barrier3A)
    %scan3A_13 = arith.constant 0 : i32
    %scan3A_14 = arith.constant 40 : i32
    %scan3A_15 = arith.addi %scan3A_13, %scan3A_14 : i32
    %scan3A_16 = arith.constant 1 : i32
    scf.for %scan3A_28 = %scan3A_13 to %scan3A_15 step %scan3A_16  : i32 {
      %mul3A_29 = arith.constant 1 : i32
      %mul3A_30 = arith.muli %scan3A_28, %mul3A_29 : i32
      %add3A_31 = arith.constant 0 : i32
      %add3A_32 = arith.addi %add3A_31, %mul3A_30 : i32
      %broadcast_in_dim3A_33 = arith.constant 0.000000e+00 : f32
      %broadcast_in_dim3A_34 = vector.broadcast %broadcast_in_dim3A_33 : f32 to vector<16xf32>
      %mul3A_35 = arith.constant 16 : i32
      %mul3A_36 = arith.muli %add3A_32, %mul3A_35 : i32
      %swap3A = arith.index_cast %mul3A_36 : i32 to index
      %swap3A_37 = tpu.vector_load %arg7[%swap3A] {strides = array<i32>} : memref<640xf32, #tpu.memory_space<vmem>>, vector<16xf32>,
      tpu.vector_store %arg7[%swap3A], %broadcast_in_dim3A_34 {strides = array<i32>} : memref<640xf32, #tpu.memory_space<vmem>>, vector<16xf32>,
    }
    %scan3A_17 = arith.constant 40 : i32
    %scan3A_18 = arith.constant 0 : i32
    %scan3A_19 = arith.constant 16 : i32
    %scan3A_20 = arith.addi %scan3A_18, %scan3A_19 : i32
    %scan3A_21 = arith.constant 1 : i32
    scf.for %scan3A_28 = %scan3A_18 to %scan3A_20 step %scan3A_21  : i32 {
      %mul3A_29 = arith.constant 1 : i32
      %mul3A_30 = arith.muli %scan3A_28, %mul3A_29 : i32
      %add3A_31 = arith.constant 0 : i32
      %add3A_32 = arith.addi %add3A_31, %mul3A_30 : i32
      %mul3A_33 = arith.constant 2 : i32
      %mul3A_34 = arith.muli %add3A_32, %mul3A_33 : i32
      %add3A_35 = arith.addi %mul3A_34, %arg0 : i32
      %mul3A_36 = arith.constant 640 : i32
      %mul3A_37 = arith.muli %arg1, %mul3A_36 : i32
      "tpu.region"() ({
        %run_scoped3A = tpu.sem_alloc : memref<!tpu.dma_semaphore, #tpu.memory_space<semaphore_mem>>
        %dma_start3A = arith.constant 0 : i32
        %dma_start3A_43 = tpu.memref_slice %arg6[%dma_start3A] : memref<10240xf32, #tpu.memory_space<vmem>> -> memref<640xf32, #tpu.memory_space<vmem>>
        %dma_start3A_44 = tpu.memref_slice %arg4[%add3A_35, %mul3A_37] : memref<32x10240xf32, #tpu.memory_space<hbm>> -> memref<1x640xf32, #tpu.memory_space<hbm>>
        %dma_start3A_45 = tpu.memref_squeeze %dma_start3A_44 : memref<1x640xf32, #tpu.memory_space<hbm>> -> memref<640xf32, #tpu.memory_space<hbm>>
        %dma_start3A_46 = arith.constant 0 : i32
        %dma_start3A_47 = tpu.memref_slice %arg6[%dma_start3A_46] : memref<10240xf32, #tpu.memory_space<vmem>> -> memref<640xf32, #tpu.memory_space<vmem>>
        %dma_start3A_48 = tpu.memref_slice %arg4[%add3A_35, %mul3A_37] : memref<32x10240xf32, #tpu.memory_space<hbm>> -> memref<1x640xf32, #tpu.memory_space<hbm>>
        %dma_start3A_49 = tpu.memref_squeeze %dma_start3A_48 : memref<1x640xf32, #tpu.memory_space<hbm>> -> memref<640xf32, #tpu.memory_space<hbm>>
        tpu.enqueue_dma source(%dma_start3A_49 : memref<640xf32, #tpu.memory_space<hbm>>) target(%dma_start3A_47 : memref<640xf32, #tpu.memory_space<vmem>>) target_semaphore(%run_scoped3A : memref<!tpu.dma_semaphore, #tpu.memory_space<semaphore_mem>>)
        %dma_wait3A = arith.constant 0 : i32
        %dma_wait3A_50 = tpu.memref_slice %arg6[%dma_wait3A] : memref<10240xf32, #tpu.memory_space<vmem>> -> memref<640xf32, #tpu.memory_space<vmem>>
        %dma_wait3A_51 = tpu.memref_slice %arg4[%add3A_35, %mul3A_37] : memref<32x10240xf32, #tpu.memory_space<hbm>> -> memref<1x640xf32, #tpu.memory_space<hbm>>
        %dma_wait3A_52 = tpu.memref_squeeze %dma_wait3A_51 : memref<1x640xf32, #tpu.memory_space<hbm>> -> memref<640xf32, #tpu.memory_space<hbm>>
        %dma_wait3A_53 = arith.constant 0 : i32
        %dma_wait3A_54 = tpu.memref_slice %arg6[%dma_wait3A_53] : memref<10240xf32, #tpu.memory_space<vmem>> -> memref<640xf32, #tpu.memory_space<vmem>>
        %dma_wait3A_55 = tpu.memref_slice %arg4[%add3A_35, %mul3A_37] : memref<32x10240xf32, #tpu.memory_space<hbm>> -> memref<1x640xf32, #tpu.memory_space<hbm>>
        %dma_wait3A_56 = tpu.memref_squeeze %dma_wait3A_55 : memref<1x640xf32, #tpu.memory_space<hbm>> -> memref<640xf32, #tpu.memory_space<hbm>>
        tpu.wait_dma2 semaphore(%run_scoped3A : memref<!tpu.dma_semaphore, #tpu.memory_space<semaphore_mem>>) src(%dma_wait3A_56 : memref<640xf32, #tpu.memory_space<hbm>>) dst(%dma_wait3A_54 : memref<640xf32, #tpu.memory_space<vmem>>)
        tpu.yield
      }) : () -> ()
      %scan3A_38 = arith.constant 0 : i32
      %scan3A_39 = arith.constant 40 : i32
      %scan3A_40 = arith.addi %scan3A_38, %scan3A_39 : i32
      %scan3A_41 = arith.constant 1 : i32
      scf.for %scan3A_43 = %scan3A_38 to %scan3A_40 step %scan3A_41  : i32 {
        %mul3A_44 = arith.constant 1 : i32
        %mul3A_45 = arith.muli %scan3A_43, %mul3A_44 : i32
        %add3A_46 = arith.constant 0 : i32
        %add3A_47 = arith.addi %add3A_46, %mul3A_45 : i32
        %mul3A_48 = arith.constant 16 : i32
        %mul3A_49 = arith.muli %add3A_47, %mul3A_48 : i32
        %get3A = arith.index_cast %mul3A_49 : i32 to index
        %get3A_50 = tpu.vector_load %arg7[%get3A] {strides = array<i32>} : memref<640xf32, #tpu.memory_space<vmem>>, vector<16xf32>,
        %mul3A_51 = arith.constant 16 : i32
        %mul3A_52 = arith.muli %add3A_47, %mul3A_51 : i32
        %get3A_53 = arith.index_cast %mul3A_52 : i32 to index
        %get3A_54 = tpu.vector_load %arg6[%get3A_53] {strides = array<i32>} : memref<10240xf32, #tpu.memory_space<vmem>>, vector<16xf32>,
        %add3A_55 = arith.addf %get3A_50, %get3A_54 : vector<16xf32>
        %mul3A_56 = arith.constant 16 : i32
        %mul3A_57 = arith.muli %add3A_47, %mul3A_56 : i32
        %swap3A = arith.index_cast %mul3A_57 : i32 to index
        %swap3A_58 = tpu.vector_load %arg7[%swap3A] {strides = array<i32>} : memref<640xf32, #tpu.memory_space<vmem>>, vector<16xf32>,
        tpu.vector_store %arg7[%swap3A], %add3A_55 {strides = array<i32>} : memref<640xf32, #tpu.memory_space<vmem>>, vector<16xf32>,
      }
      %scan3A_42 = arith.constant 40 : i32
    }
    %scan3A_22 = arith.constant 16 : i32
    %scan3A_23 = arith.constant 0 : i32
    %scan3A_24 = arith.constant 20 : i32
    %scan3A_25 = arith.addi %scan3A_23, %scan3A_24 : i32
    %scan3A_26 = arith.constant 1 : i32
    scf.for %scan3A_28 = %scan3A_23 to %scan3A_25 step %scan3A_26  : i32 {
      %mul3A_29 = arith.constant 1 : i32
      %mul3A_30 = arith.muli %scan3A_28, %mul3A_29 : i32
      %add3A_31 = arith.constant 0 : i32
      %add3A_32 = arith.addi %add3A_31, %mul3A_30 : i32
      %scan3A_33 = arith.constant 0 : i32
      %scan3A_34 = arith.constant 2 : i32
      %scan3A_35 = arith.addi %scan3A_33, %scan3A_34 : i32
      %scan3A_36 = arith.constant 1 : i32
      scf.for %scan3A_45 = %scan3A_33 to %scan3A_35 step %scan3A_36  : i32 {
        %mul3A_46 = arith.constant 1 : i32
        %mul3A_47 = arith.muli %scan3A_45, %mul3A_46 : i32
        %add3A_48 = arith.constant 0 : i32
        %add3A_49 = arith.addi %add3A_48, %mul3A_47 : i32
        %mul3A_50 = arith.constant 32 : i32
        %mul3A_51 = arith.muli %add3A_32, %mul3A_50 : i32
        %mul3A_52 = arith.constant 16 : i32
        %mul3A_53 = arith.muli %add3A_49, %mul3A_52 : i32
        %add3A_54 = arith.addi %mul3A_51, %mul3A_53 : i32
        %get3A = arith.index_cast %add3A_54 : i32 to index
        %get3A_55 = tpu.vector_load %arg7[%get3A] {strides = array<i32>} : memref<640xf32, #tpu.memory_space<vmem>>, vector<16xf32>,
        %broadcast_in_dim3A_56 = arith.constant 0 : i32
        %broadcast_in_dim3A_57 = vector.broadcast %broadcast_in_dim3A_56 : i32 to vector<16x1xi32>
        %gather3A = vector.shape_cast %broadcast_in_dim3A_57 : vector<16x1xi32> to vector<16xi32>
        %gather3A_58 = tpu.dynamic_gather %get3A_55[%gather3A] in [0] : vector<16xf32>, vector<16xi32> -> vector<16xf32>
        %mul3A_59 = arith.constant 16 : i32
        %mul3A_60 = arith.muli %add3A_49, %mul3A_59 : i32
        %add3A_61 = arith.constant 0 : i32
        %add3A_62 = arith.addi %mul3A_60, %add3A_61 : i32
        %mul3A_63 = arith.constant 128 : i32
        %mul3A_64 = arith.muli %add3A_62, %mul3A_63 : i32
        %add3A_65 = arith.constant 0 : i32
        %add3A_66 = arith.addi %mul3A_64, %add3A_65 : i32
        %swap3A = arith.index_cast %add3A_66 : i32 to index
        %swap3A_67 = tpu.vector_load %arg8[%swap3A] {strides = array<i32>} : memref<4096xf32, #tpu.memory_space<vmem>>, vector<16xf32>,
        tpu.vector_store %arg8[%swap3A], %gather3A_58 {strides = array<i32>} : memref<4096xf32, #tpu.memory_space<vmem>>, vector<16xf32>,
        %mul3A_68 = arith.constant 16 : i32
        %mul3A_69 = arith.muli %add3A_49, %mul3A_68 : i32
        %add3A_70 = arith.constant 0 : i32
        %add3A_71 = arith.addi %mul3A_69, %add3A_70 : i32
        %mul3A_72 = arith.constant 128 : i32
        %mul3A_73 = arith.muli %add3A_71, %mul3A_72 : i32
        %add3A_74 = arith.constant 16 : i32
        %add3A_75 = arith.addi %mul3A_73, %add3A_74 : i32
        %swap3A_76 = arith.index_cast %add3A_75 : i32 to index
        %swap3A_77 = tpu.vector_load %arg8[%swap3A_76] {strides = array<i32>} : memref<4096xf32, #tpu.memory_space<vmem>>, vector<16xf32>,
        tpu.vector_store %arg8[%swap3A_76], %gather3A_58 {strides = array<i32>} : memref<4096xf32, #tpu.memory_space<vmem>>, vector<16xf32>,
        %mul3A_78 = arith.constant 16 : i32
        %mul3A_79 = arith.muli %add3A_49, %mul3A_78 : i32
        %add3A_80 = arith.constant 0 : i32
        %add3A_81 = arith.addi %mul3A_79, %add3A_80 : i32
        %mul3A_82 = arith.constant 128 : i32
        %mul3A_83 = arith.muli %add3A_81, %mul3A_82 : i32
        %add3A_84 = arith.constant 32 : i32
        %add3A_85 = arith.addi %mul3A_83, %add3A_84 : i32
        %swap3A_86 = arith.index_cast %add3A_85 : i32 to index
        %swap3A_87 = tpu.vector_load %arg8[%swap3A_86] {strides = array<i32>} : memref<4096xf32, #tpu.memory_space<vmem>>, vector<16xf32>,
        tpu.vector_store %arg8[%swap3A_86], %gather3A_58 {strides = array<i32>} : memref<4096xf32, #tpu.memory_space<vmem>>, vector<16xf32>,
        %mul3A_88 = arith.constant 16 : i32
        %mul3A_89 = arith.muli %add3A_49, %mul3A_88 : i32
        %add3A_90 = arith.constant 0 : i32
        %add3A_91 = arith.addi %mul3A_89, %add3A_90 : i32
        %mul3A_92 = arith.constant 128 : i32
        %mul3A_93 = arith.muli %add3A_91, %mul3A_92 : i32
        %add3A_94 = arith.constant 48 : i32
        %add3A_95 = arith.addi %mul3A_93, %add3A_94 : i32
        %swap3A_96 = arith.index_cast %add3A_95 : i32 to index
        %swap3A_97 = tpu.vector_load %arg8[%swap3A_96] {strides = array<i32>} : memref<4096xf32, #tpu.memory_space<vmem>>, vector<16xf32>,
        tpu.vector_store %arg8[%swap3A_96], %gather3A_58 {strides = array<i32>} : memref<4096xf32, #tpu.memory_space<vmem>>, vector<16xf32>,
        %mul3A_98 = arith.constant 16 : i32
        %mul3A_99 = arith.muli %add3A_49, %mul3A_98 : i32
        %add3A_100 = arith.constant 0 : i32
        %add3A_101 = arith.addi %mul3A_99, %add3A_100 : i32
        %mul3A_102 = arith.constant 128 : i32
        %mul3A_103 = arith.muli %add3A_101, %mul3A_102 : i32
        %add3A_104 = arith.constant 64 : i32
        %add3A_105 = arith.addi %mul3A_103, %add3A_104 : i32
        %swap3A_106 = arith.index_cast %add3A_105 : i32 to index
        %swap3A_107 = tpu.vector_load %arg8[%swap3A_106] {strides = array<i32>} : memref<4096xf32, #tpu.memory_space<vmem>>, vector<16xf32>,
        tpu.vector_store %arg8[%swap3A_106], %gather3A_58 {strides = array<i32>} : memref<4096xf32, #tpu.memory_space<vmem>>, vector<16xf32>,
        %mul3A_108 = arith.constant 16 : i32
        %mul3A_109 = arith.muli %add3A_49, %mul3A_108 : i32
        %add3A_110 = arith.constant 0 : i32
        %add3A_111 = arith.addi %mul3A_109, %add3A_110 : i32
        %mul3A_112 = arith.constant 128 : i32
        %mul3A_113 = arith.muli %add3A_111, %mul3A_112 : i32
        %add3A_114 = arith.constant 80 : i32
        %add3A_115 = arith.addi %mul3A_113, %add3A_114 : i32
        %swap3A_116 = arith.index_cast %add3A_115 : i32 to index
        %swap3A_117 = tpu.vector_load %arg8[%swap3A_116] {strides = array<i32>} : memref<4096xf32, #tpu.memory_space<vmem>>, vector<16xf32>,
        tpu.vector_store %arg8[%swap3A_116], %gather3A_58 {strides = array<i32>} : memref<4096xf32, #tpu.memory_space<vmem>>, vector<16xf32>,
        %mul3A_118 = arith.constant 16 : i32
        %mul3A_119 = arith.muli %add3A_49, %mul3A_118 : i32
        %add3A_120 = arith.constant 0 : i32
        %add3A_121 = arith.addi %mul3A_119, %add3A_120 : i32
        %mul3A_122 = arith.constant 128 : i32
        %mul3A_123 = arith.muli %add3A_121, %mul3A_122 : i32
        %add3A_124 = arith.constant 96 : i32
        %add3A_125 = arith.addi %mul3A_123, %add3A_124 : i32
        %swap3A_126 = arith.index_cast %add3A_125 : i32 to index
        %swap3A_127 = tpu.vector_load %arg8[%swap3A_126] {strides = array<i32>} : memref<4096xf32, #tpu.memory_space<vmem>>, vector<16xf32>,
        tpu.vector_store %arg8[%swap3A_126], %gather3A_58 {strides = array<i32>} : memref<4096xf32, #tpu.memory_space<vmem>>, vector<16xf32>,
        %mul3A_128 = arith.constant 16 : i32
        %mul3A_129 = arith.muli %add3A_49, %mul3A_128 : i32
        %add3A_130 = arith.constant 0 : i32
        %add3A_131 = arith.addi %mul3A_129, %add3A_130 : i32
        %mul3A_132 = arith.constant 128 : i32
        %mul3A_133 = arith.muli %add3A_131, %mul3A_132 : i32
        %add3A_134 = arith.constant 112 : i32
        %add3A_135 = arith.addi %mul3A_133, %add3A_134 : i32
        %swap3A_136 = arith.index_cast %add3A_135 : i32 to index
        %swap3A_137 = tpu.vector_load %arg8[%swap3A_136] {strides = array<i32>} : memref<4096xf32, #tpu.memory_space<vmem>>, vector<16xf32>,
        tpu.vector_store %arg8[%swap3A_136], %gather3A_58 {strides = array<i32>} : memref<4096xf32, #tpu.memory_space<vmem>>, vector<16xf32>,
        %broadcast_in_dim3A_138 = arith.constant 1 : i32
        %broadcast_in_dim3A_139 = vector.broadcast %broadcast_in_dim3A_138 : i32 to vector<16x1xi32>
        %gather3A_140 = vector.shape_cast %broadcast_in_dim3A_139 : vector<16x1xi32> to vector<16xi32>
        %gather3A_141 = tpu.dynamic_gather %get3A_55[%gather3A_140] in [0] : vector<16xf32>, vector<16xi32> -> vector<16xf32>
        %mul3A_142 = arith.constant 16 : i32
        %mul3A_143 = arith.muli %add3A_49, %mul3A_142 : i32
        %add3A_144 = arith.constant 1 : i32
        %add3A_145 = arith.addi %mul3A_143, %add3A_144 : i32
        %mul3A_146 = arith.constant 128 : i32
        %mul3A_147 = arith.muli %add3A_145, %mul3A_146 : i32
        %add3A_148 = arith.constant 0 : i32
        %add3A_149 = arith.addi %mul3A_147, %add3A_148 : i32
        %swap3A_150 = arith.index_cast %add3A_149 : i32 to index
        %swap3A_151 = tpu.vector_load %arg8[%swap3A_150] {strides = array<i32>} : memref<4096xf32, #tpu.memory_space<vmem>>, vector<16xf32>,
        tpu.vector_store %arg8[%swap3A_150], %gather3A_141 {strides = array<i32>} : memref<4096xf32, #tpu.memory_space<vmem>>, vector<16xf32>,
        %mul3A_152 = arith.constant 16 : i32
        %mul3A_153 = arith.muli %add3A_49, %mul3A_152 : i32
        %add3A_154 = arith.constant 1 : i32
        %add3A_155 = arith.addi %mul3A_153, %add3A_154 : i32
        %mul3A_156 = arith.constant 128 : i32
        %mul3A_157 = arith.muli %add3A_155, %mul3A_156 : i32
        %add3A_158 = arith.constant 16 : i32
        %add3A_159 = arith.addi %mul3A_157, %add3A_158 : i32
        %swap3A_160 = arith.index_cast %add3A_159 : i32 to index
        %swap3A_161 = tpu.vector_load %arg8[%swap3A_160] {strides = array<i32>} : memref<4096xf32, #tpu.memory_space<vmem>>, vector<16xf32>,
        tpu.vector_store %arg8[%swap3A_160], %gather3A_141 {strides = array<i32>} : memref<4096xf32, #tpu.memory_space<vmem>>, vector<16xf32>,
        %mul3A_162 = arith.constant 16 : i32
        %mul3A_163 = arith.muli %add3A_49, %mul3A_162 : i32
        %add3A_164 = arith.constant 1 : i32
        %add3A_165 = arith.addi %mul3A_163, %add3A_164 : i32
        %mul3A_166 = arith.constant 128 : i32
        %mul3A_167 = arith.muli %add3A_165, %mul3A_166 : i32
        %add3A_168 = arith.constant 32 : i32
        %add3A_169 = arith.addi %mul3A_167, %add3A_168 : i32
        %swap3A_170 = arith.index_cast %add3A_169 : i32 to index
        %swap3A_171 = tpu.vector_load %arg8[%swap3A_170] {strides = array<i32>} : memref<4096xf32, #tpu.memory_space<vmem>>, vector<16xf32>,
        tpu.vector_store %arg8[%swap3A_170], %gather3A_141 {strides = array<i32>} : memref<4096xf32, #tpu.memory_space<vmem>>, vector<16xf32>,
        %mul3A_172 = arith.constant 16 : i32
        %mul3A_173 = arith.muli %add3A_49, %mul3A_172 : i32
        %add3A_174 = arith.constant 1 : i32
        %add3A_175 = arith.addi %mul3A_173, %add3A_174 : i32
        %mul3A_176 = arith.constant 128 : i32
        %mul3A_177 = arith.muli %add3A_175, %mul3A_176 : i32
        %add3A_178 = arith.constant 48 : i32
        %add3A_179 = arith.addi %mul3A_177, %add3A_178 : i32
        %swap3A_180 = arith.index_cast %add3A_179 : i32 to index
        %swap3A_181 = tpu.vector_load %arg8[%swap3A_180] {strides = array<i32>} : memref<4096xf32, #tpu.memory_space<vmem>>, vector<16xf32>,
        tpu.vector_store %arg8[%swap3A_180], %gather3A_141 {strides = array<i32>} : memref<4096xf32, #tpu.memory_space<vmem>>, vector<16xf32>,
        %mul3A_182 = arith.constant 16 : i32
        %mul3A_183 = arith.muli %add3A_49, %mul3A_182 : i32
        %add3A_184 = arith.constant 1 : i32
        %add3A_185 = arith.addi %mul3A_183, %add3A_184 : i32
        %mul3A_186 = arith.constant 128 : i32
        %mul3A_187 = arith.muli %add3A_185, %mul3A_186 : i32
        %add3A_188 = arith.constant 64 : i32
        %add3A_189 = arith.addi %mul3A_187, %add3A_188 : i32
        %swap3A_190 = arith.index_cast %add3A_189 : i32 to index
        %swap3A_191 = tpu.vector_load %arg8[%swap3A_190] {strides = array<i32>} : memref<4096xf32, #tpu.memory_space<vmem>>, vector<16xf32>,
        tpu.vector_store %arg8[%swap3A_190], %gather3A_141 {strides = array<i32>} : memref<4096xf32, #tpu.memory_space<vmem>>, vector<16xf32>,
        %mul3A_192 = arith.constant 16 : i32
        %mul3A_193 = arith.muli %add3A_49, %mul3A_192 : i32
        %add3A_194 = arith.constant 1 : i32
        %add3A_195 = arith.addi %mul3A_193, %add3A_194 : i32
        %mul3A_196 = arith.constant 128 : i32
        %mul3A_197 = arith.muli %add3A_195, %mul3A_196 : i32
        %add3A_198 = arith.constant 80 : i32
        %add3A_199 = arith.addi %mul3A_197, %add3A_198 : i32
        %swap3A_200 = arith.index_cast %add3A_199 : i32 to index
        %swap3A_201 = tpu.vector_load %arg8[%swap3A_200] {strides = array<i32>} : memref<4096xf32, #tpu.memory_space<vmem>>, vector<16xf32>,
        tpu.vector_store %arg8[%swap3A_200], %gather3A_141 {strides = array<i32>} : memref<4096xf32, #tpu.memory_space<vmem>>, vector<16xf32>,
        %mul3A_202 = arith.constant 16 : i32
        %mul3A_203 = arith.muli %add3A_49, %mul3A_202 : i32
        %add3A_204 = arith.constant 1 : i32
        %add3A_205 = arith.addi %mul3A_203, %add3A_204 : i32
        %mul3A_206 = arith.constant 128 : i32
        %mul3A_207 = arith.muli %add3A_205, %mul3A_206 : i32
        %add3A_208 = arith.constant 96 : i32
        %add3A_209 = arith.addi %mul3A_207, %add3A_208 : i32
        %swap3A_210 = arith.index_cast %add3A_209 : i32 to index
        %swap3A_211 = tpu.vector_load %arg8[%swap3A_210] {strides = array<i32>} : memref<4096xf32, #tpu.memory_space<vmem>>, vector<16xf32>,
        tpu.vector_store %arg8[%swap3A_210], %gather3A_141 {strides = array<i32>} : memref<4096xf32, #tpu.memory_space<vmem>>, vector<16xf32>,
        %mul3A_212 = arith.constant 16 : i32
        %mul3A_213 = arith.muli %add3A_49, %mul3A_212 : i32
        %add3A_214 = arith.constant 1 : i32
        %add3A_215 = arith.addi %mul3A_213, %add3A_214 : i32
        %mul3A_216 = arith.constant 128 : i32
        %mul3A_217 = arith.muli %add3A_215, %mul3A_216 : i32
        %add3A_218 = arith.constant 112 : i32
        %add3A_219 = arith.addi %mul3A_217, %add3A_218 : i32
        %swap3A_220 = arith.index_cast %add3A_219 : i32 to index
        %swap3A_221 = tpu.vector_load %arg8[%swap3A_220] {strides = array<i32>} : memref<4096xf32, #tpu.memory_space<vmem>>, vector<16xf32>,
        tpu.vector_store %arg8[%swap3A_220], %gather3A_141 {strides = array<i32>} : memref<4096xf32, #tpu.memory_space<vmem>>, vector<16xf32>,
        %broadcast_in_dim3A_222 = arith.constant 2 : i32
        %broadcast_in_dim3A_223 = vector.broadcast %broadcast_in_dim3A_222 : i32 to vector<16x1xi32>
        %gather3A_224 = vector.shape_cast %broadcast_in_dim3A_223 : vector<16x1xi32> to vector<16xi32>
        %gather3A_225 = tpu.dynamic_gather %get3A_55[%gather3A_224] in [0] : vector<16xf32>, vector<16xi32> -> vector<16xf32>
        %mul3A_226 = arith.constant 16 : i32
        %mul3A_227 = arith.muli %add3A_49, %mul3A_226 : i32
        %add3A_228 = arith.constant 2 : i32
        %add3A_229 = arith.addi %mul3A_227, %add3A_228 : i32
        %mul3A_230 = arith.constant 128 : i32
        %mul3A_231 = arith.muli %add3A_229, %mul3A_230 : i32
        %add3A_232 = arith.constant 0 : i32
        %add3A_233 = arith.addi %mul3A_231, %add3A_232 : i32
        %swap3A_234 = arith.index_cast %add3A_233 : i32 to index
        %swap3A_235 = tpu.vector_load %arg8[%swap3A_234] {strides = array<i32>} : memref<4096xf32, #tpu.memory_space<vmem>>, vector<16xf32>,
        tpu.vector_store %arg8[%swap3A_234], %gather3A_225 {strides = array<i32>} : memref<4096xf32, #tpu.memory_space<vmem>>, vector<16xf32>,
        %mul3A_236 = arith.constant 16 : i32
        %mul3A_237 = arith.muli %add3A_49, %mul3A_236 : i32
        %add3A_238 = arith.constant 2 : i32
        %add3A_239 = arith.addi %mul3A_237, %add3A_238 : i32
        %mul3A_240 = arith.constant 128 : i32
        %mul3A_241 = arith.muli %add3A_239, %mul3A_240 : i32
        %add3A_242 = arith.constant 16 : i32
        %add3A_243 = arith.addi %mul3A_241, %add3A_242 : i32
        %swap3A_244 = arith.index_cast %add3A_243 : i32 to index
        %swap3A_245 = tpu.vector_load %arg8[%swap3A_244] {strides = array<i32>} : memref<4096xf32, #tpu.memory_space<vmem>>, vector<16xf32>,
        tpu.vector_store %arg8[%swap3A_244], %gather3A_225 {strides = array<i32>} : memref<4096xf32, #tpu.memory_space<vmem>>, vector<16xf32>,
        %mul3A_246 = arith.constant 16 : i32
        %mul3A_247 = arith.muli %add3A_49, %mul3A_246 : i32
        %add3A_248 = arith.constant 2 : i32
        %add3A_249 = arith.addi %mul3A_247, %add3A_248 : i32
        %mul3A_250 = arith.constant 128 : i32
        %mul3A_251 = arith.muli %add3A_249, %mul3A_250 : i32
        %add3A_252 = arith.constant 32 : i32
        %add3A_253 = arith.addi %mul3A_251, %add3A_252 : i32
        %swap3A_254 = arith.index_cast %add3A_253 : i32 to index
        %swap3A_255 = tpu.vector_load %arg8[%swap3A_254] {strides = array<i32>} : memref<4096xf32, #tpu.memory_space<vmem>>, vector<16xf32>,
        tpu.vector_store %arg8[%swap3A_254], %gather3A_225 {strides = array<i32>} : memref<4096xf32, #tpu.memory_space<vmem>>, vector<16xf32>,
        %mul3A_256 = arith.constant 16 : i32
        %mul3A_257 = arith.muli %add3A_49, %mul3A_256 : i32
        %add3A_258 = arith.constant 2 : i32
        %add3A_259 = arith.addi %mul3A_257, %add3A_258 : i32
        %mul3A_260 = arith.constant 128 : i32
        %mul3A_261 = arith.muli %add3A_259, %mul3A_260 : i32
        %add3A_262 = arith.constant 48 : i32
        %add3A_263 = arith.addi %mul3A_261, %add3A_262 : i32
        %swap3A_264 = arith.index_cast %add3A_263 : i32 to index
        %swap3A_265 = tpu.vector_load %arg8[%swap3A_264] {strides = array<i32>} : memref<4096xf32, #tpu.memory_space<vmem>>, vector<16xf32>,
        tpu.vector_store %arg8[%swap3A_264], %gather3A_225 {strides = array<i32>} : memref<4096xf32, #tpu.memory_space<vmem>>, vector<16xf32>,
        %mul3A_266 = arith.constant 16 : i32
        %mul3A_267 = arith.muli %add3A_49, %mul3A_266 : i32
        %add3A_268 = arith.constant 2 : i32
        %add3A_269 = arith.addi %mul3A_267, %add3A_268 : i32
        %mul3A_270 = arith.constant 128 : i32
        %mul3A_271 = arith.muli %add3A_269, %mul3A_270 : i32
        %add3A_272 = arith.constant 64 : i32
        %add3A_273 = arith.addi %mul3A_271, %add3A_272 : i32
        %swap3A_274 = arith.index_cast %add3A_273 : i32 to index
        %swap3A_275 = tpu.vector_load %arg8[%swap3A_274] {strides = array<i32>} : memref<4096xf32, #tpu.memory_space<vmem>>, vector<16xf32>,
        tpu.vector_store %arg8[%swap3A_274], %gather3A_225 {strides = array<i32>} : memref<4096xf32, #tpu.memory_space<vmem>>, vector<16xf32>,
        %mul3A_276 = arith.constant 16 : i32
        %mul3A_277 = arith.muli %add3A_49, %mul3A_276 : i32
        %add3A_278 = arith.constant 2 : i32
        %add3A_279 = arith.addi %mul3A_277, %add3A_278 : i32
        %mul3A_280 = arith.constant 128 : i32
        %mul3A_281 = arith.muli %add3A_279, %mul3A_280 : i32
        %add3A_282 = arith.constant 80 : i32
        %add3A_283 = arith.addi %mul3A_281, %add3A_282 : i32
        %swap3A_284 = arith.index_cast %add3A_283 : i32 to index
        %swap3A_285 = tpu.vector_load %arg8[%swap3A_284] {strides = array<i32>} : memref<4096xf32, #tpu.memory_space<vmem>>, vector<16xf32>,
        tpu.vector_store %arg8[%swap3A_284], %gather3A_225 {strides = array<i32>} : memref<4096xf32, #tpu.memory_space<vmem>>, vector<16xf32>,
        %mul3A_286 = arith.constant 16 : i32
        %mul3A_287 = arith.muli %add3A_49, %mul3A_286 : i32
        %add3A_288 = arith.constant 2 : i32
        %add3A_289 = arith.addi %mul3A_287, %add3A_288 : i32
        %mul3A_290 = arith.constant 128 : i32
        %mul3A_291 = arith.muli %add3A_289, %mul3A_290 : i32
        %add3A_292 = arith.constant 96 : i32
        %add3A_293 = arith.addi %mul3A_291, %add3A_292 : i32
        %swap3A_294 = arith.index_cast %add3A_293 : i32 to index
        %swap3A_295 = tpu.vector_load %arg8[%swap3A_294] {strides = array<i32>} : memref<4096xf32, #tpu.memory_space<vmem>>, vector<16xf32>,
        tpu.vector_store %arg8[%swap3A_294], %gather3A_225 {strides = array<i32>} : memref<4096xf32, #tpu.memory_space<vmem>>, vector<16xf32>,
        %mul3A_296 = arith.constant 16 : i32
        %mul3A_297 = arith.muli %add3A_49, %mul3A_296 : i32
        %add3A_298 = arith.constant 2 : i32
        %add3A_299 = arith.addi %mul3A_297, %add3A_298 : i32
        %mul3A_300 = arith.constant 128 : i32
        %mul3A_301 = arith.muli %add3A_299, %mul3A_300 : i32
        %add3A_302 = arith.constant 112 : i32
        %add3A_303 = arith.addi %mul3A_301, %add3A_302 : i32
        %swap3A_304 = arith.index_cast %add3A_303 : i32 to index
        %swap3A_305 = tpu.vector_load %arg8[%swap3A_304] {strides = array<i32>} : memref<4096xf32, #tpu.memory_space<vmem>>, vector<16xf32>,
        tpu.vector_store %arg8[%swap3A_304], %gather3A_225 {strides = array<i32>} : memref<4096xf32, #tpu.memory_space<vmem>>, vector<16xf32>,
        %broadcast_in_dim3A_306 = arith.constant 3 : i32
        %broadcast_in_dim3A_307 = vector.broadcast %broadcast_in_dim3A_306 : i32 to vector<16x1xi32>
        %gather3A_308 = vector.shape_cast %broadcast_in_dim3A_307 : vector<16x1xi32> to vector<16xi32>
        %gather3A_309 = tpu.dynamic_gather %get3A_55[%gather3A_308] in [0] : vector<16xf32>, vector<16xi32> -> vector<16xf32>
        %mul3A_310 = arith.constant 16 : i32
        %mul3A_311 = arith.muli %add3A_49, %mul3A_310 : i32
        %add3A_312 = arith.constant 3 : i32
        %add3A_313 = arith.addi %mul3A_311, %add3A_312 : i32
        %mul3A_314 = arith.constant 128 : i32
        %mul3A_315 = arith.muli %add3A_313, %mul3A_314 : i32
        %add3A_316 = arith.constant 0 : i32
        %add3A_317 = arith.addi %mul3A_315, %add3A_316 : i32
        %swap3A_318 = arith.index_cast %add3A_317 : i32 to index
        %swap3A_319 = tpu.vector_load %arg8[%swap3A_318] {strides = array<i32>} : memref<4096xf32, #tpu.memory_space<vmem>>, vector<16xf32>,
        tpu.vector_store %arg8[%swap3A_318], %gather3A_309 {strides = array<i32>} : memref<4096xf32, #tpu.memory_space<vmem>>, vector<16xf32>,
        %mul3A_320 = arith.constant 16 : i32
        %mul3A_321 = arith.muli %add3A_49, %mul3A_320 : i32
        %add3A_322 = arith.constant 3 : i32
        %add3A_323 = arith.addi %mul3A_321, %add3A_322 : i32
        %mul3A_324 = arith.constant 128 : i32
        %mul3A_325 = arith.muli %add3A_323, %mul3A_324 : i32
        %add3A_326 = arith.constant 16 : i32
        %add3A_327 = arith.addi %mul3A_325, %add3A_326 : i32
        %swap3A_328 = arith.index_cast %add3A_327 : i32 to index
        %swap3A_329 = tpu.vector_load %arg8[%swap3A_328] {strides = array<i32>} : memref<4096xf32, #tpu.memory_space<vmem>>, vector<16xf32>,
        tpu.vector_store %arg8[%swap3A_328], %gather3A_309 {strides = array<i32>} : memref<4096xf32, #tpu.memory_space<vmem>>, vector<16xf32>,
        %mul3A_330 = arith.constant 16 : i32
        %mul3A_331 = arith.muli %add3A_49, %mul3A_330 : i32
        %add3A_332 = arith.constant 3 : i32
        %add3A_333 = arith.addi %mul3A_331, %add3A_332 : i32
        %mul3A_334 = arith.constant 128 : i32
        %mul3A_335 = arith.muli %add3A_333, %mul3A_334 : i32
        %add3A_336 = arith.constant 32 : i32
        %add3A_337 = arith.addi %mul3A_335, %add3A_336 : i32
        %swap3A_338 = arith.index_cast %add3A_337 : i32 to index
        %swap3A_339 = tpu.vector_load %arg8[%swap3A_338] {strides = array<i32>} : memref<4096xf32, #tpu.memory_space<vmem>>, vector<16xf32>,
        tpu.vector_store %arg8[%swap3A_338], %gather3A_309 {strides = array<i32>} : memref<4096xf32, #tpu.memory_space<vmem>>, vector<16xf32>,
        %mul3A_340 = arith.constant 16 : i32
        %mul3A_341 = arith.muli %add3A_49, %mul3A_340 : i32
        %add3A_342 = arith.constant 3 : i32
        %add3A_343 = arith.addi %mul3A_341, %add3A_342 : i32
        %mul3A_344 = arith.constant 128 : i32
        %mul3A_345 = arith.muli %add3A_343, %mul3A_344 : i32
        %add3A_346 = arith.constant 48 : i32
        %add3A_347 = arith.addi %mul3A_345, %add3A_346 : i32
        %swap3A_348 = arith.index_cast %add3A_347 : i32 to index
        %swap3A_349 = tpu.vector_load %arg8[%swap3A_348] {strides = array<i32>} : memref<4096xf32, #tpu.memory_space<vmem>>, vector<16xf32>,
        tpu.vector_store %arg8[%swap3A_348], %gather3A_309 {strides = array<i32>} : memref<4096xf32, #tpu.memory_space<vmem>>, vector<16xf32>,
        %mul3A_350 = arith.constant 16 : i32
        %mul3A_351 = arith.muli %add3A_49, %mul3A_350 : i32
        %add3A_352 = arith.constant 3 : i32
        %add3A_353 = arith.addi %mul3A_351, %add3A_352 : i32
        %mul3A_354 = arith.constant 128 : i32
        %mul3A_355 = arith.muli %add3A_353, %mul3A_354 : i32
        %add3A_356 = arith.constant 64 : i32
        %add3A_357 = arith.addi %mul3A_355, %add3A_356 : i32
        %swap3A_358 = arith.index_cast %add3A_357 : i32 to index
        %swap3A_359 = tpu.vector_load %arg8[%swap3A_358] {strides = array<i32>} : memref<4096xf32, #tpu.memory_space<vmem>>, vector<16xf32>,
        tpu.vector_store %arg8[%swap3A_358], %gather3A_309 {strides = array<i32>} : memref<4096xf32, #tpu.memory_space<vmem>>, vector<16xf32>,
        %mul3A_360 = arith.constant 16 : i32
        %mul3A_361 = arith.muli %add3A_49, %mul3A_360 : i32
        %add3A_362 = arith.constant 3 : i32
        %add3A_363 = arith.addi %mul3A_361, %add3A_362 : i32
        %mul3A_364 = arith.constant 128 : i32
        %mul3A_365 = arith.muli %add3A_363, %mul3A_364 : i32
        %add3A_366 = arith.constant 80 : i32
        %add3A_367 = arith.addi %mul3A_365, %add3A_366 : i32
        %swap3A_368 = arith.index_cast %add3A_367 : i32 to index
        %swap3A_369 = tpu.vector_load %arg8[%swap3A_368] {strides = array<i32>} : memref<4096xf32, #tpu.memory_space<vmem>>, vector<16xf32>,
        tpu.vector_store %arg8[%swap3A_368], %gather3A_309 {strides = array<i32>} : memref<4096xf32, #tpu.memory_space<vmem>>, vector<16xf32>,
        %mul3A_370 = arith.constant 16 : i32
        %mul3A_371 = arith.muli %add3A_49, %mul3A_370 : i32
        %add3A_372 = arith.constant 3 : i32
        %add3A_373 = arith.addi %mul3A_371, %add3A_372 : i32
        %mul3A_374 = arith.constant 128 : i32
        %mul3A_375 = arith.muli %add3A_373, %mul3A_374 : i32
        %add3A_376 = arith.constant 96 : i32
        %add3A_377 = arith.addi %mul3A_375, %add3A_376 : i32
        %swap3A_378 = arith.index_cast %add3A_377 : i32 to index
        %swap3A_379 = tpu.vector_load %arg8[%swap3A_378] {strides = array<i32>} : memref<4096xf32, #tpu.memory_space<vmem>>, vector<16xf32>,
        tpu.vector_store %arg8[%swap3A_378], %gather3A_309 {strides = array<i32>} : memref<4096xf32, #tpu.memory_space<vmem>>, vector<16xf32>,
        %mul3A_380 = arith.constant 16 : i32
        %mul3A_381 = arith.muli %add3A_49, %mul3A_380 : i32
        %add3A_382 = arith.constant 3 : i32
        %add3A_383 = arith.addi %mul3A_381, %add3A_382 : i32
        %mul3A_384 = arith.constant 128 : i32
        %mul3A_385 = arith.muli %add3A_383, %mul3A_384 : i32
        %add3A_386 = arith.constant 112 : i32
        %add3A_387 = arith.addi %mul3A_385, %add3A_386 : i32
        %swap3A_388 = arith.index_cast %add3A_387 : i32 to index
        %swap3A_389 = tpu.vector_load %arg8[%swap3A_388] {strides = array<i32>} : memref<4096xf32, #tpu.memory_space<vmem>>, vector<16xf32>,
        tpu.vector_store %arg8[%swap3A_388], %gather3A_309 {strides = array<i32>} : memref<4096xf32, #tpu.memory_space<vmem>>, vector<16xf32>,
        %broadcast_in_dim3A_390 = arith.constant 4 : i32
        %broadcast_in_dim3A_391 = vector.broadcast %broadcast_in_dim3A_390 : i32 to vector<16x1xi32>
        %gather3A_392 = vector.shape_cast %broadcast_in_dim3A_391 : vector<16x1xi32> to vector<16xi32>
        %gather3A_393 = tpu.dynamic_gather %get3A_55[%gather3A_392] in [0] : vector<16xf32>, vector<16xi32> -> vector<16xf32>
        %mul3A_394 = arith.constant 16 : i32
        %mul3A_395 = arith.muli %add3A_49, %mul3A_394 : i32
        %add3A_396 = arith.constant 4 : i32
        %add3A_397 = arith.addi %mul3A_395, %add3A_396 : i32
        %mul3A_398 = arith.constant 128 : i32
        %mul3A_399 = arith.muli %add3A_397, %mul3A_398 : i32
        %add3A_400 = arith.constant 0 : i32
        %add3A_401 = arith.addi %mul3A_399, %add3A_400 : i32
        %swap3A_402 = arith.index_cast %add3A_401 : i32 to index
        %swap3A_403 = tpu.vector_load %arg8[%swap3A_402] {strides = array<i32>} : memref<4096xf32, #tpu.memory_space<vmem>>, vector<16xf32>,
        tpu.vector_store %arg8[%swap3A_402], %gather3A_393 {strides = array<i32>} : memref<4096xf32, #tpu.memory_space<vmem>>, vector<16xf32>,
        %mul3A_404 = arith.constant 16 : i32
        %mul3A_405 = arith.muli %add3A_49, %mul3A_404 : i32
        %add3A_406 = arith.constant 4 : i32
        %add3A_407 = arith.addi %mul3A_405, %add3A_406 : i32
        %mul3A_408 = arith.constant 128 : i32
        %mul3A_409 = arith.muli %add3A_407, %mul3A_408 : i32
        %add3A_410 = arith.constant 16 : i32
        %add3A_411 = arith.addi %mul3A_409, %add3A_410 : i32
        %swap3A_412 = arith.index_cast %add3A_411 : i32 to index
        %swap3A_413 = tpu.vector_load %arg8[%swap3A_412] {strides = array<i32>} : memref<4096xf32, #tpu.memory_space<vmem>>, vector<16xf32>,
        tpu.vector_store %arg8[%swap3A_412], %gather3A_393 {strides = array<i32>} : memref<4096xf32, #tpu.memory_space<vmem>>, vector<16xf32>,
        %mul3A_414 = arith.constant 16 : i32
        %mul3A_415 = arith.muli %add3A_49, %mul3A_414 : i32
        %add3A_416 = arith.constant 4 : i32
        %add3A_417 = arith.addi %mul3A_415, %add3A_416 : i32
        %mul3A_418 = arith.constant 128 : i32
        %mul3A_419 = arith.muli %add3A_417, %mul3A_418 : i32
        %add3A_420 = arith.constant 32 : i32
        %add3A_421 = arith.addi %mul3A_419, %add3A_420 : i32
        %swap3A_422 = arith.index_cast %add3A_421 : i32 to index
        %swap3A_423 = tpu.vector_load %arg8[%swap3A_422] {strides = array<i32>} : memref<4096xf32, #tpu.memory_space<vmem>>, vector<16xf32>,
        tpu.vector_store %arg8[%swap3A_422], %gather3A_393 {strides = array<i32>} : memref<4096xf32, #tpu.memory_space<vmem>>, vector<16xf32>,
        %mul3A_424 = arith.constant 16 : i32
        %mul3A_425 = arith.muli %add3A_49, %mul3A_424 : i32
        %add3A_426 = arith.constant 4 : i32
        %add3A_427 = arith.addi %mul3A_425, %add3A_426 : i32
        %mul3A_428 = arith.constant 128 : i32
        %mul3A_429 = arith.muli %add3A_427, %mul3A_428 : i32
        %add3A_430 = arith.constant 48 : i32
        %add3A_431 = arith.addi %mul3A_429, %add3A_430 : i32
        %swap3A_432 = arith.index_cast %add3A_431 : i32 to index
        %swap3A_433 = tpu.vector_load %arg8[%swap3A_432] {strides = array<i32>} : memref<4096xf32, #tpu.memory_space<vmem>>, vector<16xf32>,
        tpu.vector_store %arg8[%swap3A_432], %gather3A_393 {strides = array<i32>} : memref<4096xf32, #tpu.memory_space<vmem>>, vector<16xf32>,
        %mul3A_434 = arith.constant 16 : i32
        %mul3A_435 = arith.muli %add3A_49, %mul3A_434 : i32
        %add3A_436 = arith.constant 4 : i32
        %add3A_437 = arith.addi %mul3A_435, %add3A_436 : i32
        %mul3A_438 = arith.constant 128 : i32
        %mul3A_439 = arith.muli %add3A_437, %mul3A_438 : i32
        %add3A_440 = arith.constant 64 : i32
        %add3A_441 = arith.addi %mul3A_439, %add3A_440 : i32
        %swap3A_442 = arith.index_cast %add3A_441 : i32 to index
        %swap3A_443 = tpu.vector_load %arg8[%swap3A_442] {strides = array<i32>} : memref<4096xf32, #tpu.memory_space<vmem>>, vector<16xf32>,
        tpu.vector_store %arg8[%swap3A_442], %gather3A_393 {strides = array<i32>} : memref<4096xf32, #tpu.memory_space<vmem>>, vector<16xf32>,
        %mul3A_444 = arith.constant 16 : i32
        %mul3A_445 = arith.muli %add3A_49, %mul3A_444 : i32
        %add3A_446 = arith.constant 4 : i32
        %add3A_447 = arith.addi %mul3A_445, %add3A_446 : i32
        %mul3A_448 = arith.constant 128 : i32
        %mul3A_449 = arith.muli %add3A_447, %mul3A_448 : i32
        %add3A_450 = arith.constant 80 : i32
        %add3A_451 = arith.addi %mul3A_449, %add3A_450 : i32
        %swap3A_452 = arith.index_cast %add3A_451 : i32 to index
        %swap3A_453 = tpu.vector_load %arg8[%swap3A_452] {strides = array<i32>} : memref<4096xf32, #tpu.memory_space<vmem>>, vector<16xf32>,
        tpu.vector_store %arg8[%swap3A_452], %gather3A_393 {strides = array<i32>} : memref<4096xf32, #tpu.memory_space<vmem>>, vector<16xf32>,
        %mul3A_454 = arith.constant 16 : i32
        %mul3A_455 = arith.muli %add3A_49, %mul3A_454 : i32
        %add3A_456 = arith.constant 4 : i32
        %add3A_457 = arith.addi %mul3A_455, %add3A_456 : i32
        %mul3A_458 = arith.constant 128 : i32
        %mul3A_459 = arith.muli %add3A_457, %mul3A_458 : i32
        %add3A_460 = arith.constant 96 : i32
        %add3A_461 = arith.addi %mul3A_459, %add3A_460 : i32
        %swap3A_462 = arith.index_cast %add3A_461 : i32 to index
        %swap3A_463 = tpu.vector_load %arg8[%swap3A_462] {strides = array<i32>} : memref<4096xf32, #tpu.memory_space<vmem>>, vector<16xf32>,
        tpu.vector_store %arg8[%swap3A_462], %gather3A_393 {strides = array<i32>} : memref<4096xf32, #tpu.memory_space<vmem>>, vector<16xf32>,
        %mul3A_464 = arith.constant 16 : i32
        %mul3A_465 = arith.muli %add3A_49, %mul3A_464 : i32
        %add3A_466 = arith.constant 4 : i32
        %add3A_467 = arith.addi %mul3A_465, %add3A_466 : i32
        %mul3A_468 = arith.constant 128 : i32
        %mul3A_469 = arith.muli %add3A_467, %mul3A_468 : i32
        %add3A_470 = arith.constant 112 : i32
        %add3A_471 = arith.addi %mul3A_469, %add3A_470 : i32
        %swap3A_472 = arith.index_cast %add3A_471 : i32 to index
        %swap3A_473 = tpu.vector_load %arg8[%swap3A_472] {strides = array<i32>} : memref<4096xf32, #tpu.memory_space<vmem>>, vector<16xf32>,
        tpu.vector_store %arg8[%swap3A_472], %gather3A_393 {strides = array<i32>} : memref<4096xf32, #tpu.memory_space<vmem>>, vector<16xf32>,
        %broadcast_in_dim3A_474 = arith.constant 5 : i32
        %broadcast_in_dim3A_475 = vector.broadcast %broadcast_in_dim3A_474 : i32 to vector<16x1xi32>
        %gather3A_476 = vector.shape_cast %broadcast_in_dim3A_475 : vector<16x1xi32> to vector<16xi32>
        %gather3A_477 = tpu.dynamic_gather %get3A_55[%gather3A_476] in [0] : vector<16xf32>, vector<16xi32> -> vector<16xf32>
        %mul3A_478 = arith.constant 16 : i32
        %mul3A_479 = arith.muli %add3A_49, %mul3A_478 : i32
        %add3A_480 = arith.constant 5 : i32
        %add3A_481 = arith.addi %mul3A_479, %add3A_480 : i32
        %mul3A_482 = arith.constant 128 : i32
        %mul3A_483 = arith.muli %add3A_481, %mul3A_482 : i32
        %add3A_484 = arith.constant 0 : i32
        %add3A_485 = arith.addi %mul3A_483, %add3A_484 : i32
        %swap3A_486 = arith.index_cast %add3A_485 : i32 to index
        %swap3A_487 = tpu.vector_load %arg8[%swap3A_486] {strides = array<i32>} : memref<4096xf32, #tpu.memory_space<vmem>>, vector<16xf32>,
        tpu.vector_store %arg8[%swap3A_486], %gather3A_477 {strides = array<i32>} : memref<4096xf32, #tpu.memory_space<vmem>>, vector<16xf32>,
        %mul3A_488 = arith.constant 16 : i32
        %mul3A_489 = arith.muli %add3A_49, %mul3A_488 : i32
        %add3A_490 = arith.constant 5 : i32
        %add3A_491 = arith.addi %mul3A_489, %add3A_490 : i32
        %mul3A_492 = arith.constant 128 : i32
        %mul3A_493 = arith.muli %add3A_491, %mul3A_492 : i32
        %add3A_494 = arith.constant 16 : i32
        %add3A_495 = arith.addi %mul3A_493, %add3A_494 : i32
        %swap3A_496 = arith.index_cast %add3A_495 : i32 to index
        %swap3A_497 = tpu.vector_load %arg8[%swap3A_496] {strides = array<i32>} : memref<4096xf32, #tpu.memory_space<vmem>>, vector<16xf32>,
        tpu.vector_store %arg8[%swap3A_496], %gather3A_477 {strides = array<i32>} : memref<4096xf32, #tpu.memory_space<vmem>>, vector<16xf32>,
        %mul3A_498 = arith.constant 16 : i32
        %mul3A_499 = arith.muli %add3A_49, %mul3A_498 : i32
        %add3A_500 = arith.constant 5 : i32
        %add3A_501 = arith.addi %mul3A_499, %add3A_500 : i32
        %mul3A_502 = arith.constant 128 : i32
        %mul3A_503 = arith.muli %add3A_501, %mul3A_502 : i32
        %add3A_504 = arith.constant 32 : i32
        %add3A_505 = arith.addi %mul3A_503, %add3A_504 : i32
        %swap3A_506 = arith.index_cast %add3A_505 : i32 to index
        %swap3A_507 = tpu.vector_load %arg8[%swap3A_506] {strides = array<i32>} : memref<4096xf32, #tpu.memory_space<vmem>>, vector<16xf32>,
        tpu.vector_store %arg8[%swap3A_506], %gather3A_477 {strides = array<i32>} : memref<4096xf32, #tpu.memory_space<vmem>>, vector<16xf32>,
        %mul3A_508 = arith.constant 16 : i32
        %mul3A_509 = arith.muli %add3A_49, %mul3A_508 : i32
        %add3A_510 = arith.constant 5 : i32
        %add3A_511 = arith.addi %mul3A_509, %add3A_510 : i32
        %mul3A_512 = arith.constant 128 : i32
        %mul3A_513 = arith.muli %add3A_511, %mul3A_512 : i32
        %add3A_514 = arith.constant 48 : i32
        %add3A_515 = arith.addi %mul3A_513, %add3A_514 : i32
        %swap3A_516 = arith.index_cast %add3A_515 : i32 to index
        %swap3A_517 = tpu.vector_load %arg8[%swap3A_516] {strides = array<i32>} : memref<4096xf32, #tpu.memory_space<vmem>>, vector<16xf32>,
        tpu.vector_store %arg8[%swap3A_516], %gather3A_477 {strides = array<i32>} : memref<4096xf32, #tpu.memory_space<vmem>>, vector<16xf32>,
        %mul3A_518 = arith.constant 16 : i32
        %mul3A_519 = arith.muli %add3A_49, %mul3A_518 : i32
        %add3A_520 = arith.constant 5 : i32
        %add3A_521 = arith.addi %mul3A_519, %add3A_520 : i32
        %mul3A_522 = arith.constant 128 : i32
        %mul3A_523 = arith.muli %add3A_521, %mul3A_522 : i32
        %add3A_524 = arith.constant 64 : i32
        %add3A_525 = arith.addi %mul3A_523, %add3A_524 : i32
        %swap3A_526 = arith.index_cast %add3A_525 : i32 to index
        %swap3A_527 = tpu.vector_load %arg8[%swap3A_526] {strides = array<i32>} : memref<4096xf32, #tpu.memory_space<vmem>>, vector<16xf32>,
        tpu.vector_store %arg8[%swap3A_526], %gather3A_477 {strides = array<i32>} : memref<4096xf32, #tpu.memory_space<vmem>>, vector<16xf32>,
        %mul3A_528 = arith.constant 16 : i32
        %mul3A_529 = arith.muli %add3A_49, %mul3A_528 : i32
        %add3A_530 = arith.constant 5 : i32
        %add3A_531 = arith.addi %mul3A_529, %add3A_530 : i32
        %mul3A_532 = arith.constant 128 : i32
        %mul3A_533 = arith.muli %add3A_531, %mul3A_532 : i32
        %add3A_534 = arith.constant 80 : i32
        %add3A_535 = arith.addi %mul3A_533, %add3A_534 : i32
        %swap3A_536 = arith.index_cast %add3A_535 : i32 to index
        %swap3A_537 = tpu.vector_load %arg8[%swap3A_536] {strides = array<i32>} : memref<4096xf32, #tpu.memory_space<vmem>>, vector<16xf32>,
        tpu.vector_store %arg8[%swap3A_536], %gather3A_477 {strides = array<i32>} : memref<4096xf32, #tpu.memory_space<vmem>>, vector<16xf32>,
        %mul3A_538 = arith.constant 16 : i32
        %mul3A_539 = arith.muli %add3A_49, %mul3A_538 : i32
        %add3A_540 = arith.constant 5 : i32
        %add3A_541 = arith.addi %mul3A_539, %add3A_540 : i32
        %mul3A_542 = arith.constant 128 : i32
        %mul3A_543 = arith.muli %add3A_541, %mul3A_542 : i32
        %add3A_544 = arith.constant 96 : i32
        %add3A_545 = arith.addi %mul3A_543, %add3A_544 : i32
        %swap3A_546 = arith.index_cast %add3A_545 : i32 to index
        %swap3A_547 = tpu.vector_load %arg8[%swap3A_546] {strides = array<i32>} : memref<4096xf32, #tpu.memory_space<vmem>>, vector<16xf32>,
        tpu.vector_store %arg8[%swap3A_546], %gather3A_477 {strides = array<i32>} : memref<4096xf32, #tpu.memory_space<vmem>>, vector<16xf32>,
        %mul3A_548 = arith.constant 16 : i32
        %mul3A_549 = arith.muli %add3A_49, %mul3A_548 : i32
        %add3A_550 = arith.constant 5 : i32
        %add3A_551 = arith.addi %mul3A_549, %add3A_550 : i32
        %mul3A_552 = arith.constant 128 : i32
        %mul3A_553 = arith.muli %add3A_551, %mul3A_552 : i32
        %add3A_554 = arith.constant 112 : i32
        %add3A_555 = arith.addi %mul3A_553, %add3A_554 : i32
        %swap3A_556 = arith.index_cast %add3A_555 : i32 to index
        %swap3A_557 = tpu.vector_load %arg8[%swap3A_556] {strides = array<i32>} : memref<4096xf32, #tpu.memory_space<vmem>>, vector<16xf32>,
        tpu.vector_store %arg8[%swap3A_556], %gather3A_477 {strides = array<i32>} : memref<4096xf32, #tpu.memory_space<vmem>>, vector<16xf32>,
        %broadcast_in_dim3A_558 = arith.constant 6 : i32
        %broadcast_in_dim3A_559 = vector.broadcast %broadcast_in_dim3A_558 : i32 to vector<16x1xi32>
        %gather3A_560 = vector.shape_cast %broadcast_in_dim3A_559 : vector<16x1xi32> to vector<16xi32>
        %gather3A_561 = tpu.dynamic_gather %get3A_55[%gather3A_560] in [0] : vector<16xf32>, vector<16xi32> -> vector<16xf32>
        %mul3A_562 = arith.constant 16 : i32
        %mul3A_563 = arith.muli %add3A_49, %mul3A_562 : i32
        %add3A_564 = arith.constant 6 : i32
        %add3A_565 = arith.addi %mul3A_563, %add3A_564 : i32
        %mul3A_566 = arith.constant 128 : i32
        %mul3A_567 = arith.muli %add3A_565, %mul3A_566 : i32
        %add3A_568 = arith.constant 0 : i32
        %add3A_569 = arith.addi %mul3A_567, %add3A_568 : i32
        %swap3A_570 = arith.index_cast %add3A_569 : i32 to index
        %swap3A_571 = tpu.vector_load %arg8[%swap3A_570] {strides = array<i32>} : memref<4096xf32, #tpu.memory_space<vmem>>, vector<16xf32>,
        tpu.vector_store %arg8[%swap3A_570], %gather3A_561 {strides = array<i32>} : memref<4096xf32, #tpu.memory_space<vmem>>, vector<16xf32>,
        %mul3A_572 = arith.constant 16 : i32
        %mul3A_573 = arith.muli %add3A_49, %mul3A_572 : i32
        %add3A_574 = arith.constant 6 : i32
        %add3A_575 = arith.addi %mul3A_573, %add3A_574 : i32
        %mul3A_576 = arith.constant 128 : i32
        %mul3A_577 = arith.muli %add3A_575, %mul3A_576 : i32
        %add3A_578 = arith.constant 16 : i32
        %add3A_579 = arith.addi %mul3A_577, %add3A_578 : i32
        %swap3A_580 = arith.index_cast %add3A_579 : i32 to index
        %swap3A_581 = tpu.vector_load %arg8[%swap3A_580] {strides = array<i32>} : memref<4096xf32, #tpu.memory_space<vmem>>, vector<16xf32>,
        tpu.vector_store %arg8[%swap3A_580], %gather3A_561 {strides = array<i32>} : memref<4096xf32, #tpu.memory_space<vmem>>, vector<16xf32>,
        %mul3A_582 = arith.constant 16 : i32
        %mul3A_583 = arith.muli %add3A_49, %mul3A_582 : i32
        %add3A_584 = arith.constant 6 : i32
        %add3A_585 = arith.addi %mul3A_583, %add3A_584 : i32
        %mul3A_586 = arith.constant 128 : i32
        %mul3A_587 = arith.muli %add3A_585, %mul3A_586 : i32
        %add3A_588 = arith.constant 32 : i32
        %add3A_589 = arith.addi %mul3A_587, %add3A_588 : i32
        %swap3A_590 = arith.index_cast %add3A_589 : i32 to index
        %swap3A_591 = tpu.vector_load %arg8[%swap3A_590] {strides = array<i32>} : memref<4096xf32, #tpu.memory_space<vmem>>, vector<16xf32>,
        tpu.vector_store %arg8[%swap3A_590], %gather3A_561 {strides = array<i32>} : memref<4096xf32, #tpu.memory_space<vmem>>, vector<16xf32>,
        %mul3A_592 = arith.constant 16 : i32
        %mul3A_593 = arith.muli %add3A_49, %mul3A_592 : i32
        %add3A_594 = arith.constant 6 : i32
        %add3A_595 = arith.addi %mul3A_593, %add3A_594 : i32
        %mul3A_596 = arith.constant 128 : i32
        %mul3A_597 = arith.muli %add3A_595, %mul3A_596 : i32
        %add3A_598 = arith.constant 48 : i32
        %add3A_599 = arith.addi %mul3A_597, %add3A_598 : i32
        %swap3A_600 = arith.index_cast %add3A_599 : i32 to index
        %swap3A_601 = tpu.vector_load %arg8[%swap3A_600] {strides = array<i32>} : memref<4096xf32, #tpu.memory_space<vmem>>, vector<16xf32>,
        tpu.vector_store %arg8[%swap3A_600], %gather3A_561 {strides = array<i32>} : memref<4096xf32, #tpu.memory_space<vmem>>, vector<16xf32>,
        %mul3A_602 = arith.constant 16 : i32
        %mul3A_603 = arith.muli %add3A_49, %mul3A_602 : i32
        %add3A_604 = arith.constant 6 : i32
        %add3A_605 = arith.addi %mul3A_603, %add3A_604 : i32
        %mul3A_606 = arith.constant 128 : i32
        %mul3A_607 = arith.muli %add3A_605, %mul3A_606 : i32
        %add3A_608 = arith.constant 64 : i32
        %add3A_609 = arith.addi %mul3A_607, %add3A_608 : i32
        %swap3A_610 = arith.index_cast %add3A_609 : i32 to index
        %swap3A_611 = tpu.vector_load %arg8[%swap3A_610] {strides = array<i32>} : memref<4096xf32, #tpu.memory_space<vmem>>, vector<16xf32>,
        tpu.vector_store %arg8[%swap3A_610], %gather3A_561 {strides = array<i32>} : memref<4096xf32, #tpu.memory_space<vmem>>, vector<16xf32>,
        %mul3A_612 = arith.constant 16 : i32
        %mul3A_613 = arith.muli %add3A_49, %mul3A_612 : i32
        %add3A_614 = arith.constant 6 : i32
        %add3A_615 = arith.addi %mul3A_613, %add3A_614 : i32
        %mul3A_616 = arith.constant 128 : i32
        %mul3A_617 = arith.muli %add3A_615, %mul3A_616 : i32
        %add3A_618 = arith.constant 80 : i32
        %add3A_619 = arith.addi %mul3A_617, %add3A_618 : i32
        %swap3A_620 = arith.index_cast %add3A_619 : i32 to index
        %swap3A_621 = tpu.vector_load %arg8[%swap3A_620] {strides = array<i32>} : memref<4096xf32, #tpu.memory_space<vmem>>, vector<16xf32>,
        tpu.vector_store %arg8[%swap3A_620], %gather3A_561 {strides = array<i32>} : memref<4096xf32, #tpu.memory_space<vmem>>, vector<16xf32>,
        %mul3A_622 = arith.constant 16 : i32
        %mul3A_623 = arith.muli %add3A_49, %mul3A_622 : i32
        %add3A_624 = arith.constant 6 : i32
        %add3A_625 = arith.addi %mul3A_623, %add3A_624 : i32
        %mul3A_626 = arith.constant 128 : i32
        %mul3A_627 = arith.muli %add3A_625, %mul3A_626 : i32
        %add3A_628 = arith.constant 96 : i32
        %add3A_629 = arith.addi %mul3A_627, %add3A_628 : i32
        %swap3A_630 = arith.index_cast %add3A_629 : i32 to index
        %swap3A_631 = tpu.vector_load %arg8[%swap3A_630] {strides = array<i32>} : memref<4096xf32, #tpu.memory_space<vmem>>, vector<16xf32>,
        tpu.vector_store %arg8[%swap3A_630], %gather3A_561 {strides = array<i32>} : memref<4096xf32, #tpu.memory_space<vmem>>, vector<16xf32>,
        %mul3A_632 = arith.constant 16 : i32
        %mul3A_633 = arith.muli %add3A_49, %mul3A_632 : i32
        %add3A_634 = arith.constant 6 : i32
        %add3A_635 = arith.addi %mul3A_633, %add3A_634 : i32
        %mul3A_636 = arith.constant 128 : i32
        %mul3A_637 = arith.muli %add3A_635, %mul3A_636 : i32
        %add3A_638 = arith.constant 112 : i32
        %add3A_639 = arith.addi %mul3A_637, %add3A_638 : i32
        %swap3A_640 = arith.index_cast %add3A_639 : i32 to index
        %swap3A_641 = tpu.vector_load %arg8[%swap3A_640] {strides = array<i32>} : memref<4096xf32, #tpu.memory_space<vmem>>, vector<16xf32>,
        tpu.vector_store %arg8[%swap3A_640], %gather3A_561 {strides = array<i32>} : memref<4096xf32, #tpu.memory_space<vmem>>, vector<16xf32>,
        %broadcast_in_dim3A_642 = arith.constant 7 : i32
        %broadcast_in_dim3A_643 = vector.broadcast %broadcast_in_dim3A_642 : i32 to vector<16x1xi32>
        %gather3A_644 = vector.shape_cast %broadcast_in_dim3A_643 : vector<16x1xi32> to vector<16xi32>
        %gather3A_645 = tpu.dynamic_gather %get3A_55[%gather3A_644] in [0] : vector<16xf32>, vector<16xi32> -> vector<16xf32>
        %mul3A_646 = arith.constant 16 : i32
        %mul3A_647 = arith.muli %add3A_49, %mul3A_646 : i32
        %add3A_648 = arith.constant 7 : i32
        %add3A_649 = arith.addi %mul3A_647, %add3A_648 : i32
        %mul3A_650 = arith.constant 128 : i32
        %mul3A_651 = arith.muli %add3A_649, %mul3A_650 : i32
        %add3A_652 = arith.constant 0 : i32
        %add3A_653 = arith.addi %mul3A_651, %add3A_652 : i32
        %swap3A_654 = arith.index_cast %add3A_653 : i32 to index
        %swap3A_655 = tpu.vector_load %arg8[%swap3A_654] {strides = array<i32>} : memref<4096xf32, #tpu.memory_space<vmem>>, vector<16xf32>,
        tpu.vector_store %arg8[%swap3A_654], %gather3A_645 {strides = array<i32>} : memref<4096xf32, #tpu.memory_space<vmem>>, vector<16xf32>,
        %mul3A_656 = arith.constant 16 : i32
        %mul3A_657 = arith.muli %add3A_49, %mul3A_656 : i32
        %add3A_658 = arith.constant 7 : i32
        %add3A_659 = arith.addi %mul3A_657, %add3A_658 : i32
        %mul3A_660 = arith.constant 128 : i32
        %mul3A_661 = arith.muli %add3A_659, %mul3A_660 : i32
        %add3A_662 = arith.constant 16 : i32
        %add3A_663 = arith.addi %mul3A_661, %add3A_662 : i32
        %swap3A_664 = arith.index_cast %add3A_663 : i32 to index
        %swap3A_665 = tpu.vector_load %arg8[%swap3A_664] {strides = array<i32>} : memref<4096xf32, #tpu.memory_space<vmem>>, vector<16xf32>,
        tpu.vector_store %arg8[%swap3A_664], %gather3A_645 {strides = array<i32>} : memref<4096xf32, #tpu.memory_space<vmem>>, vector<16xf32>,
        %mul3A_666 = arith.constant 16 : i32
        %mul3A_667 = arith.muli %add3A_49, %mul3A_666 : i32
        %add3A_668 = arith.constant 7 : i32
        %add3A_669 = arith.addi %mul3A_667, %add3A_668 : i32
        %mul3A_670 = arith.constant 128 : i32
        %mul3A_671 = arith.muli %add3A_669, %mul3A_670 : i32
        %add3A_672 = arith.constant 32 : i32
        %add3A_673 = arith.addi %mul3A_671, %add3A_672 : i32
        %swap3A_674 = arith.index_cast %add3A_673 : i32 to index
        %swap3A_675 = tpu.vector_load %arg8[%swap3A_674] {strides = array<i32>} : memref<4096xf32, #tpu.memory_space<vmem>>, vector<16xf32>,
        tpu.vector_store %arg8[%swap3A_674], %gather3A_645 {strides = array<i32>} : memref<4096xf32, #tpu.memory_space<vmem>>, vector<16xf32>,
        %mul3A_676 = arith.constant 16 : i32
        %mul3A_677 = arith.muli %add3A_49, %mul3A_676 : i32
        %add3A_678 = arith.constant 7 : i32
        %add3A_679 = arith.addi %mul3A_677, %add3A_678 : i32
        %mul3A_680 = arith.constant 128 : i32
        %mul3A_681 = arith.muli %add3A_679, %mul3A_680 : i32
        %add3A_682 = arith.constant 48 : i32
        %add3A_683 = arith.addi %mul3A_681, %add3A_682 : i32
        %swap3A_684 = arith.index_cast %add3A_683 : i32 to index
        %swap3A_685 = tpu.vector_load %arg8[%swap3A_684] {strides = array<i32>} : memref<4096xf32, #tpu.memory_space<vmem>>, vector<16xf32>,
        tpu.vector_store %arg8[%swap3A_684], %gather3A_645 {strides = array<i32>} : memref<4096xf32, #tpu.memory_space<vmem>>, vector<16xf32>,
        %mul3A_686 = arith.constant 16 : i32
        %mul3A_687 = arith.muli %add3A_49, %mul3A_686 : i32
        %add3A_688 = arith.constant 7 : i32
        %add3A_689 = arith.addi %mul3A_687, %add3A_688 : i32
        %mul3A_690 = arith.constant 128 : i32
        %mul3A_691 = arith.muli %add3A_689, %mul3A_690 : i32
        %add3A_692 = arith.constant 64 : i32
        %add3A_693 = arith.addi %mul3A_691, %add3A_692 : i32
        %swap3A_694 = arith.index_cast %add3A_693 : i32 to index
        %swap3A_695 = tpu.vector_load %arg8[%swap3A_694] {strides = array<i32>} : memref<4096xf32, #tpu.memory_space<vmem>>, vector<16xf32>,
        tpu.vector_store %arg8[%swap3A_694], %gather3A_645 {strides = array<i32>} : memref<4096xf32, #tpu.memory_space<vmem>>, vector<16xf32>,
        %mul3A_696 = arith.constant 16 : i32
        %mul3A_697 = arith.muli %add3A_49, %mul3A_696 : i32
        %add3A_698 = arith.constant 7 : i32
        %add3A_699 = arith.addi %mul3A_697, %add3A_698 : i32
        %mul3A_700 = arith.constant 128 : i32
        %mul3A_701 = arith.muli %add3A_699, %mul3A_700 : i32
        %add3A_702 = arith.constant 80 : i32
        %add3A_703 = arith.addi %mul3A_701, %add3A_702 : i32
        %swap3A_704 = arith.index_cast %add3A_703 : i32 to index
        %swap3A_705 = tpu.vector_load %arg8[%swap3A_704] {strides = array<i32>} : memref<4096xf32, #tpu.memory_space<vmem>>, vector<16xf32>,
        tpu.vector_store %arg8[%swap3A_704], %gather3A_645 {strides = array<i32>} : memref<4096xf32, #tpu.memory_space<vmem>>, vector<16xf32>,
        %mul3A_706 = arith.constant 16 : i32
        %mul3A_707 = arith.muli %add3A_49, %mul3A_706 : i32
        %add3A_708 = arith.constant 7 : i32
        %add3A_709 = arith.addi %mul3A_707, %add3A_708 : i32
        %mul3A_710 = arith.constant 128 : i32
        %mul3A_711 = arith.muli %add3A_709, %mul3A_710 : i32
        %add3A_712 = arith.constant 96 : i32
        %add3A_713 = arith.addi %mul3A_711, %add3A_712 : i32
        %swap3A_714 = arith.index_cast %add3A_713 : i32 to index
        %swap3A_715 = tpu.vector_load %arg8[%swap3A_714] {strides = array<i32>} : memref<4096xf32, #tpu.memory_space<vmem>>, vector<16xf32>,
        tpu.vector_store %arg8[%swap3A_714], %gather3A_645 {strides = array<i32>} : memref<4096xf32, #tpu.memory_space<vmem>>, vector<16xf32>,
        %mul3A_716 = arith.constant 16 : i32
        %mul3A_717 = arith.muli %add3A_49, %mul3A_716 : i32
        %add3A_718 = arith.constant 7 : i32
        %add3A_719 = arith.addi %mul3A_717, %add3A_718 : i32
        %mul3A_720 = arith.constant 128 : i32
        %mul3A_721 = arith.muli %add3A_719, %mul3A_720 : i32
        %add3A_722 = arith.constant 112 : i32
        %add3A_723 = arith.addi %mul3A_721, %add3A_722 : i32
        %swap3A_724 = arith.index_cast %add3A_723 : i32 to index
        %swap3A_725 = tpu.vector_load %arg8[%swap3A_724] {strides = array<i32>} : memref<4096xf32, #tpu.memory_space<vmem>>, vector<16xf32>,
        tpu.vector_store %arg8[%swap3A_724], %gather3A_645 {strides = array<i32>} : memref<4096xf32, #tpu.memory_space<vmem>>, vector<16xf32>,
        %broadcast_in_dim3A_726 = arith.constant 8 : i32
        %broadcast_in_dim3A_727 = vector.broadcast %broadcast_in_dim3A_726 : i32 to vector<16x1xi32>
        %gather3A_728 = vector.shape_cast %broadcast_in_dim3A_727 : vector<16x1xi32> to vector<16xi32>
        %gather3A_729 = tpu.dynamic_gather %get3A_55[%gather3A_728] in [0] : vector<16xf32>, vector<16xi32> -> vector<16xf32>
        %mul3A_730 = arith.constant 16 : i32
        %mul3A_731 = arith.muli %add3A_49, %mul3A_730 : i32
        %add3A_732 = arith.constant 8 : i32
        %add3A_733 = arith.addi %mul3A_731, %add3A_732 : i32
        %mul3A_734 = arith.constant 128 : i32
        %mul3A_735 = arith.muli %add3A_733, %mul3A_734 : i32
        %add3A_736 = arith.constant 0 : i32
        %add3A_737 = arith.addi %mul3A_735, %add3A_736 : i32
        %swap3A_738 = arith.index_cast %add3A_737 : i32 to index
        %swap3A_739 = tpu.vector_load %arg8[%swap3A_738] {strides = array<i32>} : memref<4096xf32, #tpu.memory_space<vmem>>, vector<16xf32>,
        tpu.vector_store %arg8[%swap3A_738], %gather3A_729 {strides = array<i32>} : memref<4096xf32, #tpu.memory_space<vmem>>, vector<16xf32>,
        %mul3A_740 = arith.constant 16 : i32
        %mul3A_741 = arith.muli %add3A_49, %mul3A_740 : i32
        %add3A_742 = arith.constant 8 : i32
        %add3A_743 = arith.addi %mul3A_741, %add3A_742 : i32
        %mul3A_744 = arith.constant 128 : i32
        %mul3A_745 = arith.muli %add3A_743, %mul3A_744 : i32
        %add3A_746 = arith.constant 16 : i32
        %add3A_747 = arith.addi %mul3A_745, %add3A_746 : i32
        %swap3A_748 = arith.index_cast %add3A_747 : i32 to index
        %swap3A_749 = tpu.vector_load %arg8[%swap3A_748] {strides = array<i32>} : memref<4096xf32, #tpu.memory_space<vmem>>, vector<16xf32>,
        tpu.vector_store %arg8[%swap3A_748], %gather3A_729 {strides = array<i32>} : memref<4096xf32, #tpu.memory_space<vmem>>, vector<16xf32>,
        %mul3A_750 = arith.constant 16 : i32
        %mul3A_751 = arith.muli %add3A_49, %mul3A_750 : i32
        %add3A_752 = arith.constant 8 : i32
        %add3A_753 = arith.addi %mul3A_751, %add3A_752 : i32
        %mul3A_754 = arith.constant 128 : i32
        %mul3A_755 = arith.muli %add3A_753, %mul3A_754 : i32
        %add3A_756 = arith.constant 32 : i32
        %add3A_757 = arith.addi %mul3A_755, %add3A_756 : i32
        %swap3A_758 = arith.index_cast %add3A_757 : i32 to index
        %swap3A_759 = tpu.vector_load %arg8[%swap3A_758] {strides = array<i32>} : memref<4096xf32, #tpu.memory_space<vmem>>, vector<16xf32>,
        tpu.vector_store %arg8[%swap3A_758], %gather3A_729 {strides = array<i32>} : memref<4096xf32, #tpu.memory_space<vmem>>, vector<16xf32>,
        %mul3A_760 = arith.constant 16 : i32
        %mul3A_761 = arith.muli %add3A_49, %mul3A_760 : i32
        %add3A_762 = arith.constant 8 : i32
        %add3A_763 = arith.addi %mul3A_761, %add3A_762 : i32
        %mul3A_764 = arith.constant 128 : i32
        %mul3A_765 = arith.muli %add3A_763, %mul3A_764 : i32
        %add3A_766 = arith.constant 48 : i32
        %add3A_767 = arith.addi %mul3A_765, %add3A_766 : i32
        %swap3A_768 = arith.index_cast %add3A_767 : i32 to index
        %swap3A_769 = tpu.vector_load %arg8[%swap3A_768] {strides = array<i32>} : memref<4096xf32, #tpu.memory_space<vmem>>, vector<16xf32>,
        tpu.vector_store %arg8[%swap3A_768], %gather3A_729 {strides = array<i32>} : memref<4096xf32, #tpu.memory_space<vmem>>, vector<16xf32>,
        %mul3A_770 = arith.constant 16 : i32
        %mul3A_771 = arith.muli %add3A_49, %mul3A_770 : i32
        %add3A_772 = arith.constant 8 : i32
        %add3A_773 = arith.addi %mul3A_771, %add3A_772 : i32
        %mul3A_774 = arith.constant 128 : i32
        %mul3A_775 = arith.muli %add3A_773, %mul3A_774 : i32
        %add3A_776 = arith.constant 64 : i32
        %add3A_777 = arith.addi %mul3A_775, %add3A_776 : i32
        %swap3A_778 = arith.index_cast %add3A_777 : i32 to index
        %swap3A_779 = tpu.vector_load %arg8[%swap3A_778] {strides = array<i32>} : memref<4096xf32, #tpu.memory_space<vmem>>, vector<16xf32>,
        tpu.vector_store %arg8[%swap3A_778], %gather3A_729 {strides = array<i32>} : memref<4096xf32, #tpu.memory_space<vmem>>, vector<16xf32>,
        %mul3A_780 = arith.constant 16 : i32
        %mul3A_781 = arith.muli %add3A_49, %mul3A_780 : i32
        %add3A_782 = arith.constant 8 : i32
        %add3A_783 = arith.addi %mul3A_781, %add3A_782 : i32
        %mul3A_784 = arith.constant 128 : i32
        %mul3A_785 = arith.muli %add3A_783, %mul3A_784 : i32
        %add3A_786 = arith.constant 80 : i32
        %add3A_787 = arith.addi %mul3A_785, %add3A_786 : i32
        %swap3A_788 = arith.index_cast %add3A_787 : i32 to index
        %swap3A_789 = tpu.vector_load %arg8[%swap3A_788] {strides = array<i32>} : memref<4096xf32, #tpu.memory_space<vmem>>, vector<16xf32>,
        tpu.vector_store %arg8[%swap3A_788], %gather3A_729 {strides = array<i32>} : memref<4096xf32, #tpu.memory_space<vmem>>, vector<16xf32>,
        %mul3A_790 = arith.constant 16 : i32
        %mul3A_791 = arith.muli %add3A_49, %mul3A_790 : i32
        %add3A_792 = arith.constant 8 : i32
        %add3A_793 = arith.addi %mul3A_791, %add3A_792 : i32
        %mul3A_794 = arith.constant 128 : i32
        %mul3A_795 = arith.muli %add3A_793, %mul3A_794 : i32
        %add3A_796 = arith.constant 96 : i32
        %add3A_797 = arith.addi %mul3A_795, %add3A_796 : i32
        %swap3A_798 = arith.index_cast %add3A_797 : i32 to index
        %swap3A_799 = tpu.vector_load %arg8[%swap3A_798] {strides = array<i32>} : memref<4096xf32, #tpu.memory_space<vmem>>, vector<16xf32>,
        tpu.vector_store %arg8[%swap3A_798], %gather3A_729 {strides = array<i32>} : memref<4096xf32, #tpu.memory_space<vmem>>, vector<16xf32>,
        %mul3A_800 = arith.constant 16 : i32
        %mul3A_801 = arith.muli %add3A_49, %mul3A_800 : i32
        %add3A_802 = arith.constant 8 : i32
        %add3A_803 = arith.addi %mul3A_801, %add3A_802 : i32
        %mul3A_804 = arith.constant 128 : i32
        %mul3A_805 = arith.muli %add3A_803, %mul3A_804 : i32
        %add3A_806 = arith.constant 112 : i32
        %add3A_807 = arith.addi %mul3A_805, %add3A_806 : i32
        %swap3A_808 = arith.index_cast %add3A_807 : i32 to index
        %swap3A_809 = tpu.vector_load %arg8[%swap3A_808] {strides = array<i32>} : memref<4096xf32, #tpu.memory_space<vmem>>, vector<16xf32>,
        tpu.vector_store %arg8[%swap3A_808], %gather3A_729 {strides = array<i32>} : memref<4096xf32, #tpu.memory_space<vmem>>, vector<16xf32>,
        %broadcast_in_dim3A_810 = arith.constant 9 : i32
        %broadcast_in_dim3A_811 = vector.broadcast %broadcast_in_dim3A_810 : i32 to vector<16x1xi32>
        %gather3A_812 = vector.shape_cast %broadcast_in_dim3A_811 : vector<16x1xi32> to vector<16xi32>
        %gather3A_813 = tpu.dynamic_gather %get3A_55[%gather3A_812] in [0] : vector<16xf32>, vector<16xi32> -> vector<16xf32>
        %mul3A_814 = arith.constant 16 : i32
        %mul3A_815 = arith.muli %add3A_49, %mul3A_814 : i32
        %add3A_816 = arith.constant 9 : i32
        %add3A_817 = arith.addi %mul3A_815, %add3A_816 : i32
        %mul3A_818 = arith.constant 128 : i32
        %mul3A_819 = arith.muli %add3A_817, %mul3A_818 : i32
        %add3A_820 = arith.constant 0 : i32
        %add3A_821 = arith.addi %mul3A_819, %add3A_820 : i32
        %swap3A_822 = arith.index_cast %add3A_821 : i32 to index
        %swap3A_823 = tpu.vector_load %arg8[%swap3A_822] {strides = array<i32>} : memref<4096xf32, #tpu.memory_space<vmem>>, vector<16xf32>,
        tpu.vector_store %arg8[%swap3A_822], %gather3A_813 {strides = array<i32>} : memref<4096xf32, #tpu.memory_space<vmem>>, vector<16xf32>,
        %mul3A_824 = arith.constant 16 : i32
        %mul3A_825 = arith.muli %add3A_49, %mul3A_824 : i32
        %add3A_826 = arith.constant 9 : i32
        %add3A_827 = arith.addi %mul3A_825, %add3A_826 : i32
        %mul3A_828 = arith.constant 128 : i32
        %mul3A_829 = arith.muli %add3A_827, %mul3A_828 : i32
        %add3A_830 = arith.constant 16 : i32
        %add3A_831 = arith.addi %mul3A_829, %add3A_830 : i32
        %swap3A_832 = arith.index_cast %add3A_831 : i32 to index
        %swap3A_833 = tpu.vector_load %arg8[%swap3A_832] {strides = array<i32>} : memref<4096xf32, #tpu.memory_space<vmem>>, vector<16xf32>,
        tpu.vector_store %arg8[%swap3A_832], %gather3A_813 {strides = array<i32>} : memref<4096xf32, #tpu.memory_space<vmem>>, vector<16xf32>,
        %mul3A_834 = arith.constant 16 : i32
        %mul3A_835 = arith.muli %add3A_49, %mul3A_834 : i32
        %add3A_836 = arith.constant 9 : i32
        %add3A_837 = arith.addi %mul3A_835, %add3A_836 : i32
        %mul3A_838 = arith.constant 128 : i32
        %mul3A_839 = arith.muli %add3A_837, %mul3A_838 : i32
        %add3A_840 = arith.constant 32 : i32
        %add3A_841 = arith.addi %mul3A_839, %add3A_840 : i32
        %swap3A_842 = arith.index_cast %add3A_841 : i32 to index
        %swap3A_843 = tpu.vector_load %arg8[%swap3A_842] {strides = array<i32>} : memref<4096xf32, #tpu.memory_space<vmem>>, vector<16xf32>,
        tpu.vector_store %arg8[%swap3A_842], %gather3A_813 {strides = array<i32>} : memref<4096xf32, #tpu.memory_space<vmem>>, vector<16xf32>,
        %mul3A_844 = arith.constant 16 : i32
        %mul3A_845 = arith.muli %add3A_49, %mul3A_844 : i32
        %add3A_846 = arith.constant 9 : i32
        %add3A_847 = arith.addi %mul3A_845, %add3A_846 : i32
        %mul3A_848 = arith.constant 128 : i32
        %mul3A_849 = arith.muli %add3A_847, %mul3A_848 : i32
        %add3A_850 = arith.constant 48 : i32
        %add3A_851 = arith.addi %mul3A_849, %add3A_850 : i32
        %swap3A_852 = arith.index_cast %add3A_851 : i32 to index
        %swap3A_853 = tpu.vector_load %arg8[%swap3A_852] {strides = array<i32>} : memref<4096xf32, #tpu.memory_space<vmem>>, vector<16xf32>,
        tpu.vector_store %arg8[%swap3A_852], %gather3A_813 {strides = array<i32>} : memref<4096xf32, #tpu.memory_space<vmem>>, vector<16xf32>,
        %mul3A_854 = arith.constant 16 : i32
        %mul3A_855 = arith.muli %add3A_49, %mul3A_854 : i32
        %add3A_856 = arith.constant 9 : i32
        %add3A_857 = arith.addi %mul3A_855, %add3A_856 : i32
        %mul3A_858 = arith.constant 128 : i32
        %mul3A_859 = arith.muli %add3A_857, %mul3A_858 : i32
        %add3A_860 = arith.constant 64 : i32
        %add3A_861 = arith.addi %mul3A_859, %add3A_860 : i32
        %swap3A_862 = arith.index_cast %add3A_861 : i32 to index
        %swap3A_863 = tpu.vector_load %arg8[%swap3A_862] {strides = array<i32>} : memref<4096xf32, #tpu.memory_space<vmem>>, vector<16xf32>,
        tpu.vector_store %arg8[%swap3A_862], %gather3A_813 {strides = array<i32>} : memref<4096xf32, #tpu.memory_space<vmem>>, vector<16xf32>,
        %mul3A_864 = arith.constant 16 : i32
        %mul3A_865 = arith.muli %add3A_49, %mul3A_864 : i32
        %add3A_866 = arith.constant 9 : i32
        %add3A_867 = arith.addi %mul3A_865, %add3A_866 : i32
        %mul3A_868 = arith.constant 128 : i32
        %mul3A_869 = arith.muli %add3A_867, %mul3A_868 : i32
        %add3A_870 = arith.constant 80 : i32
        %add3A_871 = arith.addi %mul3A_869, %add3A_870 : i32
        %swap3A_872 = arith.index_cast %add3A_871 : i32 to index
        %swap3A_873 = tpu.vector_load %arg8[%swap3A_872] {strides = array<i32>} : memref<4096xf32, #tpu.memory_space<vmem>>, vector<16xf32>,
        tpu.vector_store %arg8[%swap3A_872], %gather3A_813 {strides = array<i32>} : memref<4096xf32, #tpu.memory_space<vmem>>, vector<16xf32>,
        %mul3A_874 = arith.constant 16 : i32
        %mul3A_875 = arith.muli %add3A_49, %mul3A_874 : i32
        %add3A_876 = arith.constant 9 : i32
        %add3A_877 = arith.addi %mul3A_875, %add3A_876 : i32
        %mul3A_878 = arith.constant 128 : i32
        %mul3A_879 = arith.muli %add3A_877, %mul3A_878 : i32
        %add3A_880 = arith.constant 96 : i32
        %add3A_881 = arith.addi %mul3A_879, %add3A_880 : i32
        %swap3A_882 = arith.index_cast %add3A_881 : i32 to index
        %swap3A_883 = tpu.vector_load %arg8[%swap3A_882] {strides = array<i32>} : memref<4096xf32, #tpu.memory_space<vmem>>, vector<16xf32>,
        tpu.vector_store %arg8[%swap3A_882], %gather3A_813 {strides = array<i32>} : memref<4096xf32, #tpu.memory_space<vmem>>, vector<16xf32>,
        %mul3A_884 = arith.constant 16 : i32
        %mul3A_885 = arith.muli %add3A_49, %mul3A_884 : i32
        %add3A_886 = arith.constant 9 : i32
        %add3A_887 = arith.addi %mul3A_885, %add3A_886 : i32
        %mul3A_888 = arith.constant 128 : i32
        %mul3A_889 = arith.muli %add3A_887, %mul3A_888 : i32
        %add3A_890 = arith.constant 112 : i32
        %add3A_891 = arith.addi %mul3A_889, %add3A_890 : i32
        %swap3A_892 = arith.index_cast %add3A_891 : i32 to index
        %swap3A_893 = tpu.vector_load %arg8[%swap3A_892] {strides = array<i32>} : memref<4096xf32, #tpu.memory_space<vmem>>, vector<16xf32>,
        tpu.vector_store %arg8[%swap3A_892], %gather3A_813 {strides = array<i32>} : memref<4096xf32, #tpu.memory_space<vmem>>, vector<16xf32>,
        %broadcast_in_dim3A_894 = arith.constant 10 : i32
        %broadcast_in_dim3A_895 = vector.broadcast %broadcast_in_dim3A_894 : i32 to vector<16x1xi32>
        %gather3A_896 = vector.shape_cast %broadcast_in_dim3A_895 : vector<16x1xi32> to vector<16xi32>
        %gather3A_897 = tpu.dynamic_gather %get3A_55[%gather3A_896] in [0] : vector<16xf32>, vector<16xi32> -> vector<16xf32>
        %mul3A_898 = arith.constant 16 : i32
        %mul3A_899 = arith.muli %add3A_49, %mul3A_898 : i32
        %add3A_900 = arith.constant 10 : i32
        %add3A_901 = arith.addi %mul3A_899, %add3A_900 : i32
        %mul3A_902 = arith.constant 128 : i32
        %mul3A_903 = arith.muli %add3A_901, %mul3A_902 : i32
        %add3A_904 = arith.constant 0 : i32
        %add3A_905 = arith.addi %mul3A_903, %add3A_904 : i32
        %swap3A_906 = arith.index_cast %add3A_905 : i32 to index
        %swap3A_907 = tpu.vector_load %arg8[%swap3A_906] {strides = array<i32>} : memref<4096xf32, #tpu.memory_space<vmem>>, vector<16xf32>,
        tpu.vector_store %arg8[%swap3A_906], %gather3A_897 {strides = array<i32>} : memref<4096xf32, #tpu.memory_space<vmem>>, vector<16xf32>,
        %mul3A_908 = arith.constant 16 : i32
        %mul3A_909 = arith.muli %add3A_49, %mul3A_908 : i32
        %add3A_910 = arith.constant 10 : i32
        %add3A_911 = arith.addi %mul3A_909, %add3A_910 : i32
        %mul3A_912 = arith.constant 128 : i32
        %mul3A_913 = arith.muli %add3A_911, %mul3A_912 : i32
        %add3A_914 = arith.constant 16 : i32
        %add3A_915 = arith.addi %mul3A_913, %add3A_914 : i32
        %swap3A_916 = arith.index_cast %add3A_915 : i32 to index
        %swap3A_917 = tpu.vector_load %arg8[%swap3A_916] {strides = array<i32>} : memref<4096xf32, #tpu.memory_space<vmem>>, vector<16xf32>,
        tpu.vector_store %arg8[%swap3A_916], %gather3A_897 {strides = array<i32>} : memref<4096xf32, #tpu.memory_space<vmem>>, vector<16xf32>,
        %mul3A_918 = arith.constant 16 : i32
        %mul3A_919 = arith.muli %add3A_49, %mul3A_918 : i32
        %add3A_920 = arith.constant 10 : i32
        %add3A_921 = arith.addi %mul3A_919, %add3A_920 : i32
        %mul3A_922 = arith.constant 128 : i32
        %mul3A_923 = arith.muli %add3A_921, %mul3A_922 : i32
        %add3A_924 = arith.constant 32 : i32
        %add3A_925 = arith.addi %mul3A_923, %add3A_924 : i32
        %swap3A_926 = arith.index_cast %add3A_925 : i32 to index
        %swap3A_927 = tpu.vector_load %arg8[%swap3A_926] {strides = array<i32>} : memref<4096xf32, #tpu.memory_space<vmem>>, vector<16xf32>,
        tpu.vector_store %arg8[%swap3A_926], %gather3A_897 {strides = array<i32>} : memref<4096xf32, #tpu.memory_space<vmem>>, vector<16xf32>,
        %mul3A_928 = arith.constant 16 : i32
        %mul3A_929 = arith.muli %add3A_49, %mul3A_928 : i32
        %add3A_930 = arith.constant 10 : i32
        %add3A_931 = arith.addi %mul3A_929, %add3A_930 : i32
        %mul3A_932 = arith.constant 128 : i32
        %mul3A_933 = arith.muli %add3A_931, %mul3A_932 : i32
        %add3A_934 = arith.constant 48 : i32
        %add3A_935 = arith.addi %mul3A_933, %add3A_934 : i32
        %swap3A_936 = arith.index_cast %add3A_935 : i32 to index
        %swap3A_937 = tpu.vector_load %arg8[%swap3A_936] {strides = array<i32>} : memref<4096xf32, #tpu.memory_space<vmem>>, vector<16xf32>,
        tpu.vector_store %arg8[%swap3A_936], %gather3A_897 {strides = array<i32>} : memref<4096xf32, #tpu.memory_space<vmem>>, vector<16xf32>,
        %mul3A_938 = arith.constant 16 : i32
        %mul3A_939 = arith.muli %add3A_49, %mul3A_938 : i32
        %add3A_940 = arith.constant 10 : i32
        %add3A_941 = arith.addi %mul3A_939, %add3A_940 : i32
        %mul3A_942 = arith.constant 128 : i32
        %mul3A_943 = arith.muli %add3A_941, %mul3A_942 : i32
        %add3A_944 = arith.constant 64 : i32
        %add3A_945 = arith.addi %mul3A_943, %add3A_944 : i32
        %swap3A_946 = arith.index_cast %add3A_945 : i32 to index
        %swap3A_947 = tpu.vector_load %arg8[%swap3A_946] {strides = array<i32>} : memref<4096xf32, #tpu.memory_space<vmem>>, vector<16xf32>,
        tpu.vector_store %arg8[%swap3A_946], %gather3A_897 {strides = array<i32>} : memref<4096xf32, #tpu.memory_space<vmem>>, vector<16xf32>,
        %mul3A_948 = arith.constant 16 : i32
        %mul3A_949 = arith.muli %add3A_49, %mul3A_948 : i32
        %add3A_950 = arith.constant 10 : i32
        %add3A_951 = arith.addi %mul3A_949, %add3A_950 : i32
        %mul3A_952 = arith.constant 128 : i32
        %mul3A_953 = arith.muli %add3A_951, %mul3A_952 : i32
        %add3A_954 = arith.constant 80 : i32
        %add3A_955 = arith.addi %mul3A_953, %add3A_954 : i32
        %swap3A_956 = arith.index_cast %add3A_955 : i32 to index
        %swap3A_957 = tpu.vector_load %arg8[%swap3A_956] {strides = array<i32>} : memref<4096xf32, #tpu.memory_space<vmem>>, vector<16xf32>,
        tpu.vector_store %arg8[%swap3A_956], %gather3A_897 {strides = array<i32>} : memref<4096xf32, #tpu.memory_space<vmem>>, vector<16xf32>,
        %mul3A_958 = arith.constant 16 : i32
        %mul3A_959 = arith.muli %add3A_49, %mul3A_958 : i32
        %add3A_960 = arith.constant 10 : i32
        %add3A_961 = arith.addi %mul3A_959, %add3A_960 : i32
        %mul3A_962 = arith.constant 128 : i32
        %mul3A_963 = arith.muli %add3A_961, %mul3A_962 : i32
        %add3A_964 = arith.constant 96 : i32
        %add3A_965 = arith.addi %mul3A_963, %add3A_964 : i32
        %swap3A_966 = arith.index_cast %add3A_965 : i32 to index
        %swap3A_967 = tpu.vector_load %arg8[%swap3A_966] {strides = array<i32>} : memref<4096xf32, #tpu.memory_space<vmem>>, vector<16xf32>,
        tpu.vector_store %arg8[%swap3A_966], %gather3A_897 {strides = array<i32>} : memref<4096xf32, #tpu.memory_space<vmem>>, vector<16xf32>,
        %mul3A_968 = arith.constant 16 : i32
        %mul3A_969 = arith.muli %add3A_49, %mul3A_968 : i32
        %add3A_970 = arith.constant 10 : i32
        %add3A_971 = arith.addi %mul3A_969, %add3A_970 : i32
        %mul3A_972 = arith.constant 128 : i32
        %mul3A_973 = arith.muli %add3A_971, %mul3A_972 : i32
        %add3A_974 = arith.constant 112 : i32
        %add3A_975 = arith.addi %mul3A_973, %add3A_974 : i32
        %swap3A_976 = arith.index_cast %add3A_975 : i32 to index
        %swap3A_977 = tpu.vector_load %arg8[%swap3A_976] {strides = array<i32>} : memref<4096xf32, #tpu.memory_space<vmem>>, vector<16xf32>,
        tpu.vector_store %arg8[%swap3A_976], %gather3A_897 {strides = array<i32>} : memref<4096xf32, #tpu.memory_space<vmem>>, vector<16xf32>,
        %broadcast_in_dim3A_978 = arith.constant 11 : i32
        %broadcast_in_dim3A_979 = vector.broadcast %broadcast_in_dim3A_978 : i32 to vector<16x1xi32>
        %gather3A_980 = vector.shape_cast %broadcast_in_dim3A_979 : vector<16x1xi32> to vector<16xi32>
        %gather3A_981 = tpu.dynamic_gather %get3A_55[%gather3A_980] in [0] : vector<16xf32>, vector<16xi32> -> vector<16xf32>
        %mul3A_982 = arith.constant 16 : i32
        %mul3A_983 = arith.muli %add3A_49, %mul3A_982 : i32
        %add3A_984 = arith.constant 11 : i32
        %add3A_985 = arith.addi %mul3A_983, %add3A_984 : i32
        %mul3A_986 = arith.constant 128 : i32
        %mul3A_987 = arith.muli %add3A_985, %mul3A_986 : i32
        %add3A_988 = arith.constant 0 : i32
        %add3A_989 = arith.addi %mul3A_987, %add3A_988 : i32
        %swap3A_990 = arith.index_cast %add3A_989 : i32 to index
        %swap3A_991 = tpu.vector_load %arg8[%swap3A_990] {strides = array<i32>} : memref<4096xf32, #tpu.memory_space<vmem>>, vector<16xf32>,
        tpu.vector_store %arg8[%swap3A_990], %gather3A_981 {strides = array<i32>} : memref<4096xf32, #tpu.memory_space<vmem>>, vector<16xf32>,
        %mul3A_992 = arith.constant 16 : i32
        %mul3A_993 = arith.muli %add3A_49, %mul3A_992 : i32
        %add3A_994 = arith.constant 11 : i32
        %add3A_995 = arith.addi %mul3A_993, %add3A_994 : i32
        %mul3A_996 = arith.constant 128 : i32
        %mul3A_997 = arith.muli %add3A_995, %mul3A_996 : i32
        %add3A_998 = arith.constant 16 : i32
        %add3A_999 = arith.addi %mul3A_997, %add3A_998 : i32
        %swap3A_1000 = arith.index_cast %add3A_999 : i32 to index
        %swap3A_1001 = tpu.vector_load %arg8[%swap3A_1000] {strides = array<i32>} : memref<4096xf32, #tpu.memory_space<vmem>>, vector<16xf32>,
        tpu.vector_store %arg8[%swap3A_1000], %gather3A_981 {strides = array<i32>} : memref<4096xf32, #tpu.memory_space<vmem>>, vector<16xf32>,
        %mul3A_1002 = arith.constant 16 : i32
        %mul3A_1003 = arith.muli %add3A_49, %mul3A_1002 : i32
        %add3A_1004 = arith.constant 11 : i32
        %add3A_1005 = arith.addi %mul3A_1003, %add3A_1004 : i32
        %mul3A_1006 = arith.constant 128 : i32
        %mul3A_1007 = arith.muli %add3A_1005, %mul3A_1006 : i32
        %add3A_1008 = arith.constant 32 : i32
        %add3A_1009 = arith.addi %mul3A_1007, %add3A_1008 : i32
        %swap3A_1010 = arith.index_cast %add3A_1009 : i32 to index
        %swap3A_1011 = tpu.vector_load %arg8[%swap3A_1010] {strides = array<i32>} : memref<4096xf32, #tpu.memory_space<vmem>>, vector<16xf32>,
        tpu.vector_store %arg8[%swap3A_1010], %gather3A_981 {strides = array<i32>} : memref<4096xf32, #tpu.memory_space<vmem>>, vector<16xf32>,
        %mul3A_1012 = arith.constant 16 : i32
        %mul3A_1013 = arith.muli %add3A_49, %mul3A_1012 : i32
        %add3A_1014 = arith.constant 11 : i32
        %add3A_1015 = arith.addi %mul3A_1013, %add3A_1014 : i32
        %mul3A_1016 = arith.constant 128 : i32
        %mul3A_1017 = arith.muli %add3A_1015, %mul3A_1016 : i32
        %add3A_1018 = arith.constant 48 : i32
        %add3A_1019 = arith.addi %mul3A_1017, %add3A_1018 : i32
        %swap3A_1020 = arith.index_cast %add3A_1019 : i32 to index
        %swap3A_1021 = tpu.vector_load %arg8[%swap3A_1020] {strides = array<i32>} : memref<4096xf32, #tpu.memory_space<vmem>>, vector<16xf32>,
        tpu.vector_store %arg8[%swap3A_1020], %gather3A_981 {strides = array<i32>} : memref<4096xf32, #tpu.memory_space<vmem>>, vector<16xf32>,
        %mul3A_1022 = arith.constant 16 : i32
        %mul3A_1023 = arith.muli %add3A_49, %mul3A_1022 : i32
        %add3A_1024 = arith.constant 11 : i32
        %add3A_1025 = arith.addi %mul3A_1023, %add3A_1024 : i32
        %mul3A_1026 = arith.constant 128 : i32
        %mul3A_1027 = arith.muli %add3A_1025, %mul3A_1026 : i32
        %add3A_1028 = arith.constant 64 : i32
        %add3A_1029 = arith.addi %mul3A_1027, %add3A_1028 : i32
        %swap3A_1030 = arith.index_cast %add3A_1029 : i32 to index
        %swap3A_1031 = tpu.vector_load %arg8[%swap3A_1030] {strides = array<i32>} : memref<4096xf32, #tpu.memory_space<vmem>>, vector<16xf32>,
        tpu.vector_store %arg8[%swap3A_1030], %gather3A_981 {strides = array<i32>} : memref<4096xf32, #tpu.memory_space<vmem>>, vector<16xf32>,
        %mul3A_1032 = arith.constant 16 : i32
        %mul3A_1033 = arith.muli %add3A_49, %mul3A_1032 : i32
        %add3A_1034 = arith.constant 11 : i32
        %add3A_1035 = arith.addi %mul3A_1033, %add3A_1034 : i32
        %mul3A_1036 = arith.constant 128 : i32
        %mul3A_1037 = arith.muli %add3A_1035, %mul3A_1036 : i32
        %add3A_1038 = arith.constant 80 : i32
        %add3A_1039 = arith.addi %mul3A_1037, %add3A_1038 : i32
        %swap3A_1040 = arith.index_cast %add3A_1039 : i32 to index
        %swap3A_1041 = tpu.vector_load %arg8[%swap3A_1040] {strides = array<i32>} : memref<4096xf32, #tpu.memory_space<vmem>>, vector<16xf32>,
        tpu.vector_store %arg8[%swap3A_1040], %gather3A_981 {strides = array<i32>} : memref<4096xf32, #tpu.memory_space<vmem>>, vector<16xf32>,
        %mul3A_1042 = arith.constant 16 : i32
        %mul3A_1043 = arith.muli %add3A_49, %mul3A_1042 : i32
        %add3A_1044 = arith.constant 11 : i32
        %add3A_1045 = arith.addi %mul3A_1043, %add3A_1044 : i32
        %mul3A_1046 = arith.constant 128 : i32
        %mul3A_1047 = arith.muli %add3A_1045, %mul3A_1046 : i32
        %add3A_1048 = arith.constant 96 : i32
        %add3A_1049 = arith.addi %mul3A_1047, %add3A_1048 : i32
        %swap3A_1050 = arith.index_cast %add3A_1049 : i32 to index
        %swap3A_1051 = tpu.vector_load %arg8[%swap3A_1050] {strides = array<i32>} : memref<4096xf32, #tpu.memory_space<vmem>>, vector<16xf32>,
        tpu.vector_store %arg8[%swap3A_1050], %gather3A_981 {strides = array<i32>} : memref<4096xf32, #tpu.memory_space<vmem>>, vector<16xf32>,
        %mul3A_1052 = arith.constant 16 : i32
        %mul3A_1053 = arith.muli %add3A_49, %mul3A_1052 : i32
        %add3A_1054 = arith.constant 11 : i32
        %add3A_1055 = arith.addi %mul3A_1053, %add3A_1054 : i32
        %mul3A_1056 = arith.constant 128 : i32
        %mul3A_1057 = arith.muli %add3A_1055, %mul3A_1056 : i32
        %add3A_1058 = arith.constant 112 : i32
        %add3A_1059 = arith.addi %mul3A_1057, %add3A_1058 : i32
        %swap3A_1060 = arith.index_cast %add3A_1059 : i32 to index
        %swap3A_1061 = tpu.vector_load %arg8[%swap3A_1060] {strides = array<i32>} : memref<4096xf32, #tpu.memory_space<vmem>>, vector<16xf32>,
        tpu.vector_store %arg8[%swap3A_1060], %gather3A_981 {strides = array<i32>} : memref<4096xf32, #tpu.memory_space<vmem>>, vector<16xf32>,
        %broadcast_in_dim3A_1062 = arith.constant 12 : i32
        %broadcast_in_dim3A_1063 = vector.broadcast %broadcast_in_dim3A_1062 : i32 to vector<16x1xi32>
        %gather3A_1064 = vector.shape_cast %broadcast_in_dim3A_1063 : vector<16x1xi32> to vector<16xi32>
        %gather3A_1065 = tpu.dynamic_gather %get3A_55[%gather3A_1064] in [0] : vector<16xf32>, vector<16xi32> -> vector<16xf32>
        %mul3A_1066 = arith.constant 16 : i32
        %mul3A_1067 = arith.muli %add3A_49, %mul3A_1066 : i32
        %add3A_1068 = arith.constant 12 : i32
        %add3A_1069 = arith.addi %mul3A_1067, %add3A_1068 : i32
        %mul3A_1070 = arith.constant 128 : i32
        %mul3A_1071 = arith.muli %add3A_1069, %mul3A_1070 : i32
        %add3A_1072 = arith.constant 0 : i32
        %add3A_1073 = arith.addi %mul3A_1071, %add3A_1072 : i32
        %swap3A_1074 = arith.index_cast %add3A_1073 : i32 to index
        %swap3A_1075 = tpu.vector_load %arg8[%swap3A_1074] {strides = array<i32>} : memref<4096xf32, #tpu.memory_space<vmem>>, vector<16xf32>,
        tpu.vector_store %arg8[%swap3A_1074], %gather3A_1065 {strides = array<i32>} : memref<4096xf32, #tpu.memory_space<vmem>>, vector<16xf32>,
        %mul3A_1076 = arith.constant 16 : i32
        %mul3A_1077 = arith.muli %add3A_49, %mul3A_1076 : i32
        %add3A_1078 = arith.constant 12 : i32
        %add3A_1079 = arith.addi %mul3A_1077, %add3A_1078 : i32
        %mul3A_1080 = arith.constant 128 : i32
        %mul3A_1081 = arith.muli %add3A_1079, %mul3A_1080 : i32
        %add3A_1082 = arith.constant 16 : i32
        %add3A_1083 = arith.addi %mul3A_1081, %add3A_1082 : i32
        %swap3A_1084 = arith.index_cast %add3A_1083 : i32 to index
        %swap3A_1085 = tpu.vector_load %arg8[%swap3A_1084] {strides = array<i32>} : memref<4096xf32, #tpu.memory_space<vmem>>, vector<16xf32>,
        tpu.vector_store %arg8[%swap3A_1084], %gather3A_1065 {strides = array<i32>} : memref<4096xf32, #tpu.memory_space<vmem>>, vector<16xf32>,
        %mul3A_1086 = arith.constant 16 : i32
        %mul3A_1087 = arith.muli %add3A_49, %mul3A_1086 : i32
        %add3A_1088 = arith.constant 12 : i32
        %add3A_1089 = arith.addi %mul3A_1087, %add3A_1088 : i32
        %mul3A_1090 = arith.constant 128 : i32
        %mul3A_1091 = arith.muli %add3A_1089, %mul3A_1090 : i32
        %add3A_1092 = arith.constant 32 : i32
        %add3A_1093 = arith.addi %mul3A_1091, %add3A_1092 : i32
        %swap3A_1094 = arith.index_cast %add3A_1093 : i32 to index
        %swap3A_1095 = tpu.vector_load %arg8[%swap3A_1094] {strides = array<i32>} : memref<4096xf32, #tpu.memory_space<vmem>>, vector<16xf32>,
        tpu.vector_store %arg8[%swap3A_1094], %gather3A_1065 {strides = array<i32>} : memref<4096xf32, #tpu.memory_space<vmem>>, vector<16xf32>,
        %mul3A_1096 = arith.constant 16 : i32
        %mul3A_1097 = arith.muli %add3A_49, %mul3A_1096 : i32
        %add3A_1098 = arith.constant 12 : i32
        %add3A_1099 = arith.addi %mul3A_1097, %add3A_1098 : i32
        %mul3A_1100 = arith.constant 128 : i32
        %mul3A_1101 = arith.muli %add3A_1099, %mul3A_1100 : i32
        %add3A_1102 = arith.constant 48 : i32
        %add3A_1103 = arith.addi %mul3A_1101, %add3A_1102 : i32
        %swap3A_1104 = arith.index_cast %add3A_1103 : i32 to index
        %swap3A_1105 = tpu.vector_load %arg8[%swap3A_1104] {strides = array<i32>} : memref<4096xf32, #tpu.memory_space<vmem>>, vector<16xf32>,
        tpu.vector_store %arg8[%swap3A_1104], %gather3A_1065 {strides = array<i32>} : memref<4096xf32, #tpu.memory_space<vmem>>, vector<16xf32>,
        %mul3A_1106 = arith.constant 16 : i32
        %mul3A_1107 = arith.muli %add3A_49, %mul3A_1106 : i32
        %add3A_1108 = arith.constant 12 : i32
        %add3A_1109 = arith.addi %mul3A_1107, %add3A_1108 : i32
        %mul3A_1110 = arith.constant 128 : i32
        %mul3A_1111 = arith.muli %add3A_1109, %mul3A_1110 : i32
        %add3A_1112 = arith.constant 64 : i32
        %add3A_1113 = arith.addi %mul3A_1111, %add3A_1112 : i32
        %swap3A_1114 = arith.index_cast %add3A_1113 : i32 to index
        %swap3A_1115 = tpu.vector_load %arg8[%swap3A_1114] {strides = array<i32>} : memref<4096xf32, #tpu.memory_space<vmem>>, vector<16xf32>,
        tpu.vector_store %arg8[%swap3A_1114], %gather3A_1065 {strides = array<i32>} : memref<4096xf32, #tpu.memory_space<vmem>>, vector<16xf32>,
        %mul3A_1116 = arith.constant 16 : i32
        %mul3A_1117 = arith.muli %add3A_49, %mul3A_1116 : i32
        %add3A_1118 = arith.constant 12 : i32
        %add3A_1119 = arith.addi %mul3A_1117, %add3A_1118 : i32
        %mul3A_1120 = arith.constant 128 : i32
        %mul3A_1121 = arith.muli %add3A_1119, %mul3A_1120 : i32
        %add3A_1122 = arith.constant 80 : i32
        %add3A_1123 = arith.addi %mul3A_1121, %add3A_1122 : i32
        %swap3A_1124 = arith.index_cast %add3A_1123 : i32 to index
        %swap3A_1125 = tpu.vector_load %arg8[%swap3A_1124] {strides = array<i32>} : memref<4096xf32, #tpu.memory_space<vmem>>, vector<16xf32>,
        tpu.vector_store %arg8[%swap3A_1124], %gather3A_1065 {strides = array<i32>} : memref<4096xf32, #tpu.memory_space<vmem>>, vector<16xf32>,
        %mul3A_1126 = arith.constant 16 : i32
        %mul3A_1127 = arith.muli %add3A_49, %mul3A_1126 : i32
        %add3A_1128 = arith.constant 12 : i32
        %add3A_1129 = arith.addi %mul3A_1127, %add3A_1128 : i32
        %mul3A_1130 = arith.constant 128 : i32
        %mul3A_1131 = arith.muli %add3A_1129, %mul3A_1130 : i32
        %add3A_1132 = arith.constant 96 : i32
        %add3A_1133 = arith.addi %mul3A_1131, %add3A_1132 : i32
        %swap3A_1134 = arith.index_cast %add3A_1133 : i32 to index
        %swap3A_1135 = tpu.vector_load %arg8[%swap3A_1134] {strides = array<i32>} : memref<4096xf32, #tpu.memory_space<vmem>>, vector<16xf32>,
        tpu.vector_store %arg8[%swap3A_1134], %gather3A_1065 {strides = array<i32>} : memref<4096xf32, #tpu.memory_space<vmem>>, vector<16xf32>,
        %mul3A_1136 = arith.constant 16 : i32
        %mul3A_1137 = arith.muli %add3A_49, %mul3A_1136 : i32
        %add3A_1138 = arith.constant 12 : i32
        %add3A_1139 = arith.addi %mul3A_1137, %add3A_1138 : i32
        %mul3A_1140 = arith.constant 128 : i32
        %mul3A_1141 = arith.muli %add3A_1139, %mul3A_1140 : i32
        %add3A_1142 = arith.constant 112 : i32
        %add3A_1143 = arith.addi %mul3A_1141, %add3A_1142 : i32
        %swap3A_1144 = arith.index_cast %add3A_1143 : i32 to index
        %swap3A_1145 = tpu.vector_load %arg8[%swap3A_1144] {strides = array<i32>} : memref<4096xf32, #tpu.memory_space<vmem>>, vector<16xf32>,
        tpu.vector_store %arg8[%swap3A_1144], %gather3A_1065 {strides = array<i32>} : memref<4096xf32, #tpu.memory_space<vmem>>, vector<16xf32>,
        %broadcast_in_dim3A_1146 = arith.constant 13 : i32
        %broadcast_in_dim3A_1147 = vector.broadcast %broadcast_in_dim3A_1146 : i32 to vector<16x1xi32>
        %gather3A_1148 = vector.shape_cast %broadcast_in_dim3A_1147 : vector<16x1xi32> to vector<16xi32>
        %gather3A_1149 = tpu.dynamic_gather %get3A_55[%gather3A_1148] in [0] : vector<16xf32>, vector<16xi32> -> vector<16xf32>
        %mul3A_1150 = arith.constant 16 : i32
        %mul3A_1151 = arith.muli %add3A_49, %mul3A_1150 : i32
        %add3A_1152 = arith.constant 13 : i32
        %add3A_1153 = arith.addi %mul3A_1151, %add3A_1152 : i32
        %mul3A_1154 = arith.constant 128 : i32
        %mul3A_1155 = arith.muli %add3A_1153, %mul3A_1154 : i32
        %add3A_1156 = arith.constant 0 : i32
        %add3A_1157 = arith.addi %mul3A_1155, %add3A_1156 : i32
        %swap3A_1158 = arith.index_cast %add3A_1157 : i32 to index
        %swap3A_1159 = tpu.vector_load %arg8[%swap3A_1158] {strides = array<i32>} : memref<4096xf32, #tpu.memory_space<vmem>>, vector<16xf32>,
        tpu.vector_store %arg8[%swap3A_1158], %gather3A_1149 {strides = array<i32>} : memref<4096xf32, #tpu.memory_space<vmem>>, vector<16xf32>,
        %mul3A_1160 = arith.constant 16 : i32
        %mul3A_1161 = arith.muli %add3A_49, %mul3A_1160 : i32
        %add3A_1162 = arith.constant 13 : i32
        %add3A_1163 = arith.addi %mul3A_1161, %add3A_1162 : i32
        %mul3A_1164 = arith.constant 128 : i32
        %mul3A_1165 = arith.muli %add3A_1163, %mul3A_1164 : i32
        %add3A_1166 = arith.constant 16 : i32
        %add3A_1167 = arith.addi %mul3A_1165, %add3A_1166 : i32
        %swap3A_1168 = arith.index_cast %add3A_1167 : i32 to index
        %swap3A_1169 = tpu.vector_load %arg8[%swap3A_1168] {strides = array<i32>} : memref<4096xf32, #tpu.memory_space<vmem>>, vector<16xf32>,
        tpu.vector_store %arg8[%swap3A_1168], %gather3A_1149 {strides = array<i32>} : memref<4096xf32, #tpu.memory_space<vmem>>, vector<16xf32>,
        %mul3A_1170 = arith.constant 16 : i32
        %mul3A_1171 = arith.muli %add3A_49, %mul3A_1170 : i32
        %add3A_1172 = arith.constant 13 : i32
        %add3A_1173 = arith.addi %mul3A_1171, %add3A_1172 : i32
        %mul3A_1174 = arith.constant 128 : i32
        %mul3A_1175 = arith.muli %add3A_1173, %mul3A_1174 : i32
        %add3A_1176 = arith.constant 32 : i32
        %add3A_1177 = arith.addi %mul3A_1175, %add3A_1176 : i32
        %swap3A_1178 = arith.index_cast %add3A_1177 : i32 to index
        %swap3A_1179 = tpu.vector_load %arg8[%swap3A_1178] {strides = array<i32>} : memref<4096xf32, #tpu.memory_space<vmem>>, vector<16xf32>,
        tpu.vector_store %arg8[%swap3A_1178], %gather3A_1149 {strides = array<i32>} : memref<4096xf32, #tpu.memory_space<vmem>>, vector<16xf32>,
        %mul3A_1180 = arith.constant 16 : i32
        %mul3A_1181 = arith.muli %add3A_49, %mul3A_1180 : i32
        %add3A_1182 = arith.constant 13 : i32
        %add3A_1183 = arith.addi %mul3A_1181, %add3A_1182 : i32
        %mul3A_1184 = arith.constant 128 : i32
        %mul3A_1185 = arith.muli %add3A_1183, %mul3A_1184 : i32
        %add3A_1186 = arith.constant 48 : i32
        %add3A_1187 = arith.addi %mul3A_1185, %add3A_1186 : i32
        %swap3A_1188 = arith.index_cast %add3A_1187 : i32 to index
        %swap3A_1189 = tpu.vector_load %arg8[%swap3A_1188] {strides = array<i32>} : memref<4096xf32, #tpu.memory_space<vmem>>, vector<16xf32>,
        tpu.vector_store %arg8[%swap3A_1188], %gather3A_1149 {strides = array<i32>} : memref<4096xf32, #tpu.memory_space<vmem>>, vector<16xf32>,
        %mul3A_1190 = arith.constant 16 : i32
        %mul3A_1191 = arith.muli %add3A_49, %mul3A_1190 : i32
        %add3A_1192 = arith.constant 13 : i32
        %add3A_1193 = arith.addi %mul3A_1191, %add3A_1192 : i32
        %mul3A_1194 = arith.constant 128 : i32
        %mul3A_1195 = arith.muli %add3A_1193, %mul3A_1194 : i32
        %add3A_1196 = arith.constant 64 : i32
        %add3A_1197 = arith.addi %mul3A_1195, %add3A_1196 : i32
        %swap3A_1198 = arith.index_cast %add3A_1197 : i32 to index
        %swap3A_1199 = tpu.vector_load %arg8[%swap3A_1198] {strides = array<i32>} : memref<4096xf32, #tpu.memory_space<vmem>>, vector<16xf32>,
        tpu.vector_store %arg8[%swap3A_1198], %gather3A_1149 {strides = array<i32>} : memref<4096xf32, #tpu.memory_space<vmem>>, vector<16xf32>,
        %mul3A_1200 = arith.constant 16 : i32
        %mul3A_1201 = arith.muli %add3A_49, %mul3A_1200 : i32
        %add3A_1202 = arith.constant 13 : i32
        %add3A_1203 = arith.addi %mul3A_1201, %add3A_1202 : i32
        %mul3A_1204 = arith.constant 128 : i32
        %mul3A_1205 = arith.muli %add3A_1203, %mul3A_1204 : i32
        %add3A_1206 = arith.constant 80 : i32
        %add3A_1207 = arith.addi %mul3A_1205, %add3A_1206 : i32
        %swap3A_1208 = arith.index_cast %add3A_1207 : i32 to index
        %swap3A_1209 = tpu.vector_load %arg8[%swap3A_1208] {strides = array<i32>} : memref<4096xf32, #tpu.memory_space<vmem>>, vector<16xf32>,
        tpu.vector_store %arg8[%swap3A_1208], %gather3A_1149 {strides = array<i32>} : memref<4096xf32, #tpu.memory_space<vmem>>, vector<16xf32>,
        %mul3A_1210 = arith.constant 16 : i32
        %mul3A_1211 = arith.muli %add3A_49, %mul3A_1210 : i32
        %add3A_1212 = arith.constant 13 : i32
        %add3A_1213 = arith.addi %mul3A_1211, %add3A_1212 : i32
        %mul3A_1214 = arith.constant 128 : i32
        %mul3A_1215 = arith.muli %add3A_1213, %mul3A_1214 : i32
        %add3A_1216 = arith.constant 96 : i32
        %add3A_1217 = arith.addi %mul3A_1215, %add3A_1216 : i32
        %swap3A_1218 = arith.index_cast %add3A_1217 : i32 to index
        %swap3A_1219 = tpu.vector_load %arg8[%swap3A_1218] {strides = array<i32>} : memref<4096xf32, #tpu.memory_space<vmem>>, vector<16xf32>,
        tpu.vector_store %arg8[%swap3A_1218], %gather3A_1149 {strides = array<i32>} : memref<4096xf32, #tpu.memory_space<vmem>>, vector<16xf32>,
        %mul3A_1220 = arith.constant 16 : i32
        %mul3A_1221 = arith.muli %add3A_49, %mul3A_1220 : i32
        %add3A_1222 = arith.constant 13 : i32
        %add3A_1223 = arith.addi %mul3A_1221, %add3A_1222 : i32
        %mul3A_1224 = arith.constant 128 : i32
        %mul3A_1225 = arith.muli %add3A_1223, %mul3A_1224 : i32
        %add3A_1226 = arith.constant 112 : i32
        %add3A_1227 = arith.addi %mul3A_1225, %add3A_1226 : i32
        %swap3A_1228 = arith.index_cast %add3A_1227 : i32 to index
        %swap3A_1229 = tpu.vector_load %arg8[%swap3A_1228] {strides = array<i32>} : memref<4096xf32, #tpu.memory_space<vmem>>, vector<16xf32>,
        tpu.vector_store %arg8[%swap3A_1228], %gather3A_1149 {strides = array<i32>} : memref<4096xf32, #tpu.memory_space<vmem>>, vector<16xf32>,
        %broadcast_in_dim3A_1230 = arith.constant 14 : i32
        %broadcast_in_dim3A_1231 = vector.broadcast %broadcast_in_dim3A_1230 : i32 to vector<16x1xi32>
        %gather3A_1232 = vector.shape_cast %broadcast_in_dim3A_1231 : vector<16x1xi32> to vector<16xi32>
        %gather3A_1233 = tpu.dynamic_gather %get3A_55[%gather3A_1232] in [0] : vector<16xf32>, vector<16xi32> -> vector<16xf32>
        %mul3A_1234 = arith.constant 16 : i32
        %mul3A_1235 = arith.muli %add3A_49, %mul3A_1234 : i32
        %add3A_1236 = arith.constant 14 : i32
        %add3A_1237 = arith.addi %mul3A_1235, %add3A_1236 : i32
        %mul3A_1238 = arith.constant 128 : i32
        %mul3A_1239 = arith.muli %add3A_1237, %mul3A_1238 : i32
        %add3A_1240 = arith.constant 0 : i32
        %add3A_1241 = arith.addi %mul3A_1239, %add3A_1240 : i32
        %swap3A_1242 = arith.index_cast %add3A_1241 : i32 to index
        %swap3A_1243 = tpu.vector_load %arg8[%swap3A_1242] {strides = array<i32>} : memref<4096xf32, #tpu.memory_space<vmem>>, vector<16xf32>,
        tpu.vector_store %arg8[%swap3A_1242], %gather3A_1233 {strides = array<i32>} : memref<4096xf32, #tpu.memory_space<vmem>>, vector<16xf32>,
        %mul3A_1244 = arith.constant 16 : i32
        %mul3A_1245 = arith.muli %add3A_49, %mul3A_1244 : i32
        %add3A_1246 = arith.constant 14 : i32
        %add3A_1247 = arith.addi %mul3A_1245, %add3A_1246 : i32
        %mul3A_1248 = arith.constant 128 : i32
        %mul3A_1249 = arith.muli %add3A_1247, %mul3A_1248 : i32
        %add3A_1250 = arith.constant 16 : i32
        %add3A_1251 = arith.addi %mul3A_1249, %add3A_1250 : i32
        %swap3A_1252 = arith.index_cast %add3A_1251 : i32 to index
        %swap3A_1253 = tpu.vector_load %arg8[%swap3A_1252] {strides = array<i32>} : memref<4096xf32, #tpu.memory_space<vmem>>, vector<16xf32>,
        tpu.vector_store %arg8[%swap3A_1252], %gather3A_1233 {strides = array<i32>} : memref<4096xf32, #tpu.memory_space<vmem>>, vector<16xf32>,
        %mul3A_1254 = arith.constant 16 : i32
        %mul3A_1255 = arith.muli %add3A_49, %mul3A_1254 : i32
        %add3A_1256 = arith.constant 14 : i32
        %add3A_1257 = arith.addi %mul3A_1255, %add3A_1256 : i32
        %mul3A_1258 = arith.constant 128 : i32
        %mul3A_1259 = arith.muli %add3A_1257, %mul3A_1258 : i32
        %add3A_1260 = arith.constant 32 : i32
        %add3A_1261 = arith.addi %mul3A_1259, %add3A_1260 : i32
        %swap3A_1262 = arith.index_cast %add3A_1261 : i32 to index
        %swap3A_1263 = tpu.vector_load %arg8[%swap3A_1262] {strides = array<i32>} : memref<4096xf32, #tpu.memory_space<vmem>>, vector<16xf32>,
        tpu.vector_store %arg8[%swap3A_1262], %gather3A_1233 {strides = array<i32>} : memref<4096xf32, #tpu.memory_space<vmem>>, vector<16xf32>,
        %mul3A_1264 = arith.constant 16 : i32
        %mul3A_1265 = arith.muli %add3A_49, %mul3A_1264 : i32
        %add3A_1266 = arith.constant 14 : i32
        %add3A_1267 = arith.addi %mul3A_1265, %add3A_1266 : i32
        %mul3A_1268 = arith.constant 128 : i32
        %mul3A_1269 = arith.muli %add3A_1267, %mul3A_1268 : i32
        %add3A_1270 = arith.constant 48 : i32
        %add3A_1271 = arith.addi %mul3A_1269, %add3A_1270 : i32
        %swap3A_1272 = arith.index_cast %add3A_1271 : i32 to index
        %swap3A_1273 = tpu.vector_load %arg8[%swap3A_1272] {strides = array<i32>} : memref<4096xf32, #tpu.memory_space<vmem>>, vector<16xf32>,
        tpu.vector_store %arg8[%swap3A_1272], %gather3A_1233 {strides = array<i32>} : memref<4096xf32, #tpu.memory_space<vmem>>, vector<16xf32>,
        %mul3A_1274 = arith.constant 16 : i32
        %mul3A_1275 = arith.muli %add3A_49, %mul3A_1274 : i32
        %add3A_1276 = arith.constant 14 : i32
        %add3A_1277 = arith.addi %mul3A_1275, %add3A_1276 : i32
        %mul3A_1278 = arith.constant 128 : i32
        %mul3A_1279 = arith.muli %add3A_1277, %mul3A_1278 : i32
        %add3A_1280 = arith.constant 64 : i32
        %add3A_1281 = arith.addi %mul3A_1279, %add3A_1280 : i32
        %swap3A_1282 = arith.index_cast %add3A_1281 : i32 to index
        %swap3A_1283 = tpu.vector_load %arg8[%swap3A_1282] {strides = array<i32>} : memref<4096xf32, #tpu.memory_space<vmem>>, vector<16xf32>,
        tpu.vector_store %arg8[%swap3A_1282], %gather3A_1233 {strides = array<i32>} : memref<4096xf32, #tpu.memory_space<vmem>>, vector<16xf32>,
        %mul3A_1284 = arith.constant 16 : i32
        %mul3A_1285 = arith.muli %add3A_49, %mul3A_1284 : i32
        %add3A_1286 = arith.constant 14 : i32
        %add3A_1287 = arith.addi %mul3A_1285, %add3A_1286 : i32
        %mul3A_1288 = arith.constant 128 : i32
        %mul3A_1289 = arith.muli %add3A_1287, %mul3A_1288 : i32
        %add3A_1290 = arith.constant 80 : i32
        %add3A_1291 = arith.addi %mul3A_1289, %add3A_1290 : i32
        %swap3A_1292 = arith.index_cast %add3A_1291 : i32 to index
        %swap3A_1293 = tpu.vector_load %arg8[%swap3A_1292] {strides = array<i32>} : memref<4096xf32, #tpu.memory_space<vmem>>, vector<16xf32>,
        tpu.vector_store %arg8[%swap3A_1292], %gather3A_1233 {strides = array<i32>} : memref<4096xf32, #tpu.memory_space<vmem>>, vector<16xf32>,
        %mul3A_1294 = arith.constant 16 : i32
        %mul3A_1295 = arith.muli %add3A_49, %mul3A_1294 : i32
        %add3A_1296 = arith.constant 14 : i32
        %add3A_1297 = arith.addi %mul3A_1295, %add3A_1296 : i32
        %mul3A_1298 = arith.constant 128 : i32
        %mul3A_1299 = arith.muli %add3A_1297, %mul3A_1298 : i32
        %add3A_1300 = arith.constant 96 : i32
        %add3A_1301 = arith.addi %mul3A_1299, %add3A_1300 : i32
        %swap3A_1302 = arith.index_cast %add3A_1301 : i32 to index
        %swap3A_1303 = tpu.vector_load %arg8[%swap3A_1302] {strides = array<i32>} : memref<4096xf32, #tpu.memory_space<vmem>>, vector<16xf32>,
        tpu.vector_store %arg8[%swap3A_1302], %gather3A_1233 {strides = array<i32>} : memref<4096xf32, #tpu.memory_space<vmem>>, vector<16xf32>,
        %mul3A_1304 = arith.constant 16 : i32
        %mul3A_1305 = arith.muli %add3A_49, %mul3A_1304 : i32
        %add3A_1306 = arith.constant 14 : i32
        %add3A_1307 = arith.addi %mul3A_1305, %add3A_1306 : i32
        %mul3A_1308 = arith.constant 128 : i32
        %mul3A_1309 = arith.muli %add3A_1307, %mul3A_1308 : i32
        %add3A_1310 = arith.constant 112 : i32
        %add3A_1311 = arith.addi %mul3A_1309, %add3A_1310 : i32
        %swap3A_1312 = arith.index_cast %add3A_1311 : i32 to index
        %swap3A_1313 = tpu.vector_load %arg8[%swap3A_1312] {strides = array<i32>} : memref<4096xf32, #tpu.memory_space<vmem>>, vector<16xf32>,
        tpu.vector_store %arg8[%swap3A_1312], %gather3A_1233 {strides = array<i32>} : memref<4096xf32, #tpu.memory_space<vmem>>, vector<16xf32>,
        %broadcast_in_dim3A_1314 = arith.constant 15 : i32
        %broadcast_in_dim3A_1315 = vector.broadcast %broadcast_in_dim3A_1314 : i32 to vector<16x1xi32>
        %gather3A_1316 = vector.shape_cast %broadcast_in_dim3A_1315 : vector<16x1xi32> to vector<16xi32>
        %gather3A_1317 = tpu.dynamic_gather %get3A_55[%gather3A_1316] in [0] : vector<16xf32>, vector<16xi32> -> vector<16xf32>
        %mul3A_1318 = arith.constant 16 : i32
        %mul3A_1319 = arith.muli %add3A_49, %mul3A_1318 : i32
        %add3A_1320 = arith.constant 15 : i32
        %add3A_1321 = arith.addi %mul3A_1319, %add3A_1320 : i32
        %mul3A_1322 = arith.constant 128 : i32
        %mul3A_1323 = arith.muli %add3A_1321, %mul3A_1322 : i32
        %add3A_1324 = arith.constant 0 : i32
        %add3A_1325 = arith.addi %mul3A_1323, %add3A_1324 : i32
        %swap3A_1326 = arith.index_cast %add3A_1325 : i32 to index
        %swap3A_1327 = tpu.vector_load %arg8[%swap3A_1326] {strides = array<i32>} : memref<4096xf32, #tpu.memory_space<vmem>>, vector<16xf32>,
        tpu.vector_store %arg8[%swap3A_1326], %gather3A_1317 {strides = array<i32>} : memref<4096xf32, #tpu.memory_space<vmem>>, vector<16xf32>,
        %mul3A_1328 = arith.constant 16 : i32
        %mul3A_1329 = arith.muli %add3A_49, %mul3A_1328 : i32
        %add3A_1330 = arith.constant 15 : i32
        %add3A_1331 = arith.addi %mul3A_1329, %add3A_1330 : i32
        %mul3A_1332 = arith.constant 128 : i32
        %mul3A_1333 = arith.muli %add3A_1331, %mul3A_1332 : i32
        %add3A_1334 = arith.constant 16 : i32
        %add3A_1335 = arith.addi %mul3A_1333, %add3A_1334 : i32
        %swap3A_1336 = arith.index_cast %add3A_1335 : i32 to index
        %swap3A_1337 = tpu.vector_load %arg8[%swap3A_1336] {strides = array<i32>} : memref<4096xf32, #tpu.memory_space<vmem>>, vector<16xf32>,
        tpu.vector_store %arg8[%swap3A_1336], %gather3A_1317 {strides = array<i32>} : memref<4096xf32, #tpu.memory_space<vmem>>, vector<16xf32>,
        %mul3A_1338 = arith.constant 16 : i32
        %mul3A_1339 = arith.muli %add3A_49, %mul3A_1338 : i32
        %add3A_1340 = arith.constant 15 : i32
        %add3A_1341 = arith.addi %mul3A_1339, %add3A_1340 : i32
        %mul3A_1342 = arith.constant 128 : i32
        %mul3A_1343 = arith.muli %add3A_1341, %mul3A_1342 : i32
        %add3A_1344 = arith.constant 32 : i32
        %add3A_1345 = arith.addi %mul3A_1343, %add3A_1344 : i32
        %swap3A_1346 = arith.index_cast %add3A_1345 : i32 to index
        %swap3A_1347 = tpu.vector_load %arg8[%swap3A_1346] {strides = array<i32>} : memref<4096xf32, #tpu.memory_space<vmem>>, vector<16xf32>,
        tpu.vector_store %arg8[%swap3A_1346], %gather3A_1317 {strides = array<i32>} : memref<4096xf32, #tpu.memory_space<vmem>>, vector<16xf32>,
        %mul3A_1348 = arith.constant 16 : i32
        %mul3A_1349 = arith.muli %add3A_49, %mul3A_1348 : i32
        %add3A_1350 = arith.constant 15 : i32
        %add3A_1351 = arith.addi %mul3A_1349, %add3A_1350 : i32
        %mul3A_1352 = arith.constant 128 : i32
        %mul3A_1353 = arith.muli %add3A_1351, %mul3A_1352 : i32
        %add3A_1354 = arith.constant 48 : i32
        %add3A_1355 = arith.addi %mul3A_1353, %add3A_1354 : i32
        %swap3A_1356 = arith.index_cast %add3A_1355 : i32 to index
        %swap3A_1357 = tpu.vector_load %arg8[%swap3A_1356] {strides = array<i32>} : memref<4096xf32, #tpu.memory_space<vmem>>, vector<16xf32>,
        tpu.vector_store %arg8[%swap3A_1356], %gather3A_1317 {strides = array<i32>} : memref<4096xf32, #tpu.memory_space<vmem>>, vector<16xf32>,
        %mul3A_1358 = arith.constant 16 : i32
        %mul3A_1359 = arith.muli %add3A_49, %mul3A_1358 : i32
        %add3A_1360 = arith.constant 15 : i32
        %add3A_1361 = arith.addi %mul3A_1359, %add3A_1360 : i32
        %mul3A_1362 = arith.constant 128 : i32
        %mul3A_1363 = arith.muli %add3A_1361, %mul3A_1362 : i32
        %add3A_1364 = arith.constant 64 : i32
        %add3A_1365 = arith.addi %mul3A_1363, %add3A_1364 : i32
        %swap3A_1366 = arith.index_cast %add3A_1365 : i32 to index
        %swap3A_1367 = tpu.vector_load %arg8[%swap3A_1366] {strides = array<i32>} : memref<4096xf32, #tpu.memory_space<vmem>>, vector<16xf32>,
        tpu.vector_store %arg8[%swap3A_1366], %gather3A_1317 {strides = array<i32>} : memref<4096xf32, #tpu.memory_space<vmem>>, vector<16xf32>,
        %mul3A_1368 = arith.constant 16 : i32
        %mul3A_1369 = arith.muli %add3A_49, %mul3A_1368 : i32
        %add3A_1370 = arith.constant 15 : i32
        %add3A_1371 = arith.addi %mul3A_1369, %add3A_1370 : i32
        %mul3A_1372 = arith.constant 128 : i32
        %mul3A_1373 = arith.muli %add3A_1371, %mul3A_1372 : i32
        %add3A_1374 = arith.constant 80 : i32
        %add3A_1375 = arith.addi %mul3A_1373, %add3A_1374 : i32
        %swap3A_1376 = arith.index_cast %add3A_1375 : i32 to index
        %swap3A_1377 = tpu.vector_load %arg8[%swap3A_1376] {strides = array<i32>} : memref<4096xf32, #tpu.memory_space<vmem>>, vector<16xf32>,
        tpu.vector_store %arg8[%swap3A_1376], %gather3A_1317 {strides = array<i32>} : memref<4096xf32, #tpu.memory_space<vmem>>, vector<16xf32>,
        %mul3A_1378 = arith.constant 16 : i32
        %mul3A_1379 = arith.muli %add3A_49, %mul3A_1378 : i32
        %add3A_1380 = arith.constant 15 : i32
        %add3A_1381 = arith.addi %mul3A_1379, %add3A_1380 : i32
        %mul3A_1382 = arith.constant 128 : i32
        %mul3A_1383 = arith.muli %add3A_1381, %mul3A_1382 : i32
        %add3A_1384 = arith.constant 96 : i32
        %add3A_1385 = arith.addi %mul3A_1383, %add3A_1384 : i32
        %swap3A_1386 = arith.index_cast %add3A_1385 : i32 to index
        %swap3A_1387 = tpu.vector_load %arg8[%swap3A_1386] {strides = array<i32>} : memref<4096xf32, #tpu.memory_space<vmem>>, vector<16xf32>,
        tpu.vector_store %arg8[%swap3A_1386], %gather3A_1317 {strides = array<i32>} : memref<4096xf32, #tpu.memory_space<vmem>>, vector<16xf32>,
        %mul3A_1388 = arith.constant 16 : i32
        %mul3A_1389 = arith.muli %add3A_49, %mul3A_1388 : i32
        %add3A_1390 = arith.constant 15 : i32
        %add3A_1391 = arith.addi %mul3A_1389, %add3A_1390 : i32
        %mul3A_1392 = arith.constant 128 : i32
        %mul3A_1393 = arith.muli %add3A_1391, %mul3A_1392 : i32
        %add3A_1394 = arith.constant 112 : i32
        %add3A_1395 = arith.addi %mul3A_1393, %add3A_1394 : i32
        %swap3A_1396 = arith.index_cast %add3A_1395 : i32 to index
        %swap3A_1397 = tpu.vector_load %arg8[%swap3A_1396] {strides = array<i32>} : memref<4096xf32, #tpu.memory_space<vmem>>, vector<16xf32>,
        tpu.vector_store %arg8[%swap3A_1396], %gather3A_1317 {strides = array<i32>} : memref<4096xf32, #tpu.memory_space<vmem>>, vector<16xf32>,
      }
      %scan3A_37 = arith.constant 2 : i32
      %mul3A_38 = arith.constant 640 : i32
      %mul3A_39 = arith.muli %arg1, %mul3A_38 : i32
      %mul3A_40 = arith.constant 32 : i32
      %mul3A_41 = arith.muli %add3A_32, %mul3A_40 : i32
      %add3A_42 = arith.addi %mul3A_39, %mul3A_41 : i32
      %mul3A_43 = arith.constant 128 : i32
      %mul3A_44 = arith.muli %add3A_42, %mul3A_43 : i32
      "tpu.region"() ({
        %run_scoped3A = tpu.sem_alloc : memref<!tpu.dma_semaphore, #tpu.memory_space<semaphore_mem>>
        %dma_start3A = tpu.memref_slice %arg3[%arg0, %mul3A_44] : memref<2x1310720xf32, #tpu.memory_space<hbm>> -> memref<1x4096xf32, #tpu.memory_space<hbm>>
        %dma_start3A_45 = tpu.memref_squeeze %dma_start3A : memref<1x4096xf32, #tpu.memory_space<hbm>> -> memref<4096xf32, #tpu.memory_space<hbm>>
        %dma_start3A_46 = tpu.memref_slice %arg3[%arg0, %mul3A_44] : memref<2x1310720xf32, #tpu.memory_space<hbm>> -> memref<1x4096xf32, #tpu.memory_space<hbm>>
        %dma_start3A_47 = tpu.memref_squeeze %dma_start3A_46 : memref<1x4096xf32, #tpu.memory_space<hbm>> -> memref<4096xf32, #tpu.memory_space<hbm>>
        tpu.enqueue_dma source(%arg8 : memref<4096xf32, #tpu.memory_space<vmem>>) target(%dma_start3A_47 : memref<4096xf32, #tpu.memory_space<hbm>>) target_semaphore(%run_scoped3A : memref<!tpu.dma_semaphore, #tpu.memory_space<semaphore_mem>>)
        %dma_wait3A = tpu.memref_slice %arg3[%arg0, %mul3A_44] : memref<2x1310720xf32, #tpu.memory_space<hbm>> -> memref<1x4096xf32, #tpu.memory_space<hbm>>
        %dma_wait3A_48 = tpu.memref_squeeze %dma_wait3A : memref<1x4096xf32, #tpu.memory_space<hbm>> -> memref<4096xf32, #tpu.memory_space<hbm>>
        %dma_wait3A_49 = tpu.memref_slice %arg3[%arg0, %mul3A_44] : memref<2x1310720xf32, #tpu.memory_space<hbm>> -> memref<1x4096xf32, #tpu.memory_space<hbm>>
        %dma_wait3A_50 = tpu.memref_squeeze %dma_wait3A_49 : memref<1x4096xf32, #tpu.memory_space<hbm>> -> memref<4096xf32, #tpu.memory_space<hbm>>
        tpu.wait_dma2 semaphore(%run_scoped3A : memref<!tpu.dma_semaphore, #tpu.memory_space<semaphore_mem>>) src(%arg8 : memref<4096xf32, #tpu.memory_space<vmem>>) dst(%dma_wait3A_50 : memref<4096xf32, #tpu.memory_space<hbm>>)
        tpu.yield
      }) : () -> ()
    }
    %scan3A_27 = arith.constant 20 : i32
    return
  }
}

module attributes {stable_mosaic.version = 14 : i64} {
  func.func @body(%arg0: i32, %arg1: memref<1000x128xf32, #tpu.memory_space<vmem>>, %arg2: memref<1000x128xf32, #tpu.memory_space<vmem>>, %arg3: memref<1000x128xf32, #tpu.memory_space<vmem>>, %arg4: memref<1000x128xf32, #tpu.memory_space<vmem>>, %arg5: memref<1000x128xf32, #tpu.memory_space<vmem>>, %arg6: memref<1000x128xf32, #tpu.memory_space<vmem>>, %arg7: memref<1000x128xf32, #tpu.memory_space<vmem>>, %arg8: memref<128x256xf32, #tpu.memory_space<vmem>>, %arg9: memref<128x256xf32, #tpu.memory_space<vmem>>, %arg10: memref<128x256xf32, #tpu.memory_space<vmem>>, %arg11: memref<1x256xf32, #tpu.memory_space<vmem>>, %arg12: memref<256x384xf32, #tpu.memory_space<vmem>>, %arg13: memref<128x384xf32, #tpu.memory_space<vmem>>, %arg14: memref<1x384xf32, #tpu.memory_space<vmem>>, %arg15: memref<1x384xf32, #tpu.memory_space<vmem>>, %arg16: memref<1000x128xf32, #tpu.memory_space<vmem>>) attributes {dimension_semantics = [#tpu.dimension_semantics<arbitrary>], iteration_bounds = array<i64: 10>, scalar_prefetch = 0 : i64, scratch_operands = 0 : i64, tpu.core_type = #tpu.core_type<tc>, window_params = [{transform_indices = @transform_0, window_bounds = array<i64: 1000, 128>}, {transform_indices = @transform_1, window_bounds = array<i64: 1000, 128>}, {transform_indices = @transform_2, window_bounds = array<i64: 1000, 128>}, {transform_indices = @transform_3, window_bounds = array<i64: 1000, 128>}, {transform_indices = @transform_4, window_bounds = array<i64: 1000, 128>}, {transform_indices = @transform_5, window_bounds = array<i64: 1000, 128>}, {transform_indices = @transform_6, window_bounds = array<i64: 1000, 128>}, {pipeline_mode = #tpu.pipeline_mode<synchronous>, transform_indices = @transform_7, window_bounds = array<i64: 128, 256>}, {pipeline_mode = #tpu.pipeline_mode<synchronous>, transform_indices = @transform_8, window_bounds = array<i64: 128, 256>}, {pipeline_mode = #tpu.pipeline_mode<synchronous>, transform_indices = @transform_9, window_bounds = array<i64: 128, 256>}, {pipeline_mode = #tpu.pipeline_mode<synchronous>, transform_indices = @transform_10, window_bounds = array<i64: 1, 256>}, {pipeline_mode = #tpu.pipeline_mode<synchronous>, transform_indices = @transform_11, window_bounds = array<i64: 256, 384>}, {pipeline_mode = #tpu.pipeline_mode<synchronous>, transform_indices = @transform_12, window_bounds = array<i64: 128, 384>}, {pipeline_mode = #tpu.pipeline_mode<synchronous>, transform_indices = @transform_13, window_bounds = array<i64: 1, 384>}, {pipeline_mode = #tpu.pipeline_mode<synchronous>, transform_indices = @transform_14, window_bounds = array<i64: 1, 384>}, {transform_indices = @transform_15, window_bounds = array<i64: 1000, 128>}]} {
    %get3A = arith.constant 0 : index
    %get3A_0 = arith.constant 0 : index
    %get3A_1 = vector.load %arg1[%get3A, %get3A_0] : memref<1000x128xf32, #tpu.memory_space<vmem>>, vector<1000x128xf32>
    %get3A_2 = arith.constant 0 : index
    %get3A_3 = arith.constant 0 : index
    %get3A_4 = vector.load %arg2[%get3A_2, %get3A_3] : memref<1000x128xf32, #tpu.memory_space<vmem>>, vector<1000x128xf32>
    %get3A_5 = arith.constant 0 : index
    %get3A_6 = arith.constant 0 : index
    %get3A_7 = vector.load %arg3[%get3A_5, %get3A_6] : memref<1000x128xf32, #tpu.memory_space<vmem>>, vector<1000x128xf32>
    %add3A = arith.addf %get3A_4, %get3A_7 : vector<1000x128xf32>
    %get3A_8 = arith.constant 0 : index
    %get3A_9 = arith.constant 0 : index
    %get3A_10 = vector.load %arg4[%get3A_8, %get3A_9] : memref<1000x128xf32, #tpu.memory_space<vmem>>, vector<1000x128xf32>
    %get3A_11 = arith.constant 0 : index
    %get3A_12 = arith.constant 0 : index
    %get3A_13 = vector.load %arg5[%get3A_11, %get3A_12] : memref<1000x128xf32, #tpu.memory_space<vmem>>, vector<1000x128xf32>
    %add3A_14 = arith.addf %get3A_10, %get3A_13 : vector<1000x128xf32>
    %get3A_15 = arith.constant 0 : index
    %get3A_16 = arith.constant 0 : index
    %get3A_17 = vector.load %arg6[%get3A_15, %get3A_16] : memref<1000x128xf32, #tpu.memory_space<vmem>>, vector<1000x128xf32>
    %slice3A = vector.extract_strided_slice %get3A_17 {offsets = [0, 0], sizes = [1000, 1], strides = [1, 1]} : vector<1000x128xf32> to vector<1000x1xf32>
    %get3A_18 = arith.constant 0 : index
    %get3A_19 = arith.constant 0 : index
    %get3A_20 = vector.load %arg7[%get3A_18, %get3A_19] : memref<1000x128xf32, #tpu.memory_space<vmem>>, vector<1000x128xf32>
    %slice3A_21 = vector.extract_strided_slice %get3A_20 {offsets = [0, 0], sizes = [1000, 1], strides = [1, 1]} : vector<1000x128xf32> to vector<1000x1xf32>
    %add3A_22 = arith.addf %slice3A, %slice3A_21 : vector<1000x1xf32>
    %gt3A = arith.constant 0.000000e+00 : f32
    %gt3A_23 = vector.broadcast %gt3A : f32 to vector<1000x1xf32>
    %gt3A_24 = arith.cmpf ogt, %add3A_22, %gt3A_23 : vector<1000x1xf32>
    %max3A = arith.constant 1.000000e+00 : f32
    %max3A_25 = vector.broadcast %max3A : f32 to vector<1000x1xf32>
    %max3A_26 = arith.maximumf %add3A_22, %max3A_25 : vector<1000x1xf32>
    %div3A = arith.constant 1.000000e+00 : f32
    %div3A_27 = vector.broadcast %div3A : f32 to vector<1000x1xf32>
    %div3A_28 = arith.divf %div3A_27, %max3A_26 : vector<1000x1xf32>
    %jit3A = arith.constant 0.000000e+00 : f32
    %broadcast_in_dim3A = vector.broadcast %jit3A : f32 to vector<1000x1xf32>
    %select_n3A = arith.select %gt3A_24, %div3A_28, %broadcast_in_dim3A : vector<1000x1xi1>, vector<1000x1xf32>
    %get3A_29 = arith.constant 0 : index
    %get3A_30 = arith.constant 0 : index
    %get3A_31 = vector.load %arg8[%get3A_29, %get3A_30] : memref<128x256xf32, #tpu.memory_space<vmem>>, vector<128x256xf32>
    %dot_general3A = arith.constant dense<0.000000e+00> : vector<1000x256xf32>
    %dot_general3A_32 = tpu.matmul %get3A_1, %get3A_31, %dot_general3A {dimension_numbers = #tpu.dot_dimension_numbers<[1], [0], [0], [1], [0, 0, 1, 1], [], []>, precision = #tpu.contract_precision<fp32>, transpose_lhs_hint = false} : vector<1000x128xf32>, vector<128x256xf32>, vector<1000x256xf32> -> vector<1000x256xf32>
    %get3A_33 = arith.constant 0 : index
    %get3A_34 = arith.constant 0 : index
    %get3A_35 = vector.load %arg11[%get3A_33, %get3A_34] : memref<1x256xf32, #tpu.memory_space<vmem>>, vector<1x256xf32>
    %add3A_36 = vector.broadcast %get3A_35 : vector<1x256xf32> to vector<1000x256xf32>
    %add3A_37 = arith.addf %dot_general3A_32, %add3A_36 : vector<1000x256xf32>
    %get3A_38 = arith.constant 0 : index
    %get3A_39 = arith.constant 0 : index
    %get3A_40 = vector.load %arg9[%get3A_38, %get3A_39] : memref<128x256xf32, #tpu.memory_space<vmem>>, vector<128x256xf32>
    %dot_general3A_41 = arith.constant dense<0.000000e+00> : vector<1000x256xf32>
    %dot_general3A_42 = tpu.matmul %add3A, %get3A_40, %dot_general3A_41 {dimension_numbers = #tpu.dot_dimension_numbers<[1], [0], [0], [1], [0, 0, 1, 1], [], []>, precision = #tpu.contract_precision<fp32>, transpose_lhs_hint = false} : vector<1000x128xf32>, vector<128x256xf32>, vector<1000x256xf32> -> vector<1000x256xf32>
    %get3A_43 = arith.constant 0 : index
    %get3A_44 = arith.constant 0 : index
    %get3A_45 = vector.load %arg10[%get3A_43, %get3A_44] : memref<128x256xf32, #tpu.memory_space<vmem>>, vector<128x256xf32>
    %dot_general3A_46 = arith.constant dense<0.000000e+00> : vector<1000x256xf32>
    %dot_general3A_47 = tpu.matmul %add3A_14, %get3A_45, %dot_general3A_46 {dimension_numbers = #tpu.dot_dimension_numbers<[1], [0], [0], [1], [0, 0, 1, 1], [], []>, precision = #tpu.contract_precision<fp32>, transpose_lhs_hint = false} : vector<1000x128xf32>, vector<128x256xf32>, vector<1000x256xf32> -> vector<1000x256xf32>
    %add3A_48 = arith.addf %dot_general3A_42, %dot_general3A_47 : vector<1000x256xf32>
    %jit3A_49 = arith.constant 0.000000e+00 : f32
    %broadcast_in_dim3A_50 = vector.shape_cast %gt3A_24 : vector<1000x1xi1> to vector<1000x1xi1>
    %broadcast_in_dim3A_51 = vector.broadcast %broadcast_in_dim3A_50 : vector<1000x1xi1> to vector<1000x256xi1>
    %broadcast_in_dim3A_52 = vector.broadcast %jit3A_49 : f32 to vector<1000x256xf32>
    %select_n3A_53 = arith.select %broadcast_in_dim3A_51, %add3A_37, %broadcast_in_dim3A_52 : vector<1000x256xi1>, vector<1000x256xf32>
    %mul3A = vector.broadcast %select_n3A : vector<1000x1xf32> to vector<1000x256xf32>
    %mul3A_54 = arith.mulf %mul3A, %add3A_48 : vector<1000x256xf32>
    %add3A_55 = arith.addf %select_n3A_53, %mul3A_54 : vector<1000x256xf32>
    %get3A_56 = arith.constant 0 : index
    %get3A_57 = arith.constant 0 : index
    %get3A_58 = vector.load %arg12[%get3A_56, %get3A_57] : memref<256x384xf32, #tpu.memory_space<vmem>>, vector<256x384xf32>
    %dot_general3A_59 = arith.constant dense<0.000000e+00> : vector<1000x384xf32>
    %dot_general3A_60 = tpu.matmul %add3A_55, %get3A_58, %dot_general3A_59 {dimension_numbers = #tpu.dot_dimension_numbers<[1], [0], [0], [1], [0, 0, 1, 1], [], []>, precision = #tpu.contract_precision<fp32>, transpose_lhs_hint = false} : vector<1000x256xf32>, vector<256x384xf32>, vector<1000x384xf32> -> vector<1000x384xf32>
    %get3A_61 = arith.constant 0 : index
    %get3A_62 = arith.constant 0 : index
    %get3A_63 = vector.load %arg14[%get3A_61, %get3A_62] : memref<1x384xf32, #tpu.memory_space<vmem>>, vector<1x384xf32>
    %add3A_64 = vector.broadcast %get3A_63 : vector<1x384xf32> to vector<1000x384xf32>
    %add3A_65 = arith.addf %dot_general3A_60, %add3A_64 : vector<1000x384xf32>
    %get3A_66 = arith.constant 0 : index
    %get3A_67 = arith.constant 0 : index
    %get3A_68 = vector.load %arg13[%get3A_66, %get3A_67] : memref<128x384xf32, #tpu.memory_space<vmem>>, vector<128x384xf32>
    %dot_general3A_69 = arith.constant dense<0.000000e+00> : vector<1000x384xf32>
    %dot_general3A_70 = tpu.matmul %get3A_1, %get3A_68, %dot_general3A_69 {dimension_numbers = #tpu.dot_dimension_numbers<[1], [0], [0], [1], [0, 0, 1, 1], [], []>, precision = #tpu.contract_precision<fp32>, transpose_lhs_hint = false} : vector<1000x128xf32>, vector<128x384xf32>, vector<1000x384xf32> -> vector<1000x384xf32>
    %get3A_71 = arith.constant 0 : index
    %get3A_72 = arith.constant 0 : index
    %get3A_73 = vector.load %arg15[%get3A_71, %get3A_72] : memref<1x384xf32, #tpu.memory_space<vmem>>, vector<1x384xf32>
    %add3A_74 = vector.broadcast %get3A_73 : vector<1x384xf32> to vector<1000x384xf32>
    %add3A_75 = arith.addf %dot_general3A_70, %add3A_74 : vector<1000x384xf32>
    %slice3A_76 = vector.extract_strided_slice %add3A_65 {offsets = [0, 0], sizes = [1000, 128], strides = [1, 1]} : vector<1000x384xf32> to vector<1000x128xf32>
    %slice3A_77 = vector.extract_strided_slice %add3A_75 {offsets = [0, 0], sizes = [1000, 128], strides = [1, 1]} : vector<1000x384xf32> to vector<1000x128xf32>
    %add3A_78 = arith.addf %slice3A_76, %slice3A_77 : vector<1000x128xf32>
    %logistic3A = arith.negf %add3A_78 : vector<1000x128xf32>
    %logistic3A_79 = math.exp %logistic3A : vector<1000x128xf32>
    %logistic3A_80 = arith.constant 1.000000e+00 : f32
    %logistic3A_81 = vector.broadcast %logistic3A_80 : f32 to vector<1000x128xf32>
    %logistic3A_82 = arith.addf %logistic3A_81, %logistic3A_79 : vector<1000x128xf32>
    %logistic3A_83 = arith.divf %logistic3A_81, %logistic3A_82 : vector<1000x128xf32>
    %slice3A_84 = vector.extract_strided_slice %add3A_65 {offsets = [0, 128], sizes = [1000, 128], strides = [1, 1]} : vector<1000x384xf32> to vector<1000x128xf32>
    %slice3A_85 = vector.extract_strided_slice %add3A_75 {offsets = [0, 128], sizes = [1000, 128], strides = [1, 1]} : vector<1000x384xf32> to vector<1000x128xf32>
    %add3A_86 = arith.addf %slice3A_84, %slice3A_85 : vector<1000x128xf32>
    %logistic3A_87 = arith.negf %add3A_86 : vector<1000x128xf32>
    %logistic3A_88 = math.exp %logistic3A_87 : vector<1000x128xf32>
    %logistic3A_89 = arith.constant 1.000000e+00 : f32
    %logistic3A_90 = vector.broadcast %logistic3A_89 : f32 to vector<1000x128xf32>
    %logistic3A_91 = arith.addf %logistic3A_90, %logistic3A_88 : vector<1000x128xf32>
    %logistic3A_92 = arith.divf %logistic3A_90, %logistic3A_91 : vector<1000x128xf32>
    %slice3A_93 = vector.extract_strided_slice %add3A_65 {offsets = [0, 256], sizes = [1000, 128], strides = [1, 1]} : vector<1000x384xf32> to vector<1000x128xf32>
    %slice3A_94 = vector.extract_strided_slice %add3A_75 {offsets = [0, 256], sizes = [1000, 128], strides = [1, 1]} : vector<1000x384xf32> to vector<1000x128xf32>
    %mul3A_95 = arith.mulf %logistic3A_83, %slice3A_94 : vector<1000x128xf32>
    %add3A_96 = arith.addf %slice3A_93, %mul3A_95 : vector<1000x128xf32>
    %tanh3A = math.tanh %add3A_96 : vector<1000x128xf32>
    %sub3A = arith.constant 1.000000e+00 : f32
    %sub3A_97 = vector.broadcast %sub3A : f32 to vector<1000x128xf32>
    %sub3A_98 = arith.subf %sub3A_97, %logistic3A_92 : vector<1000x128xf32>
    %mul3A_99 = arith.mulf %sub3A_98, %tanh3A : vector<1000x128xf32>
    %mul3A_100 = arith.mulf %logistic3A_92, %get3A_1 : vector<1000x128xf32>
    %add3A_101 = arith.addf %mul3A_99, %mul3A_100 : vector<1000x128xf32>
    %swap3A = arith.constant 0 : index
    %swap3A_102 = arith.constant 0 : index
    %swap3A_103 = vector.load %arg16[%swap3A, %swap3A_102] : memref<1000x128xf32, #tpu.memory_space<vmem>>, vector<1000x128xf32>
    tpu.vector_store %arg16[%swap3A, %swap3A_102], %add3A_101 {strides = array<i32>} : memref<1000x128xf32, #tpu.memory_space<vmem>>, vector<1000x128xf32>,
    return
  }
  func.func @transform_0(%arg0: i32) -> (i32, i32) {
    %c0_i32 = arith.constant 0 : i32
    %c0_i32_0 = arith.constant 0 : i32
    return %arg0, %c0_i32 : i32, i32
  }
  func.func @transform_1(%arg0: i32) -> (i32, i32) {
    %c0_i32 = arith.constant 0 : i32
    %c0_i32_0 = arith.constant 0 : i32
    return %arg0, %c0_i32 : i32, i32
  }
  func.func @transform_2(%arg0: i32) -> (i32, i32) {
    %c0_i32 = arith.constant 0 : i32
    %c0_i32_0 = arith.constant 0 : i32
    return %arg0, %c0_i32 : i32, i32
  }
  func.func @transform_3(%arg0: i32) -> (i32, i32) {
    %c0_i32 = arith.constant 0 : i32
    %c0_i32_0 = arith.constant 0 : i32
    return %arg0, %c0_i32 : i32, i32
  }
  func.func @transform_4(%arg0: i32) -> (i32, i32) {
    %c0_i32 = arith.constant 0 : i32
    %c0_i32_0 = arith.constant 0 : i32
    return %arg0, %c0_i32 : i32, i32
  }
  func.func @transform_5(%arg0: i32) -> (i32, i32) {
    %c0_i32 = arith.constant 0 : i32
    %c0_i32_0 = arith.constant 0 : i32
    return %arg0, %c0_i32 : i32, i32
  }
  func.func @transform_6(%arg0: i32) -> (i32, i32) {
    %c0_i32 = arith.constant 0 : i32
    %c0_i32_0 = arith.constant 0 : i32
    return %arg0, %c0_i32 : i32, i32
  }
  func.func @transform_7(%arg0: i32) -> (i32, i32) {
    %c0_i32 = arith.constant 0 : i32
    %c0_i32_0 = arith.constant 0 : i32
    %c0_i32_1 = arith.constant 0 : i32
    return %c0_i32, %c0_i32_0 : i32, i32
  }
  func.func @transform_8(%arg0: i32) -> (i32, i32) {
    %c0_i32 = arith.constant 0 : i32
    %c0_i32_0 = arith.constant 0 : i32
    %c0_i32_1 = arith.constant 0 : i32
    return %c0_i32, %c0_i32_0 : i32, i32
  }
  func.func @transform_9(%arg0: i32) -> (i32, i32) {
    %c0_i32 = arith.constant 0 : i32
    %c0_i32_0 = arith.constant 0 : i32
    %c0_i32_1 = arith.constant 0 : i32
    return %c0_i32, %c0_i32_0 : i32, i32
  }
  func.func @transform_10(%arg0: i32) -> (i32, i32) {
    %c0_i32 = arith.constant 0 : i32
    %c0_i32_0 = arith.constant 0 : i32
    %c0_i32_1 = arith.constant 0 : i32
    return %c0_i32, %c0_i32_0 : i32, i32
  }
  func.func @transform_11(%arg0: i32) -> (i32, i32) {
    %c0_i32 = arith.constant 0 : i32
    %c0_i32_0 = arith.constant 0 : i32
    %c0_i32_1 = arith.constant 0 : i32
    return %c0_i32, %c0_i32_0 : i32, i32
  }
  func.func @transform_12(%arg0: i32) -> (i32, i32) {
    %c0_i32 = arith.constant 0 : i32
    %c0_i32_0 = arith.constant 0 : i32
    %c0_i32_1 = arith.constant 0 : i32
    return %c0_i32, %c0_i32_0 : i32, i32
  }
  func.func @transform_13(%arg0: i32) -> (i32, i32) {
    %c0_i32 = arith.constant 0 : i32
    %c0_i32_0 = arith.constant 0 : i32
    %c0_i32_1 = arith.constant 0 : i32
    return %c0_i32, %c0_i32_0 : i32, i32
  }
  func.func @transform_14(%arg0: i32) -> (i32, i32) {
    %c0_i32 = arith.constant 0 : i32
    %c0_i32_0 = arith.constant 0 : i32
    %c0_i32_1 = arith.constant 0 : i32
    return %c0_i32, %c0_i32_0 : i32, i32
  }
  func.func @transform_15(%arg0: i32) -> (i32, i32) {
    %c0_i32 = arith.constant 0 : i32
    %c0_i32_0 = arith.constant 0 : i32
    return %arg0, %c0_i32 : i32, i32
  }
}

module attributes {stable_mosaic.version = 14 : i64} {
  func.func @body(%arg0: i32, %arg1: memref<1000x128xf32, #tpu.memory_space<vmem>>, %arg2: memref<1000x128xf32, #tpu.memory_space<vmem>>, %arg3: memref<1000x128xf32, #tpu.memory_space<vmem>>, %arg4: memref<1000x128xf32, #tpu.memory_space<vmem>>, %arg5: memref<1000x128xf32, #tpu.memory_space<vmem>>, %arg6: memref<1000x128xf32, #tpu.memory_space<vmem>>, %arg7: memref<1000x128xf32, #tpu.memory_space<vmem>>, %arg8: memref<128x256xf32, #tpu.memory_space<vmem>>, %arg9: memref<128x256xf32, #tpu.memory_space<vmem>>, %arg10: memref<128x256xf32, #tpu.memory_space<vmem>>, %arg11: memref<1x256xf32, #tpu.memory_space<vmem>>, %arg12: memref<256x384xf32, #tpu.memory_space<vmem>>, %arg13: memref<128x384xf32, #tpu.memory_space<vmem>>, %arg14: memref<1x384xf32, #tpu.memory_space<vmem>>, %arg15: memref<1x384xf32, #tpu.memory_space<vmem>>, %arg16: memref<1000x128xf32, #tpu.memory_space<vmem>>) attributes {dimension_semantics = [#tpu.dimension_semantics<arbitrary>], iteration_bounds = array<i64: 10>, scalar_prefetch = 0 : i64, scratch_operands = 0 : i64, tpu.core_type = #tpu.core_type<tc>, window_params = [{transform_indices = @transform_0, window_bounds = array<i64: 1000, 128>}, {transform_indices = @transform_1, window_bounds = array<i64: 1000, 128>}, {transform_indices = @transform_2, window_bounds = array<i64: 1000, 128>}, {transform_indices = @transform_3, window_bounds = array<i64: 1000, 128>}, {transform_indices = @transform_4, window_bounds = array<i64: 1000, 128>}, {transform_indices = @transform_5, window_bounds = array<i64: 1000, 128>}, {transform_indices = @transform_6, window_bounds = array<i64: 1000, 128>}, {pipeline_mode = #tpu.pipeline_mode<synchronous>, transform_indices = @transform_7, window_bounds = array<i64: 128, 256>}, {pipeline_mode = #tpu.pipeline_mode<synchronous>, transform_indices = @transform_8, window_bounds = array<i64: 128, 256>}, {pipeline_mode = #tpu.pipeline_mode<synchronous>, transform_indices = @transform_9, window_bounds = array<i64: 128, 256>}, {pipeline_mode = #tpu.pipeline_mode<synchronous>, transform_indices = @transform_10, window_bounds = array<i64: 1, 256>}, {pipeline_mode = #tpu.pipeline_mode<synchronous>, transform_indices = @transform_11, window_bounds = array<i64: 256, 384>}, {pipeline_mode = #tpu.pipeline_mode<synchronous>, transform_indices = @transform_12, window_bounds = array<i64: 128, 384>}, {pipeline_mode = #tpu.pipeline_mode<synchronous>, transform_indices = @transform_13, window_bounds = array<i64: 1, 384>}, {pipeline_mode = #tpu.pipeline_mode<synchronous>, transform_indices = @transform_14, window_bounds = array<i64: 1, 384>}, {transform_indices = @transform_15, window_bounds = array<i64: 1000, 128>}]} {
    %get3A = arith.constant 0 : index
    %get3A_0 = arith.constant 0 : index
    %get3A_1 = vector.load %arg1[%get3A, %get3A_0] : memref<1000x128xf32, #tpu.memory_space<vmem>>, vector<1000x128xf32>
    %get3A_2 = arith.constant 0 : index
    %get3A_3 = arith.constant 0 : index
    %get3A_4 = vector.load %arg2[%get3A_2, %get3A_3] : memref<1000x128xf32, #tpu.memory_space<vmem>>, vector<1000x128xf32>
    %get3A_5 = arith.constant 0 : index
    %get3A_6 = arith.constant 0 : index
    %get3A_7 = vector.load %arg3[%get3A_5, %get3A_6] : memref<1000x128xf32, #tpu.memory_space<vmem>>, vector<1000x128xf32>
    %add3A = arith.addf %get3A_4, %get3A_7 : vector<1000x128xf32>
    %get3A_8 = arith.constant 0 : index
    %get3A_9 = arith.constant 0 : index
    %get3A_10 = vector.load %arg4[%get3A_8, %get3A_9] : memref<1000x128xf32, #tpu.memory_space<vmem>>, vector<1000x128xf32>
    %get3A_11 = arith.constant 0 : index
    %get3A_12 = arith.constant 0 : index
    %get3A_13 = vector.load %arg5[%get3A_11, %get3A_12] : memref<1000x128xf32, #tpu.memory_space<vmem>>, vector<1000x128xf32>
    %add3A_14 = arith.addf %get3A_10, %get3A_13 : vector<1000x128xf32>
    %get3A_15 = arith.constant 0 : index
    %get3A_16 = arith.constant 0 : index
    %get3A_17 = vector.load %arg6[%get3A_15, %get3A_16] : memref<1000x128xf32, #tpu.memory_space<vmem>>, vector<1000x128xf32>
    %slice3A = vector.extract_strided_slice %get3A_17 {offsets = [0, 0], sizes = [1000, 1], strides = [1, 1]} : vector<1000x128xf32> to vector<1000x1xf32>
    %get3A_18 = arith.constant 0 : index
    %get3A_19 = arith.constant 0 : index
    %get3A_20 = vector.load %arg7[%get3A_18, %get3A_19] : memref<1000x128xf32, #tpu.memory_space<vmem>>, vector<1000x128xf32>
    %slice3A_21 = vector.extract_strided_slice %get3A_20 {offsets = [0, 0], sizes = [1000, 1], strides = [1, 1]} : vector<1000x128xf32> to vector<1000x1xf32>
    %add3A_22 = arith.addf %slice3A, %slice3A_21 : vector<1000x1xf32>
    %gt3A = arith.constant 0.000000e+00 : f32
    %gt3A_23 = vector.broadcast %gt3A : f32 to vector<1000x1xf32>
    %gt3A_24 = arith.cmpf ogt, %add3A_22, %gt3A_23 : vector<1000x1xf32>
    %max3A = arith.constant 1.000000e+00 : f32
    %max3A_25 = vector.broadcast %max3A : f32 to vector<1000x1xf32>
    %max3A_26 = arith.maximumf %add3A_22, %max3A_25 : vector<1000x1xf32>
    %div3A = arith.constant 1.000000e+00 : f32
    %div3A_27 = vector.broadcast %div3A : f32 to vector<1000x1xf32>
    %div3A_28 = arith.divf %div3A_27, %max3A_26 : vector<1000x1xf32>
    %jit3A = arith.constant 0.000000e+00 : f32
    %broadcast_in_dim3A = vector.broadcast %jit3A : f32 to vector<1000x1xf32>
    %select_n3A = arith.select %gt3A_24, %div3A_28, %broadcast_in_dim3A : vector<1000x1xi1>, vector<1000x1xf32>
    %get3A_29 = arith.constant 0 : index
    %get3A_30 = arith.constant 0 : index
    %get3A_31 = vector.load %arg8[%get3A_29, %get3A_30] : memref<128x256xf32, #tpu.memory_space<vmem>>, vector<128x256xf32>
    %dot_general3A = arith.constant dense<0.000000e+00> : vector<1000x256xf32>
    %dot_general3A_32 = tpu.matmul %get3A_1, %get3A_31, %dot_general3A {dimension_numbers = #tpu.dot_dimension_numbers<[1], [0], [0], [1], [0, 0, 1, 1], [], []>, precision = #tpu.contract_precision<fp32>, transpose_lhs_hint = false} : vector<1000x128xf32>, vector<128x256xf32>, vector<1000x256xf32> -> vector<1000x256xf32>
    %get3A_33 = arith.constant 0 : index
    %get3A_34 = arith.constant 0 : index
    %get3A_35 = vector.load %arg11[%get3A_33, %get3A_34] : memref<1x256xf32, #tpu.memory_space<vmem>>, vector<1x256xf32>
    %add3A_36 = vector.broadcast %get3A_35 : vector<1x256xf32> to vector<1000x256xf32>
    %add3A_37 = arith.addf %dot_general3A_32, %add3A_36 : vector<1000x256xf32>
    %get3A_38 = arith.constant 0 : index
    %get3A_39 = arith.constant 0 : index
    %get3A_40 = vector.load %arg9[%get3A_38, %get3A_39] : memref<128x256xf32, #tpu.memory_space<vmem>>, vector<128x256xf32>
    %dot_general3A_41 = arith.constant dense<0.000000e+00> : vector<1000x256xf32>
    %dot_general3A_42 = tpu.matmul %add3A, %get3A_40, %dot_general3A_41 {dimension_numbers = #tpu.dot_dimension_numbers<[1], [0], [0], [1], [0, 0, 1, 1], [], []>, precision = #tpu.contract_precision<fp32>, transpose_lhs_hint = false} : vector<1000x128xf32>, vector<128x256xf32>, vector<1000x256xf32> -> vector<1000x256xf32>
    %get3A_43 = arith.constant 0 : index
    %get3A_44 = arith.constant 0 : index
    %get3A_45 = vector.load %arg10[%get3A_43, %get3A_44] : memref<128x256xf32, #tpu.memory_space<vmem>>, vector<128x256xf32>
    %dot_general3A_46 = arith.constant dense<0.000000e+00> : vector<1000x256xf32>
    %dot_general3A_47 = tpu.matmul %add3A_14, %get3A_45, %dot_general3A_46 {dimension_numbers = #tpu.dot_dimension_numbers<[1], [0], [0], [1], [0, 0, 1, 1], [], []>, precision = #tpu.contract_precision<fp32>, transpose_lhs_hint = false} : vector<1000x128xf32>, vector<128x256xf32>, vector<1000x256xf32> -> vector<1000x256xf32>
    %add3A_48 = arith.addf %dot_general3A_42, %dot_general3A_47 : vector<1000x256xf32>
    %jit3A_49 = arith.constant 0.000000e+00 : f32
    %broadcast_in_dim3A_50 = vector.shape_cast %gt3A_24 : vector<1000x1xi1> to vector<1000x1xi1>
    %broadcast_in_dim3A_51 = vector.broadcast %broadcast_in_dim3A_50 : vector<1000x1xi1> to vector<1000x256xi1>
    %broadcast_in_dim3A_52 = vector.broadcast %jit3A_49 : f32 to vector<1000x256xf32>
    %select_n3A_53 = arith.select %broadcast_in_dim3A_51, %add3A_37, %broadcast_in_dim3A_52 : vector<1000x256xi1>, vector<1000x256xf32>
    %mul3A = vector.broadcast %select_n3A : vector<1000x1xf32> to vector<1000x256xf32>
    %mul3A_54 = arith.mulf %mul3A, %add3A_48 : vector<1000x256xf32>
    %add3A_55 = arith.addf %select_n3A_53, %mul3A_54 : vector<1000x256xf32>
    %get3A_56 = arith.constant 0 : index
    %get3A_57 = arith.constant 0 : index
    %get3A_58 = vector.load %arg12[%get3A_56, %get3A_57] : memref<256x384xf32, #tpu.memory_space<vmem>>, vector<256x384xf32>
    %dot_general3A_59 = arith.constant dense<0.000000e+00> : vector<1000x384xf32>
    %dot_general3A_60 = tpu.matmul %add3A_55, %get3A_58, %dot_general3A_59 {dimension_numbers = #tpu.dot_dimension_numbers<[1], [0], [0], [1], [0, 0, 1, 1], [], []>, precision = #tpu.contract_precision<fp32>, transpose_lhs_hint = false} : vector<1000x256xf32>, vector<256x384xf32>, vector<1000x384xf32> -> vector<1000x384xf32>
    %get3A_61 = arith.constant 0 : index
    %get3A_62 = arith.constant 0 : index
    %get3A_63 = vector.load %arg14[%get3A_61, %get3A_62] : memref<1x384xf32, #tpu.memory_space<vmem>>, vector<1x384xf32>
    %add3A_64 = vector.broadcast %get3A_63 : vector<1x384xf32> to vector<1000x384xf32>
    %add3A_65 = arith.addf %dot_general3A_60, %add3A_64 : vector<1000x384xf32>
    %get3A_66 = arith.constant 0 : index
    %get3A_67 = arith.constant 0 : index
    %get3A_68 = vector.load %arg13[%get3A_66, %get3A_67] : memref<128x384xf32, #tpu.memory_space<vmem>>, vector<128x384xf32>
    %dot_general3A_69 = arith.constant dense<0.000000e+00> : vector<1000x384xf32>
    %dot_general3A_70 = tpu.matmul %get3A_1, %get3A_68, %dot_general3A_69 {dimension_numbers = #tpu.dot_dimension_numbers<[1], [0], [0], [1], [0, 0, 1, 1], [], []>, precision = #tpu.contract_precision<fp32>, transpose_lhs_hint = false} : vector<1000x128xf32>, vector<128x384xf32>, vector<1000x384xf32> -> vector<1000x384xf32>
    %get3A_71 = arith.constant 0 : index
    %get3A_72 = arith.constant 0 : index
    %get3A_73 = vector.load %arg15[%get3A_71, %get3A_72] : memref<1x384xf32, #tpu.memory_space<vmem>>, vector<1x384xf32>
    %add3A_74 = vector.broadcast %get3A_73 : vector<1x384xf32> to vector<1000x384xf32>
    %add3A_75 = arith.addf %dot_general3A_70, %add3A_74 : vector<1000x384xf32>
    %slice3A_76 = vector.extract_strided_slice %add3A_65 {offsets = [0, 0], sizes = [1000, 128], strides = [1, 1]} : vector<1000x384xf32> to vector<1000x128xf32>
    %slice3A_77 = vector.extract_strided_slice %add3A_75 {offsets = [0, 0], sizes = [1000, 128], strides = [1, 1]} : vector<1000x384xf32> to vector<1000x128xf32>
    %add3A_78 = arith.addf %slice3A_76, %slice3A_77 : vector<1000x128xf32>
    %logistic3A = arith.negf %add3A_78 : vector<1000x128xf32>
    %logistic3A_79 = math.exp %logistic3A : vector<1000x128xf32>
    %logistic3A_80 = arith.constant 1.000000e+00 : f32
    %logistic3A_81 = vector.broadcast %logistic3A_80 : f32 to vector<1000x128xf32>
    %logistic3A_82 = arith.addf %logistic3A_81, %logistic3A_79 : vector<1000x128xf32>
    %logistic3A_83 = arith.divf %logistic3A_81, %logistic3A_82 : vector<1000x128xf32>
    %slice3A_84 = vector.extract_strided_slice %add3A_65 {offsets = [0, 128], sizes = [1000, 128], strides = [1, 1]} : vector<1000x384xf32> to vector<1000x128xf32>
    %slice3A_85 = vector.extract_strided_slice %add3A_75 {offsets = [0, 128], sizes = [1000, 128], strides = [1, 1]} : vector<1000x384xf32> to vector<1000x128xf32>
    %add3A_86 = arith.addf %slice3A_84, %slice3A_85 : vector<1000x128xf32>
    %logistic3A_87 = arith.negf %add3A_86 : vector<1000x128xf32>
    %logistic3A_88 = math.exp %logistic3A_87 : vector<1000x128xf32>
    %logistic3A_89 = arith.constant 1.000000e+00 : f32
    %logistic3A_90 = vector.broadcast %logistic3A_89 : f32 to vector<1000x128xf32>
    %logistic3A_91 = arith.addf %logistic3A_90, %logistic3A_88 : vector<1000x128xf32>
    %logistic3A_92 = arith.divf %logistic3A_90, %logistic3A_91 : vector<1000x128xf32>
    %slice3A_93 = vector.extract_strided_slice %add3A_65 {offsets = [0, 256], sizes = [1000, 128], strides = [1, 1]} : vector<1000x384xf32> to vector<1000x128xf32>
    %slice3A_94 = vector.extract_strided_slice %add3A_75 {offsets = [0, 256], sizes = [1000, 128], strides = [1, 1]} : vector<1000x384xf32> to vector<1000x128xf32>
    %mul3A_95 = arith.mulf %logistic3A_83, %slice3A_94 : vector<1000x128xf32>
    %add3A_96 = arith.addf %slice3A_93, %mul3A_95 : vector<1000x128xf32>
    %tanh3A = math.tanh %add3A_96 : vector<1000x128xf32>
    %sub3A = arith.constant 1.000000e+00 : f32
    %sub3A_97 = vector.broadcast %sub3A : f32 to vector<1000x128xf32>
    %sub3A_98 = arith.subf %sub3A_97, %logistic3A_92 : vector<1000x128xf32>
    %mul3A_99 = arith.mulf %sub3A_98, %tanh3A : vector<1000x128xf32>
    %mul3A_100 = arith.mulf %logistic3A_92, %get3A_1 : vector<1000x128xf32>
    %add3A_101 = arith.addf %mul3A_99, %mul3A_100 : vector<1000x128xf32>
    %swap3A = arith.constant 0 : index
    %swap3A_102 = arith.constant 0 : index
    %swap3A_103 = vector.load %arg16[%swap3A, %swap3A_102] : memref<1000x128xf32, #tpu.memory_space<vmem>>, vector<1000x128xf32>
    tpu.vector_store %arg16[%swap3A, %swap3A_102], %add3A_101 {strides = array<i32>} : memref<1000x128xf32, #tpu.memory_space<vmem>>, vector<1000x128xf32>,
    return
  }
  func.func @transform_0(%arg0: i32) -> (i32, i32) {
    %c0_i32 = arith.constant 0 : i32
    %c0_i32_0 = arith.constant 0 : i32
    return %arg0, %c0_i32 : i32, i32
  }
  func.func @transform_1(%arg0: i32) -> (i32, i32) {
    %c0_i32 = arith.constant 0 : i32
    %c0_i32_0 = arith.constant 0 : i32
    return %arg0, %c0_i32 : i32, i32
  }
  func.func @transform_2(%arg0: i32) -> (i32, i32) {
    %c0_i32 = arith.constant 0 : i32
    %c0_i32_0 = arith.constant 0 : i32
    return %arg0, %c0_i32 : i32, i32
  }
  func.func @transform_3(%arg0: i32) -> (i32, i32) {
    %c0_i32 = arith.constant 0 : i32
    %c0_i32_0 = arith.constant 0 : i32
    return %arg0, %c0_i32 : i32, i32
  }
  func.func @transform_4(%arg0: i32) -> (i32, i32) {
    %c0_i32 = arith.constant 0 : i32
    %c0_i32_0 = arith.constant 0 : i32
    return %arg0, %c0_i32 : i32, i32
  }
  func.func @transform_5(%arg0: i32) -> (i32, i32) {
    %c0_i32 = arith.constant 0 : i32
    %c0_i32_0 = arith.constant 0 : i32
    return %arg0, %c0_i32 : i32, i32
  }
  func.func @transform_6(%arg0: i32) -> (i32, i32) {
    %c0_i32 = arith.constant 0 : i32
    %c0_i32_0 = arith.constant 0 : i32
    return %arg0, %c0_i32 : i32, i32
  }
  func.func @transform_7(%arg0: i32) -> (i32, i32) {
    %c0_i32 = arith.constant 0 : i32
    %c0_i32_0 = arith.constant 0 : i32
    %c0_i32_1 = arith.constant 0 : i32
    return %c0_i32, %c0_i32_0 : i32, i32
  }
  func.func @transform_8(%arg0: i32) -> (i32, i32) {
    %c0_i32 = arith.constant 0 : i32
    %c0_i32_0 = arith.constant 0 : i32
    %c0_i32_1 = arith.constant 0 : i32
    return %c0_i32, %c0_i32_0 : i32, i32
  }
  func.func @transform_9(%arg0: i32) -> (i32, i32) {
    %c0_i32 = arith.constant 0 : i32
    %c0_i32_0 = arith.constant 0 : i32
    %c0_i32_1 = arith.constant 0 : i32
    return %c0_i32, %c0_i32_0 : i32, i32
  }
  func.func @transform_10(%arg0: i32) -> (i32, i32) {
    %c0_i32 = arith.constant 0 : i32
    %c0_i32_0 = arith.constant 0 : i32
    %c0_i32_1 = arith.constant 0 : i32
    return %c0_i32, %c0_i32_0 : i32, i32
  }
  func.func @transform_11(%arg0: i32) -> (i32, i32) {
    %c0_i32 = arith.constant 0 : i32
    %c0_i32_0 = arith.constant 0 : i32
    %c0_i32_1 = arith.constant 0 : i32
    return %c0_i32, %c0_i32_0 : i32, i32
  }
  func.func @transform_12(%arg0: i32) -> (i32, i32) {
    %c0_i32 = arith.constant 0 : i32
    %c0_i32_0 = arith.constant 0 : i32
    %c0_i32_1 = arith.constant 0 : i32
    return %c0_i32, %c0_i32_0 : i32, i32
  }
  func.func @transform_13(%arg0: i32) -> (i32, i32) {
    %c0_i32 = arith.constant 0 : i32
    %c0_i32_0 = arith.constant 0 : i32
    %c0_i32_1 = arith.constant 0 : i32
    return %c0_i32, %c0_i32_0 : i32, i32
  }
  func.func @transform_14(%arg0: i32) -> (i32, i32) {
    %c0_i32 = arith.constant 0 : i32
    %c0_i32_0 = arith.constant 0 : i32
    %c0_i32_1 = arith.constant 0 : i32
    return %c0_i32, %c0_i32_0 : i32, i32
  }
  func.func @transform_15(%arg0: i32) -> (i32, i32) {
    %c0_i32 = arith.constant 0 : i32
    %c0_i32_0 = arith.constant 0 : i32
    return %arg0, %c0_i32 : i32, i32
  }
}

</mosaic_0001>

<sc_bundles>
// kernel: kernel.10.cloned.1.call-start
scs
__scs_entry_jumppad:
0x0: {  	(pc) =	sbr.rel $0x88, $3  }
0x1: {  	(tag) =	ssettag $0x0;
	lr =	simm.s32 $0x1  }
0x2: {  	[smem:$0x3F98] =	sst lr;
	_ =	strace $0xD0000000  }
0x3: {  	_ = 	snop  }
0x4: {  	_ = 	snop  }
0x5: {  	_ = 	snop  }
0x6: {  	_ = 	snop  }
0x7: {  	_ = 	snop  }
__scs_overlays_trampoline_lowered:
0x8: {  	[smem:$0x3FA7] =	sst s0  }
0x9: {  	[smem:$0x3FA8] =	sst s1  }
0xa: {  	[smem:$0x3FA9] =	sst s2  }
0xb: {  	[smem:$0x3FAA] =	sst s3  }
0xc: {  	[smem:$0x3FAB] =	sst s4  }
0xd: {  	[smem:$0x3FAC] =	sst s5  }
0xe: {  	[smem:$0x3FAD] =	sst s6  }
0xf: {  	[smem:$0x3FAE] =	sst s7  }
0x10: {  	[smem:$0x3FAF] =	sst s8  }
0x11: {  	[smem:$0x3FB0] =	sst s9;
	s0 =	simm.s32 @!p0 $0x0  }
0x12: {  	s1 =	sld [smem:$0x3F96];
	s0 =	simm.s32 @p0 $0x1  }
0x13: {  	[smem:$0x3FB1] =	sst s0;
	s0 =	simm.s32 @!p1 $0x0  }
0x14: {  	s2 =	sld [smem:$0x3F95];
	s0 =	simm.s32 @p1 $0x1  }
0x15: {  	[smem:$0x3FB2] =	sst s0;
	s0 =	simm.s32 @!p2 $0x0  }
0x16: {  	s3 =	sld [smem:$0x3FDB];
	s0 =	simm.s32 @p2 $0x1  }
0x17: {  	s4 =	simm.s32 $0x1BF5;
	[smem:$0x3FB4] =	sst s0  }
0x18: {  	s0 =	sld [smem:$0x3F97];
	_ =	swait.ge [sflag:s4], $0x0  }
0x19: {  	s7 =	sld [smem:$0x3F98]  }
0x1a: {  	s8 =	sadd.s32 $0xFFFFE003, lr  }
0x1b: {  	s9 =	sadd.s32 $0xFFFFFEF7, lr;
	s5 =	simm.s32 $0xFFFFFFFF;
	p2 =	slt.u32 s8, $0xFFFFF086  }
0x1c: {  	p1 =	slt.u32 s9, $0xF7A;
	s5 =	simm.s32 @!p2 $0x0  }
0x1d: {  	s5 =	simm.s32 @p1 $0x1;
	p0 =	seq.s32 s7, s2  }
0x1e: {  	s7 =	smul.u32 @!p0 $0xF7A, s2;
	p2 =	seq.s32 @!p0 s5, $0x0  }
0x1f: {  	s9 =	smul.u32 $0xF7A, s1;
	s8 =	simm.s32 @!p0 $0x1BF5;
	p2 =	por !p2, p0  }
0x20: {  	[sflag:s8] =	ssyncset.s32 @!p0 $0xFFFFF086;
	s6 =	sadd.s32 @!p0 s3, s7;
	s7 =	simm.s32 @!p0 $0x108  }
0x21: {  	s3 =	sadd.s32 s3, s9;
	s6 =	sadd.s32 @!p0 $0x88, s6;
	s7 =	simm.s32 @p2 $0x1082  }
0x22: {  	[simem:s7], [sflag:s8] =	dma.local @!p0 [hbm:s6], $0xF7A  }
0x23: {  	s9 =	sor.u32 $0xD0000000, s2;
	s6 =	simm.s32 $0x108;
	_ =	swait.ge @!p0 [sflag:s8], $0x0  }
0x24: {  	s3 =	sadd.s32 $0x88, s3;
	s6 =	simm.s32 @!p1 $0x1082;
	[sflag:s4] =	ssyncset.s32 $0xFFFFF086  }
0x25: {  	[simem:s6], [sflag:s4] =	dma.local [hbm:s3], $0xF7A  }
0x26: {  	[smem:$0x3F98] =	sst s1;
	(tag) =	ssettag s2;
	_ =	strace s9  }
0x27: {  	s1 =	sld [smem:$0x3FA8]  }
0x28: {  	s2 =	sld [smem:$0x3FA9]  }
0x29: {  	s4 =	sld [smem:$0x3FAB]  }
0x2a: {  	p0 =	seq.s32 s5, $0x0;
	s5 =	sld [smem:$0x3FAC]  }
0x2b: {  	s6 =	sld [smem:$0x3FAD]  }
0x2c: {  	s7 =	sld [smem:$0x3FAE]  }
0x2d: {  	s3 =	simm.s32 $0x108;
	s8 =	sld [smem:$0x3FAF]  }
0x2e: {  	s3 =	simm.s32 @!p0 $0x1082;
	s9 =	sld [smem:$0x3FB0]  }
0x2f: {  	lr =	sadd.s32 s0, s3;
	s0 =	sld [smem:$0x3FA7]  }
0x30: {  	s3 =	sld [smem:$0x3FAA]  }
0x31: {  	[smem:$0x3FB3] =	sst s10  }
0x32: {  	s10 =	sld [smem:$0x3FB1];
	_ =	sdelay $0x3  }
0x33: {  	p0 =	seq.s32 s10, $0x1;
	s10 =	sld [smem:$0x3FB3];
	_ =	sdelay $0x3  }
0x34: {  	[smem:$0x3FB3] =	sst s10  }
0x35: {  	s10 =	sld [smem:$0x3FB2];
	_ =	sdelay $0x3  }
0x36: {  	p1 =	seq.s32 s10, $0x1;
	s10 =	sld [smem:$0x3FB3];
	_ =	sdelay $0x3  }
0x37: {  	[smem:$0x3FB3] =	sst s10  }
0x38: {  	s10 =	sld [smem:$0x3FB4]  }
0x39: {  	_ = 	snop;
	(pc) =	sbr.ind lr, $3  }
0x3a: {  	_ = 	snop  }
0x3b: {  	_ = 	snop  }
0x3c: {  	p2 =	seq.s32 s10, $0x1;
	s10 =	sld [smem:$0x3FB3]  }
0x3d: {  	_ =	shalt  }
0x3e: {  	_ =	shalt  }
0x3f: {  	_ =	shalt  }
0x40: {  	_ =	shalt  }
0x41: {  	_ =	shalt  }
0x42: {  	_ =	shalt  }
0x43: {  	_ =	shalt  }
0x44: {  	_ =	shalt  }
0x45: {  	_ =	shalt  }
0x46: {  	_ =	shalt  }
0x47: {  	_ =	shalt  }
0x48: {  	_ =	shalt  }
0x49: {  	_ =	shalt  }
0x4a: {  	_ =	shalt  }
0x4b: {  	_ =	shalt  }
0x4c: {  	_ =	shalt  }
0x4d: {  	_ =	shalt  }
0x4e: {  	_ =	shalt  }
0x4f: {  	_ =	shalt  }
0x50: {  	_ =	shalt  }
0x51: {  	_ =	shalt  }
0x52: {  	_ =	shalt  }
0x53: {  	_ =	shalt  }
0x54: {  	_ =	shalt  }
0x55: {  	_ =	shalt  }
0x56: {  	_ =	shalt  }
0x57: {  	_ =	shalt  }
0x58: {  	_ =	shalt  }
0x59: {  	_ =	shalt  }
0x5a: {  	_ =	shalt  }
0x5b: {  	_ =	shalt  }
0x5c: {  	_ =	shalt  }
0x5d: {  	_ =	shalt  }
0x5e: {  	_ =	shalt  }
0x5f: {  	_ =	shalt  }
0x60: {  	_ =	shalt  }
0x61: {  	_ =	shalt  }
0x62: {  	_ =	shalt  }
0x63: {  	_ =	shalt  }
0x64: {  	_ =	shalt  }
0x65: {  	_ =	shalt  }
0x66: {  	_ =	shalt  }
0x67: {  	_ =	shalt  }
0x68: {  	_ =	shalt  }
0x69: {  	_ =	shalt  }
0x6a: {  	_ =	shalt  }
0x6b: {  	_ =	shalt  }
0x6c: {  	_ =	shalt  }
0x6d: {  	_ =	shalt  }
0x6e: {  	_ =	shalt  }
0x6f: {  	_ =	shalt  }
0x70: {  	_ =	shalt  }
0x71: {  	_ =	shalt  }
0x72: {  	_ =	shalt  }
0x73: {  	_ =	shalt  }
0x74: {  	_ =	shalt  }
0x75: {  	_ =	shalt  }
0x76: {  	_ =	shalt  }
0x77: {  	_ =	shalt  }
0x78: {  	_ =	shalt  }
0x79: {  	_ =	shalt  }
0x7a: {  	_ =	shalt  }
0x7b: {  	_ =	shalt  }
0x7c: {  	_ =	shalt  }
0x7d: {  	_ =	shalt  }
0x7e: {  	_ =	shalt  }
0x7f: {  	_ =	shalt  }
0x80: {  	_ =	shalt  }
0x81: {  	_ =	shalt  }
0x82: {  	_ =	shalt  }
0x83: {  	_ =	shalt  }
0x84: {  	_ =	shalt  }
0x85: {  	_ =	shalt  }
0x86: {  	_ =	shalt  }
0x87: {  	_ =	shalt  }
.Lfunc_end0:
.L_simem_size_0:
called_computation.1_lowered:
.L_overlay_start_0:
0x88: {  	s2 =	sld [smem:$0x3FD9]  }
0x89: {  	s3 =	sld [smem:$0x3FFE];
	_ =	sdelay $0x1  }
0x8a: {  	s1 =	srdreg.scid  }
0x8b: {  	s0 =	sand.u32 $0x1, s1  }
0x8c: {  	s17 =	sshll.u32 s0, $0xA;
	s2 =	sadd.s32 s3, s2  }
0x8d: {  	s2 =	sadd.s32 s2, s17  }
0x8e: {  	[smem:$0x3FBF] =	sst s2  }
0x8f: {  	_ = 	snop  }
0x90: {  	s2 =	sld [smem:$0x3FD0];
	(tm) =	ssettm $0x1  }
0x91: {  	s18 =	sld [smem:$0x3FFB];
	_ =	sdelay $0x3  }
0x92: {  	_ =	strace s18  }
0x93: {  	s3 =	sld [smem:$0x3FFC];
	_ =	sdelay $0x3  }
0x94: {  	_ =	strace s3  }
0x95: {  	s3 =	sld [smem:$0x3FFD];
	_ =	sdelay $0x3  }
0x96: {  	_ =	strace s3  }
0x97: {  	_ =	strace $0x8FFFFFFF  }
0x98: {  	s19 =	sld [smem:$0x3FDB];
	_ =	sdelay $0x1  }
0x99: {  	s4 =	simm.s32 $_scs_section_size  }
0x9a: {  	s5 =	simm.s32 $_size__tile_overlayer_lowered;
	s6 =	simm.s32 $_tile_overlayer_lowered  }
0x9b: {  	s22 =	simm.s32 $0x1BFF;
	s21 =	sshll.u32 s6, $0x1;
	s3 =	sadd.s32 s4, s19  }
0x9c: {  	s7 =	simm.s32 $0x0;
	s20 =	sshll.u32 s5, $0x1;
	s5 =	sadd.s32 s21, s3  }
0x9d: {  	[timem:s7], [sflag:s22] =	dma.local [hbm:s5], s20  }
0x9e: {  	_ =	swait.ge [sflag:s22], s20  }
0x9f: {  	s4 =	ssub.s32 $0x0, s20;
	[sflag:s22] =	ssyncset.done $0x0  }
0xa0: {  	[sflag:s22] =	ssyncadd.s32 s4;
	_ =	sdelay $0x1  }
0xa1: {  	s23 =	simm.s32 $0x1B8B  }
0xa2: {  	_ =	swait.ge [sflag:s23], $0x1  }
0xa3: {  	[sflag:s23] =	ssyncset.done $0x0  }
0xa4: {  	s25 =	simm.s32 $0x1B8E;
	s24 =	sld [smem:$0x3FFE];
	[sflag:s23] =	ssyncadd.s32 $0xFFFFFFFF  }
0xa5: {  	s26 =	simm.s32 $execute0_lowered;
	[smem:$0x3FD2] =	sst s25  }
0xa6: {  	s5 =	sshll.u32 s26, $0x1;
	_ =	strace $0x80000046;
	[dreg:$0x1] =	wrdreg $0xFFFFFFFF  }
0xa7: {  	s28 =	simm.s32 $_size_execute0_lowered;
	s3 =	sadd.s32 s3, s5;
	[dreg:$0x0] =	wrdreg $0x0  }
0xa8: {  	s5 =	sshll.u32 s28, $0x1;
	[dreg:$0x2] =	wrdreg s3  }
0xa9: {  	[dreg:$0x3] =	wrdreg s5  }
0xaa: {  	[dreg:$0x4] =	wrdreg $0xC0  }
0xab: {  	_ =	task [dreg:s7], $0x5FFFF  }
0xac: {  	[dreg:$0x1] =	wrdreg $0xFFFFFFFF  }
0xad: {  	[dreg:$0x0] =	wrdreg $0x60  }
0xae: {  	[dreg:$0x2] =	wrdreg s24  }
0xaf: {  	[dreg:$0x3] =	wrdreg s2  }
0xb0: {  	[dreg:$0x4] =	wrdreg $0xA  }
0xb1: {  	_ =	task.clear_ibuf [dreg:s7], $0x5FFFF;
	_ =	strace $0x90000046  }
0xb2: {  	s29 =	simm.s32 $0xA;
	_ =	strace $0x80000048  }
0xb3: {  	_ =	swait.ge [sflag:s29], $0x1  }
0xb4: {  	[sflag:s29] =	ssyncadd.s32 $0xFFFFFFFF  }
0xb5: {  	_ =	strace $0x90000048  }
0xb6: {  	_ =	sfence  }
0xb7: {  	s30 =	sld [smem:$0x0];
	_ =	sdelay $0x2  }
0xb8: {  	s31 =	sshll.u32 s1, $0xD;
	s1 =	sshrl.u32 s1, $0x2  }
0xb9: {  	s3 =	sand.u32 $0x4000, s31;
	s1 =	sadd.s32 s1, s30  }
0xba: {  	s0 =	sor.u32 s3, s0;
	s1 =	sshll.u32 s1, $0x11  }
0xbb: {  	s0 =	sor.u32 s1, s0  }
0xbc: {  	s0 =	sadd.s32 $0x8F2B, s0  }
0xbd: {  	[sflag:s0] =	ssyncadd.remote.s32 $0x1  }
0xbe: {  	_ =	sfence.sel $0xFFFF  }
0xbf: {  	[dreg:$0x0] =	wrdreg $0xFFFFFFFF;
	(pc) =	sbr.abs _section_cstart, $3  }
0xc0: {  	[dreg:$0x1] =	wrdreg $0xFFFFFFFF  }
0xc1: {  	_ =	task.clear_ibuf [dreg:s7], $0x2FFFF;
	_ =	strace $0x9FFFFFFF  }
0xc2: {  	(tm) =	ssettm $0x7FFFFFFF  }
0xc3: {  	_ =	shalt  }
tec
execute0_lowered:
.L_overlay_start_1:
0x0: {  	(tag) =	ssettag $0x1  }
0x1: {  	s4 =	rddreg [dreg:$0x0]  }
0x2: {  	s2 =	rddreg [dreg:$0x1]  }
0x3: {  	s0 =	rddreg [dreg:$0x2];
	s5 =	srdreg.scid  }
0x4: {  	s1 =	stileid.u32;
	s3 =	simm.s32 $0x0;
	s11 =	simm.s32 $0x1  }
0x5: {  	s12 =	simm.s32 $0x2780;
	s13 =	simm.s32 $0x80;
	s14 =	simm.s32 $0x400  }
0x6: {  	s15 =	simm.s32 $0x100;
	s16 =	simm.s32 $0x5200;
	s17 =	simm.s32 $0x0  }
0x7: {  	s8 =	sand.u32 $0x1, s5;
	s29 =	sshll.u32 s1, $0x1;
	[smem:$0x7FF] =	sst s3  }
0x8: {  	s7 =	sshrl.u32 s1, $0x2;
	s31 =	smul.u32 $0x28000, s1;
	s5 =	sor.u32 s8, s29  }
0x9: {  	v0 =	vimm.f32 $0.0e+00;
	v1 =	vimm.f32 $1.000000000e+00;
	v2 =	vimm.s32 $0x0;
	_ =	strace $0x80000047;
	s9 =	ssub.s32 $0x2, s8;
	s7 =	smul.u32 $0x14000, s7  }
0xa: {  	v3 =	vimm.s32 $0x1;
	v4 =	vimm.s32 $0x2;
	v5 =	vimm.s32 $0x3;
	s6 =	smul.u32 $0x4E2, s5;
	s5 =	sshll.u32 s5, $0x7;
	s10 =	sshrl.u32 s9, $0x1  }
0xb: {  	v6 =	vimm.s32 $0x4;
	v7 =	vimm.s32 $0x5;
	v8 =	vimm.s32 $0x6;
	s8 =	sshll.u32 s8, $0x7;
	s5 =	sand.u32 $0x380, s5;
	s10 =	ssub.s32 s9, s10  }
0xc: {  	v9 =	vimm.s32 $0x7;
	v10 =	vimm.s32 $0x8;
	v11 =	vimm.s32 $0x9;
	s9 =	sor.u32 s8, s31;
	s6 =	sadd.s32 s6, s4;
	s7 =	sor.u32 s7, s5  }
0xd: {  	v12 =	vimm.s32 $0xA;
	v13 =	vimm.s32 $0xB;
	v14 =	vimm.s32 $0xC;
	s4 =	sadd.s32 $0xE000, s4;
	s10 =	smax.u32 s10, $0x1;
	s30 =	sshrl.u32 s7, $0x3  }
0xe: {  	v15 =	vimm.s32 $0xD;
	v16 =	vimm.s32 $0xE;
	v17 =	vimm.s32 $0xF;
	s5 =	sadd.s32 $0x4200, s6;
	s7 =	smul.u32 $0x1400, s1;
	s6 =	sadd.s32 s2, s30  }
.LBB2_1:
0xf: {  	[tilespmem:s3], [sflag:$0x1] =	stream.linear.gather [hbm4b:s5+s3], $0x2710, $0x38;
	[tilespmem:$0x6200] =	vst v63  }
0x10: {  	_ =	swait.ge [sflag:s11], $0x2710  }
0x11: {  	[sflag:s11] =	ssyncset.done $0x0  }
0x12: {  	s18 =	simm.s32 $0x0;
	[sflag:s11] =	ssyncadd.s32 $0xFFFFD8F0  }
.LBB2_2:
0x13: {  	p0 =	sne.s32 s18, $0x9FC0  }
.Ltmp0:
0x14: {  	_ = 	snop;
	(pc) =	sbr.rel @p0 .LBB2_2-.Ltmp0, $3  }
0x15: {  	_ =	sdelay $0x1  }
0x16: {  	s19 =	sshra.s32 s18, $0x2  }
0x17: {  	s18 =	sadd.s32 $0x40, s18;
	[tilespmem:s19+$0x2780] =	vst v0  }
0x18: {  	s19 =	simm.s32 $0x0;
	s18 =	simm.s32 $0x40  }
.LBB2_4:
0x19: {  	p0 =	sne.s32 s18, $0x9C00;
	v18 =	vld [tilespmem:s19+$0x0];
	_ =	sdelay $0x3  }
.Ltmp1:
0x1a: {  	(pc) =	sbr.rel @p0 .LBB2_4-.Ltmp1, $2  }
0x1b: {  	_ =	sdelay $0x2  }
0x1c: {  	s19 =	sshra.s32 s18, $0x2;
	s18 =	sadd.s32 $0x40, s18;
	[tilespmem:v18+s12+$0x0] =	vst.idx.add.f32.msk $0xffff, v1  }
0x1d: {  	v18 =	vld [tilespmem:s19+$0x0];
	_ =	sdelay $0x7  }
0x1e: {  	[tilespmem:v18+s12+$0x0] =	vst.idx.add.f32.msk $0xffff, v1  }
0x1f: {  	[hbm4b:s6+s13] =	stream.strided.scatter [tilespmem:s12], [sflag:$0x1], $0x2800, s14, s13, $0x38;
	[tilespmem:$0x6200] =	vst v63  }
0x20: {  	_ =	swait.ge [sflag:s11], $0x2800  }
0x21: {  	[sflag:s11] =	ssyncset.done $0x0  }
0x22: {  	[sflag:s11] =	ssyncadd.s32 $0xFFFFD800  }
0x23: {  	[bflag:$0x0] =	sbarrier.arrive $0xFFFF  }
0x24: {  	[tilespmem:$0x4F80] =	vst v0  }
0x25: {  	[tilespmem:$0x4F90] =	vst v0  }
0x26: {  	[tilespmem:$0x4FA0] =	vst v0  }
0x27: {  	[tilespmem:$0x4FB0] =	vst v0  }
0x28: {  	[tilespmem:$0x4FC0] =	vst v0  }
0x29: {  	[tilespmem:$0x4FD0] =	vst v0  }
0x2a: {  	[tilespmem:$0x4FE0] =	vst v0  }
0x2b: {  	[tilespmem:$0x4FF0] =	vst v0  }
0x2c: {  	[tilespmem:$0x5000] =	vst v0  }
0x2d: {  	[tilespmem:$0x5010] =	vst v0  }
0x2e: {  	[tilespmem:$0x5020] =	vst v0  }
0x2f: {  	[tilespmem:$0x5030] =	vst v0  }
0x30: {  	[tilespmem:$0x5040] =	vst v0  }
0x31: {  	[tilespmem:$0x5050] =	vst v0  }
0x32: {  	[tilespmem:$0x5060] =	vst v0  }
0x33: {  	[tilespmem:$0x5070] =	vst v0  }
0x34: {  	[tilespmem:$0x5080] =	vst v0  }
0x35: {  	[tilespmem:$0x5090] =	vst v0  }
0x36: {  	[tilespmem:$0x50A0] =	vst v0  }
0x37: {  	[tilespmem:$0x50B0] =	vst v0  }
0x38: {  	[tilespmem:$0x50C0] =	vst v0  }
0x39: {  	[tilespmem:$0x50D0] =	vst v0  }
0x3a: {  	[tilespmem:$0x50E0] =	vst v0  }
0x3b: {  	[tilespmem:$0x50F0] =	vst v0  }
0x3c: {  	[tilespmem:$0x5100] =	vst v0  }
0x3d: {  	[tilespmem:$0x5110] =	vst v0  }
0x3e: {  	[tilespmem:$0x5120] =	vst v0  }
0x3f: {  	[tilespmem:$0x5130] =	vst v0  }
0x40: {  	[tilespmem:$0x5140] =	vst v0  }
0x41: {  	[tilespmem:$0x5150] =	vst v0  }
0x42: {  	[tilespmem:$0x5160] =	vst v0  }
0x43: {  	[tilespmem:$0x5170] =	vst v0  }
0x44: {  	[tilespmem:$0x5180] =	vst v0  }
0x45: {  	[tilespmem:$0x5190] =	vst v0  }
0x46: {  	[tilespmem:$0x51A0] =	vst v0  }
0x47: {  	[tilespmem:$0x51B0] =	vst v0  }
0x48: {  	[tilespmem:$0x51C0] =	vst v0  }
0x49: {  	[tilespmem:$0x51D0] =	vst v0  }
0x4a: {  	[tilespmem:$0x51E0] =	vst v0  }
0x4b: {  	s19 =	simm.s32 $0x0;
	[tilespmem:$0x51F0] =	vst v0  }
.LBB2_6:
0x4c: {  	s18 =	sshrl.u32 s19, $0x2  }
0x4d: {  	s18 =	smul.u32 $0x14000, s18  }
0x4e: {  	s20 =	sshll.u32 s19, $0x8  }
0x4f: {  	s20 =	sand.u32 $0x300, s20;
	s18 =	sadd.s32 s7, s18  }
0x50: {  	s18 =	sor.u32 s18, s20  }
0x51: {  	s18 =	sor.u32 s8, s18  }
0x52: {  	s18 =	sshrl.u32 s18, $0x3  }
0x53: {  	s18 =	sadd.s32 s2, s18  }
0x54: {  	[tilespmem:s12], [sflag:$0x1] =	stream.strided.gather [hbm4b:s18+s13], $0x280, s14, s13, $0x38;
	[tilespmem:$0x6200] =	vst v63  }
0x55: {  	_ =	swait.ge [sflag:s11], $0x280  }
0x56: {  	[sflag:s11] =	ssyncset.done $0x0  }
0x57: {  	s18 =	simm.s32 $0x0;
	[sflag:s11] =	ssyncadd.s32 $0xFFFFFD80  }
0x58: {  	s20 =	simm.s32 $0x40;
	v18 =	vld [tilespmem:s18+$0x2780]  }
.LBB2_7:
0x59: {  	p0 =	sne.s32 s20, $0x9C0;
	v19 =	vld [tilespmem:s18+$0x4F80];
	_ =	sdelay $0x2  }
.Ltmp2:
0x5a: {  	(pc) =	sbr.rel @p0 .LBB2_7-.Ltmp2, $4  }
0x5b: {  	_ = 	snop  }
0x5c: {  	v19 =	vadd.f32 v18, v19  }
0x5d: {  	s21 =	sshra.s32 s20, $0x2  }
0x5e: {  	s20 =	sadd.s32 $0x40, s20;
	v18 =	vld [tilespmem:s21+$0x2780];
	[tilespmem:s18+$0x4F80] =	vst v19;
	s18 =	smov.u32 s21  }
0x5f: {  	v19 =	vld [tilespmem:s18+$0x4F80]  }
0x60: {  	s19 =	sadd.s32 $0x1, s19  }
0x61: {  	p0 =	sne.s32 s19, $0x10  }
.Ltmp3:
0x62: {  	_ = 	snop;
	(pc) =	sbr.rel @p0 .LBB2_6-.Ltmp3, $3  }
0x63: {  	_ = 	snop  }
0x64: {  	v18 =	vadd.f32 v18, v19;
	_ =	sdelay $0x1  }
0x65: {  	[tilespmem:s18+$0x4F80] =	vst v18;
	s18 =	simm.s32 $0x0  }
.LBB2_9:
0x66: {  	s19 =	sshll.u32 s18, $0x5  }
0x67: {  	s19 =	sand.u32 $0x3FFFFFE0, s19  }
0x68: {  	s19 =	sadd.s32 $0x4F80, s19  }
0x69: {  	v18 =	vmov s19;
	_ =	sdelay $0x1  }
0x6a: {  	p0 =	por $0x1, $0x1;
	s19 =	simm.s32 $0x0  }
.LBB2_10:
0x6b: {  	s20 =	sshll.u32 s19, $0x4  }
0x6c: {  	s20 =	sand.u32 $0x3FFFFFF0, s20  }
0x6d: {  	v19 =	vld.idx.msk [tilespmem:v18+s20+$0x0 ss:$0x1], $0xffff;
	_ =	sdelay $0x4  }
0x6e: {  	s31 =	sshll.u32 s19, $0xB;
	v20 =	vperm.xlane v19, v2  }
0x6f: {  	s19 =	sand.u32 $0x3FFFF800, s31  }
0x70: {  	[tilespmem:s19+$0x5200] =	vst v20  }
0x71: {  	[tilespmem:s19+$0x5210] =	vst v20  }
0x72: {  	[tilespmem:s19+$0x5220] =	vst v20  }
0x73: {  	[tilespmem:s19+$0x5230] =	vst v20  }
0x74: {  	[tilespmem:s19+$0x5240] =	vst v20  }
0x75: {  	[tilespmem:s19+$0x5250] =	vst v20  }
0x76: {  	v21 =	vperm.xlane v19, v3;
	[tilespmem:s19+$0x5260] =	vst v20  }
0x77: {  	[tilespmem:s19+$0x5270] =	vst v20  }
0x78: {  	[tilespmem:s19+$0x5280] =	vst v21  }
0x79: {  	[tilespmem:s19+$0x5290] =	vst v21  }
0x7a: {  	[tilespmem:s19+$0x52A0] =	vst v21  }
0x7b: {  	[tilespmem:s19+$0x52B0] =	vst v21  }
0x7c: {  	[tilespmem:s19+$0x52C0] =	vst v21  }
0x7d: {  	[tilespmem:s19+$0x52D0] =	vst v21  }
0x7e: {  	v58 =	vperm.xlane v19, v5;
	[tilespmem:s19+$0x52E0] =	vst v21  }
0x7f: {  	[tilespmem:s19+$0x52F0] =	vst v21  }
0x80: {  	[tilespmem:s19+$0x5380] =	vst v58  }
0x81: {  	[tilespmem:s19+$0x5390] =	vst v58  }
0x82: {  	[tilespmem:s19+$0x53A0] =	vst v58  }
0x83: {  	[tilespmem:s19+$0x53B0] =	vst v58  }
0x84: {  	[tilespmem:s19+$0x53C0] =	vst v58  }
0x85: {  	[tilespmem:s19+$0x53D0] =	vst v58  }
0x86: {  	v59 =	vperm.xlane v19, v7;
	[tilespmem:s19+$0x53E0] =	vst v58  }
0x87: {  	[tilespmem:s19+$0x53F0] =	vst v58  }
0x88: {  	[tilespmem:s19+$0x5480] =	vst v59  }
0x89: {  	[tilespmem:s19+$0x5490] =	vst v59  }
0x8a: {  	[tilespmem:s19+$0x54A0] =	vst v59  }
0x8b: {  	[tilespmem:s19+$0x54B0] =	vst v59  }
0x8c: {  	[tilespmem:s19+$0x54C0] =	vst v59  }
0x8d: {  	[tilespmem:s19+$0x54D0] =	vst v59  }
0x8e: {  	v60 =	vperm.xlane v19, v9;
	[tilespmem:s19+$0x54E0] =	vst v59  }
0x8f: {  	[tilespmem:s19+$0x54F0] =	vst v59  }
0x90: {  	[tilespmem:s19+$0x5580] =	vst v60  }
0x91: {  	[tilespmem:s19+$0x5590] =	vst v60  }
0x92: {  	[tilespmem:s19+$0x55A0] =	vst v60  }
0x93: {  	[tilespmem:s19+$0x55B0] =	vst v60  }
0x94: {  	[tilespmem:s19+$0x55C0] =	vst v60  }
0x95: {  	[tilespmem:s19+$0x55D0] =	vst v60  }
0x96: {  	v61 =	vperm.xlane v19, v11;
	[tilespmem:s19+$0x55E0] =	vst v60  }
0x97: {  	[tilespmem:s19+$0x55F0] =	vst v60  }
0x98: {  	[tilespmem:s19+$0x5680] =	vst v61  }
0x99: {  	[tilespmem:s19+$0x5690] =	vst v61  }
0x9a: {  	[tilespmem:s19+$0x56A0] =	vst v61  }
0x9b: {  	[tilespmem:s19+$0x56B0] =	vst v61  }
0x9c: {  	[tilespmem:s19+$0x56C0] =	vst v61  }
0x9d: {  	[tilespmem:s19+$0x56D0] =	vst v61  }
0x9e: {  	v62 =	vperm.xlane v19, v13;
	[tilespmem:s19+$0x56E0] =	vst v61  }
0x9f: {  	[tilespmem:s19+$0x56F0] =	vst v61  }
0xa0: {  	[tilespmem:s19+$0x5780] =	vst v62  }
0xa1: {  	[tilespmem:s19+$0x5790] =	vst v62  }
0xa2: {  	[tilespmem:s19+$0x57A0] =	vst v62  }
0xa3: {  	[tilespmem:s19+$0x57B0] =	vst v62  }
0xa4: {  	[tilespmem:s19+$0x57C0] =	vst v62  }
0xa5: {  	[tilespmem:s19+$0x57D0] =	vst v62  }
0xa6: {  	v63 =	vperm.xlane v19, v15;
	[tilespmem:s19+$0x57E0] =	vst v62  }
0xa7: {  	[tilespmem:s19+$0x57F0] =	vst v62  }
0xa8: {  	v20 =	vperm.xlane v19, v4;
	[tilespmem:s19+$0x5880] =	vst v63  }
0xa9: {  	[tilespmem:s19+$0x5890] =	vst v63  }
0xaa: {  	[tilespmem:s19+$0x5300] =	vst v20  }
0xab: {  	[tilespmem:s19+$0x5310] =	vst v20  }
0xac: {  	[tilespmem:s19+$0x5320] =	vst v20  }
0xad: {  	[tilespmem:s19+$0x5330] =	vst v20  }
0xae: {  	[tilespmem:s19+$0x5340] =	vst v20  }
0xaf: {  	[tilespmem:s19+$0x5350] =	vst v20  }
0xb0: {  	[tilespmem:s19+$0x5360] =	vst v20  }
0xb1: {  	[tilespmem:s19+$0x5370] =	vst v20;
	v20 =	vperm.xlane v19, v6  }
0xb2: {  	[tilespmem:s19+$0x58A0] =	vst v63  }
0xb3: {  	[tilespmem:s19+$0x5400] =	vst v20  }
0xb4: {  	[tilespmem:s19+$0x5410] =	vst v20  }
0xb5: {  	[tilespmem:s19+$0x5420] =	vst v20  }
0xb6: {  	[tilespmem:s19+$0x5430] =	vst v20  }
0xb7: {  	[tilespmem:s19+$0x5440] =	vst v20  }
0xb8: {  	[tilespmem:s19+$0x5450] =	vst v20  }
0xb9: {  	[tilespmem:s19+$0x5460] =	vst v20  }
0xba: {  	[tilespmem:s19+$0x5470] =	vst v20;
	v20 =	vperm.xlane v19, v8  }
0xbb: {  	[tilespmem:s19+$0x58B0] =	vst v63  }
0xbc: {  	[tilespmem:s19+$0x5500] =	vst v20  }
0xbd: {  	[tilespmem:s19+$0x5510] =	vst v20  }
0xbe: {  	[tilespmem:s19+$0x5520] =	vst v20  }
0xbf: {  	[tilespmem:s19+$0x5530] =	vst v20  }
0xc0: {  	[tilespmem:s19+$0x5540] =	vst v20  }
0xc1: {  	[tilespmem:s19+$0x5550] =	vst v20  }
0xc2: {  	[tilespmem:s19+$0x5560] =	vst v20  }
0xc3: {  	[tilespmem:s19+$0x5570] =	vst v20;
	v20 =	vperm.xlane v19, v10  }
0xc4: {  	[tilespmem:s19+$0x58C0] =	vst v63  }
0xc5: {  	[tilespmem:s19+$0x5600] =	vst v20  }
0xc6: {  	[tilespmem:s19+$0x5610] =	vst v20  }
0xc7: {  	[tilespmem:s19+$0x5620] =	vst v20  }
0xc8: {  	[tilespmem:s19+$0x5630] =	vst v20  }
0xc9: {  	[tilespmem:s19+$0x5640] =	vst v20  }
0xca: {  	[tilespmem:s19+$0x5650] =	vst v20  }
0xcb: {  	[tilespmem:s19+$0x5660] =	vst v20  }
0xcc: {  	[tilespmem:s19+$0x5670] =	vst v20;
	v20 =	vperm.xlane v19, v12  }
0xcd: {  	[tilespmem:s19+$0x58D0] =	vst v63  }
0xce: {  	[tilespmem:s19+$0x5700] =	vst v20  }
0xcf: {  	[tilespmem:s19+$0x5710] =	vst v20  }
0xd0: {  	[tilespmem:s19+$0x5720] =	vst v20  }
0xd1: {  	[tilespmem:s19+$0x5730] =	vst v20  }
0xd2: {  	[tilespmem:s19+$0x5740] =	vst v20  }
0xd3: {  	[tilespmem:s19+$0x5750] =	vst v20  }
0xd4: {  	[tilespmem:s19+$0x5760] =	vst v20  }
0xd5: {  	[tilespmem:s19+$0x5770] =	vst v20;
	v20 =	vperm.xlane v19, v14  }
0xd6: {  	[tilespmem:s19+$0x58E0] =	vst v63  }
0xd7: {  	[tilespmem:s19+$0x5800] =	vst v20  }
0xd8: {  	[tilespmem:s19+$0x5810] =	vst v20  }
0xd9: {  	[tilespmem:s19+$0x5820] =	vst v20  }
0xda: {  	[tilespmem:s19+$0x5830] =	vst v20  }
0xdb: {  	[tilespmem:s19+$0x5840] =	vst v20  }
0xdc: {  	[tilespmem:s19+$0x5850] =	vst v20  }
0xdd: {  	[tilespmem:s19+$0x5860] =	vst v20  }
0xde: {  	[tilespmem:s19+$0x5870] =	vst v20;
	v20 =	vperm.xlane v19, v16  }
0xdf: {  	[tilespmem:s19+$0x58F0] =	vst v63  }
0xe0: {  	[tilespmem:s19+$0x5900] =	vst v20  }
0xe1: {  	[tilespmem:s19+$0x5910] =	vst v20  }
0xe2: {  	[tilespmem:s19+$0x5920] =	vst v20  }
0xe3: {  	[tilespmem:s19+$0x5930] =	vst v20  }
0xe4: {  	[tilespmem:s19+$0x5940] =	vst v20  }
0xe5: {  	[tilespmem:s19+$0x5950] =	vst v20  }
0xe6: {  	v19 =	vperm.xlane v19, v17;
	[tilespmem:s19+$0x5960] =	vst v20  }
0xe7: {  	[tilespmem:s19+$0x5970] =	vst v20  }
0xe8: {  	[tilespmem:s19+$0x5980] =	vst v19  }
0xe9: {  	[tilespmem:s19+$0x5990] =	vst v19  }
0xea: {  	p1 =	por p0, p0;
	[tilespmem:s19+$0x59A0] =	vst v19  }
.Ltmp4:
0xeb: {  	[tilespmem:s19+$0x59B0] =	vst v19;
	(pc) =	sbr.rel @p1 .LBB2_10-.Ltmp4, $4  }
0xec: {  	[tilespmem:s19+$0x59C0] =	vst v19  }
0xed: {  	[tilespmem:s19+$0x59D0] =	vst v19  }
0xee: {  	[tilespmem:s19+$0x59E0] =	vst v19  }
0xef: {  	p0 =	por $0x0, $0x0;
	[tilespmem:s19+$0x59F0] =	vst v19;
	s19 =	simm.s32 $0x1  }
0xf0: {  	s19 =	sshll.u32 s18, $0xD  }
0xf1: {  	s18 =	sadd.s32 $0x1, s18;
	s19 =	sadd.s32 s9, s19  }
0xf2: {  	p0 =	sne.s32 s18, $0x14;
	s19 =	sshrl.u32 s19, $0x3  }
.Ltmp5:
0xf3: {  	s19 =	sadd.s32 s4, s19;
	(pc) =	sbr.rel @p0 .LBB2_9-.Ltmp5, $4  }
0xf4: {  	[hbm4b:s19+s13] =	stream.strided.scatter [tilespmem:s16], [sflag:$0x1], $0x1000, s15, s13, $0x38;
	[tilespmem:$0x6200] =	vst v63  }
0xf5: {  	_ =	swait.ge [sflag:s11], $0x1000  }
0xf6: {  	[sflag:s11] =	ssyncset.done $0x0  }
0xf7: {  	[sflag:s11] =	ssyncadd.s32 $0xFFFFF000  }
0xf8: {  	s17 =	sadd.s32 $0x1, s17  }
0xf9: {  	p0 =	sne.s32 s17, s10  }
.Ltmp6:
0xfa: {  	_ = 	snop;
	(pc) =	sbr.rel @p0 .LBB2_1-.Ltmp6, $1  }
0xfb: {  	_ =	sdelay $0x3  }
0xfc: {  	_ =	sfence.sel $0x180000  }
0xfd: {  	[bflag:$0x0] =	sbarrier.arrive $0xFFFF  }
0xfe: {  	p0 =	sne.s32 s1, $0x0;
	_ =	strace $0x90000047  }
0xff: {  	s0 =	sadd.s32 @!p0 $0x100000, s0;
	[bflag:$0x2] =	sbarrier.arrive $0xFFFF  }
0x100: {  	[sflag:s0] =	ssyncadd.tile.s32 @!p0 $0x1;
	_ =	shalt  }
.Lfunc_end2:
_tile_overlayer_lowered:
.L_overlay_start_2:
0x101: {  	(tag) =	ssettag $0x2  }
0x102: {  	s0 =	rddreg [dreg:$0x0];
	s2 =	stileid.u32  }
0x103: {  	s1 =	rddreg [dreg:$0x1];
	p0 =	sne.s32 s2, $0x0  }
0x104: {  	s3 =	rddreg [dreg:$0x2];
	[bflag:$0x3] =	sbarrier.arrive $0xFFFF;
	s2 =	simm.s32 @!p0 $0x1C01  }
0x105: {  	[timem:s3], [sflag:s2] =	dma.local @!p0 [hbm:s0], s1  }
0x106: {  	s0 =	simm.s32 @!p0 $0x1  }
0x107: {  	_ =	swait.ge @!p0 [sflag:s0], s1  }
0x108: {  	s1 =	ssub.s32 @!p0 $0x0, s1;
	[sflag:s0] =	ssyncset.done @!p0 $0x0  }
0x109: {  	[sflag:s0] =	ssyncadd.s32 @!p0 s1  }
0x10a: {  	[bflag:$0x3] =	sbarrier.arrive $0xFFFF  }
0x10b: {  	_ =	shalt  }

// kernel: kernel.13.cloned.1.call-start
scs
__scs_entry_jumppad:
0x0: {  	(pc) =	sbr.rel $0x88, $3  }
0x1: {  	(tag) =	ssettag $0x0;
	lr =	simm.s32 $0x1  }
0x2: {  	[smem:$0x3F98] =	sst lr;
	_ =	strace $0xD0000000  }
0x3: {  	_ = 	snop  }
0x4: {  	_ = 	snop  }
0x5: {  	_ = 	snop  }
0x6: {  	_ = 	snop  }
0x7: {  	_ = 	snop  }
__scs_overlays_trampoline_lowered:
0x8: {  	[smem:$0x3FA7] =	sst s0  }
0x9: {  	[smem:$0x3FA8] =	sst s1  }
0xa: {  	[smem:$0x3FA9] =	sst s2  }
0xb: {  	[smem:$0x3FAA] =	sst s3  }
0xc: {  	[smem:$0x3FAB] =	sst s4  }
0xd: {  	[smem:$0x3FAC] =	sst s5  }
0xe: {  	[smem:$0x3FAD] =	sst s6  }
0xf: {  	[smem:$0x3FAE] =	sst s7  }
0x10: {  	[smem:$0x3FAF] =	sst s8  }
0x11: {  	[smem:$0x3FB0] =	sst s9;
	s0 =	simm.s32 @!p0 $0x0  }
0x12: {  	s1 =	sld [smem:$0x3F96];
	s0 =	simm.s32 @p0 $0x1  }
0x13: {  	[smem:$0x3FB1] =	sst s0;
	s0 =	simm.s32 @!p1 $0x0  }
0x14: {  	s2 =	sld [smem:$0x3F95];
	s0 =	simm.s32 @p1 $0x1  }
0x15: {  	[smem:$0x3FB2] =	sst s0;
	s0 =	simm.s32 @!p2 $0x0  }
0x16: {  	s3 =	sld [smem:$0x3FDB];
	s0 =	simm.s32 @p2 $0x1  }
0x17: {  	s4 =	simm.s32 $0x1BF5;
	[smem:$0x3FB4] =	sst s0  }
0x18: {  	s0 =	sld [smem:$0x3F97];
	_ =	swait.ge [sflag:s4], $0x0  }
0x19: {  	s7 =	sld [smem:$0x3F98]  }
0x1a: {  	s8 =	sadd.s32 $0xFFFFE003, lr  }
0x1b: {  	s9 =	sadd.s32 $0xFFFFFEF7, lr;
	s5 =	simm.s32 $0xFFFFFFFF;
	p2 =	slt.u32 s8, $0xFFFFF086  }
0x1c: {  	p1 =	slt.u32 s9, $0xF7A;
	s5 =	simm.s32 @!p2 $0x0  }
0x1d: {  	s5 =	simm.s32 @p1 $0x1;
	p0 =	seq.s32 s7, s2  }
0x1e: {  	s7 =	smul.u32 @!p0 $0xF7A, s2;
	p2 =	seq.s32 @!p0 s5, $0x0  }
0x1f: {  	s9 =	smul.u32 $0xF7A, s1;
	s8 =	simm.s32 @!p0 $0x1BF5;
	p2 =	por !p2, p0  }
0x20: {  	[sflag:s8] =	ssyncset.s32 @!p0 $0xFFFFF086;
	s6 =	sadd.s32 @!p0 s3, s7;
	s7 =	simm.s32 @!p0 $0x108  }
0x21: {  	s3 =	sadd.s32 s3, s9;
	s6 =	sadd.s32 @!p0 $0x88, s6;
	s7 =	simm.s32 @p2 $0x1082  }
0x22: {  	[simem:s7], [sflag:s8] =	dma.local @!p0 [hbm:s6], $0xF7A  }
0x23: {  	s9 =	sor.u32 $0xD0000000, s2;
	s6 =	simm.s32 $0x108;
	_ =	swait.ge @!p0 [sflag:s8], $0x0  }
0x24: {  	s3 =	sadd.s32 $0x88, s3;
	s6 =	simm.s32 @!p1 $0x1082;
	[sflag:s4] =	ssyncset.s32 $0xFFFFF086  }
0x25: {  	[simem:s6], [sflag:s4] =	dma.local [hbm:s3], $0xF7A  }
0x26: {  	[smem:$0x3F98] =	sst s1;
	(tag) =	ssettag s2;
	_ =	strace s9  }
0x27: {  	s1 =	sld [smem:$0x3FA8]  }
0x28: {  	s2 =	sld [smem:$0x3FA9]  }
0x29: {  	s4 =	sld [smem:$0x3FAB]  }
0x2a: {  	p0 =	seq.s32 s5, $0x0;
	s5 =	sld [smem:$0x3FAC]  }
0x2b: {  	s6 =	sld [smem:$0x3FAD]  }
0x2c: {  	s7 =	sld [smem:$0x3FAE]  }
0x2d: {  	s3 =	simm.s32 $0x108;
	s8 =	sld [smem:$0x3FAF]  }
0x2e: {  	s3 =	simm.s32 @!p0 $0x1082;
	s9 =	sld [smem:$0x3FB0]  }
0x2f: {  	lr =	sadd.s32 s0, s3;
	s0 =	sld [smem:$0x3FA7]  }
0x30: {  	s3 =	sld [smem:$0x3FAA]  }
0x31: {  	[smem:$0x3FB3] =	sst s10  }
0x32: {  	s10 =	sld [smem:$0x3FB1];
	_ =	sdelay $0x3  }
0x33: {  	p0 =	seq.s32 s10, $0x1;
	s10 =	sld [smem:$0x3FB3];
	_ =	sdelay $0x3  }
0x34: {  	[smem:$0x3FB3] =	sst s10  }
0x35: {  	s10 =	sld [smem:$0x3FB2];
	_ =	sdelay $0x3  }
0x36: {  	p1 =	seq.s32 s10, $0x1;
	s10 =	sld [smem:$0x3FB3];
	_ =	sdelay $0x3  }
0x37: {  	[smem:$0x3FB3] =	sst s10  }
0x38: {  	s10 =	sld [smem:$0x3FB4]  }
0x39: {  	_ = 	snop;
	(pc) =	sbr.ind lr, $3  }
0x3a: {  	_ = 	snop  }
0x3b: {  	_ = 	snop  }
0x3c: {  	p2 =	seq.s32 s10, $0x1;
	s10 =	sld [smem:$0x3FB3]  }
0x3d: {  	_ =	shalt  }
0x3e: {  	_ =	shalt  }
0x3f: {  	_ =	shalt  }
0x40: {  	_ =	shalt  }
0x41: {  	_ =	shalt  }
0x42: {  	_ =	shalt  }
0x43: {  	_ =	shalt  }
0x44: {  	_ =	shalt  }
0x45: {  	_ =	shalt  }
0x46: {  	_ =	shalt  }
0x47: {  	_ =	shalt  }
0x48: {  	_ =	shalt  }
0x49: {  	_ =	shalt  }
0x4a: {  	_ =	shalt  }
0x4b: {  	_ =	shalt  }
0x4c: {  	_ =	shalt  }
0x4d: {  	_ =	shalt  }
0x4e: {  	_ =	shalt  }
0x4f: {  	_ =	shalt  }
0x50: {  	_ =	shalt  }
0x51: {  	_ =	shalt  }
0x52: {  	_ =	shalt  }
0x53: {  	_ =	shalt  }
0x54: {  	_ =	shalt  }
0x55: {  	_ =	shalt  }
0x56: {  	_ =	shalt  }
0x57: {  	_ =	shalt  }
0x58: {  	_ =	shalt  }
0x59: {  	_ =	shalt  }
0x5a: {  	_ =	shalt  }
0x5b: {  	_ =	shalt  }
0x5c: {  	_ =	shalt  }
0x5d: {  	_ =	shalt  }
0x5e: {  	_ =	shalt  }
0x5f: {  	_ =	shalt  }
0x60: {  	_ =	shalt  }
0x61: {  	_ =	shalt  }
0x62: {  	_ =	shalt  }
0x63: {  	_ =	shalt  }
0x64: {  	_ =	shalt  }
0x65: {  	_ =	shalt  }
0x66: {  	_ =	shalt  }
0x67: {  	_ =	shalt  }
0x68: {  	_ =	shalt  }
0x69: {  	_ =	shalt  }
0x6a: {  	_ =	shalt  }
0x6b: {  	_ =	shalt  }
0x6c: {  	_ =	shalt  }
0x6d: {  	_ =	shalt  }
0x6e: {  	_ =	shalt  }
0x6f: {  	_ =	shalt  }
0x70: {  	_ =	shalt  }
0x71: {  	_ =	shalt  }
0x72: {  	_ =	shalt  }
0x73: {  	_ =	shalt  }
0x74: {  	_ =	shalt  }
0x75: {  	_ =	shalt  }
0x76: {  	_ =	shalt  }
0x77: {  	_ =	shalt  }
0x78: {  	_ =	shalt  }
0x79: {  	_ =	shalt  }
0x7a: {  	_ =	shalt  }
0x7b: {  	_ =	shalt  }
0x7c: {  	_ =	shalt  }
0x7d: {  	_ =	shalt  }
0x7e: {  	_ =	shalt  }
0x7f: {  	_ =	shalt  }
0x80: {  	_ =	shalt  }
0x81: {  	_ =	shalt  }
0x82: {  	_ =	shalt  }
0x83: {  	_ =	shalt  }
0x84: {  	_ =	shalt  }
0x85: {  	_ =	shalt  }
0x86: {  	_ =	shalt  }
0x87: {  	_ =	shalt  }
.Lfunc_end0:
.L_simem_size_0:
called_computation.2_lowered:
.L_overlay_start_0:
0x88: {  	s2 =	sld [smem:$0x3FD9]  }
0x89: {  	s3 =	sld [smem:$0x3FFE];
	_ =	sdelay $0x1  }
0x8a: {  	s1 =	srdreg.scid  }
0x8b: {  	s0 =	sand.u32 $0x1, s1  }
0x8c: {  	s17 =	sshll.u32 s0, $0xA;
	s2 =	sadd.s32 s3, s2  }
0x8d: {  	s2 =	sadd.s32 s2, s17  }
0x8e: {  	[smem:$0x3FBF] =	sst s2  }
0x8f: {  	_ = 	snop  }
0x90: {  	s2 =	sld [smem:$0x3FD0];
	(tm) =	ssettm $0x1  }
0x91: {  	s18 =	sld [smem:$0x3FFB];
	_ =	sdelay $0x3  }
0x92: {  	_ =	strace s18  }
0x93: {  	s3 =	sld [smem:$0x3FFC];
	_ =	sdelay $0x3  }
0x94: {  	_ =	strace s3  }
0x95: {  	s3 =	sld [smem:$0x3FFD];
	_ =	sdelay $0x3  }
0x96: {  	_ =	strace s3  }
0x97: {  	_ =	strace $0x8FFFFFFF  }
0x98: {  	s19 =	sld [smem:$0x3FDB];
	_ =	sdelay $0x1  }
0x99: {  	s4 =	simm.s32 $_scs_section_size  }
0x9a: {  	s5 =	simm.s32 $_size__tile_overlayer_lowered;
	s6 =	simm.s32 $_tile_overlayer_lowered  }
0x9b: {  	s22 =	simm.s32 $0x1BFF;
	s21 =	sshll.u32 s6, $0x1;
	s3 =	sadd.s32 s4, s19  }
0x9c: {  	s7 =	simm.s32 $0x0;
	s20 =	sshll.u32 s5, $0x1;
	s5 =	sadd.s32 s21, s3  }
0x9d: {  	[timem:s7], [sflag:s22] =	dma.local [hbm:s5], s20  }
0x9e: {  	_ =	swait.ge [sflag:s22], s20  }
0x9f: {  	s4 =	ssub.s32 $0x0, s20;
	[sflag:s22] =	ssyncset.done $0x0  }
0xa0: {  	[sflag:s22] =	ssyncadd.s32 s4;
	_ =	sdelay $0x1  }
0xa1: {  	s23 =	simm.s32 $0x1B8B  }
0xa2: {  	_ =	swait.ge [sflag:s23], $0x1  }
0xa3: {  	[sflag:s23] =	ssyncset.done $0x0  }
0xa4: {  	s25 =	simm.s32 $0x1B8E;
	s24 =	sld [smem:$0x3FFE];
	[sflag:s23] =	ssyncadd.s32 $0xFFFFFFFF  }
0xa5: {  	s26 =	simm.s32 $execute0_lowered;
	[smem:$0x3FD2] =	sst s25  }
0xa6: {  	s5 =	sshll.u32 s26, $0x1;
	_ =	strace $0x8000004C;
	[dreg:$0x1] =	wrdreg $0xFFFFFFFF  }
0xa7: {  	s28 =	simm.s32 $_size_execute0_lowered;
	s3 =	sadd.s32 s3, s5;
	[dreg:$0x0] =	wrdreg $0x0  }
0xa8: {  	s5 =	sshll.u32 s28, $0x1;
	[dreg:$0x2] =	wrdreg s3  }
0xa9: {  	[dreg:$0x3] =	wrdreg s5  }
0xaa: {  	[dreg:$0x4] =	wrdreg $0xC0  }
0xab: {  	_ =	task [dreg:s7], $0x5FFFF  }
0xac: {  	[dreg:$0x1] =	wrdreg $0xFFFFFFFF  }
0xad: {  	[dreg:$0x0] =	wrdreg $0x60  }
0xae: {  	[dreg:$0x2] =	wrdreg s2  }
0xaf: {  	[dreg:$0x3] =	wrdreg s24  }
0xb0: {  	[dreg:$0x4] =	wrdreg $0x71000  }
0xb1: {  	[dreg:$0x5] =	wrdreg $0x9  }
0xb2: {  	_ =	task.clear_ibuf [dreg:s7], $0x6FFFF;
	_ =	strace $0x9000004C  }
0xb3: {  	s29 =	simm.s32 $0x9;
	_ =	strace $0x8000004E  }
0xb4: {  	_ =	swait.ge [sflag:s29], $0x1  }
0xb5: {  	[sflag:s29] =	ssyncadd.s32 $0xFFFFFFFF  }
0xb6: {  	_ =	strace $0x9000004E  }
0xb7: {  	_ =	sfence  }
0xb8: {  	s30 =	sld [smem:$0x0];
	_ =	sdelay $0x2  }
0xb9: {  	s31 =	sshll.u32 s1, $0xD;
	s1 =	sshrl.u32 s1, $0x2  }
0xba: {  	s3 =	sand.u32 $0x4000, s31;
	s1 =	sadd.s32 s1, s30  }
0xbb: {  	s0 =	sor.u32 s3, s0;
	s1 =	sshll.u32 s1, $0x11  }
0xbc: {  	s0 =	sor.u32 s1, s0  }
0xbd: {  	s0 =	sadd.s32 $0x8F2B, s0  }
0xbe: {  	[sflag:s0] =	ssyncadd.remote.s32 $0x1  }
0xbf: {  	_ =	sfence.sel $0xFFFF  }
0xc0: {  	[dreg:$0x0] =	wrdreg $0xFFFFFFFF;
	(pc) =	sbr.abs _section_cstart, $3  }
0xc1: {  	[dreg:$0x1] =	wrdreg $0xFFFFFFFF  }
0xc2: {  	_ =	task.clear_ibuf [dreg:s7], $0x2FFFF;
	_ =	strace $0x9FFFFFFF  }
0xc3: {  	(tm) =	ssettm $0x7FFFFFFF  }
tec
execute0_lowered:
.L_overlay_start_1:
0x0: {  	(tag) =	ssettag $0x1  }
0x1: {  	s1 =	rddreg [dreg:$0x0]  }
0x2: {  	s0 =	rddreg [dreg:$0x1]  }
0x3: {  	s3 =	srdreg.scid;
	s12 =	stileid.u32  }
0x4: {  	s2 =	rddreg [dreg:$0x2];
	s3 =	sand.u32 $0x1, s3;
	s8 =	smul.u32 $0x14000, s12  }
0x5: {  	s4 =	simm.s32 $0x0;
	s9 =	smul.u32 $0x50000, s12;
	s10 =	ssub.s32 $0x2, s3  }
0x6: {  	[smem:$0x7FF] =	sst s4;
	s7 =	smul.u32 $0x140000, s3;
	s31 =	sshrl.u32 s10, $0x1  }
0x7: {  	s5 =	sadd.s32 $0x5E000, s0;
	s9 =	sshrl.u32 s9, $0x2;
	s10 =	ssub.s32 s10, s31  }
0x8: {  	s7 =	sadd.s32 s8, s7;
	s8 =	sadd.s32 s9, s2;
	s10 =	smax.u32 s10, $0x1  }
0x9: {  	_ =	strace $0x8000004D;
	s14 =	sadd.s32 $0x2000, s8;
	[dreg:$0x4] =	wrdreg s10  }
0xa: {  	s6 =	sadd.s32 $0x4200, s0;
	s15 =	sadd.s32 $0x3000, s8;
	[dreg:$0x6] =	wrdreg s14  }
0xb: {  	s30 =	sshll.u32 s12, $0x1;
	s16 =	sadd.s32 $0x4000, s8;
	[dreg:$0x7] =	wrdreg s15  }
0xc: {  	s13 =	smul.u32 $0x4E20, s12;
	s17 =	sadd.s32 $0x5000, s8;
	[dreg:$0x8] =	wrdreg s16  }
0xd: {  	s12 =	simm.s32 $0x50;
	s18 =	sadd.s32 $0x6000, s8;
	[dreg:$0x9] =	wrdreg s17  }
0xe: {  	s11 =	sor.u32 s3, s30;
	s19 =	sadd.s32 $0x7000, s8;
	[dreg:$0xa] =	wrdreg s18  }
0xf: {  	s3 =	smul.u32 $0x2710, s3;
	s20 =	sadd.s32 $0x8000, s8;
	[dreg:$0xb] =	wrdreg s19  }
0x10: {  	s9 =	smul.u32 $0x2710, s11;
	s21 =	sadd.s32 $0x9000, s8;
	[dreg:$0xc] =	wrdreg s20  }
0x11: {  	s3 =	sadd.s32 s3, s13;
	s22 =	sadd.s32 $0xA000, s8;
	[dreg:$0xd] =	wrdreg s21  }
0x12: {  	s13 =	simm.s32 $0x1100;
	s24 =	sadd.s32 $0xB000, s8;
	[dreg:$0xe] =	wrdreg s22  }
0x13: {  	s7 =	sshrl.u32 s7, $0x3;
	s25 =	sadd.s32 $0xC000, s8;
	[dreg:$0xf] =	wrdreg s24  }
0x14: {  	s23 =	sadd.s32 $0x50, s3;
	s26 =	sadd.s32 $0xD000, s8;
	[dreg:$0x10] =	wrdreg s25  }
0x15: {  	s3 =	sadd.s32 $0xA0, s3;
	s28 =	sadd.s32 $0xE000, s8;
	[dreg:$0x13] =	wrdreg s26  }
0x16: {  	s29 =	sadd.s32 $0xF000, s8;
	s30 =	sadd.s32 $0x10000, s8;
	[dreg:$0x14] =	wrdreg s28  }
0x17: {  	s31 =	sadd.s32 $0x11000, s8;
	s0 =	sadd.s32 s7, s0;
	[dreg:$0x15] =	wrdreg s29  }
0x18: {  	s7 =	smul.u32 $0x5000, s11;
	s11 =	sadd.s32 $0x1000, s8;
	[dreg:$0x16] =	wrdreg s30  }
0x19: {  	s10 =	sshrl.u32 s23, $0x3;
	s3 =	sshrl.u32 s3, $0x3;
	[dreg:$0x17] =	wrdreg s31  }
0x1a: {  	s14 =	simm.s32 $0x1000;
	s15 =	simm.s32 $0x3900;
	s16 =	simm.s32 $0x1080  }
0x1b: {  	s17 =	simm.s32 $0x1;
	s18 =	simm.s32 $0x3;
	s19 =	simm.s32 $0x2  }
0x1c: {  	s20 =	simm.s32 $0x4;
	s21 =	simm.s32 $0x0;
	[dreg:$0x5] =	wrdreg s11  }
0x1d: {  	s10 =	sadd.s32 s10, s6;
	s3 =	sadd.s32 s3, s6;
	s25 =	sadd.s32 $0x72000, s0  }
0x1e: {  	s0 =	sadd.s32 $0x12000, s8;
	s11 =	simm.s32 $0x5;
	[dreg:$0x11] =	wrdreg s10  }
0x1f: {  	v0 =	vimm.f32 $0.0e+00;
	[dreg:$0x12] =	wrdreg s3;
	s3 =	sadd.s32 $0x13000, s8;
	s10 =	simm.s32 $0x6100  }
.LBB2_1:
0x20: {  	s22 =	simm.s32 $0x0;
	s23 =	simm.s32 $0x200  }
.LBB2_2:
0x21: {  	p0 =	sne.s32 s23, $0x3E00;
	[tilespmem:s22+$0x6170] =	vst v0  }
0x22: {  	[tilespmem:s22+$0x6100] =	vst v0  }
0x23: {  	[tilespmem:s22+$0x6110] =	vst v0  }
.Ltmp0:
0x24: {  	[tilespmem:s22+$0x6120] =	vst v0;
	(pc) =	sbr.rel @p0 .LBB2_2-.Ltmp0, $4  }
0x25: {  	[tilespmem:s22+$0x6130] =	vst v0  }
0x26: {  	[tilespmem:s22+$0x6140] =	vst v0  }
0x27: {  	[tilespmem:s22+$0x6150] =	vst v0  }
0x28: {  	[tilespmem:s22+$0x6160] =	vst v0;
	s22 =	sshra.s32 s23, $0x2;
	s23 =	sadd.s32 $0x200, s23  }
0x29: {  	[tilespmem:s22+$0x6170] =	vst v0  }
0x2a: {  	[tilespmem:s22+$0x6100] =	vst v0  }
0x2b: {  	[tilespmem:s22+$0x6110] =	vst v0  }
0x2c: {  	[tilespmem:s22+$0x6120] =	vst v0  }
0x2d: {  	[tilespmem:s22+$0x6130] =	vst v0  }
0x2e: {  	[tilespmem:s22+$0x6140] =	vst v0  }
0x2f: {  	[tilespmem:s22+$0x6150] =	vst v0  }
0x30: {  	[tilespmem:s22+$0x6160] =	vst v0  }
0x31: {  	[spmem:s8] =	stream.linear.scatter [tilespmem:s10], [sflag:$0x5], $0x1000, $0x38;
	[tilespmem:$0x1B100] =	vst v63  }
0x32: {  	_ =	swait.ge [sflag:s11], $0x1000  }
0x33: {  	[sflag:s11] =	ssyncset.done $0x0  }
0x34: {  	s24 =	rddreg [dreg:$0x5];
	[sflag:s11] =	ssyncadd.s32 $0xFFFFF000  }
0x35: {  	[spmem:s24] =	stream.linear.scatter [tilespmem:s10], [sflag:$0x5], $0x1000, $0x38;
	[tilespmem:$0x1B100] =	vst v63  }
0x36: {  	_ =	swait.ge [sflag:s11], $0x1000  }
0x37: {  	[sflag:s11] =	ssyncset.done $0x0  }
0x38: {  	s26 =	rddreg [dreg:$0x6];
	[sflag:s11] =	ssyncadd.s32 $0xFFFFF000  }
0x39: {  	[spmem:s26] =	stream.linear.scatter [tilespmem:s10], [sflag:$0x5], $0x1000, $0x38;
	[tilespmem:$0x1B100] =	vst v63  }
0x3a: {  	_ =	swait.ge [sflag:s11], $0x1000  }
0x3b: {  	[sflag:s11] =	ssyncset.done $0x0  }
0x3c: {  	s29 =	rddreg [dreg:$0x7];
	[sflag:s11] =	ssyncadd.s32 $0xFFFFF000  }
0x3d: {  	[spmem:s29] =	stream.linear.scatter [tilespmem:s10], [sflag:$0x5], $0x1000, $0x38;
	[tilespmem:$0x1B100] =	vst v63  }
0x3e: {  	_ =	swait.ge [sflag:s11], $0x1000  }
0x3f: {  	[sflag:s11] =	ssyncset.done $0x0  }
0x40: {  	s30 =	rddreg [dreg:$0x8];
	[sflag:s11] =	ssyncadd.s32 $0xFFFFF000  }
0x41: {  	[spmem:s30] =	stream.linear.scatter [tilespmem:s10], [sflag:$0x5], $0x1000, $0x38;
	[tilespmem:$0x1B100] =	vst v63  }
0x42: {  	_ =	swait.ge [sflag:s11], $0x1000  }
0x43: {  	[sflag:s11] =	ssyncset.done $0x0  }
0x44: {  	s31 =	rddreg [dreg:$0x9];
	[sflag:s11] =	ssyncadd.s32 $0xFFFFF000  }
0x45: {  	[spmem:s31] =	stream.linear.scatter [tilespmem:s10], [sflag:$0x5], $0x1000, $0x38;
	[tilespmem:$0x1B100] =	vst v63  }
0x46: {  	_ =	swait.ge [sflag:s11], $0x1000  }
0x47: {  	[sflag:s11] =	ssyncset.done $0x0  }
0x48: {  	s23 =	rddreg [dreg:$0xa];
	[sflag:s11] =	ssyncadd.s32 $0xFFFFF000  }
0x49: {  	[spmem:s23] =	stream.linear.scatter [tilespmem:s10], [sflag:$0x5], $0x1000, $0x38;
	[tilespmem:$0x1B100] =	vst v63  }
0x4a: {  	_ =	swait.ge [sflag:s11], $0x1000  }
0x4b: {  	[sflag:s11] =	ssyncset.done $0x0  }
0x4c: {  	s24 =	rddreg [dreg:$0xb];
	[sflag:s11] =	ssyncadd.s32 $0xFFFFF000  }
0x4d: {  	[spmem:s24] =	stream.linear.scatter [tilespmem:s10], [sflag:$0x5], $0x1000, $0x38;
	[tilespmem:$0x1B100] =	vst v63  }
0x4e: {  	_ =	swait.ge [sflag:s11], $0x1000  }
0x4f: {  	[sflag:s11] =	ssyncset.done $0x0  }
0x50: {  	s26 =	rddreg [dreg:$0xc];
	[sflag:s11] =	ssyncadd.s32 $0xFFFFF000  }
0x51: {  	[spmem:s26] =	stream.linear.scatter [tilespmem:s10], [sflag:$0x5], $0x1000, $0x38;
	[tilespmem:$0x1B100] =	vst v63  }
0x52: {  	_ =	swait.ge [sflag:s11], $0x1000  }
0x53: {  	[sflag:s11] =	ssyncset.done $0x0  }
0x54: {  	s29 =	rddreg [dreg:$0xd];
	[sflag:s11] =	ssyncadd.s32 $0xFFFFF000  }
0x55: {  	[spmem:s29] =	stream.linear.scatter [tilespmem:s10], [sflag:$0x5], $0x1000, $0x38;
	[tilespmem:$0x1B100] =	vst v63  }
0x56: {  	_ =	swait.ge [sflag:s11], $0x1000  }
0x57: {  	[sflag:s11] =	ssyncset.done $0x0  }
0x58: {  	s30 =	rddreg [dreg:$0xe];
	[sflag:s11] =	ssyncadd.s32 $0xFFFFF000  }
0x59: {  	[spmem:s30] =	stream.linear.scatter [tilespmem:s10], [sflag:$0x5], $0x1000, $0x38;
	[tilespmem:$0x1B100] =	vst v63  }
0x5a: {  	_ =	swait.ge [sflag:s11], $0x1000  }
0x5b: {  	[sflag:s11] =	ssyncset.done $0x0  }
0x5c: {  	s31 =	rddreg [dreg:$0xf];
	[sflag:s11] =	ssyncadd.s32 $0xFFFFF000  }
0x5d: {  	[spmem:s31] =	stream.linear.scatter [tilespmem:s10], [sflag:$0x5], $0x1000, $0x38;
	[tilespmem:$0x1B100] =	vst v63  }
0x5e: {  	_ =	swait.ge [sflag:s11], $0x1000  }
0x5f: {  	[sflag:s11] =	ssyncset.done $0x0  }
0x60: {  	s23 =	rddreg [dreg:$0x10];
	[sflag:s11] =	ssyncadd.s32 $0xFFFFF000  }
0x61: {  	[spmem:s23] =	stream.linear.scatter [tilespmem:s10], [sflag:$0x5], $0x1000, $0x38;
	[tilespmem:$0x1B100] =	vst v63  }
0x62: {  	_ =	swait.ge [sflag:s11], $0x1000  }
0x63: {  	[sflag:s11] =	ssyncset.done $0x0  }
0x64: {  	s24 =	rddreg [dreg:$0x13];
	[sflag:s11] =	ssyncadd.s32 $0xFFFFF000  }
0x65: {  	[spmem:s24] =	stream.linear.scatter [tilespmem:s10], [sflag:$0x5], $0x1000, $0x38;
	[tilespmem:$0x1B100] =	vst v63  }
0x66: {  	_ =	swait.ge [sflag:s11], $0x1000  }
0x67: {  	[sflag:s11] =	ssyncset.done $0x0  }
0x68: {  	s26 =	rddreg [dreg:$0x14];
	[sflag:s11] =	ssyncadd.s32 $0xFFFFF000  }
0x69: {  	[spmem:s26] =	stream.linear.scatter [tilespmem:s10], [sflag:$0x5], $0x1000, $0x38;
	[tilespmem:$0x1B100] =	vst v63  }
0x6a: {  	_ =	swait.ge [sflag:s11], $0x1000  }
0x6b: {  	[sflag:s11] =	ssyncset.done $0x0  }
0x6c: {  	s29 =	rddreg [dreg:$0x15];
	[sflag:s11] =	ssyncadd.s32 $0xFFFFF000  }
0x6d: {  	[spmem:s29] =	stream.linear.scatter [tilespmem:s10], [sflag:$0x5], $0x1000, $0x38;
	[tilespmem:$0x1B100] =	vst v63  }
0x6e: {  	_ =	swait.ge [sflag:s11], $0x1000  }
0x6f: {  	[sflag:s11] =	ssyncset.done $0x0  }
0x70: {  	s30 =	rddreg [dreg:$0x16];
	[sflag:s11] =	ssyncadd.s32 $0xFFFFF000  }
0x71: {  	[spmem:s30] =	stream.linear.scatter [tilespmem:s10], [sflag:$0x5], $0x1000, $0x38;
	[tilespmem:$0x1B100] =	vst v63  }
0x72: {  	_ =	swait.ge [sflag:s11], $0x1000  }
0x73: {  	[sflag:s11] =	ssyncset.done $0x0  }
0x74: {  	s31 =	rddreg [dreg:$0x17];
	[sflag:s11] =	ssyncadd.s32 $0xFFFFF000  }
0x75: {  	[spmem:s31] =	stream.linear.scatter [tilespmem:s10], [sflag:$0x5], $0x1000, $0x38;
	[tilespmem:$0x1B100] =	vst v63  }
0x76: {  	_ =	swait.ge [sflag:s11], $0x1000  }
0x77: {  	[sflag:s11] =	ssyncset.done $0x0  }
0x78: {  	[sflag:s11] =	ssyncadd.s32 $0xFFFFF000  }
0x79: {  	[spmem:s0] =	stream.linear.scatter [tilespmem:s10], [sflag:$0x5], $0x1000, $0x38;
	[tilespmem:$0x1B100] =	vst v63  }
0x7a: {  	_ =	swait.ge [sflag:s11], $0x1000  }
0x7b: {  	[sflag:s11] =	ssyncset.done $0x0  }
0x7c: {  	[sflag:s11] =	ssyncadd.s32 $0xFFFFF000  }
0x7d: {  	[spmem:s3] =	stream.linear.scatter [tilespmem:s10], [sflag:$0x5], $0x1000, $0x38;
	[tilespmem:$0x1B100] =	vst v63  }
0x7e: {  	_ =	swait.ge [sflag:s11], $0x1000  }
0x7f: {  	[sflag:s11] =	ssyncset.done $0x0  }
0x80: {  	[sflag:s11] =	ssyncadd.s32 $0xFFFFF000  }
0x81: {  	[bflag:$0x0] =	sbarrier.arrive $0xFFFF  }
0x82: {  	s24 =	rddreg [dreg:$0x12]  }
0x83: {  	s22 =	simm.s32 $0x0;
	s28 =	simm.s32 $0x0;
	s26 =	rddreg [dreg:$0x11]  }
.LBB2_4:
0x84: {  	s23 =	sshll.u32 s28, $0xC  }
0x85: {  	s23 =	sadd.s32 s7, s23  }
0x86: {  	s23 =	sshrl.u32 s23, $0x3  }
0x87: {  	s31 =	smul.u32 $0x7D0, s28;
	s23 =	sadd.s32 s5, s23  }
0x88: {  	[tilespmem:s22], [sflag:$0x5] =	stream.linear.gather [hbm4b:s23+s22], $0xC80, $0x38;
	[tilespmem:$0x1B100] =	vst v63  }
0x89: {  	_ =	swait.ge [sflag:s11], $0xC80  }
0x8a: {  	s23 =	sadd.s32 s9, s31;
	[sflag:s11] =	ssyncset.done $0x0  }
0x8b: {  	s23 =	sshrl.u32 s23, $0x3;
	[sflag:s11] =	ssyncadd.s32 $0xFFFFF380  }
0x8c: {  	[tilespmem:s13], [sflag:$0x1] =	stream.indirect.gather [hbm4b:s1+s12], $0x80, s22, s12, $0xb8;
	[tilespmem:$0x1B100] =	vst v63  }
0x8d: {  	s23 =	sadd.s32 s6, s23  }
0x8e: {  	[tilespmem:s14], [sflag:$0x3] =	stream.linear.gather [hbm4b:s23+s22], $0x50, $0x38;
	[tilespmem:$0x1B100] =	vst v63  }
0x8f: {  	s23 =	simm.s32 $0x80  }
0x90: {  	[tilespmem:s15], [sflag:$0x2] =	stream.indirect.gather [hbm4b:s1+s12], $0x80, s23, s12, $0xb8;
	[tilespmem:$0x1B100] =	vst v63  }
0x91: {  	s29 =	sadd.s32 $0x0, s26  }
0x92: {  	[tilespmem:s16], [sflag:$0x4] =	stream.linear.gather [hbm4b:s29+s4], $0x50, $0x38;
	[tilespmem:$0x1B100] =	vst v63  }
0x93: {  	_ =	swait.ge [sflag:s17], $0x2800  }
0x94: {  	[sflag:s17] =	ssyncset.done $0x0  }
0x95: {  	[sflag:s17] =	ssyncadd.s32 $0xFFFFD800  }
0x96: {  	_ =	swait.ge [sflag:s18], $0x50  }
0x97: {  	[sflag:s18] =	ssyncset.done $0x0  }
0x98: {  	[sflag:s18] =	ssyncadd.s32 $0xFFFFFFB0  }
0x99: {  	[spmem:s2] =	stream.indirect.scatter.add.f32 [tilespmem:s13], [sflag:$0x5], $0x80, s14, s12, $0xb8;
	[tilespmem:$0x1B100] =	vst v63  }
0x9a: {  	_ =	swait.ge [sflag:s11], $0x2800  }
0x9b: {  	[sflag:s11] =	ssyncset.done $0x0  }
0x9c: {  	s29 =	simm.s32 $0x100;
	[sflag:s11] =	ssyncadd.s32 $0xFFFFD800  }
0x9d: {  	[tilespmem:s13], [sflag:$0x1] =	stream.indirect.gather [hbm4b:s1+s12], $0x80, s29, s12, $0xb8;
	[tilespmem:$0x1B100] =	vst v63  }
0x9e: {  	s29 =	sadd.s32 $0x0, s24  }
0x9f: {  	[tilespmem:s14], [sflag:$0x3] =	stream.linear.gather [hbm4b:s29+s4], $0x50, $0x38;
	[tilespmem:$0x1B100] =	vst v63  }
0xa0: {  	_ =	swait.ge [sflag:s19], $0x2800  }
0xa1: {  	[sflag:s19] =	ssyncset.done $0x0  }
0xa2: {  	[sflag:s19] =	ssyncadd.s32 $0xFFFFD800  }
0xa3: {  	_ =	swait.ge [sflag:s20], $0x50  }
0xa4: {  	[sflag:s20] =	ssyncset.done $0x0  }
0xa5: {  	[sflag:s20] =	ssyncadd.s32 $0xFFFFFFB0  }
0xa6: {  	[spmem:s2] =	stream.indirect.scatter.add.f32 [tilespmem:s15], [sflag:$0x5], $0x80, s16, s12, $0xb8;
	[tilespmem:$0x1B100] =	vst v63  }
0xa7: {  	_ =	swait.ge [sflag:s11], $0x2800  }
0xa8: {  	s29 =	simm.s32 $0x14;
	[sflag:s11] =	ssyncset.done $0x0  }
.LBB2_5:
0xa9: {  	p0 =	sne.s32 s29, $0xDC;
	[sflag:s11] =	ssyncadd.s32 $0xFFFFD800;
	s23 =	sadd.s32 $0x100, s23  }
0xaa: {  	[tilespmem:s15], [sflag:$0x2] =	stream.indirect.gather [hbm4b:s1+s12], $0x80, s23, s12, $0xb8;
	[tilespmem:$0x1B100] =	vst v63  }
0xab: {  	s30 =	sadd.s32 s29, s26;
	s31 =	smov.u32 s29;
	s29 =	sadd.s32 $0x14, s29  }
0xac: {  	[tilespmem:s16], [sflag:$0x4] =	stream.linear.gather [hbm4b:s30+s4], $0x50, $0x38;
	[tilespmem:$0x1B100] =	vst v63  }
0xad: {  	_ =	swait.ge [sflag:s17], $0x2800  }
0xae: {  	[sflag:s17] =	ssyncset.done $0x0  }
0xaf: {  	[sflag:s17] =	ssyncadd.s32 $0xFFFFD800  }
0xb0: {  	_ =	swait.ge [sflag:s18], $0x50  }
0xb1: {  	[sflag:s18] =	ssyncset.done $0x0  }
0xb2: {  	[sflag:s18] =	ssyncadd.s32 $0xFFFFFFB0  }
0xb3: {  	[spmem:s2] =	stream.indirect.scatter.add.f32 [tilespmem:s13], [sflag:$0x5], $0x80, s14, s12, $0xb8;
	[tilespmem:$0x1B100] =	vst v63  }
0xb4: {  	_ =	swait.ge [sflag:s11], $0x2800  }
0xb5: {  	[sflag:s11] =	ssyncset.done $0x0  }
0xb6: {  	s30 =	sadd.s32 $0x80, s23;
	[sflag:s11] =	ssyncadd.s32 $0xFFFFD800  }
0xb7: {  	[tilespmem:s13], [sflag:$0x1] =	stream.indirect.gather [hbm4b:s1+s12], $0x80, s30, s12, $0xb8;
	[tilespmem:$0x1B100] =	vst v63  }
0xb8: {  	s30 =	sadd.s32 s31, s24  }
0xb9: {  	[tilespmem:s14], [sflag:$0x3] =	stream.linear.gather [hbm4b:s30+s4], $0x50, $0x38;
	[tilespmem:$0x1B100] =	vst v63  }
0xba: {  	_ =	swait.ge [sflag:s19], $0x2800  }
0xbb: {  	[sflag:s19] =	ssyncset.done $0x0  }
0xbc: {  	[sflag:s19] =	ssyncadd.s32 $0xFFFFD800  }
0xbd: {  	_ =	swait.ge [sflag:s20], $0x50  }
.Ltmp1:
0xbe: {  	[sflag:s20] =	ssyncset.done $0x0;
	(pc) =	sbr.rel @p0 .LBB2_5-.Ltmp1, $4  }
0xbf: {  	[sflag:s20] =	ssyncadd.s32 $0xFFFFFFB0  }
0xc0: {  	[spmem:s2] =	stream.indirect.scatter.add.f32 [tilespmem:s15], [sflag:$0x5], $0x80, s16, s12, $0xb8;
	[tilespmem:$0x1B100] =	vst v63  }
0xc1: {  	_ =	swait.ge [sflag:s11], $0x2800  }
0xc2: {  	[sflag:s11] =	ssyncset.done $0x0  }
0xc3: {  	[sflag:s11] =	ssyncadd.s32 $0xFFFFD800  }
0xc4: {  	_ =	swait.ge [sflag:s17], $0x2800  }
0xc5: {  	[sflag:s17] =	ssyncset.done $0x0  }
0xc6: {  	[sflag:s17] =	ssyncadd.s32 $0xFFFFD800  }
0xc7: {  	s28 =	sadd.s32 $0x1, s28;
	_ =	swait.ge [sflag:s18], $0x50  }
0xc8: {  	p0 =	sne.s32 s28, $0x5;
	[sflag:s18] =	ssyncset.done $0x0  }
.Ltmp2:
0xc9: {  	[sflag:s18] =	ssyncadd.s32 $0xFFFFFFB0;
	(pc) =	sbr.rel @p0 .LBB2_4-.Ltmp2, $4  }
0xca: {  	[spmem:s2] =	stream.indirect.scatter.add.f32 [tilespmem:s13], [sflag:$0x5], $0x80, s14, s12, $0xb8;
	[tilespmem:$0x1B100] =	vst v63  }
0xcb: {  	_ =	swait.ge [sflag:s11], $0x2800  }
0xcc: {  	[sflag:s11] =	ssyncset.done $0x0  }
0xcd: {  	s26 =	sadd.s32 $0xFA, s26;
	s24 =	sadd.s32 $0xFA, s24;
	[sflag:s11] =	ssyncadd.s32 $0xFFFFD800  }
0xce: {  	[bflag:$0x0] =	sbarrier.arrive $0xFFFF  }
0xcf: {  	[tilespmem:s10], [sflag:$0x5] =	stream.linear.gather [spmem:s8], $0x1000, $0x38;
	[tilespmem:$0x1B100] =	vst v63  }
0xd0: {  	_ =	swait.ge [sflag:s11], $0x1000  }
0xd1: {  	[sflag:s11] =	ssyncset.done $0x0  }
0xd2: {  	s22 =	sadd.s32 $0x0, s25;
	[sflag:s11] =	ssyncadd.s32 $0xFFFFF000  }
0xd3: {  	[hbm4b:s22+s4] =	stream.linear.scatter [tilespmem:s10], [sflag:$0x5], $0x1000, $0x38;
	[tilespmem:$0x1B100] =	vst v63  }
0xd4: {  	_ =	swait.ge [sflag:s11], $0x1000  }
0xd5: {  	s23 =	smov.u32 s8;
	s22 =	simm.s32 $0x200;
	[sflag:s11] =	ssyncset.done $0x0  }
.LBB2_8:
0xd6: {  	p0 =	sne.s32 s22, $0x2600;
	[sflag:s11] =	ssyncadd.s32 $0xFFFFF000;
	s23 =	sadd.s32 $0x1000, s23  }
0xd7: {  	[tilespmem:s10], [sflag:$0x5] =	stream.linear.gather [spmem:s23], $0x1000, $0x38;
	[tilespmem:$0x1B100] =	vst v63  }
0xd8: {  	s24 =	smov.u32 s22;
	s22 =	sadd.s32 $0x200, s22;
	_ =	swait.ge [sflag:s11], $0x1000  }
.Ltmp3:
0xd9: {  	[sflag:s11] =	ssyncset.done $0x0;
	(pc) =	sbr.rel @p0 .LBB2_8-.Ltmp3, $4  }
0xda: {  	s24 =	sadd.s32 s24, s25;
	[sflag:s11] =	ssyncadd.s32 $0xFFFFF000  }
0xdb: {  	[hbm4b:s24+s4] =	stream.linear.scatter [tilespmem:s10], [sflag:$0x5], $0x1000, $0x38;
	[tilespmem:$0x1B100] =	vst v63  }
0xdc: {  	_ =	swait.ge [sflag:s11], $0x1000  }
0xdd: {  	[sflag:s11] =	ssyncset.done $0x0  }
0xde: {  	s21 =	sadd.s32 $0x1, s21;
	s22 =	rddreg [dreg:$0x4]  }
0xdf: {  	p0 =	sne.s32 s21, s22  }
.Ltmp4:
0xe0: {  	_ = 	snop;
	(pc) =	sbr.rel @p0 .LBB2_1-.Ltmp4, $2  }
0xe1: {  	_ =	sdelay $0x2  }
0xe2: {  	[sflag:s11] =	ssyncadd.s32 $0xFFFFF000  }
0xe3: {  	_ =	sfence.sel $0x180000  }
0xe4: {  	[bflag:$0x0] =	sbarrier.arrive $0xFFFF  }
0xe5: {  	_ =	strace $0x9000004D  }
0xe6: {  	s0 =	stileid.u32;
	[bflag:$0x2] =	sbarrier.arrive $0xFFFF  }
0xe7: {  	p0 =	sne.s32 s0, $0x0;
	s0 =	rddreg [dreg:$0x3]  }
0xe8: {  	s0 =	sadd.s32 @!p0 $0x100000, s0  }
0xe9: {  	[sflag:s0] =	ssyncadd.tile.s32 @!p0 $0x1;
	_ =	shalt  }
.Lfunc_end2:
_tile_overlayer_lowered:
.L_overlay_start_2:
0xea: {  	(tag) =	ssettag $0x2  }
0xeb: {  	s0 =	rddreg [dreg:$0x0];
	s2 =	stileid.u32  }
0xec: {  	s1 =	rddreg [dreg:$0x1];
	p0 =	sne.s32 s2, $0x0  }
0xed: {  	s3 =	rddreg [dreg:$0x2];
	[bflag:$0x3] =	sbarrier.arrive $0xFFFF;
	s2 =	simm.s32 @!p0 $0x1C05  }
0xee: {  	[timem:s3], [sflag:s2] =	dma.local @!p0 [hbm:s0], s1  }
0xef: {  	s0 =	simm.s32 @!p0 $0x5  }
0xf0: {  	_ =	swait.ge @!p0 [sflag:s0], s1  }
0xf1: {  	s1 =	ssub.s32 @!p0 $0x0, s1;
	[sflag:s0] =	ssyncset.done @!p0 $0x0  }
0xf2: {  	[sflag:s0] =	ssyncadd.s32 @!p0 s1  }
0xf3: {  	[bflag:$0x3] =	sbarrier.arrive $0xFFFF  }
0xf4: {  	_ =	shalt  }

// kernel: kernel.7.cloned.1.call-start
scs
__scs_entry_jumppad:
0x0: {  	(pc) =	sbr.rel $0x88, $3  }
0x1: {  	(tag) =	ssettag $0x0;
	lr =	simm.s32 $0x1  }
0x2: {  	[smem:$0x3F98] =	sst lr;
	_ =	strace $0xD0000000  }
0x3: {  	_ = 	snop  }
0x4: {  	_ = 	snop  }
0x5: {  	_ = 	snop  }
0x6: {  	_ = 	snop  }
0x7: {  	_ = 	snop  }
__scs_overlays_trampoline_lowered:
0x8: {  	[smem:$0x3FA7] =	sst s0  }
0x9: {  	[smem:$0x3FA8] =	sst s1  }
0xa: {  	[smem:$0x3FA9] =	sst s2  }
0xb: {  	[smem:$0x3FAA] =	sst s3  }
0xc: {  	[smem:$0x3FAB] =	sst s4  }
0xd: {  	[smem:$0x3FAC] =	sst s5  }
0xe: {  	[smem:$0x3FAD] =	sst s6  }
0xf: {  	[smem:$0x3FAE] =	sst s7  }
0x10: {  	[smem:$0x3FAF] =	sst s8  }
0x11: {  	[smem:$0x3FB0] =	sst s9;
	s0 =	simm.s32 @!p0 $0x0  }
0x12: {  	s1 =	sld [smem:$0x3F96];
	s0 =	simm.s32 @p0 $0x1  }
0x13: {  	[smem:$0x3FB1] =	sst s0;
	s0 =	simm.s32 @!p1 $0x0  }
0x14: {  	s2 =	sld [smem:$0x3F95];
	s0 =	simm.s32 @p1 $0x1  }
0x15: {  	[smem:$0x3FB2] =	sst s0;
	s0 =	simm.s32 @!p2 $0x0  }
0x16: {  	s3 =	sld [smem:$0x3FDB];
	s0 =	simm.s32 @p2 $0x1  }
0x17: {  	s4 =	simm.s32 $0x1BF5;
	[smem:$0x3FB4] =	sst s0  }
0x18: {  	s0 =	sld [smem:$0x3F97];
	_ =	swait.ge [sflag:s4], $0x0  }
0x19: {  	s7 =	sld [smem:$0x3F98]  }
0x1a: {  	s8 =	sadd.s32 $0xFFFFE003, lr  }
0x1b: {  	s9 =	sadd.s32 $0xFFFFFEF7, lr;
	s5 =	simm.s32 $0xFFFFFFFF;
	p2 =	slt.u32 s8, $0xFFFFF086  }
0x1c: {  	p1 =	slt.u32 s9, $0xF7A;
	s5 =	simm.s32 @!p2 $0x0  }
0x1d: {  	s5 =	simm.s32 @p1 $0x1;
	p0 =	seq.s32 s7, s2  }
0x1e: {  	s7 =	smul.u32 @!p0 $0xF7A, s2;
	p2 =	seq.s32 @!p0 s5, $0x0  }
0x1f: {  	s9 =	smul.u32 $0xF7A, s1;
	s8 =	simm.s32 @!p0 $0x1BF5;
	p2 =	por !p2, p0  }
0x20: {  	[sflag:s8] =	ssyncset.s32 @!p0 $0xFFFFF086;
	s6 =	sadd.s32 @!p0 s3, s7;
	s7 =	simm.s32 @!p0 $0x108  }
0x21: {  	s3 =	sadd.s32 s3, s9;
	s6 =	sadd.s32 @!p0 $0x88, s6;
	s7 =	simm.s32 @p2 $0x1082  }
0x22: {  	[simem:s7], [sflag:s8] =	dma.local @!p0 [hbm:s6], $0xF7A  }
0x23: {  	s9 =	sor.u32 $0xD0000000, s2;
	s6 =	simm.s32 $0x108;
	_ =	swait.ge @!p0 [sflag:s8], $0x0  }
0x24: {  	s3 =	sadd.s32 $0x88, s3;
	s6 =	simm.s32 @!p1 $0x1082;
	[sflag:s4] =	ssyncset.s32 $0xFFFFF086  }
0x25: {  	[simem:s6], [sflag:s4] =	dma.local [hbm:s3], $0xF7A  }
0x26: {  	[smem:$0x3F98] =	sst s1;
	(tag) =	ssettag s2;
	_ =	strace s9  }
0x27: {  	s1 =	sld [smem:$0x3FA8]  }
0x28: {  	s2 =	sld [smem:$0x3FA9]  }
0x29: {  	s4 =	sld [smem:$0x3FAB]  }
0x2a: {  	p0 =	seq.s32 s5, $0x0;
	s5 =	sld [smem:$0x3FAC]  }
0x2b: {  	s6 =	sld [smem:$0x3FAD]  }
0x2c: {  	s7 =	sld [smem:$0x3FAE]  }
0x2d: {  	s3 =	simm.s32 $0x108;
	s8 =	sld [smem:$0x3FAF]  }
0x2e: {  	s3 =	simm.s32 @!p0 $0x1082;
	s9 =	sld [smem:$0x3FB0]  }
0x2f: {  	lr =	sadd.s32 s0, s3;
	s0 =	sld [smem:$0x3FA7]  }
0x30: {  	s3 =	sld [smem:$0x3FAA]  }
0x31: {  	[smem:$0x3FB3] =	sst s10  }
0x32: {  	s10 =	sld [smem:$0x3FB1];
	_ =	sdelay $0x3  }
0x33: {  	p0 =	seq.s32 s10, $0x1;
	s10 =	sld [smem:$0x3FB3];
	_ =	sdelay $0x3  }
0x34: {  	[smem:$0x3FB3] =	sst s10  }
0x35: {  	s10 =	sld [smem:$0x3FB2];
	_ =	sdelay $0x3  }
0x36: {  	p1 =	seq.s32 s10, $0x1;
	s10 =	sld [smem:$0x3FB3];
	_ =	sdelay $0x3  }
0x37: {  	[smem:$0x3FB3] =	sst s10  }
0x38: {  	s10 =	sld [smem:$0x3FB4]  }
0x39: {  	_ = 	snop;
	(pc) =	sbr.ind lr, $3  }
0x3a: {  	_ = 	snop  }
0x3b: {  	_ = 	snop  }
0x3c: {  	p2 =	seq.s32 s10, $0x1;
	s10 =	sld [smem:$0x3FB3]  }
0x3d: {  	_ =	shalt  }
0x3e: {  	_ =	shalt  }
0x3f: {  	_ =	shalt  }
0x40: {  	_ =	shalt  }
0x41: {  	_ =	shalt  }
0x42: {  	_ =	shalt  }
0x43: {  	_ =	shalt  }
0x44: {  	_ =	shalt  }
0x45: {  	_ =	shalt  }
0x46: {  	_ =	shalt  }
0x47: {  	_ =	shalt  }
0x48: {  	_ =	shalt  }
0x49: {  	_ =	shalt  }
0x4a: {  	_ =	shalt  }
0x4b: {  	_ =	shalt  }
0x4c: {  	_ =	shalt  }
0x4d: {  	_ =	shalt  }
0x4e: {  	_ =	shalt  }
0x4f: {  	_ =	shalt  }
0x50: {  	_ =	shalt  }
0x51: {  	_ =	shalt  }
0x52: {  	_ =	shalt  }
0x53: {  	_ =	shalt  }
0x54: {  	_ =	shalt  }
0x55: {  	_ =	shalt  }
0x56: {  	_ =	shalt  }
0x57: {  	_ =	shalt  }
0x58: {  	_ =	shalt  }
0x59: {  	_ =	shalt  }
0x5a: {  	_ =	shalt  }
0x5b: {  	_ =	shalt  }
0x5c: {  	_ =	shalt  }
0x5d: {  	_ =	shalt  }
0x5e: {  	_ =	shalt  }
0x5f: {  	_ =	shalt  }
0x60: {  	_ =	shalt  }
0x61: {  	_ =	shalt  }
0x62: {  	_ =	shalt  }
0x63: {  	_ =	shalt  }
0x64: {  	_ =	shalt  }
0x65: {  	_ =	shalt  }
0x66: {  	_ =	shalt  }
0x67: {  	_ =	shalt  }
0x68: {  	_ =	shalt  }
0x69: {  	_ =	shalt  }
0x6a: {  	_ =	shalt  }
0x6b: {  	_ =	shalt  }
0x6c: {  	_ =	shalt  }
0x6d: {  	_ =	shalt  }
0x6e: {  	_ =	shalt  }
0x6f: {  	_ =	shalt  }
0x70: {  	_ =	shalt  }
0x71: {  	_ =	shalt  }
0x72: {  	_ =	shalt  }
0x73: {  	_ =	shalt  }
0x74: {  	_ =	shalt  }
0x75: {  	_ =	shalt  }
0x76: {  	_ =	shalt  }
0x77: {  	_ =	shalt  }
0x78: {  	_ =	shalt  }
0x79: {  	_ =	shalt  }
0x7a: {  	_ =	shalt  }
0x7b: {  	_ =	shalt  }
0x7c: {  	_ =	shalt  }
0x7d: {  	_ =	shalt  }
0x7e: {  	_ =	shalt  }
0x7f: {  	_ =	shalt  }
0x80: {  	_ =	shalt  }
0x81: {  	_ =	shalt  }
0x82: {  	_ =	shalt  }
0x83: {  	_ =	shalt  }
0x84: {  	_ =	shalt  }
0x85: {  	_ =	shalt  }
0x86: {  	_ =	shalt  }
0x87: {  	_ =	shalt  }
.Lfunc_end0:
.L_simem_size_0:
called_computation_lowered:
.L_overlay_start_0:
0x88: {  	s2 =	sld [smem:$0x3FD9]  }
0x89: {  	s3 =	sld [smem:$0x3FFE];
	_ =	sdelay $0x1  }
0x8a: {  	s1 =	srdreg.scid  }
0x8b: {  	s0 =	sand.u32 $0x1, s1  }
0x8c: {  	s17 =	sshll.u32 s0, $0xA;
	s2 =	sadd.s32 s3, s2  }
0x8d: {  	s2 =	sadd.s32 s2, s17  }
0x8e: {  	[smem:$0x3FBF] =	sst s2  }
0x8f: {  	_ = 	snop  }
0x90: {  	s18 =	sld [smem:$0x3FC9]  }
0x91: {  	s4 =	sld [smem:$0x3FC8];
	(tm) =	ssettm $0x1  }
0x92: {  	s19 =	sld [smem:$0x3FFB];
	_ =	sdelay $0x3  }
0x93: {  	_ =	strace s19  }
0x94: {  	s2 =	sld [smem:$0x3FFC];
	_ =	sdelay $0x3  }
0x95: {  	_ =	strace s2  }
0x96: {  	s2 =	sld [smem:$0x3FFD];
	_ =	sdelay $0x3  }
0x97: {  	_ =	strace s2  }
0x98: {  	_ =	strace $0x8FFFFFFF  }
0x99: {  	s20 =	sld [smem:$0x3FDB];
	_ =	sdelay $0x1  }
0x9a: {  	s5 =	simm.s32 $_scs_section_size  }
0x9b: {  	s6 =	simm.s32 $_size__tile_overlayer_lowered;
	s7 =	simm.s32 $_tile_overlayer_lowered  }
0x9c: {  	s8 =	simm.s32 $0x1BFF;
	s21 =	sshll.u32 s7, $0x1;
	s5 =	sadd.s32 s5, s20  }
0x9d: {  	s22 =	simm.s32 $0x0;
	s6 =	sshll.u32 s6, $0x1;
	s7 =	sadd.s32 s21, s5  }
0x9e: {  	[timem:s22], [sflag:s8] =	dma.local [hbm:s7], s6  }
0x9f: {  	_ =	swait.ge [sflag:s8], s6  }
0xa0: {  	s6 =	ssub.s32 $0x0, s6;
	[sflag:s8] =	ssyncset.done $0x0  }
0xa1: {  	[sflag:s8] =	ssyncadd.s32 s6;
	_ =	sdelay $0x1  }
0xa2: {  	s23 =	simm.s32 $0x1B8B  }
0xa3: {  	_ =	swait.ge [sflag:s23], $0x1  }
0xa4: {  	[sflag:s23] =	ssyncset.done $0x0  }
0xa5: {  	[sflag:s23] =	ssyncadd.s32 $0xFFFFFFFF  }
0xa6: {  	s6 =	sld [smem:$0x0]  }
0xa7: {  	s7 =	sand.u32 $0xFFFFFFFE, s1  }
0xa8: {  	p0 =	sne.s32 s1, s7  }
0xa9: {  	s7 =	sshll.u32 @p0 s7, $0xE  }
0xaa: {  	s7 =	sadd.s32 @p0 $0x11B8D, s7;
	s8 =	sshll.u32 @p0 s6, $0x11  }
0xab: {  	s7 =	sor.u32 @p0 s8, s7  }
0xac: {  	[sflag:s7] =	ssyncadd.remote.s32 @p0 $0x1;
	_ =	sdelay $0x1  }
0xad: {  	s7 =	simm.s32 @p0 $0x1B8D  }
0xae: {  	_ =	swait.eq @p0 [sflag:s7], $0x1  }
0xaf: {  	[sflag:s7] =	ssyncadd.s32 @p0 $0xFFFFFFFF  }
0xb0: {  	s8 =	sshll.u32 @!p0 s1, $0xE  }
0xb1: {  	s8 =	sor.u32 @!p0 $0x4000, s8;
	s7 =	simm.s32 @!p0 $0x1B8D  }
0xb2: {  	s6 =	sshll.u32 @!p0 s6, $0x11;
	s8 =	sadd.s32 @!p0 $0x11B8D, s8;
	_ =	swait.eq @!p0 [sflag:s7], $0x1  }
0xb3: {  	s6 =	sor.u32 @!p0 s6, s8;
	[sflag:s7] =	ssyncadd.s32 @!p0 $0xFFFFFFFF  }
0xb4: {  	s25 =	simm.s32 $0x1B8E;
	s24 =	sld [smem:$0x3FFE];
	[sflag:s6] =	ssyncadd.remote.s32 @!p0 $0x1  }
0xb5: {  	s26 =	simm.s32 $execute0_lowered;
	[smem:$0x3FD2] =	sst s25  }
0xb6: {  	s7 =	sshll.u32 s26, $0x1;
	_ =	strace $0x80000049;
	[dreg:$0x1] =	wrdreg $0xFFFFFFFF  }
0xb7: {  	s28 =	simm.s32 $_size_execute0_lowered;
	s5 =	sadd.s32 s5, s7;
	[dreg:$0x0] =	wrdreg $0x0  }
0xb8: {  	s7 =	sshll.u32 s28, $0x1;
	[dreg:$0x2] =	wrdreg s5  }
0xb9: {  	[dreg:$0x3] =	wrdreg s7  }
0xba: {  	[dreg:$0x4] =	wrdreg $0xC0  }
0xbb: {  	_ =	task [dreg:s22], $0x5FFFF  }
0xbc: {  	[dreg:$0x1] =	wrdreg $0xFFFFFFFF  }
0xbd: {  	[dreg:$0x0] =	wrdreg $0x60  }
0xbe: {  	[dreg:$0x2] =	wrdreg s18  }
0xbf: {  	[dreg:$0x3] =	wrdreg s4  }
0xc0: {  	[dreg:$0x4] =	wrdreg s24  }
0xc1: {  	[dreg:$0x5] =	wrdreg $0x71000  }
0xc2: {  	[dreg:$0x6] =	wrdreg $0x9  }
0xc3: {  	_ =	task.clear_ibuf [dreg:s22], $0x7FFFF;
	_ =	strace $0x90000049  }
0xc4: {  	s29 =	simm.s32 $0x9;
	_ =	strace $0x8000004B  }
0xc5: {  	_ =	swait.ge [sflag:s29], $0x1  }
0xc6: {  	[sflag:s29] =	ssyncadd.s32 $0xFFFFFFFF  }
0xc7: {  	_ =	strace $0x9000004B  }
0xc8: {  	_ =	sfence  }
0xc9: {  	s30 =	sld [smem:$0x0];
	_ =	sdelay $0x2  }
0xca: {  	s31 =	sshll.u32 s1, $0xD;
	s1 =	sshrl.u32 s1, $0x2  }
0xcb: {  	s4 =	sand.u32 $0x4000, s31;
	s1 =	sadd.s32 s1, s30  }
0xcc: {  	s0 =	sor.u32 s4, s0;
	s1 =	sshll.u32 s1, $0x11  }
0xcd: {  	s0 =	sor.u32 s1, s0  }
0xce: {  	s0 =	sadd.s32 $0x8F2B, s0  }
0xcf: {  	[sflag:s0] =	ssyncadd.remote.s32 $0x1  }
0xd0: {  	_ =	sfence.sel $0xFFFF  }
0xd1: {  	[dreg:$0x0] =	wrdreg $0xFFFFFFFF;
	(pc) =	sbr.abs _section_cstart, $3  }
0xd2: {  	[dreg:$0x1] =	wrdreg $0xFFFFFFFF  }
0xd3: {  	_ =	task.clear_ibuf [dreg:s22], $0x2FFFF;
	_ =	strace $0x9FFFFFFF  }
0xd4: {  	(tm) =	ssettm $0x7FFFFFFF  }
0xd5: {  	_ =	shalt  }
tec
execute0_lowered:
.L_overlay_start_1:
0x0: {  	(tag) =	ssettag $0x1  }
0x1: {  	s1 =	rddreg [dreg:$0x0]  }
0x2: {  	s0 =	rddreg [dreg:$0x1]  }
0x3: {  	s3 =	rddreg [dreg:$0x2]  }
0x4: {  	s2 =	rddreg [dreg:$0x3]  }
0x5: {  	s4 =	srdreg.scid;
	s14 =	stileid.u32  }
0x6: {  	s28 =	simm.s32 $0x2;
	s29 =	simm.s32 $0x4;
	s8 =	smul.u32 $0x14000, s14  }
0x7: {  	s30 =	simm.s32 $0x0;
	s10 =	sand.u32 $0x1, s4;
	s24 =	smul.u32 $0x50000, s14  }
0x8: {  	s4 =	simm.s32 $0x0;
	s23 =	sshll.u32 s14, $0x1;
	s15 =	smul.u32 $0x4E20, s14  }
0x9: {  	s5 =	sadd.s32 $0x5E000, s3;
	s7 =	smul.u32 $0x140000, s10;
	s9 =	sor.u32 s10, s23  }
0xa: {  	s6 =	sadd.s32 $0x4200, s3;
	[smem:$0x7FF] =	sst s4;
	s13 =	smul.u32 $0x27100, s9  }
0xb: {  	s25 =	ssub.s32 $0x2, s10;
	s7 =	sadd.s32 s8, s7;
	s8 =	sshrl.u32 s24, $0x2  }
0xc: {  	s16 =	smul.u32 $0x2710, s10;
	s8 =	sadd.s32 s8, s2;
	s26 =	sadd.s32 s0, s13  }
0xd: {  	_ =	strace $0x8000004A;
	[dreg:$0x5] =	wrdreg s26;
	s17 =	sadd.s32 $0x3000, s8  }
0xe: {  	s12 =	sshrl.u32 s25, $0x1;
	s18 =	sadd.s32 $0x4000, s8;
	[dreg:$0xa] =	wrdreg s17  }
0xf: {  	s7 =	sshrl.u32 s7, $0x3;
	s19 =	sadd.s32 $0x5000, s8;
	[dreg:$0xb] =	wrdreg s18  }
0x10: {  	s11 =	sadd.s32 s7, s3;
	s21 =	sadd.s32 $0x6000, s8;
	[dreg:$0xc] =	wrdreg s19  }
0x11: {  	s3 =	ssub.s32 s25, s12;
	s25 =	sadd.s32 $0x7000, s8;
	[dreg:$0xd] =	wrdreg s21  }
0x12: {  	s23 =	smul.u32 $0x4E200, s14;
	s26 =	sadd.s32 $0x8000, s8;
	[dreg:$0xe] =	wrdreg s25  }
0x13: {  	s10 =	smul.u32 $0x27100, s10;
	s14 =	sadd.s32 $0xB000, s8;
	[dreg:$0xf] =	wrdreg s26  }
0x14: {  	s20 =	sadd.s32 s16, s15;
	s15 =	sadd.s32 $0xC000, s8;
	[dreg:$0x14] =	wrdreg s14  }
0x15: {  	s22 =	sadd.s32 $0x50, s20;
	s16 =	sadd.s32 $0xD000, s8;
	[dreg:$0x15] =	wrdreg s15  }
0x16: {  	s0 =	sadd.s32 s23, s0;
	s24 =	sadd.s32 $0x1000, s8;
	[dreg:$0x16] =	wrdreg s16  }
0x17: {  	s7 =	smul.u32 $0x2710, s9;
	s31 =	sadd.s32 $0x2000, s8;
	[dreg:$0x8] =	wrdreg s24  }
0x18: {  	s0 =	sadd.s32 s10, s0;
	s3 =	smax.u32 s3, $0x1;
	[dreg:$0x9] =	wrdreg s31  }
0x19: {  	s23 =	sadd.s32 $0x72000, s11;
	s0 =	sadd.s32 $0xA00, s0;
	[dreg:$0x7] =	wrdreg s3  }
0x1a: {  	s25 =	sadd.s32 $0xC2000, s11;
	s11 =	sadd.s32 $0x9000, s8;
	[dreg:$0x11] =	wrdreg s0  }
0x1b: {  	s9 =	smul.u32 $0x5000, s9;
	s17 =	sadd.s32 $0xE000, s8;
	[dreg:$0x12] =	wrdreg s11  }
0x1c: {  	s18 =	sadd.s32 $0xF000, s8;
	s19 =	sadd.s32 $0x10000, s8;
	[dreg:$0x17] =	wrdreg s17  }
0x1d: {  	s26 =	sadd.s32 $0x13000, s8;
	s14 =	simm.s32 $0x5;
	[dreg:$0x18] =	wrdreg s18  }
0x1e: {  	s15 =	simm.s32 $0x50;
	s13 =	sshrl.u32 s7, $0x3;
	[dreg:$0x19] =	wrdreg s19  }
0x1f: {  	s3 =	sshrl.u32 s22, $0x3;
	s22 =	sadd.s32 $0x12000, s8;
	[dreg:$0x1d] =	wrdreg s26  }
0x20: {  	s16 =	simm.s32 $0x1100;
	s12 =	sadd.s32 s6, s13;
	[dreg:$0x1c] =	wrdreg s22  }
0x21: {  	s17 =	simm.s32 $0x1000;
	s13 =	sadd.s32 $0xA000, s8;
	[dreg:$0x6] =	wrdreg s12  }
0x22: {  	s12 =	sadd.s32 $0xA0, s20;
	[dreg:$0x13] =	wrdreg s13;
	s20 =	sadd.s32 $0x11000, s8  }
0x23: {  	s18 =	simm.s32 $0x3900;
	s19 =	simm.s32 $0x1080;
	[dreg:$0x1a] =	wrdreg s20  }
0x24: {  	s26 =	simm.s32 $0x3;
	[dreg:$0x10] =	wrdreg s12;
	s21 =	sshrl.u32 s12, $0x3  }
0x25: {  	s3 =	sadd.s32 s3, s6;
	[dreg:$0x1b] =	wrdreg s21;
	s0 =	sadd.s32 s21, s6  }
0x26: {  	v0 =	vimm.f32 $0.0e+00;
	s13 =	simm.s32 $0x6100;
	s20 =	simm.s32 $0x1;
	[dreg:$0x1e] =	wrdreg s0  }
.LBB2_1:
0x27: {  	s0 =	simm.s32 $0x0;
	s10 =	simm.s32 $0x200  }
.LBB2_2:
0x28: {  	p0 =	sne.s32 s10, $0x3E00;
	[tilespmem:s0+$0x6170] =	vst v0  }
0x29: {  	[tilespmem:s0+$0x6100] =	vst v0  }
0x2a: {  	[tilespmem:s0+$0x6110] =	vst v0  }
.Ltmp0:
0x2b: {  	[tilespmem:s0+$0x6120] =	vst v0;
	(pc) =	sbr.rel @p0 .LBB2_2-.Ltmp0, $4  }
0x2c: {  	[tilespmem:s0+$0x6130] =	vst v0  }
0x2d: {  	[tilespmem:s0+$0x6140] =	vst v0  }
0x2e: {  	[tilespmem:s0+$0x6150] =	vst v0  }
0x2f: {  	[tilespmem:s0+$0x6160] =	vst v0;
	s0 =	sshra.s32 s10, $0x2;
	s10 =	sadd.s32 $0x200, s10  }
0x30: {  	[tilespmem:s0+$0x6170] =	vst v0  }
0x31: {  	[tilespmem:s0+$0x6100] =	vst v0  }
0x32: {  	[tilespmem:s0+$0x6110] =	vst v0  }
0x33: {  	[tilespmem:s0+$0x6120] =	vst v0  }
0x34: {  	[tilespmem:s0+$0x6130] =	vst v0  }
0x35: {  	[tilespmem:s0+$0x6140] =	vst v0  }
0x36: {  	[tilespmem:s0+$0x6150] =	vst v0  }
0x37: {  	[tilespmem:s0+$0x6160] =	vst v0  }
0x38: {  	[spmem:s8] =	stream.linear.scatter [tilespmem:s13], [sflag:$0x5], $0x1000, $0x38;
	[tilespmem:$0x1B100] =	vst v63  }
0x39: {  	_ =	swait.ge [sflag:s14], $0x1000  }
0x3a: {  	[sflag:s14] =	ssyncset.done $0x0  }
0x3b: {  	[sflag:s14] =	ssyncadd.s32 $0xFFFFF000  }
0x3c: {  	[spmem:s24] =	stream.linear.scatter [tilespmem:s13], [sflag:$0x5], $0x1000, $0x38;
	[tilespmem:$0x1B100] =	vst v63  }
0x3d: {  	_ =	swait.ge [sflag:s14], $0x1000  }
0x3e: {  	[sflag:s14] =	ssyncset.done $0x0  }
0x3f: {  	[sflag:s14] =	ssyncadd.s32 $0xFFFFF000  }
0x40: {  	[spmem:s31] =	stream.linear.scatter [tilespmem:s13], [sflag:$0x5], $0x1000, $0x38;
	[tilespmem:$0x1B100] =	vst v63  }
0x41: {  	_ =	swait.ge [sflag:s14], $0x1000  }
0x42: {  	[sflag:s14] =	ssyncset.done $0x0  }
0x43: {  	s11 =	rddreg [dreg:$0xa];
	[sflag:s14] =	ssyncadd.s32 $0xFFFFF000  }
0x44: {  	[spmem:s11] =	stream.linear.scatter [tilespmem:s13], [sflag:$0x5], $0x1000, $0x38;
	[tilespmem:$0x1B100] =	vst v63  }
0x45: {  	_ =	swait.ge [sflag:s14], $0x1000  }
0x46: {  	[sflag:s14] =	ssyncset.done $0x0  }
0x47: {  	s12 =	rddreg [dreg:$0xb];
	[sflag:s14] =	ssyncadd.s32 $0xFFFFF000  }
0x48: {  	[spmem:s12] =	stream.linear.scatter [tilespmem:s13], [sflag:$0x5], $0x1000, $0x38;
	[tilespmem:$0x1B100] =	vst v63  }
0x49: {  	_ =	swait.ge [sflag:s14], $0x1000  }
0x4a: {  	[sflag:s14] =	ssyncset.done $0x0  }
0x4b: {  	s21 =	rddreg [dreg:$0xc];
	[sflag:s14] =	ssyncadd.s32 $0xFFFFF000  }
0x4c: {  	[spmem:s21] =	stream.linear.scatter [tilespmem:s13], [sflag:$0x5], $0x1000, $0x38;
	[tilespmem:$0x1B100] =	vst v63  }
0x4d: {  	_ =	swait.ge [sflag:s14], $0x1000  }
0x4e: {  	[sflag:s14] =	ssyncset.done $0x0  }
0x4f: {  	s22 =	rddreg [dreg:$0xd];
	[sflag:s14] =	ssyncadd.s32 $0xFFFFF000  }
0x50: {  	[spmem:s22] =	stream.linear.scatter [tilespmem:s13], [sflag:$0x5], $0x1000, $0x38;
	[tilespmem:$0x1B100] =	vst v63  }
0x51: {  	_ =	swait.ge [sflag:s14], $0x1000  }
0x52: {  	[sflag:s14] =	ssyncset.done $0x0  }
0x53: {  	s24 =	rddreg [dreg:$0xe];
	[sflag:s14] =	ssyncadd.s32 $0xFFFFF000  }
0x54: {  	[spmem:s24] =	stream.linear.scatter [tilespmem:s13], [sflag:$0x5], $0x1000, $0x38;
	[tilespmem:$0x1B100] =	vst v63  }
0x55: {  	_ =	swait.ge [sflag:s14], $0x1000  }
0x56: {  	[sflag:s14] =	ssyncset.done $0x0  }
0x57: {  	s10 =	rddreg [dreg:$0xf];
	[sflag:s14] =	ssyncadd.s32 $0xFFFFF000  }
0x58: {  	[spmem:s10] =	stream.linear.scatter [tilespmem:s13], [sflag:$0x5], $0x1000, $0x38;
	[tilespmem:$0x1B100] =	vst v63  }
0x59: {  	_ =	swait.ge [sflag:s14], $0x1000  }
0x5a: {  	[sflag:s14] =	ssyncset.done $0x0  }
0x5b: {  	s11 =	rddreg [dreg:$0x12];
	[sflag:s14] =	ssyncadd.s32 $0xFFFFF000  }
0x5c: {  	[spmem:s11] =	stream.linear.scatter [tilespmem:s13], [sflag:$0x5], $0x1000, $0x38;
	[tilespmem:$0x1B100] =	vst v63  }
0x5d: {  	_ =	swait.ge [sflag:s14], $0x1000  }
0x5e: {  	[sflag:s14] =	ssyncset.done $0x0  }
0x5f: {  	s12 =	rddreg [dreg:$0x13];
	[sflag:s14] =	ssyncadd.s32 $0xFFFFF000  }
0x60: {  	[spmem:s12] =	stream.linear.scatter [tilespmem:s13], [sflag:$0x5], $0x1000, $0x38;
	[tilespmem:$0x1B100] =	vst v63  }
0x61: {  	_ =	swait.ge [sflag:s14], $0x1000  }
0x62: {  	[sflag:s14] =	ssyncset.done $0x0  }
0x63: {  	s21 =	rddreg [dreg:$0x14];
	[sflag:s14] =	ssyncadd.s32 $0xFFFFF000  }
0x64: {  	[spmem:s21] =	stream.linear.scatter [tilespmem:s13], [sflag:$0x5], $0x1000, $0x38;
	[tilespmem:$0x1B100] =	vst v63  }
0x65: {  	_ =	swait.ge [sflag:s14], $0x1000  }
0x66: {  	[sflag:s14] =	ssyncset.done $0x0  }
0x67: {  	s22 =	rddreg [dreg:$0x15];
	[sflag:s14] =	ssyncadd.s32 $0xFFFFF000  }
0x68: {  	[spmem:s22] =	stream.linear.scatter [tilespmem:s13], [sflag:$0x5], $0x1000, $0x38;
	[tilespmem:$0x1B100] =	vst v63  }
0x69: {  	_ =	swait.ge [sflag:s14], $0x1000  }
0x6a: {  	[sflag:s14] =	ssyncset.done $0x0  }
0x6b: {  	s24 =	rddreg [dreg:$0x16];
	[sflag:s14] =	ssyncadd.s32 $0xFFFFF000  }
0x6c: {  	[spmem:s24] =	stream.linear.scatter [tilespmem:s13], [sflag:$0x5], $0x1000, $0x38;
	[tilespmem:$0x1B100] =	vst v63  }
0x6d: {  	_ =	swait.ge [sflag:s14], $0x1000  }
0x6e: {  	[sflag:s14] =	ssyncset.done $0x0  }
0x6f: {  	s10 =	rddreg [dreg:$0x17];
	[sflag:s14] =	ssyncadd.s32 $0xFFFFF000  }
0x70: {  	[spmem:s10] =	stream.linear.scatter [tilespmem:s13], [sflag:$0x5], $0x1000, $0x38;
	[tilespmem:$0x1B100] =	vst v63  }
0x71: {  	_ =	swait.ge [sflag:s14], $0x1000  }
0x72: {  	[sflag:s14] =	ssyncset.done $0x0  }
0x73: {  	s11 =	rddreg [dreg:$0x18];
	[sflag:s14] =	ssyncadd.s32 $0xFFFFF000  }
0x74: {  	[spmem:s11] =	stream.linear.scatter [tilespmem:s13], [sflag:$0x5], $0x1000, $0x38;
	[tilespmem:$0x1B100] =	vst v63  }
0x75: {  	_ =	swait.ge [sflag:s14], $0x1000  }
0x76: {  	[sflag:s14] =	ssyncset.done $0x0  }
0x77: {  	s12 =	rddreg [dreg:$0x19];
	[sflag:s14] =	ssyncadd.s32 $0xFFFFF000  }
0x78: {  	[spmem:s12] =	stream.linear.scatter [tilespmem:s13], [sflag:$0x5], $0x1000, $0x38;
	[tilespmem:$0x1B100] =	vst v63  }
0x79: {  	_ =	swait.ge [sflag:s14], $0x1000  }
0x7a: {  	[sflag:s14] =	ssyncset.done $0x0  }
0x7b: {  	s21 =	rddreg [dreg:$0x1a];
	[sflag:s14] =	ssyncadd.s32 $0xFFFFF000  }
0x7c: {  	[spmem:s21] =	stream.linear.scatter [tilespmem:s13], [sflag:$0x5], $0x1000, $0x38;
	[tilespmem:$0x1B100] =	vst v63  }
0x7d: {  	_ =	swait.ge [sflag:s14], $0x1000  }
0x7e: {  	[sflag:s14] =	ssyncset.done $0x0  }
0x7f: {  	s22 =	rddreg [dreg:$0x1c];
	[sflag:s14] =	ssyncadd.s32 $0xFFFFF000  }
0x80: {  	[spmem:s22] =	stream.linear.scatter [tilespmem:s13], [sflag:$0x5], $0x1000, $0x38;
	[tilespmem:$0x1B100] =	vst v63  }
0x81: {  	_ =	swait.ge [sflag:s14], $0x1000  }
0x82: {  	[sflag:s14] =	ssyncset.done $0x0  }
0x83: {  	s24 =	rddreg [dreg:$0x1d];
	[sflag:s14] =	ssyncadd.s32 $0xFFFFF000  }
0x84: {  	[spmem:s24] =	stream.linear.scatter [tilespmem:s13], [sflag:$0x5], $0x1000, $0x38;
	[tilespmem:$0x1B100] =	vst v63  }
0x85: {  	_ =	swait.ge [sflag:s14], $0x1000  }
0x86: {  	[sflag:s14] =	ssyncset.done $0x0  }
0x87: {  	[sflag:s14] =	ssyncadd.s32 $0xFFFFF000  }
0x88: {  	s31 =	simm.s32 $0x0;
	[bflag:$0x0] =	sbarrier.arrive $0xFFFF  }
0x89: {  	s10 =	simm.s32 $0x0;
	s21 =	smov.u32 s3;
	s0 =	rddreg [dreg:$0x1e]  }
.LBB2_4:
0x8a: {  	s11 =	sshll.u32 s10, $0xC  }
0x8b: {  	s11 =	sadd.s32 s9, s11  }
0x8c: {  	s11 =	sshrl.u32 s11, $0x3  }
0x8d: {  	s24 =	smul.u32 $0x7D0, s10;
	s11 =	sadd.s32 s5, s11  }
0x8e: {  	[tilespmem:s31], [sflag:$0x5] =	stream.linear.gather [hbm4b:s11+s31], $0xC80, $0x38;
	[tilespmem:$0x1B100] =	vst v63  }
0x8f: {  	_ =	swait.ge [sflag:s14], $0xC80  }
0x90: {  	s11 =	sadd.s32 s7, s24;
	[sflag:s14] =	ssyncset.done $0x0  }
0x91: {  	s11 =	sshrl.u32 s11, $0x3;
	[sflag:s14] =	ssyncadd.s32 $0xFFFFF380  }
0x92: {  	[tilespmem:s16], [sflag:$0x1] =	stream.indirect.gather [hbm4b:s1+s15], $0x80, s31, s15, $0xb8;
	[tilespmem:$0x1B100] =	vst v63  }
0x93: {  	s11 =	sadd.s32 s6, s11  }
0x94: {  	[tilespmem:s17], [sflag:$0x3] =	stream.linear.gather [hbm4b:s11+s31], $0x50, $0x38;
	[tilespmem:$0x1B100] =	vst v63  }
0x95: {  	s11 =	simm.s32 $0x80  }
0x96: {  	[tilespmem:s18], [sflag:$0x2] =	stream.indirect.gather [hbm4b:s1+s15], $0x80, s11, s15, $0xb8;
	[tilespmem:$0x1B100] =	vst v63  }
0x97: {  	s22 =	sadd.s32 $0x0, s21  }
0x98: {  	[tilespmem:s19], [sflag:$0x4] =	stream.linear.gather [hbm4b:s22+s4], $0x50, $0x38;
	[tilespmem:$0x1B100] =	vst v63  }
0x99: {  	_ =	swait.ge [sflag:s20], $0x2800  }
0x9a: {  	[sflag:s20] =	ssyncset.done $0x0  }
0x9b: {  	[sflag:s20] =	ssyncadd.s32 $0xFFFFD800  }
0x9c: {  	_ =	swait.ge [sflag:s26], $0x50  }
0x9d: {  	[sflag:s26] =	ssyncset.done $0x0  }
0x9e: {  	[sflag:s26] =	ssyncadd.s32 $0xFFFFFFB0  }
0x9f: {  	[spmem:s2] =	stream.indirect.scatter.add.f32 [tilespmem:s16], [sflag:$0x5], $0x80, s17, s15, $0xb8;
	[tilespmem:$0x1B100] =	vst v63  }
0xa0: {  	_ =	swait.ge [sflag:s14], $0x2800  }
0xa1: {  	[sflag:s14] =	ssyncset.done $0x0  }
0xa2: {  	s12 =	simm.s32 $0x100;
	[sflag:s14] =	ssyncadd.s32 $0xFFFFD800  }
0xa3: {  	[tilespmem:s16], [sflag:$0x1] =	stream.indirect.gather [hbm4b:s1+s15], $0x80, s12, s15, $0xb8;
	[tilespmem:$0x1B100] =	vst v63  }
0xa4: {  	s24 =	sadd.s32 $0x0, s0  }
0xa5: {  	[tilespmem:s17], [sflag:$0x3] =	stream.linear.gather [hbm4b:s24+s4], $0x50, $0x38;
	[tilespmem:$0x1B100] =	vst v63  }
0xa6: {  	_ =	swait.ge [sflag:s28], $0x2800  }
0xa7: {  	[sflag:s28] =	ssyncset.done $0x0  }
0xa8: {  	[sflag:s28] =	ssyncadd.s32 $0xFFFFD800  }
0xa9: {  	_ =	swait.ge [sflag:s29], $0x50  }
0xaa: {  	[sflag:s29] =	ssyncset.done $0x0  }
0xab: {  	[sflag:s29] =	ssyncadd.s32 $0xFFFFFFB0  }
0xac: {  	[spmem:s2] =	stream.indirect.scatter.add.f32 [tilespmem:s18], [sflag:$0x5], $0x80, s19, s15, $0xb8;
	[tilespmem:$0x1B100] =	vst v63  }
0xad: {  	_ =	swait.ge [sflag:s14], $0x2800  }
0xae: {  	s22 =	simm.s32 $0x14;
	[sflag:s14] =	ssyncset.done $0x0  }
.LBB2_5:
0xaf: {  	p0 =	sne.s32 s22, $0xDC;
	[sflag:s14] =	ssyncadd.s32 $0xFFFFD800;
	s11 =	sadd.s32 $0x100, s11  }
0xb0: {  	[tilespmem:s18], [sflag:$0x2] =	stream.indirect.gather [hbm4b:s1+s15], $0x80, s11, s15, $0xb8;
	[tilespmem:$0x1B100] =	vst v63  }
0xb1: {  	s12 =	sadd.s32 s22, s21;
	s24 =	smov.u32 s22;
	s22 =	sadd.s32 $0x14, s22  }
0xb2: {  	[tilespmem:s19], [sflag:$0x4] =	stream.linear.gather [hbm4b:s12+s4], $0x50, $0x38;
	[tilespmem:$0x1B100] =	vst v63  }
0xb3: {  	_ =	swait.ge [sflag:s20], $0x2800  }
0xb4: {  	[sflag:s20] =	ssyncset.done $0x0  }
0xb5: {  	[sflag:s20] =	ssyncadd.s32 $0xFFFFD800  }
0xb6: {  	_ =	swait.ge [sflag:s26], $0x50  }
0xb7: {  	[sflag:s26] =	ssyncset.done $0x0  }
0xb8: {  	[sflag:s26] =	ssyncadd.s32 $0xFFFFFFB0  }
0xb9: {  	[spmem:s2] =	stream.indirect.scatter.add.f32 [tilespmem:s16], [sflag:$0x5], $0x80, s17, s15, $0xb8;
	[tilespmem:$0x1B100] =	vst v63  }
0xba: {  	_ =	swait.ge [sflag:s14], $0x2800  }
0xbb: {  	[sflag:s14] =	ssyncset.done $0x0  }
0xbc: {  	s12 =	sadd.s32 $0x80, s11;
	[sflag:s14] =	ssyncadd.s32 $0xFFFFD800  }
0xbd: {  	[tilespmem:s16], [sflag:$0x1] =	stream.indirect.gather [hbm4b:s1+s15], $0x80, s12, s15, $0xb8;
	[tilespmem:$0x1B100] =	vst v63  }
0xbe: {  	s12 =	sadd.s32 s24, s0  }
0xbf: {  	[tilespmem:s17], [sflag:$0x3] =	stream.linear.gather [hbm4b:s12+s4], $0x50, $0x38;
	[tilespmem:$0x1B100] =	vst v63  }
0xc0: {  	_ =	swait.ge [sflag:s28], $0x2800  }
0xc1: {  	[sflag:s28] =	ssyncset.done $0x0  }
0xc2: {  	[sflag:s28] =	ssyncadd.s32 $0xFFFFD800  }
0xc3: {  	_ =	swait.ge [sflag:s29], $0x50  }
.Ltmp1:
0xc4: {  	[sflag:s29] =	ssyncset.done $0x0;
	(pc) =	sbr.rel @p0 .LBB2_5-.Ltmp1, $4  }
0xc5: {  	[sflag:s29] =	ssyncadd.s32 $0xFFFFFFB0  }
0xc6: {  	[spmem:s2] =	stream.indirect.scatter.add.f32 [tilespmem:s18], [sflag:$0x5], $0x80, s19, s15, $0xb8;
	[tilespmem:$0x1B100] =	vst v63  }
0xc7: {  	_ =	swait.ge [sflag:s14], $0x2800  }
0xc8: {  	[sflag:s14] =	ssyncset.done $0x0  }
0xc9: {  	[sflag:s14] =	ssyncadd.s32 $0xFFFFD800  }
0xca: {  	_ =	swait.ge [sflag:s20], $0x2800  }
0xcb: {  	[sflag:s20] =	ssyncset.done $0x0  }
0xcc: {  	[sflag:s20] =	ssyncadd.s32 $0xFFFFD800  }
0xcd: {  	s10 =	sadd.s32 $0x1, s10;
	_ =	swait.ge [sflag:s26], $0x50  }
0xce: {  	p0 =	sne.s32 s10, $0x5;
	[sflag:s26] =	ssyncset.done $0x0  }
.Ltmp2:
0xcf: {  	[sflag:s26] =	ssyncadd.s32 $0xFFFFFFB0;
	(pc) =	sbr.rel @p0 .LBB2_4-.Ltmp2, $4  }
0xd0: {  	[spmem:s2] =	stream.indirect.scatter.add.f32 [tilespmem:s16], [sflag:$0x5], $0x80, s17, s15, $0xb8;
	[tilespmem:$0x1B100] =	vst v63  }
0xd1: {  	_ =	swait.ge [sflag:s14], $0x2800  }
0xd2: {  	[sflag:s14] =	ssyncset.done $0x0  }
0xd3: {  	s21 =	sadd.s32 $0xFA, s21;
	s0 =	sadd.s32 $0xFA, s0;
	[sflag:s14] =	ssyncadd.s32 $0xFFFFD800  }
0xd4: {  	[bflag:$0x0] =	sbarrier.arrive $0xFFFF  }
0xd5: {  	[tilespmem:s13], [sflag:$0x5] =	stream.linear.gather [spmem:s8], $0x1000, $0x38;
	[tilespmem:$0x1B100] =	vst v63  }
0xd6: {  	_ =	swait.ge [sflag:s14], $0x1000  }
0xd7: {  	[sflag:s14] =	ssyncset.done $0x0  }
0xd8: {  	s0 =	simm.s32 $0x0;
	s10 =	sadd.s32 $0x0, s23;
	[sflag:s14] =	ssyncadd.s32 $0xFFFFF000  }
0xd9: {  	[hbm4b:s10+s0] =	stream.linear.scatter [tilespmem:s13], [sflag:$0x5], $0x1000, $0x38;
	[tilespmem:$0x1B100] =	vst v63  }
0xda: {  	_ =	swait.ge [sflag:s14], $0x1000  }
0xdb: {  	s11 =	smov.u32 s8;
	s10 =	simm.s32 $0x200;
	[sflag:s14] =	ssyncset.done $0x0  }
.LBB2_8:
0xdc: {  	p0 =	seq.s32 s10, $0x2600;
	[sflag:s14] =	ssyncadd.s32 $0xFFFFF000;
	s11 =	sadd.s32 $0x1000, s11  }
0xdd: {  	[tilespmem:s13], [sflag:$0x5] =	stream.linear.gather [spmem:s11], $0x1000, $0x38;
	[tilespmem:$0x1B100] =	vst v63  }
0xde: {  	s12 =	smov.u32 s10;
	s10 =	sadd.s32 $0x200, s10;
	_ =	swait.ge [sflag:s14], $0x1000  }
.Ltmp3:
0xdf: {  	[sflag:s14] =	ssyncset.done $0x0;
	(pc) =	sbr.rel @!p0 .LBB2_8-.Ltmp3, $4  }
0xe0: {  	s12 =	sadd.s32 s12, s23;
	[sflag:s14] =	ssyncadd.s32 $0xFFFFF000  }
0xe1: {  	[hbm4b:s12+s0] =	stream.linear.scatter [tilespmem:s13], [sflag:$0x5], $0x1000, $0x38;
	[tilespmem:$0x1B100] =	vst v63  }
0xe2: {  	_ =	swait.ge [sflag:s14], $0x1000  }
0xe3: {  	[sflag:s14] =	ssyncset.done $0x0  }
0xe4: {  	[sflag:s14] =	ssyncadd.s32 $0xFFFFF000;
	s24 =	rddreg [dreg:$0x8]  }
0xe5: {  	s31 =	rddreg [dreg:$0x9];
	s0 =	simm.s32 $0x0;
	s10 =	simm.s32 $0x200  }
.LBB2_10:
0xe6: {  	p0 =	seq.s32 s10, $0x3E00;
	[tilespmem:s0+$0x6170] =	vst v0  }
0xe7: {  	[tilespmem:s0+$0x6100] =	vst v0  }
0xe8: {  	[tilespmem:s0+$0x6110] =	vst v0  }
.Ltmp4:
0xe9: {  	[tilespmem:s0+$0x6120] =	vst v0;
	(pc) =	sbr.rel @!p0 .LBB2_10-.Ltmp4, $4  }
0xea: {  	[tilespmem:s0+$0x6130] =	vst v0  }
0xeb: {  	[tilespmem:s0+$0x6140] =	vst v0  }
0xec: {  	[tilespmem:s0+$0x6150] =	vst v0  }
0xed: {  	[tilespmem:s0+$0x6160] =	vst v0;
	s0 =	sshra.s32 s10, $0x2;
	s10 =	sadd.s32 $0x200, s10  }
0xee: {  	[tilespmem:s0+$0x6170] =	vst v0  }
0xef: {  	[tilespmem:s0+$0x6100] =	vst v0  }
0xf0: {  	[tilespmem:s0+$0x6110] =	vst v0  }
0xf1: {  	[tilespmem:s0+$0x6120] =	vst v0  }
0xf2: {  	[tilespmem:s0+$0x6130] =	vst v0  }
0xf3: {  	[tilespmem:s0+$0x6140] =	vst v0  }
0xf4: {  	[tilespmem:s0+$0x6150] =	vst v0  }
0xf5: {  	[tilespmem:s0+$0x6160] =	vst v0  }
0xf6: {  	[spmem:s8] =	stream.linear.scatter [tilespmem:s13], [sflag:$0x5], $0x1000, $0x38;
	[tilespmem:$0x1B100] =	vst v63  }
0xf7: {  	_ =	swait.ge [sflag:s14], $0x1000  }
0xf8: {  	[sflag:s14] =	ssyncset.done $0x0  }
0xf9: {  	[sflag:s14] =	ssyncadd.s32 $0xFFFFF000  }
0xfa: {  	[spmem:s24] =	stream.linear.scatter [tilespmem:s13], [sflag:$0x5], $0x1000, $0x38;
	[tilespmem:$0x1B100] =	vst v63  }
0xfb: {  	_ =	swait.ge [sflag:s14], $0x1000  }
0xfc: {  	[sflag:s14] =	ssyncset.done $0x0  }
0xfd: {  	[sflag:s14] =	ssyncadd.s32 $0xFFFFF000  }
0xfe: {  	[spmem:s31] =	stream.linear.scatter [tilespmem:s13], [sflag:$0x5], $0x1000, $0x38;
	[tilespmem:$0x1B100] =	vst v63  }
0xff: {  	_ =	swait.ge [sflag:s14], $0x1000  }
0x100: {  	[sflag:s14] =	ssyncset.done $0x0  }
0x101: {  	s12 =	rddreg [dreg:$0xa];
	[sflag:s14] =	ssyncadd.s32 $0xFFFFF000  }
0x102: {  	[spmem:s12] =	stream.linear.scatter [tilespmem:s13], [sflag:$0x5], $0x1000, $0x38;
	[tilespmem:$0x1B100] =	vst v63  }
0x103: {  	_ =	swait.ge [sflag:s14], $0x1000  }
0x104: {  	[sflag:s14] =	ssyncset.done $0x0  }
0x105: {  	s21 =	rddreg [dreg:$0xb];
	[sflag:s14] =	ssyncadd.s32 $0xFFFFF000  }
0x106: {  	[spmem:s21] =	stream.linear.scatter [tilespmem:s13], [sflag:$0x5], $0x1000, $0x38;
	[tilespmem:$0x1B100] =	vst v63  }
0x107: {  	_ =	swait.ge [sflag:s14], $0x1000  }
0x108: {  	[sflag:s14] =	ssyncset.done $0x0  }
0x109: {  	s22 =	rddreg [dreg:$0xc];
	[sflag:s14] =	ssyncadd.s32 $0xFFFFF000  }
0x10a: {  	[spmem:s22] =	stream.linear.scatter [tilespmem:s13], [sflag:$0x5], $0x1000, $0x38;
	[tilespmem:$0x1B100] =	vst v63  }
0x10b: {  	_ =	swait.ge [sflag:s14], $0x1000  }
0x10c: {  	[sflag:s14] =	ssyncset.done $0x0  }
0x10d: {  	s10 =	rddreg [dreg:$0xd];
	[sflag:s14] =	ssyncadd.s32 $0xFFFFF000  }
0x10e: {  	[spmem:s10] =	stream.linear.scatter [tilespmem:s13], [sflag:$0x5], $0x1000, $0x38;
	[tilespmem:$0x1B100] =	vst v63  }
0x10f: {  	_ =	swait.ge [sflag:s14], $0x1000  }
0x110: {  	[sflag:s14] =	ssyncset.done $0x0  }
0x111: {  	s11 =	rddreg [dreg:$0xe];
	[sflag:s14] =	ssyncadd.s32 $0xFFFFF000  }
0x112: {  	[spmem:s11] =	stream.linear.scatter [tilespmem:s13], [sflag:$0x5], $0x1000, $0x38;
	[tilespmem:$0x1B100] =	vst v63  }
0x113: {  	_ =	swait.ge [sflag:s14], $0x1000  }
0x114: {  	[sflag:s14] =	ssyncset.done $0x0  }
0x115: {  	s12 =	rddreg [dreg:$0xf];
	[sflag:s14] =	ssyncadd.s32 $0xFFFFF000  }
0x116: {  	[spmem:s12] =	stream.linear.scatter [tilespmem:s13], [sflag:$0x5], $0x1000, $0x38;
	[tilespmem:$0x1B100] =	vst v63  }
0x117: {  	_ =	swait.ge [sflag:s14], $0x1000  }
0x118: {  	[sflag:s14] =	ssyncset.done $0x0  }
0x119: {  	s21 =	rddreg [dreg:$0x12];
	[sflag:s14] =	ssyncadd.s32 $0xFFFFF000  }
0x11a: {  	[spmem:s21] =	stream.linear.scatter [tilespmem:s13], [sflag:$0x5], $0x1000, $0x38;
	[tilespmem:$0x1B100] =	vst v63  }
0x11b: {  	_ =	swait.ge [sflag:s14], $0x1000  }
0x11c: {  	[sflag:s14] =	ssyncset.done $0x0  }
0x11d: {  	s22 =	rddreg [dreg:$0x13];
	[sflag:s14] =	ssyncadd.s32 $0xFFFFF000  }
0x11e: {  	[spmem:s22] =	stream.linear.scatter [tilespmem:s13], [sflag:$0x5], $0x1000, $0x38;
	[tilespmem:$0x1B100] =	vst v63  }
0x11f: {  	_ =	swait.ge [sflag:s14], $0x1000  }
0x120: {  	[sflag:s14] =	ssyncset.done $0x0  }
0x121: {  	s10 =	rddreg [dreg:$0x14];
	[sflag:s14] =	ssyncadd.s32 $0xFFFFF000  }
0x122: {  	[spmem:s10] =	stream.linear.scatter [tilespmem:s13], [sflag:$0x5], $0x1000, $0x38;
	[tilespmem:$0x1B100] =	vst v63  }
0x123: {  	_ =	swait.ge [sflag:s14], $0x1000  }
0x124: {  	[sflag:s14] =	ssyncset.done $0x0  }
0x125: {  	s11 =	rddreg [dreg:$0x15];
	[sflag:s14] =	ssyncadd.s32 $0xFFFFF000  }
0x126: {  	[spmem:s11] =	stream.linear.scatter [tilespmem:s13], [sflag:$0x5], $0x1000, $0x38;
	[tilespmem:$0x1B100] =	vst v63  }
0x127: {  	_ =	swait.ge [sflag:s14], $0x1000  }
0x128: {  	[sflag:s14] =	ssyncset.done $0x0  }
0x129: {  	s12 =	rddreg [dreg:$0x16];
	[sflag:s14] =	ssyncadd.s32 $0xFFFFF000  }
0x12a: {  	[spmem:s12] =	stream.linear.scatter [tilespmem:s13], [sflag:$0x5], $0x1000, $0x38;
	[tilespmem:$0x1B100] =	vst v63  }
0x12b: {  	_ =	swait.ge [sflag:s14], $0x1000  }
0x12c: {  	[sflag:s14] =	ssyncset.done $0x0  }
0x12d: {  	s21 =	rddreg [dreg:$0x17];
	[sflag:s14] =	ssyncadd.s32 $0xFFFFF000  }
0x12e: {  	[spmem:s21] =	stream.linear.scatter [tilespmem:s13], [sflag:$0x5], $0x1000, $0x38;
	[tilespmem:$0x1B100] =	vst v63  }
0x12f: {  	_ =	swait.ge [sflag:s14], $0x1000  }
0x130: {  	[sflag:s14] =	ssyncset.done $0x0  }
0x131: {  	s22 =	rddreg [dreg:$0x18];
	[sflag:s14] =	ssyncadd.s32 $0xFFFFF000  }
0x132: {  	[spmem:s22] =	stream.linear.scatter [tilespmem:s13], [sflag:$0x5], $0x1000, $0x38;
	[tilespmem:$0x1B100] =	vst v63  }
0x133: {  	_ =	swait.ge [sflag:s14], $0x1000  }
0x134: {  	[sflag:s14] =	ssyncset.done $0x0  }
0x135: {  	s10 =	rddreg [dreg:$0x19];
	[sflag:s14] =	ssyncadd.s32 $0xFFFFF000  }
0x136: {  	[spmem:s10] =	stream.linear.scatter [tilespmem:s13], [sflag:$0x5], $0x1000, $0x38;
	[tilespmem:$0x1B100] =	vst v63  }
0x137: {  	_ =	swait.ge [sflag:s14], $0x1000  }
0x138: {  	[sflag:s14] =	ssyncset.done $0x0  }
0x139: {  	s11 =	rddreg [dreg:$0x1a];
	[sflag:s14] =	ssyncadd.s32 $0xFFFFF000  }
0x13a: {  	[spmem:s11] =	stream.linear.scatter [tilespmem:s13], [sflag:$0x5], $0x1000, $0x38;
	[tilespmem:$0x1B100] =	vst v63  }
0x13b: {  	_ =	swait.ge [sflag:s14], $0x1000  }
0x13c: {  	[sflag:s14] =	ssyncset.done $0x0  }
0x13d: {  	s12 =	rddreg [dreg:$0x1c];
	[sflag:s14] =	ssyncadd.s32 $0xFFFFF000  }
0x13e: {  	[spmem:s12] =	stream.linear.scatter [tilespmem:s13], [sflag:$0x5], $0x1000, $0x38;
	[tilespmem:$0x1B100] =	vst v63  }
0x13f: {  	_ =	swait.ge [sflag:s14], $0x1000  }
0x140: {  	[sflag:s14] =	ssyncset.done $0x0  }
0x141: {  	s21 =	rddreg [dreg:$0x1d];
	[sflag:s14] =	ssyncadd.s32 $0xFFFFF000  }
0x142: {  	[spmem:s21] =	stream.linear.scatter [tilespmem:s13], [sflag:$0x5], $0x1000, $0x38;
	[tilespmem:$0x1B100] =	vst v63  }
0x143: {  	_ =	swait.ge [sflag:s14], $0x1000  }
0x144: {  	[sflag:s14] =	ssyncset.done $0x0  }
0x145: {  	[sflag:s14] =	ssyncadd.s32 $0xFFFFF000  }
0x146: {  	[bflag:$0x0] =	sbarrier.arrive $0xFFFF  }
0x147: {  	s10 =	rddreg [dreg:$0x5]  }
0x148: {  	s22 =	simm.s32 $0x0;
	s11 =	rddreg [dreg:$0x6]  }
0x149: {  	[tilespmem:s16], [sflag:$0x1] =	stream.linear.gather [hbm4b:s10+s22], $0x2800, $0x38;
	[tilespmem:$0x1B100] =	vst v63  }
0x14a: {  	s10 =	rddreg [dreg:$0x11]  }
0x14b: {  	[tilespmem:s17], [sflag:$0x3] =	stream.linear.gather [hbm4b:s11+s22], $0x50, $0x38;
	[tilespmem:$0x1B100] =	vst v63  }
0x14c: {  	s12 =	sadd.s32 $0xFFFFFB00, s10  }
0x14d: {  	[tilespmem:s18], [sflag:$0x2] =	stream.linear.gather [hbm4b:s12+s4], $0x2800, $0x38;
	[tilespmem:$0x1B100] =	vst v63  }
0x14e: {  	s21 =	sadd.s32 $0x0, s3  }
0x14f: {  	[tilespmem:s19], [sflag:$0x4] =	stream.linear.gather [hbm4b:s21+s4], $0x50, $0x38;
	[tilespmem:$0x1B100] =	vst v63  }
0x150: {  	_ =	swait.ge [sflag:s20], $0x2800  }
0x151: {  	[sflag:s20] =	ssyncset.done $0x0  }
0x152: {  	[sflag:s20] =	ssyncadd.s32 $0xFFFFD800  }
0x153: {  	_ =	swait.ge [sflag:s26], $0x50  }
0x154: {  	[sflag:s26] =	ssyncset.done $0x0  }
0x155: {  	[sflag:s26] =	ssyncadd.s32 $0xFFFFFFB0  }
0x156: {  	[spmem:s2] =	stream.indirect.scatter.add.f32 [tilespmem:s16], [sflag:$0x5], $0x80, s17, s15, $0xb8;
	[tilespmem:$0x1B100] =	vst v63  }
0x157: {  	_ =	swait.ge [sflag:s14], $0x2800  }
0x158: {  	[sflag:s14] =	ssyncset.done $0x0  }
0x159: {  	s22 =	rddreg [dreg:$0x1b];
	[sflag:s14] =	ssyncadd.s32 $0xFFFFD800  }
0x15a: {  	[tilespmem:s16], [sflag:$0x1] =	stream.linear.gather [hbm4b:s10+s4], $0x2800, $0x38;
	[tilespmem:$0x1B100] =	vst v63  }
0x15b: {  	s0 =	sadd.s32 s6, s22  }
0x15c: {  	[tilespmem:s17], [sflag:$0x3] =	stream.linear.gather [hbm4b:s0+s4], $0x50, $0x38;
	[tilespmem:$0x1B100] =	vst v63  }
0x15d: {  	_ =	swait.ge [sflag:s28], $0x2800  }
0x15e: {  	[sflag:s28] =	ssyncset.done $0x0  }
0x15f: {  	[sflag:s28] =	ssyncadd.s32 $0xFFFFD800  }
0x160: {  	_ =	swait.ge [sflag:s29], $0x50  }
0x161: {  	[sflag:s29] =	ssyncset.done $0x0  }
0x162: {  	[sflag:s29] =	ssyncadd.s32 $0xFFFFFFB0  }
0x163: {  	[spmem:s2] =	stream.indirect.scatter.add.f32 [tilespmem:s18], [sflag:$0x5], $0x80, s19, s15, $0xb8;
	[tilespmem:$0x1B100] =	vst v63  }
0x164: {  	s11 =	simm.s32 $0x14;
	s21 =	simm.s32 $0x28;
	_ =	swait.ge [sflag:s14], $0x2800  }
0x165: {  	s0 =	sadd.s32 $0xA00, s10;
	[sflag:s14] =	ssyncset.done $0x0;
	s10 =	rddreg [dreg:$0x10]  }
.LBB2_12:
0x166: {  	s12 =	sadd.s32 $0xFFFFFB00, s0  }
0x167: {  	[sflag:s14] =	ssyncadd.s32 $0xFFFFD800;
	s10 =	sadd.s32 $0xA0, s10;
	s22 =	smov.u32 s21  }
0x168: {  	[tilespmem:s18], [sflag:$0x2] =	stream.linear.gather [hbm4b:s12+s4], $0x2800, $0x38;
	[tilespmem:$0x1B100] =	vst v63  }
0x169: {  	p0 =	sne.s32 s21, $0x4C4;
	s21 =	sadd.s32 $0x14, s21;
	s11 =	sadd.s32 s11, s3  }
0x16a: {  	[tilespmem:s19], [sflag:$0x4] =	stream.linear.gather [hbm4b:s11+s4], $0x50, $0x38;
	[tilespmem:$0x1B100] =	vst v63  }
0x16b: {  	s11 =	smov.u32 s22;
	_ =	swait.ge [sflag:s20], $0x2800  }
0x16c: {  	[sflag:s20] =	ssyncset.done $0x0  }
0x16d: {  	[sflag:s20] =	ssyncadd.s32 $0xFFFFD800  }
0x16e: {  	_ =	swait.ge [sflag:s26], $0x50  }
0x16f: {  	[sflag:s26] =	ssyncset.done $0x0  }
0x170: {  	[sflag:s26] =	ssyncadd.s32 $0xFFFFFFB0  }
0x171: {  	[spmem:s2] =	stream.indirect.scatter.add.f32 [tilespmem:s16], [sflag:$0x5], $0x80, s17, s15, $0xb8;
	[tilespmem:$0x1B100] =	vst v63  }
0x172: {  	_ =	swait.ge [sflag:s14], $0x2800  }
0x173: {  	[sflag:s14] =	ssyncset.done $0x0  }
0x174: {  	s12 =	sshrl.u32 s10, $0x3;
	[sflag:s14] =	ssyncadd.s32 $0xFFFFD800  }
0x175: {  	[tilespmem:s16], [sflag:$0x1] =	stream.linear.gather [hbm4b:s0+s4], $0x2800, $0x38;
	[tilespmem:$0x1B100] =	vst v63  }
0x176: {  	s12 =	sadd.s32 s6, s12  }
0x177: {  	[tilespmem:s17], [sflag:$0x3] =	stream.linear.gather [hbm4b:s12+s4], $0x50, $0x38;
	[tilespmem:$0x1B100] =	vst v63  }
0x178: {  	_ =	swait.ge [sflag:s28], $0x2800  }
0x179: {  	[sflag:s28] =	ssyncset.done $0x0  }
0x17a: {  	[sflag:s28] =	ssyncadd.s32 $0xFFFFD800  }
0x17b: {  	_ =	swait.ge [sflag:s29], $0x50  }
.Ltmp5:
0x17c: {  	[sflag:s29] =	ssyncset.done $0x0;
	(pc) =	sbr.rel @p0 .LBB2_12-.Ltmp5, $4  }
0x17d: {  	[sflag:s29] =	ssyncadd.s32 $0xFFFFFFB0  }
0x17e: {  	[spmem:s2] =	stream.indirect.scatter.add.f32 [tilespmem:s18], [sflag:$0x5], $0x80, s19, s15, $0xb8;
	[tilespmem:$0x1B100] =	vst v63  }
0x17f: {  	_ =	swait.ge [sflag:s14], $0x2800  }
0x180: {  	s0 =	sadd.s32 $0xA00, s0;
	[sflag:s14] =	ssyncset.done $0x0  }
0x181: {  	s12 =	sadd.s32 $0xFFFFFB00, s0;
	[sflag:s14] =	ssyncadd.s32 $0xFFFFD800  }
0x182: {  	[tilespmem:s18], [sflag:$0x2] =	stream.linear.gather [hbm4b:s12+s4], $0x2800, $0x38;
	[tilespmem:$0x1B100] =	vst v63  }
0x183: {  	s11 =	sadd.s32 s11, s3  }
0x184: {  	[tilespmem:s19], [sflag:$0x4] =	stream.linear.gather [hbm4b:s11+s4], $0x50, $0x38;
	[tilespmem:$0x1B100] =	vst v63  }
0x185: {  	_ =	swait.ge [sflag:s20], $0x2800  }
0x186: {  	[sflag:s20] =	ssyncset.done $0x0  }
0x187: {  	[sflag:s20] =	ssyncadd.s32 $0xFFFFD800  }
0x188: {  	_ =	swait.ge [sflag:s26], $0x50  }
0x189: {  	[sflag:s26] =	ssyncset.done $0x0  }
0x18a: {  	[sflag:s26] =	ssyncadd.s32 $0xFFFFFFB0  }
0x18b: {  	[spmem:s2] =	stream.indirect.scatter.add.f32 [tilespmem:s16], [sflag:$0x5], $0x80, s17, s15, $0xb8;
	[tilespmem:$0x1B100] =	vst v63  }
0x18c: {  	_ =	swait.ge [sflag:s14], $0x2800  }
0x18d: {  	s10 =	sadd.s32 $0xA0, s10;
	[sflag:s14] =	ssyncset.done $0x0  }
0x18e: {  	s10 =	sshrl.u32 s10, $0x3;
	[sflag:s14] =	ssyncadd.s32 $0xFFFFD800  }
0x18f: {  	[tilespmem:s16], [sflag:$0x1] =	stream.linear.gather [hbm4b:s0+s4], $0x2800, $0x38;
	[tilespmem:$0x1B100] =	vst v63  }
0x190: {  	s21 =	sadd.s32 s6, s10  }
0x191: {  	[tilespmem:s17], [sflag:$0x3] =	stream.linear.gather [hbm4b:s21+s4], $0x50, $0x38;
	[tilespmem:$0x1B100] =	vst v63  }
0x192: {  	_ =	swait.ge [sflag:s28], $0x2800  }
0x193: {  	[sflag:s28] =	ssyncset.done $0x0  }
0x194: {  	[sflag:s28] =	ssyncadd.s32 $0xFFFFD800  }
0x195: {  	_ =	swait.ge [sflag:s29], $0x50  }
0x196: {  	[sflag:s29] =	ssyncset.done $0x0  }
0x197: {  	[sflag:s29] =	ssyncadd.s32 $0xFFFFFFB0  }
0x198: {  	[spmem:s2] =	stream.indirect.scatter.add.f32 [tilespmem:s18], [sflag:$0x5], $0x80, s19, s15, $0xb8;
	[tilespmem:$0x1B100] =	vst v63  }
0x199: {  	_ =	swait.ge [sflag:s14], $0x2800  }
0x19a: {  	[sflag:s14] =	ssyncset.done $0x0  }
0x19b: {  	[sflag:s14] =	ssyncadd.s32 $0xFFFFD800  }
0x19c: {  	_ =	swait.ge [sflag:s20], $0x2800  }
0x19d: {  	[sflag:s20] =	ssyncset.done $0x0  }
0x19e: {  	[sflag:s20] =	ssyncadd.s32 $0xFFFFD800  }
0x19f: {  	_ =	swait.ge [sflag:s26], $0x50  }
0x1a0: {  	[sflag:s26] =	ssyncset.done $0x0  }
0x1a1: {  	[sflag:s26] =	ssyncadd.s32 $0xFFFFFFB0  }
0x1a2: {  	[spmem:s2] =	stream.indirect.scatter.add.f32 [tilespmem:s16], [sflag:$0x5], $0x80, s17, s15, $0xb8;
	[tilespmem:$0x1B100] =	vst v63  }
0x1a3: {  	_ =	swait.ge [sflag:s14], $0x2800  }
0x1a4: {  	[sflag:s14] =	ssyncset.done $0x0  }
0x1a5: {  	[sflag:s14] =	ssyncadd.s32 $0xFFFFD800  }
0x1a6: {  	[bflag:$0x0] =	sbarrier.arrive $0xFFFF  }
0x1a7: {  	[tilespmem:s13], [sflag:$0x5] =	stream.linear.gather [spmem:s8], $0x1000, $0x38;
	[tilespmem:$0x1B100] =	vst v63  }
0x1a8: {  	_ =	swait.ge [sflag:s14], $0x1000  }
0x1a9: {  	[sflag:s14] =	ssyncset.done $0x0  }
0x1aa: {  	s22 =	sadd.s32 $0x0, s25;
	[sflag:s14] =	ssyncadd.s32 $0xFFFFF000  }
0x1ab: {  	[hbm4b:s22+s4] =	stream.linear.scatter [tilespmem:s13], [sflag:$0x5], $0x1000, $0x38;
	[tilespmem:$0x1B100] =	vst v63  }
0x1ac: {  	_ =	swait.ge [sflag:s14], $0x1000  }
0x1ad: {  	s10 =	smov.u32 s8;
	s0 =	simm.s32 $0x200;
	[sflag:s14] =	ssyncset.done $0x0  }
.LBB2_14:
0x1ae: {  	p0 =	sne.s32 s0, $0x2600;
	[sflag:s14] =	ssyncadd.s32 $0xFFFFF000;
	s10 =	sadd.s32 $0x1000, s10  }
0x1af: {  	[tilespmem:s13], [sflag:$0x5] =	stream.linear.gather [spmem:s10], $0x1000, $0x38;
	[tilespmem:$0x1B100] =	vst v63  }
0x1b0: {  	s11 =	smov.u32 s0;
	s0 =	sadd.s32 $0x200, s0;
	_ =	swait.ge [sflag:s14], $0x1000  }
.Ltmp6:
0x1b1: {  	[sflag:s14] =	ssyncset.done $0x0;
	(pc) =	sbr.rel @p0 .LBB2_14-.Ltmp6, $4  }
0x1b2: {  	s11 =	sadd.s32 s11, s25;
	[sflag:s14] =	ssyncadd.s32 $0xFFFFF000  }
0x1b3: {  	[hbm4b:s11+s4] =	stream.linear.scatter [tilespmem:s13], [sflag:$0x5], $0x1000, $0x38;
	[tilespmem:$0x1B100] =	vst v63  }
0x1b4: {  	_ =	swait.ge [sflag:s14], $0x1000  }
0x1b5: {  	[sflag:s14] =	ssyncset.done $0x0  }
0x1b6: {  	s30 =	sadd.s32 $0x1, s30;
	s0 =	rddreg [dreg:$0x7]  }
0x1b7: {  	p0 =	sne.s32 s30, s0  }
.Ltmp7:
0x1b8: {  	_ = 	snop;
	(pc) =	sbr.rel @p0 .LBB2_1-.Ltmp7, $2  }
0x1b9: {  	_ =	sdelay $0x2  }
0x1ba: {  	[sflag:s14] =	ssyncadd.s32 $0xFFFFF000  }
0x1bb: {  	_ =	sfence.sel $0x180000  }
0x1bc: {  	[bflag:$0x0] =	sbarrier.arrive $0xFFFF  }
0x1bd: {  	_ =	strace $0x9000004A  }
0x1be: {  	s0 =	stileid.u32;
	[bflag:$0x2] =	sbarrier.arrive $0xFFFF  }
0x1bf: {  	p0 =	sne.s32 s0, $0x0;
	s0 =	rddreg [dreg:$0x4]  }
0x1c0: {  	s0 =	sadd.s32 @!p0 $0x100000, s0  }
0x1c1: {  	[sflag:s0] =	ssyncadd.tile.s32 @!p0 $0x1;
	_ =	shalt  }
.Lfunc_end2:
_tile_overlayer_lowered:
.L_overlay_start_2:
0x1c2: {  	(tag) =	ssettag $0x2  }
0x1c3: {  	s0 =	rddreg [dreg:$0x0];
	s2 =	stileid.u32  }
0x1c4: {  	s1 =	rddreg [dreg:$0x1];
	p0 =	sne.s32 s2, $0x0  }
0x1c5: {  	s3 =	rddreg [dreg:$0x2];
	[bflag:$0x3] =	sbarrier.arrive $0xFFFF;
	s2 =	simm.s32 @!p0 $0x1C05  }
0x1c6: {  	[timem:s3], [sflag:s2] =	dma.local @!p0 [hbm:s0], s1  }
0x1c7: {  	s0 =	simm.s32 @!p0 $0x5  }
0x1c8: {  	_ =	swait.ge @!p0 [sflag:s0], s1  }
0x1c9: {  	s1 =	ssub.s32 @!p0 $0x0, s1;
	[sflag:s0] =	ssyncset.done @!p0 $0x0  }
0x1ca: {  	[sflag:s0] =	ssyncadd.s32 @!p0 s1  }
0x1cb: {  	[bflag:$0x3] =	sbarrier.arrive $0xFFFF  }
0x1cc: {  	_ =	shalt  }

</sc_bundles>
